<compile_context>
chip_gen: v7x
topology: tpu7x:2x2x1
jax: 0.10.2.dev20260603
libtpu: 0.0.44.dev20260713+nightly
codegen_flags: <defaults>
</compile_context>

<pallas_src>
import functools

import jax
import jax.numpy as jnp
from jax import lax
from jax.experimental import pallas as pl
from jax.experimental.pallas import tpu as pltpu
from jax.experimental.pallas import tpu_sc as plsc

_EPS = 1e-5
_PAD = 16
_SLAB = 12544


def _fold_bn(W, b, g, be):
    s = g / jnp.sqrt(1.0 + _EPS)
    return W * s[None, :], b * s + be


def _pad_wb(W, b, out_w=_PAD):
    fin, fout = W.shape
    Wp = jnp.zeros((max(fin, out_w), out_w), W.dtype).at[:fin, :fout].set(W)
    bp = jnp.zeros((1, out_w), b.dtype).at[0, :fout].set(b)
    return Wp, bp



def _stage_a_body(x0, x1, x2, x3, x4, x5, x6, x7, nbr_ref,
                  w_ref, b_ref, g_ref, be_ref, o_ref, oi_ref):
    s = g_ref[...] * jax.lax.rsqrt(jnp.float32(1.0 + _EPS))
    bias = b_ref[...] * s + be_ref[...]
    pieces = []
    for x_ref in (x0, x1, x2, x3, x4, x5, x6, x7):
        y = jnp.dot(x_ref[...], w_ref[...], preferred_element_type=jnp.float32)
        y = jnp.tanh(y * s + bias)
        pieces.append(y)
        pieces.append(jnp.zeros_like(y))
    o_ref[...] = jnp.concatenate(pieces, axis=1)

    nb = nbr_ref[...]
    q = jnp.zeros_like(nb)
    for kk in range(1, 8):
        q = q + (nb >= kk * _SLAB).astype(jnp.int32)
    idx = (nb - q * _SLAB) * 8 + q
    rows = [idx[j] for j in range(idx.shape[0])]
    rows.append(jnp.zeros((128 - 121, 128), jnp.int32))
    oi_ref[...] = jnp.concatenate(rows, axis=0)


def _stage_a(features, nbr_t, W, b, g, be, grid_n):
    N, D = features.shape
    n_j, n_k, B = nbr_t.shape
    block_rows = _SLAB // grid_n
    in_specs = [
        pl.BlockSpec((block_rows, D),
                     functools.partial(lambda i, jj: (jj * grid_n + i, 0), jj=j))
        for j in range(8)
    ]
    in_specs += [
        pl.BlockSpec((n_j, n_k, 128), lambda i: (0, 0, i)),
        pl.BlockSpec((D, 8), lambda i: (0, 0)),
        pl.BlockSpec((1, 8), lambda i: (0, 0)),
        pl.BlockSpec((1, 8), lambda i: (0, 0)),
        pl.BlockSpec((1, 8), lambda i: (0, 0)),
    ]
    return pl.pallas_call(
        _stage_a_body,
        grid=(grid_n,),
        in_specs=in_specs,
        out_specs=(pl.BlockSpec((block_rows, 8 * _PAD), lambda i: (i, 0)),
                   pl.BlockSpec((128, 128), lambda i: (i, 0))),
        out_shape=(jax.ShapeDtypeStruct((_SLAB, 8 * _PAD), jnp.float32),
                   jax.ShapeDtypeStruct((grid_n * 128, 128), jnp.int32)),
        compiler_params=pltpu.CompilerParams(
            vmem_limit_bytes=100 * 1024 * 1024),
    )(*([features] * 8), nbr_t,
      W.reshape(D, 8), b.reshape(1, 8), g.reshape(1, 8), be.reshape(1, 8))



def _gather_mean(P, idx_flat, n_seed, n_j, seg_len):
    info = plsc.get_sparse_core_info()
    NC, NS = info.num_cores, info.num_subcores
    NW = NC * NS
    seeds_w = n_seed // NW
    n_jk = n_j * seg_len
    rows_w = seeds_w * n_jk
    outlen_j = n_seed * _PAD
    out_w_j = seeds_w * _PAD
    inv = jnp.float32(1.0 / seg_len)
    mesh = plsc.VectorSubcoreMesh(core_axis_name="c", subcore_axis_name="s")

    @functools.partial(
        pl.kernel,
        out_type=jax.ShapeDtypeStruct((n_j * n_seed * _PAD,), jnp.float32),
        mesh=mesh,
        compiler_params=pltpu.CompilerParams(use_tc_tiling_on_sc=False),
        scratch_types=[
            pltpu.VMEM((rows_w,), jnp.int32),
            pltpu.VMEM((rows_w, _PAD), jnp.float32),
            pltpu.VMEM((n_j * out_w_j,), jnp.float32),
            pltpu.SemaphoreType.DMA,
            pltpu.SemaphoreType.DMA,
        ],
    )
    def k(p_hbm, idx_hbm, out_hbm, idx_v, rows_v, out_v, isem, gsem):
        wid = lax.axis_index("s") * NC + lax.axis_index("c")
        src0 = (wid // 4) * (128 * 128) + (wid % 4) * seeds_w
        fetches = [
            pltpu.async_copy(
                idx_hbm.at[pl.ds(src0 + jk * 128, seeds_w)],
                idx_v.at[pl.ds(jk * seeds_w, seeds_w)], isem)
            for jk in range(n_jk)
        ]
        for f in fetches:
            f.wait()
        pltpu.async_copy(p_hbm.at[idx_v], rows_v, gsem).wait()

        def body(b, _):
            row8 = (b // 8) * 128 + (b % 8) * _PAD
            for j in range(n_j):
                acc = rows_v[j * seg_len * seeds_w + b]
                for t in range(1, seg_len):
                    acc = acc + rows_v[(j * seg_len + t) * seeds_w + b]
                out_v[pl.ds(j * out_w_j + row8, _PAD)] = acc * inv
            return 0

        lax.fori_loop(0, seeds_w, body, 0)
        for j in range(n_j):
            pltpu.sync_copy(
                out_v.at[pl.ds(j * out_w_j, out_w_j)],
                out_hbm.at[pl.ds(j * outlen_j + wid * out_w_j, out_w_j)])

    return k(P, idx_flat)



def _bdiag(Wp):
    z = jnp.zeros_like(Wp)
    rows = []
    for u in range(8):
        rows.append(jnp.concatenate(
            [Wp if v == u else z for v in range(8)], axis=1))
    return jnp.concatenate(rows, axis=0)


def _tail_body(m1_ref, w1_ref, b1_ref, w2_ref, b2_ref, w3_ref, b3_ref,
               o_ref, *, n_j, rows_b):
    w1 = _bdiag(w1_ref[...])
    w2 = _bdiag(w2_ref[...])
    w3 = _bdiag(w3_ref[...])
    b1 = jnp.concatenate([b1_ref[...]] * 8, axis=1)
    b2 = jnp.concatenate([b2_ref[...]] * 8, axis=1)
    b3 = jnp.concatenate([b3_ref[...]] * 8, axis=1)
    x = m1_ref[...]
    h1 = jnp.tanh(jnp.dot(x, w1, preferred_element_type=jnp.float32) + b1)
    h2 = jnp.tanh(jnp.dot(h1, w2, preferred_element_type=jnp.float32) + b2)
    m2 = h2[0:rows_b]
    for j in range(1, n_j):
        m2 = m2 + h2[j * rows_b:(j + 1) * rows_b]
    m2 = m2 * jnp.float32(1.0 / n_j)
    o_ref[...] = jnp.tanh(
        jnp.dot(m2, w3, preferred_element_type=jnp.float32) + b3)


def _mlp_tail(M1p, W1, b1, W2, b2, W3, b3, n_j, rows_b):
    rows = M1p.shape[0]
    fullw = pl.BlockSpec((_PAD, _PAD), lambda: (0, 0))
    fullb = pl.BlockSpec((1, _PAD), lambda: (0, 0))
    return pl.pallas_call(
        functools.partial(_tail_body, n_j=n_j, rows_b=rows_b),
        in_specs=[pl.BlockSpec((rows, 128), lambda: (0, 0)),
                  fullw, fullb, fullw, fullb, fullw, fullb],
        out_specs=pl.BlockSpec((rows_b, 128), lambda: (0, 0)),
        out_shape=jax.ShapeDtypeStruct((rows_b, 128), jnp.float32),
    )(M1p, W1, b1, W2, b2, W3, b3)



def kernel(node_list, nbr1, features,
           W_a1, b_a1, g_a1, be_a1,
           W_e1, b_e1, g_e1, be_e1,
           W_a2, b_a2, g_a2, be_a2,
           W_e2, b_e2, g_e2, be_e2):
    del node_list
    B, S2p1, S1p1 = nbr1.shape
    N, D = features.shape

    W1, b1 = _pad_wb(*_fold_bn(W_e1, b_e1, g_e1, be_e1))
    W2, b2 = _pad_wb(*_fold_bn(W_a2, b_a2, g_a2, be_a2))
    W3, b3 = _pad_wb(*_fold_bn(W_e2, b_e2, g_e2, be_e2))

    nbr_t = jnp.transpose(nbr1, (1, 2, 0))
    P2, idx2 = _stage_a(features, nbr_t,
                        W_a1, b_a1, g_a1, be_a1, grid_n=B // 128)
    P = P2.reshape(8 * _SLAB, _PAD)
    idx_flat = idx2.reshape(B * 128)

    M1_flat = _gather_mean(P, idx_flat, n_seed=B, n_j=S2p1, seg_len=S1p1)
    M1p = M1_flat.reshape(S2p1 * B // 8, 128)

    outp = _mlp_tail(M1p, W1, b1, W2, b2, W3, b3, n_j=S2p1, rows_b=B // 8)
    return outp.reshape(B, _PAD)[:, :W_e2.shape[1]]

# --- scband reference (transcript-rebuilt; emitter-appended) ---
"""Pipeline reference for scband-mean-model-83872121356303 (READ-ONLY COPY).

The authoritative reference and input builder live on the scoring server;
editing this copy changes nothing except your own understanding.
"""

import jax, jax.numpy as jnp
import numpy as np

N = 100000   # n_nodes
D = 128      # feature_dim
H = 8        # hidden_dim
EMB = 16     # emb_dim
B = 1024     # batch of seed nodes
S1 = 10      # n_nbr_samples1
S2 = 10      # n_nbr_samples2
EPS = 1e-5


def _linear_init(k, fin, fout):
    # xavier_uniform per init_weights
    lim = float(np.sqrt(6.0 / (fin + fout)))
    W = jax.random.uniform(k, (fin, fout), minval=-lim, maxval=lim, dtype=jnp.float32)
    b = jnp.zeros((fout,), dtype=jnp.float32)
    return W, b


def setup_inputs(seed: int = 0) -> dict:
    key = jax.random.key(seed)
    ks = jax.random.split(key, 8)
    node_list = jax.random.randint(ks[0], (B,), 0, N)
    # Precomputed neighbor sampling (MeanAggregator's np.random.choice done offline):
    # nbr1[b, j, :] = sampled 1-hop neighbors (+self in last slot) of the j-th
    # sampled 2-hop node of seed b. Shape [B, S2+1, S1+1].
    nbr1 = jax.random.randint(ks[1], (B, S2 + 1, S1 + 1), 0, N)
    features = jax.random.normal(ks[2], (N, D), dtype=jnp.float32)
    W_a1, b_a1 = _linear_init(ks[3], D, H)
    W_e1, b_e1 = _linear_init(ks[4], H, H)
    W_a2, b_a2 = _linear_init(ks[5], H, H)
    W_e2, b_e2 = _linear_init(ks[6], H, EMB)
    return {
        'node_list': node_list, 'nbr1': nbr1, 'features': features,
        'W_a1': W_a1, 'b_a1': b_a1, 'g_a1': jnp.ones((H,)), 'be_a1': jnp.zeros((H,)),
        'W_e1': W_e1, 'b_e1': b_e1, 'g_e1': jnp.ones((H,)), 'be_e1': jnp.zeros((H,)),
        'W_a2': W_a2, 'b_a2': b_a2, 'g_a2': jnp.ones((H,)), 'be_a2': jnp.zeros((H,)),
        'W_e2': W_e2, 'b_e2': b_e2, 'g_e2': jnp.ones((EMB,)), 'be_e2': jnp.zeros((EMB,)),
    }


def _bn(x, g, b):
    # BatchNorm1d in eval mode with running_mean=0, running_var=1
    return x * (g / jnp.sqrt(1.0 + EPS)) + b


def reference(node_list, nbr1, features,
              W_a1, b_a1, g_a1, be_a1,
              W_e1, b_e1, g_e1, be_e1,
              W_a2, b_a2, g_a2, be_a2,
              W_e2, b_e2, g_e2, be_e2):
    # agg1: gather raw features of 1-hop samples, fc, then mean over samples.
    # The row-normalized mask.mm(sampled_features) is exactly a mean over each
    # node's sampled-neighbor set (unique-node dedup only avoids recompute).
    x = jnp.take(features, nbr1, axis=0)                 # [B, S2+1, S1+1, D]
    h = jnp.tanh(_bn(x @ W_a1 + b_a1, g_a1, be_a1))      # agg1.fc
    m1 = h.mean(axis=2)                                  # [B, S2+1, H] mean agg
    h1 = jnp.tanh(_bn(m1 @ W_e1 + b_e1, g_e1, be_e1))    # enc1.fc -> enc1 output
    # agg2: sampled_features = agg2.fc(enc1(2-hop nodes)), then mean agg.
    h2 = jnp.tanh(_bn(h1 @ W_a2 + b_a2, g_a2, be_a2))    # agg2.fc
    m2 = h2.mean(axis=1)                                 # [B, H]
    out = jnp.tanh(_bn(m2 @ W_e2 + b_e2, g_e2, be_e2))   # enc2.fc -> [B, EMB]
    return out

if __name__ == "__main__":
    import jax
    _d = setup_inputs()
    print(jax.jit(kernel)(*tuple(_d.values())))

</pallas_src>

<mosaic_0001>
#map = affine_map<(d0, d1) -> (0, 0)>
#map1 = affine_map<(d0, d1) -> (0)>
module attributes {stable_mosaic.version = 14 : i64} {
  func.func @_rewritten_body(%arg0: i32, %arg1: i32, %arg2: memref<100352x16xf32, #tpu.memory_space<hbm>>, %arg3: memref<131072xi32, #tpu.memory_space<hbm>>, %arg4: memref<1xf32, #tpu.memory_space<hbm>>, %arg5: memref<180224xf32, #tpu.memory_space<hbm>>, %arg6: memref<3872xi32, #tpu.memory_space<vmem>>, %arg7: memref<3872x16xf32, #tpu.memory_space<vmem>>, %arg8: memref<5632xf32, #tpu.memory_space<vmem>>, %arg9: memref<!tpu.dma_semaphore, #tpu.memory_space<semaphore_mem>>, %arg10: memref<!tpu.dma_semaphore, #tpu.memory_space<semaphore_mem>>) attributes {dimension_semantics = [#tpu.dimension_semantics<core_parallel>, #tpu.dimension_semantics<subcore_parallel>], iteration_bounds = array<i64: 2, 16>, scalar_prefetch = 0 : i64, scratch_operands = 5 : i64, tpu.core_type = #tpu.core_type<sc_vector_subcore>, window_params = [{transform_indices = #map}, {transform_indices = #map1}, {transform_indices = #map1}, {transform_indices = #map1}]} {
    %empty_ref3A = memref.alloca() : memref<16xf32, #tpu.memory_space<vmem>>
    "tpu.region"() ({
      %run_scoped3A = tpu.sem_alloc : memref<!tpu.dma_semaphore, #tpu.memory_space<semaphore_mem>>
      %dma_start3A_1786 = arith.constant 0 : i32
      %dma_start3A_1787 = tpu.memref_slice %empty_ref3A[%dma_start3A_1786] : memref<16xf32, #tpu.memory_space<vmem>> -> memref<1xf32, #tpu.memory_space<vmem>>
      %dma_start3A_1788 = arith.constant 0 : i32
      %dma_start3A_1789 = tpu.memref_slice %empty_ref3A[%dma_start3A_1788] : memref<16xf32, #tpu.memory_space<vmem>> -> memref<1xf32, #tpu.memory_space<vmem>>
      tpu.enqueue_dma source(%arg4 : memref<1xf32, #tpu.memory_space<hbm>>) target(%dma_start3A_1789 : memref<1xf32, #tpu.memory_space<vmem>>) target_semaphore(%run_scoped3A : memref<!tpu.dma_semaphore, #tpu.memory_space<semaphore_mem>>)
      %dma_wait3A_1790 = arith.constant 0 : i32
      %dma_wait3A_1791 = tpu.memref_slice %empty_ref3A[%dma_wait3A_1790] : memref<16xf32, #tpu.memory_space<vmem>> -> memref<1xf32, #tpu.memory_space<vmem>>
      %dma_wait3A_1792 = arith.constant 0 : i32
      %dma_wait3A_1793 = tpu.memref_slice %empty_ref3A[%dma_wait3A_1792] : memref<16xf32, #tpu.memory_space<vmem>> -> memref<1xf32, #tpu.memory_space<vmem>>
      tpu.wait_dma2 semaphore(%run_scoped3A : memref<!tpu.dma_semaphore, #tpu.memory_space<semaphore_mem>>) src(%arg4 : memref<1xf32, #tpu.memory_space<hbm>>) dst(%dma_wait3A_1793 : memref<1xf32, #tpu.memory_space<vmem>>)
      tpu.yield
    }) : () -> ()
    %get3A = arith.constant 0 : index
    %get3A_0 = tpu.vector_load %empty_ref3A[%get3A] {strides = array<i32>} : memref<16xf32, #tpu.memory_space<vmem>>, vector<16xf32>,
    %get3A_1 = vector.shape_cast %get3A_0 : vector<16xf32> to vector<16xf32>
    %slice3A = vector.extract_strided_slice %get3A_1 {offsets = [0], sizes = [1], strides = [1]} : vector<16xf32> to vector<1xf32>
    %squeeze3A = vector.extract %slice3A[0] : f32 from vector<1xf32>
    %mul3A = arith.constant 2 : i32
    %mul3A_2 = arith.muli %arg1, %mul3A : i32
    %add3A = arith.addi %mul3A_2, %arg0 : i32
    %jit3A = arith.constant 4 : i32
    %div3A = arith.divsi %add3A, %jit3A : i32
    %sign3A = arith.constant 0 : i32
    %sign3A_3 = arith.cmpi sgt, %add3A, %sign3A : i32
    %sign3A_4 = arith.extui %sign3A_3 : i1 to i32
    %sign3A_5 = arith.constant 0 : i32
    %sign3A_6 = arith.cmpi slt, %add3A, %sign3A_5 : i32
    %sign3A_7 = arith.extui %sign3A_6 : i1 to i32
    %sign3A_8 = arith.subi %sign3A_4, %sign3A_7 : i32
    %sign3A_9 = arith.constant 0 : i32
    %sign3A_10 = arith.cmpi sgt, %jit3A, %sign3A_9 : i32
    %sign3A_11 = arith.extui %sign3A_10 : i1 to i32
    %sign3A_12 = arith.constant 0 : i32
    %sign3A_13 = arith.cmpi slt, %jit3A, %sign3A_12 : i32
    %sign3A_14 = arith.extui %sign3A_13 : i1 to i32
    %sign3A_15 = arith.subi %sign3A_11, %sign3A_14 : i32
    %ne3A = arith.cmpi ne, %sign3A_8, %sign3A_15 : i32
    %rem3A = arith.remsi %add3A, %jit3A : i32
    %ne3A_16 = arith.constant 0 : i32
    %ne3A_17 = arith.cmpi ne, %rem3A, %ne3A_16 : i32
    %and3A = arith.andi %ne3A, %ne3A_17 : i1
    %sub3A = arith.constant 1 : i32
    %sub3A_18 = arith.subi %div3A, %sub3A : i32
    %select_n3A = arith.select %and3A, %sub3A_18, %div3A : i32
    %mul3A_19 = arith.constant 16384 : i32
    %mul3A_20 = arith.muli %select_n3A, %mul3A_19 : i32
    %jit3A_21 = arith.constant 4 : i32
    %eq3A = arith.constant 0 : i32
    %eq3A_22 = arith.cmpi eq, %jit3A_21, %eq3A : i32
    %jit3A_23 = arith.constant 1 : i32
    %select_n3A_24 = arith.select %eq3A_22, %jit3A_23, %jit3A_21 : i32
    %rem3A_25 = arith.remsi %add3A, %select_n3A_24 : i32
    %ne3A_26 = arith.constant 0 : i32
    %ne3A_27 = arith.cmpi ne, %rem3A_25, %ne3A_26 : i32
    %lt3A = arith.constant 0 : i32
    %lt3A_28 = arith.cmpi slt, %rem3A_25, %lt3A : i32
    %lt3A_29 = arith.constant 0 : i32
    %lt3A_30 = arith.cmpi slt, %select_n3A_24, %lt3A_29 : i32
    %ne3A_31 = arith.xori %lt3A_28, %lt3A_30 : i1
    %and3A_32 = arith.andi %ne3A_31, %ne3A_27 : i1
    %add3A_33 = arith.addi %rem3A_25, %select_n3A_24 : i32
    %select_n3A_34 = arith.select %and3A_32, %add3A_33, %rem3A_25 : i32
    %mul3A_35 = arith.constant 32 : i32
    %mul3A_36 = arith.muli %select_n3A_34, %mul3A_35 : i32
    %add3A_37 = arith.addi %mul3A_20, %mul3A_36 : i32
    %add3A_38 = arith.constant 0 : i32
    %add3A_39 = arith.addi %add3A_37, %add3A_38 : i32
    %dma_start3A = arith.constant 0 : i32
    %dma_start3A_40 = tpu.memref_slice %arg6[%dma_start3A] : memref<3872xi32, #tpu.memory_space<vmem>> -> memref<32xi32, #tpu.memory_space<vmem>>
    %dma_start3A_41 = tpu.memref_slice %arg3[%add3A_39] : memref<131072xi32, #tpu.memory_space<hbm>> -> memref<32xi32, #tpu.memory_space<hbm>>
    %dma_start3A_42 = arith.constant 0 : i32
    %dma_start3A_43 = tpu.memref_slice %arg6[%dma_start3A_42] : memref<3872xi32, #tpu.memory_space<vmem>> -> memref<32xi32, #tpu.memory_space<vmem>>
    %dma_start3A_44 = tpu.memref_slice %arg3[%add3A_39] : memref<131072xi32, #tpu.memory_space<hbm>> -> memref<32xi32, #tpu.memory_space<hbm>>
    tpu.enqueue_dma source(%dma_start3A_44 : memref<32xi32, #tpu.memory_space<hbm>>) target(%dma_start3A_43 : memref<32xi32, #tpu.memory_space<vmem>>) target_semaphore(%arg9 : memref<!tpu.dma_semaphore, #tpu.memory_space<semaphore_mem>>)
    %add3A_45 = arith.constant 128 : i32
    %add3A_46 = arith.addi %add3A_37, %add3A_45 : i32
    %dma_start3A_47 = arith.constant 32 : i32
    %dma_start3A_48 = tpu.memref_slice %arg6[%dma_start3A_47] : memref<3872xi32, #tpu.memory_space<vmem>> -> memref<32xi32, #tpu.memory_space<vmem>>
    %dma_start3A_49 = tpu.memref_slice %arg3[%add3A_46] : memref<131072xi32, #tpu.memory_space<hbm>> -> memref<32xi32, #tpu.memory_space<hbm>>
    %dma_start3A_50 = arith.constant 32 : i32
    %dma_start3A_51 = tpu.memref_slice %arg6[%dma_start3A_50] : memref<3872xi32, #tpu.memory_space<vmem>> -> memref<32xi32, #tpu.memory_space<vmem>>
    %dma_start3A_52 = tpu.memref_slice %arg3[%add3A_46] : memref<131072xi32, #tpu.memory_space<hbm>> -> memref<32xi32, #tpu.memory_space<hbm>>
    tpu.enqueue_dma source(%dma_start3A_52 : memref<32xi32, #tpu.memory_space<hbm>>) target(%dma_start3A_51 : memref<32xi32, #tpu.memory_space<vmem>>) target_semaphore(%arg9 : memref<!tpu.dma_semaphore, #tpu.memory_space<semaphore_mem>>)
    %add3A_53 = arith.constant 256 : i32
    %add3A_54 = arith.addi %add3A_37, %add3A_53 : i32
    %dma_start3A_55 = arith.constant 64 : i32
    %dma_start3A_56 = tpu.memref_slice %arg6[%dma_start3A_55] : memref<3872xi32, #tpu.memory_space<vmem>> -> memref<32xi32, #tpu.memory_space<vmem>>
    %dma_start3A_57 = tpu.memref_slice %arg3[%add3A_54] : memref<131072xi32, #tpu.memory_space<hbm>> -> memref<32xi32, #tpu.memory_space<hbm>>
    %dma_start3A_58 = arith.constant 64 : i32
    %dma_start3A_59 = tpu.memref_slice %arg6[%dma_start3A_58] : memref<3872xi32, #tpu.memory_space<vmem>> -> memref<32xi32, #tpu.memory_space<vmem>>
    %dma_start3A_60 = tpu.memref_slice %arg3[%add3A_54] : memref<131072xi32, #tpu.memory_space<hbm>> -> memref<32xi32, #tpu.memory_space<hbm>>
    tpu.enqueue_dma source(%dma_start3A_60 : memref<32xi32, #tpu.memory_space<hbm>>) target(%dma_start3A_59 : memref<32xi32, #tpu.memory_space<vmem>>) target_semaphore(%arg9 : memref<!tpu.dma_semaphore, #tpu.memory_space<semaphore_mem>>)
    %add3A_61 = arith.constant 384 : i32
    %add3A_62 = arith.addi %add3A_37, %add3A_61 : i32
    %dma_start3A_63 = arith.constant 96 : i32
    %dma_start3A_64 = tpu.memref_slice %arg6[%dma_start3A_63] : memref<3872xi32, #tpu.memory_space<vmem>> -> memref<32xi32, #tpu.memory_space<vmem>>
    %dma_start3A_65 = tpu.memref_slice %arg3[%add3A_62] : memref<131072xi32, #tpu.memory_space<hbm>> -> memref<32xi32, #tpu.memory_space<hbm>>
    %dma_start3A_66 = arith.constant 96 : i32
    %dma_start3A_67 = tpu.memref_slice %arg6[%dma_start3A_66] : memref<3872xi32, #tpu.memory_space<vmem>> -> memref<32xi32, #tpu.memory_space<vmem>>
    %dma_start3A_68 = tpu.memref_slice %arg3[%add3A_62] : memref<131072xi32, #tpu.memory_space<hbm>> -> memref<32xi32, #tpu.memory_space<hbm>>
    tpu.enqueue_dma source(%dma_start3A_68 : memref<32xi32, #tpu.memory_space<hbm>>) target(%dma_start3A_67 : memref<32xi32, #tpu.memory_space<vmem>>) target_semaphore(%arg9 : memref<!tpu.dma_semaphore, #tpu.memory_space<semaphore_mem>>)
    %add3A_69 = arith.constant 512 : i32
    %add3A_70 = arith.addi %add3A_37, %add3A_69 : i32
    %dma_start3A_71 = arith.constant 128 : i32
    %dma_start3A_72 = tpu.memref_slice %arg6[%dma_start3A_71] : memref<3872xi32, #tpu.memory_space<vmem>> -> memref<32xi32, #tpu.memory_space<vmem>>
    %dma_start3A_73 = tpu.memref_slice %arg3[%add3A_70] : memref<131072xi32, #tpu.memory_space<hbm>> -> memref<32xi32, #tpu.memory_space<hbm>>
    %dma_start3A_74 = arith.constant 128 : i32
    %dma_start3A_75 = tpu.memref_slice %arg6[%dma_start3A_74] : memref<3872xi32, #tpu.memory_space<vmem>> -> memref<32xi32, #tpu.memory_space<vmem>>
    %dma_start3A_76 = tpu.memref_slice %arg3[%add3A_70] : memref<131072xi32, #tpu.memory_space<hbm>> -> memref<32xi32, #tpu.memory_space<hbm>>
    tpu.enqueue_dma source(%dma_start3A_76 : memref<32xi32, #tpu.memory_space<hbm>>) target(%dma_start3A_75 : memref<32xi32, #tpu.memory_space<vmem>>) target_semaphore(%arg9 : memref<!tpu.dma_semaphore, #tpu.memory_space<semaphore_mem>>)
    %add3A_77 = arith.constant 640 : i32
    %add3A_78 = arith.addi %add3A_37, %add3A_77 : i32
    %dma_start3A_79 = arith.constant 160 : i32
    %dma_start3A_80 = tpu.memref_slice %arg6[%dma_start3A_79] : memref<3872xi32, #tpu.memory_space<vmem>> -> memref<32xi32, #tpu.memory_space<vmem>>
    %dma_start3A_81 = tpu.memref_slice %arg3[%add3A_78] : memref<131072xi32, #tpu.memory_space<hbm>> -> memref<32xi32, #tpu.memory_space<hbm>>
    %dma_start3A_82 = arith.constant 160 : i32
    %dma_start3A_83 = tpu.memref_slice %arg6[%dma_start3A_82] : memref<3872xi32, #tpu.memory_space<vmem>> -> memref<32xi32, #tpu.memory_space<vmem>>
    %dma_start3A_84 = tpu.memref_slice %arg3[%add3A_78] : memref<131072xi32, #tpu.memory_space<hbm>> -> memref<32xi32, #tpu.memory_space<hbm>>
    tpu.enqueue_dma source(%dma_start3A_84 : memref<32xi32, #tpu.memory_space<hbm>>) target(%dma_start3A_83 : memref<32xi32, #tpu.memory_space<vmem>>) target_semaphore(%arg9 : memref<!tpu.dma_semaphore, #tpu.memory_space<semaphore_mem>>)
    %add3A_85 = arith.constant 768 : i32
    %add3A_86 = arith.addi %add3A_37, %add3A_85 : i32
    %dma_start3A_87 = arith.constant 192 : i32
    %dma_start3A_88 = tpu.memref_slice %arg6[%dma_start3A_87] : memref<3872xi32, #tpu.memory_space<vmem>> -> memref<32xi32, #tpu.memory_space<vmem>>
    %dma_start3A_89 = tpu.memref_slice %arg3[%add3A_86] : memref<131072xi32, #tpu.memory_space<hbm>> -> memref<32xi32, #tpu.memory_space<hbm>>
    %dma_start3A_90 = arith.constant 192 : i32
    %dma_start3A_91 = tpu.memref_slice %arg6[%dma_start3A_90] : memref<3872xi32, #tpu.memory_space<vmem>> -> memref<32xi32, #tpu.memory_space<vmem>>
    %dma_start3A_92 = tpu.memref_slice %arg3[%add3A_86] : memref<131072xi32, #tpu.memory_space<hbm>> -> memref<32xi32, #tpu.memory_space<hbm>>
    tpu.enqueue_dma source(%dma_start3A_92 : memref<32xi32, #tpu.memory_space<hbm>>) target(%dma_start3A_91 : memref<32xi32, #tpu.memory_space<vmem>>) target_semaphore(%arg9 : memref<!tpu.dma_semaphore, #tpu.memory_space<semaphore_mem>>)
    %add3A_93 = arith.constant 896 : i32
    %add3A_94 = arith.addi %add3A_37, %add3A_93 : i32
    %dma_start3A_95 = arith.constant 224 : i32
    %dma_start3A_96 = tpu.memref_slice %arg6[%dma_start3A_95] : memref<3872xi32, #tpu.memory_space<vmem>> -> memref<32xi32, #tpu.memory_space<vmem>>
    %dma_start3A_97 = tpu.memref_slice %arg3[%add3A_94] : memref<131072xi32, #tpu.memory_space<hbm>> -> memref<32xi32, #tpu.memory_space<hbm>>
    %dma_start3A_98 = arith.constant 224 : i32
    %dma_start3A_99 = tpu.memref_slice %arg6[%dma_start3A_98] : memref<3872xi32, #tpu.memory_space<vmem>> -> memref<32xi32, #tpu.memory_space<vmem>>
    %dma_start3A_100 = tpu.memref_slice %arg3[%add3A_94] : memref<131072xi32, #tpu.memory_space<hbm>> -> memref<32xi32, #tpu.memory_space<hbm>>
    tpu.enqueue_dma source(%dma_start3A_100 : memref<32xi32, #tpu.memory_space<hbm>>) target(%dma_start3A_99 : memref<32xi32, #tpu.memory_space<vmem>>) target_semaphore(%arg9 : memref<!tpu.dma_semaphore, #tpu.memory_space<semaphore_mem>>)
    %add3A_101 = arith.constant 1024 : i32
    %add3A_102 = arith.addi %add3A_37, %add3A_101 : i32
    %dma_start3A_103 = arith.constant 256 : i32
    %dma_start3A_104 = tpu.memref_slice %arg6[%dma_start3A_103] : memref<3872xi32, #tpu.memory_space<vmem>> -> memref<32xi32, #tpu.memory_space<vmem>>
    %dma_start3A_105 = tpu.memref_slice %arg3[%add3A_102] : memref<131072xi32, #tpu.memory_space<hbm>> -> memref<32xi32, #tpu.memory_space<hbm>>
    %dma_start3A_106 = arith.constant 256 : i32
    %dma_start3A_107 = tpu.memref_slice %arg6[%dma_start3A_106] : memref<3872xi32, #tpu.memory_space<vmem>> -> memref<32xi32, #tpu.memory_space<vmem>>
    %dma_start3A_108 = tpu.memref_slice %arg3[%add3A_102] : memref<131072xi32, #tpu.memory_space<hbm>> -> memref<32xi32, #tpu.memory_space<hbm>>
    tpu.enqueue_dma source(%dma_start3A_108 : memref<32xi32, #tpu.memory_space<hbm>>) target(%dma_start3A_107 : memref<32xi32, #tpu.memory_space<vmem>>) target_semaphore(%arg9 : memref<!tpu.dma_semaphore, #tpu.memory_space<semaphore_mem>>)
    %add3A_109 = arith.constant 1152 : i32
    %add3A_110 = arith.addi %add3A_37, %add3A_109 : i32
    %dma_start3A_111 = arith.constant 288 : i32
    %dma_start3A_112 = tpu.memref_slice %arg6[%dma_start3A_111] : memref<3872xi32, #tpu.memory_space<vmem>> -> memref<32xi32, #tpu.memory_space<vmem>>
    %dma_start3A_113 = tpu.memref_slice %arg3[%add3A_110] : memref<131072xi32, #tpu.memory_space<hbm>> -> memref<32xi32, #tpu.memory_space<hbm>>
    %dma_start3A_114 = arith.constant 288 : i32
    %dma_start3A_115 = tpu.memref_slice %arg6[%dma_start3A_114] : memref<3872xi32, #tpu.memory_space<vmem>> -> memref<32xi32, #tpu.memory_space<vmem>>
    %dma_start3A_116 = tpu.memref_slice %arg3[%add3A_110] : memref<131072xi32, #tpu.memory_space<hbm>> -> memref<32xi32, #tpu.memory_space<hbm>>
    tpu.enqueue_dma source(%dma_start3A_116 : memref<32xi32, #tpu.memory_space<hbm>>) target(%dma_start3A_115 : memref<32xi32, #tpu.memory_space<vmem>>) target_semaphore(%arg9 : memref<!tpu.dma_semaphore, #tpu.memory_space<semaphore_mem>>)
    %add3A_117 = arith.constant 1280 : i32
    %add3A_118 = arith.addi %add3A_37, %add3A_117 : i32
    %dma_start3A_119 = arith.constant 320 : i32
    %dma_start3A_120 = tpu.memref_slice %arg6[%dma_start3A_119] : memref<3872xi32, #tpu.memory_space<vmem>> -> memref<32xi32, #tpu.memory_space<vmem>>
    %dma_start3A_121 = tpu.memref_slice %arg3[%add3A_118] : memref<131072xi32, #tpu.memory_space<hbm>> -> memref<32xi32, #tpu.memory_space<hbm>>
    %dma_start3A_122 = arith.constant 320 : i32
    %dma_start3A_123 = tpu.memref_slice %arg6[%dma_start3A_122] : memref<3872xi32, #tpu.memory_space<vmem>> -> memref<32xi32, #tpu.memory_space<vmem>>
    %dma_start3A_124 = tpu.memref_slice %arg3[%add3A_118] : memref<131072xi32, #tpu.memory_space<hbm>> -> memref<32xi32, #tpu.memory_space<hbm>>
    tpu.enqueue_dma source(%dma_start3A_124 : memref<32xi32, #tpu.memory_space<hbm>>) target(%dma_start3A_123 : memref<32xi32, #tpu.memory_space<vmem>>) target_semaphore(%arg9 : memref<!tpu.dma_semaphore, #tpu.memory_space<semaphore_mem>>)
    %add3A_125 = arith.constant 1408 : i32
    %add3A_126 = arith.addi %add3A_37, %add3A_125 : i32
    %dma_start3A_127 = arith.constant 352 : i32
    %dma_start3A_128 = tpu.memref_slice %arg6[%dma_start3A_127] : memref<3872xi32, #tpu.memory_space<vmem>> -> memref<32xi32, #tpu.memory_space<vmem>>
    %dma_start3A_129 = tpu.memref_slice %arg3[%add3A_126] : memref<131072xi32, #tpu.memory_space<hbm>> -> memref<32xi32, #tpu.memory_space<hbm>>
    %dma_start3A_130 = arith.constant 352 : i32
    %dma_start3A_131 = tpu.memref_slice %arg6[%dma_start3A_130] : memref<3872xi32, #tpu.memory_space<vmem>> -> memref<32xi32, #tpu.memory_space<vmem>>
    %dma_start3A_132 = tpu.memref_slice %arg3[%add3A_126] : memref<131072xi32, #tpu.memory_space<hbm>> -> memref<32xi32, #tpu.memory_space<hbm>>
    tpu.enqueue_dma source(%dma_start3A_132 : memref<32xi32, #tpu.memory_space<hbm>>) target(%dma_start3A_131 : memref<32xi32, #tpu.memory_space<vmem>>) target_semaphore(%arg9 : memref<!tpu.dma_semaphore, #tpu.memory_space<semaphore_mem>>)
    %add3A_133 = arith.constant 1536 : i32
    %add3A_134 = arith.addi %add3A_37, %add3A_133 : i32
    %dma_start3A_135 = arith.constant 384 : i32
    %dma_start3A_136 = tpu.memref_slice %arg6[%dma_start3A_135] : memref<3872xi32, #tpu.memory_space<vmem>> -> memref<32xi32, #tpu.memory_space<vmem>>
    %dma_start3A_137 = tpu.memref_slice %arg3[%add3A_134] : memref<131072xi32, #tpu.memory_space<hbm>> -> memref<32xi32, #tpu.memory_space<hbm>>
    %dma_start3A_138 = arith.constant 384 : i32
    %dma_start3A_139 = tpu.memref_slice %arg6[%dma_start3A_138] : memref<3872xi32, #tpu.memory_space<vmem>> -> memref<32xi32, #tpu.memory_space<vmem>>
    %dma_start3A_140 = tpu.memref_slice %arg3[%add3A_134] : memref<131072xi32, #tpu.memory_space<hbm>> -> memref<32xi32, #tpu.memory_space<hbm>>
    tpu.enqueue_dma source(%dma_start3A_140 : memref<32xi32, #tpu.memory_space<hbm>>) target(%dma_start3A_139 : memref<32xi32, #tpu.memory_space<vmem>>) target_semaphore(%arg9 : memref<!tpu.dma_semaphore, #tpu.memory_space<semaphore_mem>>)
    %add3A_141 = arith.constant 1664 : i32
    %add3A_142 = arith.addi %add3A_37, %add3A_141 : i32
    %dma_start3A_143 = arith.constant 416 : i32
    %dma_start3A_144 = tpu.memref_slice %arg6[%dma_start3A_143] : memref<3872xi32, #tpu.memory_space<vmem>> -> memref<32xi32, #tpu.memory_space<vmem>>
    %dma_start3A_145 = tpu.memref_slice %arg3[%add3A_142] : memref<131072xi32, #tpu.memory_space<hbm>> -> memref<32xi32, #tpu.memory_space<hbm>>
    %dma_start3A_146 = arith.constant 416 : i32
    %dma_start3A_147 = tpu.memref_slice %arg6[%dma_start3A_146] : memref<3872xi32, #tpu.memory_space<vmem>> -> memref<32xi32, #tpu.memory_space<vmem>>
    %dma_start3A_148 = tpu.memref_slice %arg3[%add3A_142] : memref<131072xi32, #tpu.memory_space<hbm>> -> memref<32xi32, #tpu.memory_space<hbm>>
    tpu.enqueue_dma source(%dma_start3A_148 : memref<32xi32, #tpu.memory_space<hbm>>) target(%dma_start3A_147 : memref<32xi32, #tpu.memory_space<vmem>>) target_semaphore(%arg9 : memref<!tpu.dma_semaphore, #tpu.memory_space<semaphore_mem>>)
    %add3A_149 = arith.constant 1792 : i32
    %add3A_150 = arith.addi %add3A_37, %add3A_149 : i32
    %dma_start3A_151 = arith.constant 448 : i32
    %dma_start3A_152 = tpu.memref_slice %arg6[%dma_start3A_151] : memref<3872xi32, #tpu.memory_space<vmem>> -> memref<32xi32, #tpu.memory_space<vmem>>
    %dma_start3A_153 = tpu.memref_slice %arg3[%add3A_150] : memref<131072xi32, #tpu.memory_space<hbm>> -> memref<32xi32, #tpu.memory_space<hbm>>
    %dma_start3A_154 = arith.constant 448 : i32
    %dma_start3A_155 = tpu.memref_slice %arg6[%dma_start3A_154] : memref<3872xi32, #tpu.memory_space<vmem>> -> memref<32xi32, #tpu.memory_space<vmem>>
    %dma_start3A_156 = tpu.memref_slice %arg3[%add3A_150] : memref<131072xi32, #tpu.memory_space<hbm>> -> memref<32xi32, #tpu.memory_space<hbm>>
    tpu.enqueue_dma source(%dma_start3A_156 : memref<32xi32, #tpu.memory_space<hbm>>) target(%dma_start3A_155 : memref<32xi32, #tpu.memory_space<vmem>>) target_semaphore(%arg9 : memref<!tpu.dma_semaphore, #tpu.memory_space<semaphore_mem>>)
    %add3A_157 = arith.constant 1920 : i32
    %add3A_158 = arith.addi %add3A_37, %add3A_157 : i32
    %dma_start3A_159 = arith.constant 480 : i32
    %dma_start3A_160 = tpu.memref_slice %arg6[%dma_start3A_159] : memref<3872xi32, #tpu.memory_space<vmem>> -> memref<32xi32, #tpu.memory_space<vmem>>
    %dma_start3A_161 = tpu.memref_slice %arg3[%add3A_158] : memref<131072xi32, #tpu.memory_space<hbm>> -> memref<32xi32, #tpu.memory_space<hbm>>
    %dma_start3A_162 = arith.constant 480 : i32
    %dma_start3A_163 = tpu.memref_slice %arg6[%dma_start3A_162] : memref<3872xi32, #tpu.memory_space<vmem>> -> memref<32xi32, #tpu.memory_space<vmem>>
    %dma_start3A_164 = tpu.memref_slice %arg3[%add3A_158] : memref<131072xi32, #tpu.memory_space<hbm>> -> memref<32xi32, #tpu.memory_space<hbm>>
    tpu.enqueue_dma source(%dma_start3A_164 : memref<32xi32, #tpu.memory_space<hbm>>) target(%dma_start3A_163 : memref<32xi32, #tpu.memory_space<vmem>>) target_semaphore(%arg9 : memref<!tpu.dma_semaphore, #tpu.memory_space<semaphore_mem>>)
    %add3A_165 = arith.constant 2048 : i32
    %add3A_166 = arith.addi %add3A_37, %add3A_165 : i32
    %dma_start3A_167 = arith.constant 512 : i32
    %dma_start3A_168 = tpu.memref_slice %arg6[%dma_start3A_167] : memref<3872xi32, #tpu.memory_space<vmem>> -> memref<32xi32, #tpu.memory_space<vmem>>
    %dma_start3A_169 = tpu.memref_slice %arg3[%add3A_166] : memref<131072xi32, #tpu.memory_space<hbm>> -> memref<32xi32, #tpu.memory_space<hbm>>
    %dma_start3A_170 = arith.constant 512 : i32
    %dma_start3A_171 = tpu.memref_slice %arg6[%dma_start3A_170] : memref<3872xi32, #tpu.memory_space<vmem>> -> memref<32xi32, #tpu.memory_space<vmem>>
    %dma_start3A_172 = tpu.memref_slice %arg3[%add3A_166] : memref<131072xi32, #tpu.memory_space<hbm>> -> memref<32xi32, #tpu.memory_space<hbm>>
    tpu.enqueue_dma source(%dma_start3A_172 : memref<32xi32, #tpu.memory_space<hbm>>) target(%dma_start3A_171 : memref<32xi32, #tpu.memory_space<vmem>>) target_semaphore(%arg9 : memref<!tpu.dma_semaphore, #tpu.memory_space<semaphore_mem>>)
    %add3A_173 = arith.constant 2176 : i32
    %add3A_174 = arith.addi %add3A_37, %add3A_173 : i32
    %dma_start3A_175 = arith.constant 544 : i32
    %dma_start3A_176 = tpu.memref_slice %arg6[%dma_start3A_175] : memref<3872xi32, #tpu.memory_space<vmem>> -> memref<32xi32, #tpu.memory_space<vmem>>
    %dma_start3A_177 = tpu.memref_slice %arg3[%add3A_174] : memref<131072xi32, #tpu.memory_space<hbm>> -> memref<32xi32, #tpu.memory_space<hbm>>
    %dma_start3A_178 = arith.constant 544 : i32
    %dma_start3A_179 = tpu.memref_slice %arg6[%dma_start3A_178] : memref<3872xi32, #tpu.memory_space<vmem>> -> memref<32xi32, #tpu.memory_space<vmem>>
    %dma_start3A_180 = tpu.memref_slice %arg3[%add3A_174] : memref<131072xi32, #tpu.memory_space<hbm>> -> memref<32xi32, #tpu.memory_space<hbm>>
    tpu.enqueue_dma source(%dma_start3A_180 : memref<32xi32, #tpu.memory_space<hbm>>) target(%dma_start3A_179 : memref<32xi32, #tpu.memory_space<vmem>>) target_semaphore(%arg9 : memref<!tpu.dma_semaphore, #tpu.memory_space<semaphore_mem>>)
    %add3A_181 = arith.constant 2304 : i32
    %add3A_182 = arith.addi %add3A_37, %add3A_181 : i32
    %dma_start3A_183 = arith.constant 576 : i32
    %dma_start3A_184 = tpu.memref_slice %arg6[%dma_start3A_183] : memref<3872xi32, #tpu.memory_space<vmem>> -> memref<32xi32, #tpu.memory_space<vmem>>
    %dma_start3A_185 = tpu.memref_slice %arg3[%add3A_182] : memref<131072xi32, #tpu.memory_space<hbm>> -> memref<32xi32, #tpu.memory_space<hbm>>
    %dma_start3A_186 = arith.constant 576 : i32
    %dma_start3A_187 = tpu.memref_slice %arg6[%dma_start3A_186] : memref<3872xi32, #tpu.memory_space<vmem>> -> memref<32xi32, #tpu.memory_space<vmem>>
    %dma_start3A_188 = tpu.memref_slice %arg3[%add3A_182] : memref<131072xi32, #tpu.memory_space<hbm>> -> memref<32xi32, #tpu.memory_space<hbm>>
    tpu.enqueue_dma source(%dma_start3A_188 : memref<32xi32, #tpu.memory_space<hbm>>) target(%dma_start3A_187 : memref<32xi32, #tpu.memory_space<vmem>>) target_semaphore(%arg9 : memref<!tpu.dma_semaphore, #tpu.memory_space<semaphore_mem>>)
    %add3A_189 = arith.constant 2432 : i32
    %add3A_190 = arith.addi %add3A_37, %add3A_189 : i32
    %dma_start3A_191 = arith.constant 608 : i32
    %dma_start3A_192 = tpu.memref_slice %arg6[%dma_start3A_191] : memref<3872xi32, #tpu.memory_space<vmem>> -> memref<32xi32, #tpu.memory_space<vmem>>
    %dma_start3A_193 = tpu.memref_slice %arg3[%add3A_190] : memref<131072xi32, #tpu.memory_space<hbm>> -> memref<32xi32, #tpu.memory_space<hbm>>
    %dma_start3A_194 = arith.constant 608 : i32
    %dma_start3A_195 = tpu.memref_slice %arg6[%dma_start3A_194] : memref<3872xi32, #tpu.memory_space<vmem>> -> memref<32xi32, #tpu.memory_space<vmem>>
    %dma_start3A_196 = tpu.memref_slice %arg3[%add3A_190] : memref<131072xi32, #tpu.memory_space<hbm>> -> memref<32xi32, #tpu.memory_space<hbm>>
    tpu.enqueue_dma source(%dma_start3A_196 : memref<32xi32, #tpu.memory_space<hbm>>) target(%dma_start3A_195 : memref<32xi32, #tpu.memory_space<vmem>>) target_semaphore(%arg9 : memref<!tpu.dma_semaphore, #tpu.memory_space<semaphore_mem>>)
    %add3A_197 = arith.constant 2560 : i32
    %add3A_198 = arith.addi %add3A_37, %add3A_197 : i32
    %dma_start3A_199 = arith.constant 640 : i32
    %dma_start3A_200 = tpu.memref_slice %arg6[%dma_start3A_199] : memref<3872xi32, #tpu.memory_space<vmem>> -> memref<32xi32, #tpu.memory_space<vmem>>
    %dma_start3A_201 = tpu.memref_slice %arg3[%add3A_198] : memref<131072xi32, #tpu.memory_space<hbm>> -> memref<32xi32, #tpu.memory_space<hbm>>
    %dma_start3A_202 = arith.constant 640 : i32
    %dma_start3A_203 = tpu.memref_slice %arg6[%dma_start3A_202] : memref<3872xi32, #tpu.memory_space<vmem>> -> memref<32xi32, #tpu.memory_space<vmem>>
    %dma_start3A_204 = tpu.memref_slice %arg3[%add3A_198] : memref<131072xi32, #tpu.memory_space<hbm>> -> memref<32xi32, #tpu.memory_space<hbm>>
    tpu.enqueue_dma source(%dma_start3A_204 : memref<32xi32, #tpu.memory_space<hbm>>) target(%dma_start3A_203 : memref<32xi32, #tpu.memory_space<vmem>>) target_semaphore(%arg9 : memref<!tpu.dma_semaphore, #tpu.memory_space<semaphore_mem>>)
    %add3A_205 = arith.constant 2688 : i32
    %add3A_206 = arith.addi %add3A_37, %add3A_205 : i32
    %dma_start3A_207 = arith.constant 672 : i32
    %dma_start3A_208 = tpu.memref_slice %arg6[%dma_start3A_207] : memref<3872xi32, #tpu.memory_space<vmem>> -> memref<32xi32, #tpu.memory_space<vmem>>
    %dma_start3A_209 = tpu.memref_slice %arg3[%add3A_206] : memref<131072xi32, #tpu.memory_space<hbm>> -> memref<32xi32, #tpu.memory_space<hbm>>
    %dma_start3A_210 = arith.constant 672 : i32
    %dma_start3A_211 = tpu.memref_slice %arg6[%dma_start3A_210] : memref<3872xi32, #tpu.memory_space<vmem>> -> memref<32xi32, #tpu.memory_space<vmem>>
    %dma_start3A_212 = tpu.memref_slice %arg3[%add3A_206] : memref<131072xi32, #tpu.memory_space<hbm>> -> memref<32xi32, #tpu.memory_space<hbm>>
    tpu.enqueue_dma source(%dma_start3A_212 : memref<32xi32, #tpu.memory_space<hbm>>) target(%dma_start3A_211 : memref<32xi32, #tpu.memory_space<vmem>>) target_semaphore(%arg9 : memref<!tpu.dma_semaphore, #tpu.memory_space<semaphore_mem>>)
    %add3A_213 = arith.constant 2816 : i32
    %add3A_214 = arith.addi %add3A_37, %add3A_213 : i32
    %dma_start3A_215 = arith.constant 704 : i32
    %dma_start3A_216 = tpu.memref_slice %arg6[%dma_start3A_215] : memref<3872xi32, #tpu.memory_space<vmem>> -> memref<32xi32, #tpu.memory_space<vmem>>
    %dma_start3A_217 = tpu.memref_slice %arg3[%add3A_214] : memref<131072xi32, #tpu.memory_space<hbm>> -> memref<32xi32, #tpu.memory_space<hbm>>
    %dma_start3A_218 = arith.constant 704 : i32
    %dma_start3A_219 = tpu.memref_slice %arg6[%dma_start3A_218] : memref<3872xi32, #tpu.memory_space<vmem>> -> memref<32xi32, #tpu.memory_space<vmem>>
    %dma_start3A_220 = tpu.memref_slice %arg3[%add3A_214] : memref<131072xi32, #tpu.memory_space<hbm>> -> memref<32xi32, #tpu.memory_space<hbm>>
    tpu.enqueue_dma source(%dma_start3A_220 : memref<32xi32, #tpu.memory_space<hbm>>) target(%dma_start3A_219 : memref<32xi32, #tpu.memory_space<vmem>>) target_semaphore(%arg9 : memref<!tpu.dma_semaphore, #tpu.memory_space<semaphore_mem>>)
    %add3A_221 = arith.constant 2944 : i32
    %add3A_222 = arith.addi %add3A_37, %add3A_221 : i32
    %dma_start3A_223 = arith.constant 736 : i32
    %dma_start3A_224 = tpu.memref_slice %arg6[%dma_start3A_223] : memref<3872xi32, #tpu.memory_space<vmem>> -> memref<32xi32, #tpu.memory_space<vmem>>
    %dma_start3A_225 = tpu.memref_slice %arg3[%add3A_222] : memref<131072xi32, #tpu.memory_space<hbm>> -> memref<32xi32, #tpu.memory_space<hbm>>
    %dma_start3A_226 = arith.constant 736 : i32
    %dma_start3A_227 = tpu.memref_slice %arg6[%dma_start3A_226] : memref<3872xi32, #tpu.memory_space<vmem>> -> memref<32xi32, #tpu.memory_space<vmem>>
    %dma_start3A_228 = tpu.memref_slice %arg3[%add3A_222] : memref<131072xi32, #tpu.memory_space<hbm>> -> memref<32xi32, #tpu.memory_space<hbm>>
    tpu.enqueue_dma source(%dma_start3A_228 : memref<32xi32, #tpu.memory_space<hbm>>) target(%dma_start3A_227 : memref<32xi32, #tpu.memory_space<vmem>>) target_semaphore(%arg9 : memref<!tpu.dma_semaphore, #tpu.memory_space<semaphore_mem>>)
    %add3A_229 = arith.constant 3072 : i32
    %add3A_230 = arith.addi %add3A_37, %add3A_229 : i32
    %dma_start3A_231 = arith.constant 768 : i32
    %dma_start3A_232 = tpu.memref_slice %arg6[%dma_start3A_231] : memref<3872xi32, #tpu.memory_space<vmem>> -> memref<32xi32, #tpu.memory_space<vmem>>
    %dma_start3A_233 = tpu.memref_slice %arg3[%add3A_230] : memref<131072xi32, #tpu.memory_space<hbm>> -> memref<32xi32, #tpu.memory_space<hbm>>
    %dma_start3A_234 = arith.constant 768 : i32
    %dma_start3A_235 = tpu.memref_slice %arg6[%dma_start3A_234] : memref<3872xi32, #tpu.memory_space<vmem>> -> memref<32xi32, #tpu.memory_space<vmem>>
    %dma_start3A_236 = tpu.memref_slice %arg3[%add3A_230] : memref<131072xi32, #tpu.memory_space<hbm>> -> memref<32xi32, #tpu.memory_space<hbm>>
    tpu.enqueue_dma source(%dma_start3A_236 : memref<32xi32, #tpu.memory_space<hbm>>) target(%dma_start3A_235 : memref<32xi32, #tpu.memory_space<vmem>>) target_semaphore(%arg9 : memref<!tpu.dma_semaphore, #tpu.memory_space<semaphore_mem>>)
    %add3A_237 = arith.constant 3200 : i32
    %add3A_238 = arith.addi %add3A_37, %add3A_237 : i32
    %dma_start3A_239 = arith.constant 800 : i32
    %dma_start3A_240 = tpu.memref_slice %arg6[%dma_start3A_239] : memref<3872xi32, #tpu.memory_space<vmem>> -> memref<32xi32, #tpu.memory_space<vmem>>
    %dma_start3A_241 = tpu.memref_slice %arg3[%add3A_238] : memref<131072xi32, #tpu.memory_space<hbm>> -> memref<32xi32, #tpu.memory_space<hbm>>
    %dma_start3A_242 = arith.constant 800 : i32
    %dma_start3A_243 = tpu.memref_slice %arg6[%dma_start3A_242] : memref<3872xi32, #tpu.memory_space<vmem>> -> memref<32xi32, #tpu.memory_space<vmem>>
    %dma_start3A_244 = tpu.memref_slice %arg3[%add3A_238] : memref<131072xi32, #tpu.memory_space<hbm>> -> memref<32xi32, #tpu.memory_space<hbm>>
    tpu.enqueue_dma source(%dma_start3A_244 : memref<32xi32, #tpu.memory_space<hbm>>) target(%dma_start3A_243 : memref<32xi32, #tpu.memory_space<vmem>>) target_semaphore(%arg9 : memref<!tpu.dma_semaphore, #tpu.memory_space<semaphore_mem>>)
    %add3A_245 = arith.constant 3328 : i32
    %add3A_246 = arith.addi %add3A_37, %add3A_245 : i32
    %dma_start3A_247 = arith.constant 832 : i32
    %dma_start3A_248 = tpu.memref_slice %arg6[%dma_start3A_247] : memref<3872xi32, #tpu.memory_space<vmem>> -> memref<32xi32, #tpu.memory_space<vmem>>
    %dma_start3A_249 = tpu.memref_slice %arg3[%add3A_246] : memref<131072xi32, #tpu.memory_space<hbm>> -> memref<32xi32, #tpu.memory_space<hbm>>
    %dma_start3A_250 = arith.constant 832 : i32
    %dma_start3A_251 = tpu.memref_slice %arg6[%dma_start3A_250] : memref<3872xi32, #tpu.memory_space<vmem>> -> memref<32xi32, #tpu.memory_space<vmem>>
    %dma_start3A_252 = tpu.memref_slice %arg3[%add3A_246] : memref<131072xi32, #tpu.memory_space<hbm>> -> memref<32xi32, #tpu.memory_space<hbm>>
    tpu.enqueue_dma source(%dma_start3A_252 : memref<32xi32, #tpu.memory_space<hbm>>) target(%dma_start3A_251 : memref<32xi32, #tpu.memory_space<vmem>>) target_semaphore(%arg9 : memref<!tpu.dma_semaphore, #tpu.memory_space<semaphore_mem>>)
    %add3A_253 = arith.constant 3456 : i32
    %add3A_254 = arith.addi %add3A_37, %add3A_253 : i32
    %dma_start3A_255 = arith.constant 864 : i32
    %dma_start3A_256 = tpu.memref_slice %arg6[%dma_start3A_255] : memref<3872xi32, #tpu.memory_space<vmem>> -> memref<32xi32, #tpu.memory_space<vmem>>
    %dma_start3A_257 = tpu.memref_slice %arg3[%add3A_254] : memref<131072xi32, #tpu.memory_space<hbm>> -> memref<32xi32, #tpu.memory_space<hbm>>
    %dma_start3A_258 = arith.constant 864 : i32
    %dma_start3A_259 = tpu.memref_slice %arg6[%dma_start3A_258] : memref<3872xi32, #tpu.memory_space<vmem>> -> memref<32xi32, #tpu.memory_space<vmem>>
    %dma_start3A_260 = tpu.memref_slice %arg3[%add3A_254] : memref<131072xi32, #tpu.memory_space<hbm>> -> memref<32xi32, #tpu.memory_space<hbm>>
    tpu.enqueue_dma source(%dma_start3A_260 : memref<32xi32, #tpu.memory_space<hbm>>) target(%dma_start3A_259 : memref<32xi32, #tpu.memory_space<vmem>>) target_semaphore(%arg9 : memref<!tpu.dma_semaphore, #tpu.memory_space<semaphore_mem>>)
    %add3A_261 = arith.constant 3584 : i32
    %add3A_262 = arith.addi %add3A_37, %add3A_261 : i32
    %dma_start3A_263 = arith.constant 896 : i32
    %dma_start3A_264 = tpu.memref_slice %arg6[%dma_start3A_263] : memref<3872xi32, #tpu.memory_space<vmem>> -> memref<32xi32, #tpu.memory_space<vmem>>
    %dma_start3A_265 = tpu.memref_slice %arg3[%add3A_262] : memref<131072xi32, #tpu.memory_space<hbm>> -> memref<32xi32, #tpu.memory_space<hbm>>
    %dma_start3A_266 = arith.constant 896 : i32
    %dma_start3A_267 = tpu.memref_slice %arg6[%dma_start3A_266] : memref<3872xi32, #tpu.memory_space<vmem>> -> memref<32xi32, #tpu.memory_space<vmem>>
    %dma_start3A_268 = tpu.memref_slice %arg3[%add3A_262] : memref<131072xi32, #tpu.memory_space<hbm>> -> memref<32xi32, #tpu.memory_space<hbm>>
    tpu.enqueue_dma source(%dma_start3A_268 : memref<32xi32, #tpu.memory_space<hbm>>) target(%dma_start3A_267 : memref<32xi32, #tpu.memory_space<vmem>>) target_semaphore(%arg9 : memref<!tpu.dma_semaphore, #tpu.memory_space<semaphore_mem>>)
    %add3A_269 = arith.constant 3712 : i32
    %add3A_270 = arith.addi %add3A_37, %add3A_269 : i32
    %dma_start3A_271 = arith.constant 928 : i32
    %dma_start3A_272 = tpu.memref_slice %arg6[%dma_start3A_271] : memref<3872xi32, #tpu.memory_space<vmem>> -> memref<32xi32, #tpu.memory_space<vmem>>
    %dma_start3A_273 = tpu.memref_slice %arg3[%add3A_270] : memref<131072xi32, #tpu.memory_space<hbm>> -> memref<32xi32, #tpu.memory_space<hbm>>
    %dma_start3A_274 = arith.constant 928 : i32
    %dma_start3A_275 = tpu.memref_slice %arg6[%dma_start3A_274] : memref<3872xi32, #tpu.memory_space<vmem>> -> memref<32xi32, #tpu.memory_space<vmem>>
    %dma_start3A_276 = tpu.memref_slice %arg3[%add3A_270] : memref<131072xi32, #tpu.memory_space<hbm>> -> memref<32xi32, #tpu.memory_space<hbm>>
    tpu.enqueue_dma source(%dma_start3A_276 : memref<32xi32, #tpu.memory_space<hbm>>) target(%dma_start3A_275 : memref<32xi32, #tpu.memory_space<vmem>>) target_semaphore(%arg9 : memref<!tpu.dma_semaphore, #tpu.memory_space<semaphore_mem>>)
    %add3A_277 = arith.constant 3840 : i32
    %add3A_278 = arith.addi %add3A_37, %add3A_277 : i32
    %dma_start3A_279 = arith.constant 960 : i32
    %dma_start3A_280 = tpu.memref_slice %arg6[%dma_start3A_279] : memref<3872xi32, #tpu.memory_space<vmem>> -> memref<32xi32, #tpu.memory_space<vmem>>
    %dma_start3A_281 = tpu.memref_slice %arg3[%add3A_278] : memref<131072xi32, #tpu.memory_space<hbm>> -> memref<32xi32, #tpu.memory_space<hbm>>
    %dma_start3A_282 = arith.constant 960 : i32
    %dma_start3A_283 = tpu.memref_slice %arg6[%dma_start3A_282] : memref<3872xi32, #tpu.memory_space<vmem>> -> memref<32xi32, #tpu.memory_space<vmem>>
    %dma_start3A_284 = tpu.memref_slice %arg3[%add3A_278] : memref<131072xi32, #tpu.memory_space<hbm>> -> memref<32xi32, #tpu.memory_space<hbm>>
    tpu.enqueue_dma source(%dma_start3A_284 : memref<32xi32, #tpu.memory_space<hbm>>) target(%dma_start3A_283 : memref<32xi32, #tpu.memory_space<vmem>>) target_semaphore(%arg9 : memref<!tpu.dma_semaphore, #tpu.memory_space<semaphore_mem>>)
    %add3A_285 = arith.constant 3968 : i32
    %add3A_286 = arith.addi %add3A_37, %add3A_285 : i32
    %dma_start3A_287 = arith.constant 992 : i32
    %dma_start3A_288 = tpu.memref_slice %arg6[%dma_start3A_287] : memref<3872xi32, #tpu.memory_space<vmem>> -> memref<32xi32, #tpu.memory_space<vmem>>
    %dma_start3A_289 = tpu.memref_slice %arg3[%add3A_286] : memref<131072xi32, #tpu.memory_space<hbm>> -> memref<32xi32, #tpu.memory_space<hbm>>
    %dma_start3A_290 = arith.constant 992 : i32
    %dma_start3A_291 = tpu.memref_slice %arg6[%dma_start3A_290] : memref<3872xi32, #tpu.memory_space<vmem>> -> memref<32xi32, #tpu.memory_space<vmem>>
    %dma_start3A_292 = tpu.memref_slice %arg3[%add3A_286] : memref<131072xi32, #tpu.memory_space<hbm>> -> memref<32xi32, #tpu.memory_space<hbm>>
    tpu.enqueue_dma source(%dma_start3A_292 : memref<32xi32, #tpu.memory_space<hbm>>) target(%dma_start3A_291 : memref<32xi32, #tpu.memory_space<vmem>>) target_semaphore(%arg9 : memref<!tpu.dma_semaphore, #tpu.memory_space<semaphore_mem>>)
    %add3A_293 = arith.constant 4096 : i32
    %add3A_294 = arith.addi %add3A_37, %add3A_293 : i32
    %dma_start3A_295 = arith.constant 1024 : i32
    %dma_start3A_296 = tpu.memref_slice %arg6[%dma_start3A_295] : memref<3872xi32, #tpu.memory_space<vmem>> -> memref<32xi32, #tpu.memory_space<vmem>>
    %dma_start3A_297 = tpu.memref_slice %arg3[%add3A_294] : memref<131072xi32, #tpu.memory_space<hbm>> -> memref<32xi32, #tpu.memory_space<hbm>>
    %dma_start3A_298 = arith.constant 1024 : i32
    %dma_start3A_299 = tpu.memref_slice %arg6[%dma_start3A_298] : memref<3872xi32, #tpu.memory_space<vmem>> -> memref<32xi32, #tpu.memory_space<vmem>>
    %dma_start3A_300 = tpu.memref_slice %arg3[%add3A_294] : memref<131072xi32, #tpu.memory_space<hbm>> -> memref<32xi32, #tpu.memory_space<hbm>>
    tpu.enqueue_dma source(%dma_start3A_300 : memref<32xi32, #tpu.memory_space<hbm>>) target(%dma_start3A_299 : memref<32xi32, #tpu.memory_space<vmem>>) target_semaphore(%arg9 : memref<!tpu.dma_semaphore, #tpu.memory_space<semaphore_mem>>)
    %add3A_301 = arith.constant 4224 : i32
    %add3A_302 = arith.addi %add3A_37, %add3A_301 : i32
    %dma_start3A_303 = arith.constant 1056 : i32
    %dma_start3A_304 = tpu.memref_slice %arg6[%dma_start3A_303] : memref<3872xi32, #tpu.memory_space<vmem>> -> memref<32xi32, #tpu.memory_space<vmem>>
    %dma_start3A_305 = tpu.memref_slice %arg3[%add3A_302] : memref<131072xi32, #tpu.memory_space<hbm>> -> memref<32xi32, #tpu.memory_space<hbm>>
    %dma_start3A_306 = arith.constant 1056 : i32
    %dma_start3A_307 = tpu.memref_slice %arg6[%dma_start3A_306] : memref<3872xi32, #tpu.memory_space<vmem>> -> memref<32xi32, #tpu.memory_space<vmem>>
    %dma_start3A_308 = tpu.memref_slice %arg3[%add3A_302] : memref<131072xi32, #tpu.memory_space<hbm>> -> memref<32xi32, #tpu.memory_space<hbm>>
    tpu.enqueue_dma source(%dma_start3A_308 : memref<32xi32, #tpu.memory_space<hbm>>) target(%dma_start3A_307 : memref<32xi32, #tpu.memory_space<vmem>>) target_semaphore(%arg9 : memref<!tpu.dma_semaphore, #tpu.memory_space<semaphore_mem>>)
    %add3A_309 = arith.constant 4352 : i32
    %add3A_310 = arith.addi %add3A_37, %add3A_309 : i32
    %dma_start3A_311 = arith.constant 1088 : i32
    %dma_start3A_312 = tpu.memref_slice %arg6[%dma_start3A_311] : memref<3872xi32, #tpu.memory_space<vmem>> -> memref<32xi32, #tpu.memory_space<vmem>>
    %dma_start3A_313 = tpu.memref_slice %arg3[%add3A_310] : memref<131072xi32, #tpu.memory_space<hbm>> -> memref<32xi32, #tpu.memory_space<hbm>>
    %dma_start3A_314 = arith.constant 1088 : i32
    %dma_start3A_315 = tpu.memref_slice %arg6[%dma_start3A_314] : memref<3872xi32, #tpu.memory_space<vmem>> -> memref<32xi32, #tpu.memory_space<vmem>>
    %dma_start3A_316 = tpu.memref_slice %arg3[%add3A_310] : memref<131072xi32, #tpu.memory_space<hbm>> -> memref<32xi32, #tpu.memory_space<hbm>>
    tpu.enqueue_dma source(%dma_start3A_316 : memref<32xi32, #tpu.memory_space<hbm>>) target(%dma_start3A_315 : memref<32xi32, #tpu.memory_space<vmem>>) target_semaphore(%arg9 : memref<!tpu.dma_semaphore, #tpu.memory_space<semaphore_mem>>)
    %add3A_317 = arith.constant 4480 : i32
    %add3A_318 = arith.addi %add3A_37, %add3A_317 : i32
    %dma_start3A_319 = arith.constant 1120 : i32
    %dma_start3A_320 = tpu.memref_slice %arg6[%dma_start3A_319] : memref<3872xi32, #tpu.memory_space<vmem>> -> memref<32xi32, #tpu.memory_space<vmem>>
    %dma_start3A_321 = tpu.memref_slice %arg3[%add3A_318] : memref<131072xi32, #tpu.memory_space<hbm>> -> memref<32xi32, #tpu.memory_space<hbm>>
    %dma_start3A_322 = arith.constant 1120 : i32
    %dma_start3A_323 = tpu.memref_slice %arg6[%dma_start3A_322] : memref<3872xi32, #tpu.memory_space<vmem>> -> memref<32xi32, #tpu.memory_space<vmem>>
    %dma_start3A_324 = tpu.memref_slice %arg3[%add3A_318] : memref<131072xi32, #tpu.memory_space<hbm>> -> memref<32xi32, #tpu.memory_space<hbm>>
    tpu.enqueue_dma source(%dma_start3A_324 : memref<32xi32, #tpu.memory_space<hbm>>) target(%dma_start3A_323 : memref<32xi32, #tpu.memory_space<vmem>>) target_semaphore(%arg9 : memref<!tpu.dma_semaphore, #tpu.memory_space<semaphore_mem>>)
    %add3A_325 = arith.constant 4608 : i32
    %add3A_326 = arith.addi %add3A_37, %add3A_325 : i32
    %dma_start3A_327 = arith.constant 1152 : i32
    %dma_start3A_328 = tpu.memref_slice %arg6[%dma_start3A_327] : memref<3872xi32, #tpu.memory_space<vmem>> -> memref<32xi32, #tpu.memory_space<vmem>>
    %dma_start3A_329 = tpu.memref_slice %arg3[%add3A_326] : memref<131072xi32, #tpu.memory_space<hbm>> -> memref<32xi32, #tpu.memory_space<hbm>>
    %dma_start3A_330 = arith.constant 1152 : i32
    %dma_start3A_331 = tpu.memref_slice %arg6[%dma_start3A_330] : memref<3872xi32, #tpu.memory_space<vmem>> -> memref<32xi32, #tpu.memory_space<vmem>>
    %dma_start3A_332 = tpu.memref_slice %arg3[%add3A_326] : memref<131072xi32, #tpu.memory_space<hbm>> -> memref<32xi32, #tpu.memory_space<hbm>>
    tpu.enqueue_dma source(%dma_start3A_332 : memref<32xi32, #tpu.memory_space<hbm>>) target(%dma_start3A_331 : memref<32xi32, #tpu.memory_space<vmem>>) target_semaphore(%arg9 : memref<!tpu.dma_semaphore, #tpu.memory_space<semaphore_mem>>)
    %add3A_333 = arith.constant 4736 : i32
    %add3A_334 = arith.addi %add3A_37, %add3A_333 : i32
    %dma_start3A_335 = arith.constant 1184 : i32
    %dma_start3A_336 = tpu.memref_slice %arg6[%dma_start3A_335] : memref<3872xi32, #tpu.memory_space<vmem>> -> memref<32xi32, #tpu.memory_space<vmem>>
    %dma_start3A_337 = tpu.memref_slice %arg3[%add3A_334] : memref<131072xi32, #tpu.memory_space<hbm>> -> memref<32xi32, #tpu.memory_space<hbm>>
    %dma_start3A_338 = arith.constant 1184 : i32
    %dma_start3A_339 = tpu.memref_slice %arg6[%dma_start3A_338] : memref<3872xi32, #tpu.memory_space<vmem>> -> memref<32xi32, #tpu.memory_space<vmem>>
    %dma_start3A_340 = tpu.memref_slice %arg3[%add3A_334] : memref<131072xi32, #tpu.memory_space<hbm>> -> memref<32xi32, #tpu.memory_space<hbm>>
    tpu.enqueue_dma source(%dma_start3A_340 : memref<32xi32, #tpu.memory_space<hbm>>) target(%dma_start3A_339 : memref<32xi32, #tpu.memory_space<vmem>>) target_semaphore(%arg9 : memref<!tpu.dma_semaphore, #tpu.memory_space<semaphore_mem>>)
    %add3A_341 = arith.constant 4864 : i32
    %add3A_342 = arith.addi %add3A_37, %add3A_341 : i32
    %dma_start3A_343 = arith.constant 1216 : i32
    %dma_start3A_344 = tpu.memref_slice %arg6[%dma_start3A_343] : memref<3872xi32, #tpu.memory_space<vmem>> -> memref<32xi32, #tpu.memory_space<vmem>>
    %dma_start3A_345 = tpu.memref_slice %arg3[%add3A_342] : memref<131072xi32, #tpu.memory_space<hbm>> -> memref<32xi32, #tpu.memory_space<hbm>>
    %dma_start3A_346 = arith.constant 1216 : i32
    %dma_start3A_347 = tpu.memref_slice %arg6[%dma_start3A_346] : memref<3872xi32, #tpu.memory_space<vmem>> -> memref<32xi32, #tpu.memory_space<vmem>>
    %dma_start3A_348 = tpu.memref_slice %arg3[%add3A_342] : memref<131072xi32, #tpu.memory_space<hbm>> -> memref<32xi32, #tpu.memory_space<hbm>>
    tpu.enqueue_dma source(%dma_start3A_348 : memref<32xi32, #tpu.memory_space<hbm>>) target(%dma_start3A_347 : memref<32xi32, #tpu.memory_space<vmem>>) target_semaphore(%arg9 : memref<!tpu.dma_semaphore, #tpu.memory_space<semaphore_mem>>)
    %add3A_349 = arith.constant 4992 : i32
    %add3A_350 = arith.addi %add3A_37, %add3A_349 : i32
    %dma_start3A_351 = arith.constant 1248 : i32
    %dma_start3A_352 = tpu.memref_slice %arg6[%dma_start3A_351] : memref<3872xi32, #tpu.memory_space<vmem>> -> memref<32xi32, #tpu.memory_space<vmem>>
    %dma_start3A_353 = tpu.memref_slice %arg3[%add3A_350] : memref<131072xi32, #tpu.memory_space<hbm>> -> memref<32xi32, #tpu.memory_space<hbm>>
    %dma_start3A_354 = arith.constant 1248 : i32
    %dma_start3A_355 = tpu.memref_slice %arg6[%dma_start3A_354] : memref<3872xi32, #tpu.memory_space<vmem>> -> memref<32xi32, #tpu.memory_space<vmem>>
    %dma_start3A_356 = tpu.memref_slice %arg3[%add3A_350] : memref<131072xi32, #tpu.memory_space<hbm>> -> memref<32xi32, #tpu.memory_space<hbm>>
    tpu.enqueue_dma source(%dma_start3A_356 : memref<32xi32, #tpu.memory_space<hbm>>) target(%dma_start3A_355 : memref<32xi32, #tpu.memory_space<vmem>>) target_semaphore(%arg9 : memref<!tpu.dma_semaphore, #tpu.memory_space<semaphore_mem>>)
    %add3A_357 = arith.constant 5120 : i32
    %add3A_358 = arith.addi %add3A_37, %add3A_357 : i32
    %dma_start3A_359 = arith.constant 1280 : i32
    %dma_start3A_360 = tpu.memref_slice %arg6[%dma_start3A_359] : memref<3872xi32, #tpu.memory_space<vmem>> -> memref<32xi32, #tpu.memory_space<vmem>>
    %dma_start3A_361 = tpu.memref_slice %arg3[%add3A_358] : memref<131072xi32, #tpu.memory_space<hbm>> -> memref<32xi32, #tpu.memory_space<hbm>>
    %dma_start3A_362 = arith.constant 1280 : i32
    %dma_start3A_363 = tpu.memref_slice %arg6[%dma_start3A_362] : memref<3872xi32, #tpu.memory_space<vmem>> -> memref<32xi32, #tpu.memory_space<vmem>>
    %dma_start3A_364 = tpu.memref_slice %arg3[%add3A_358] : memref<131072xi32, #tpu.memory_space<hbm>> -> memref<32xi32, #tpu.memory_space<hbm>>
    tpu.enqueue_dma source(%dma_start3A_364 : memref<32xi32, #tpu.memory_space<hbm>>) target(%dma_start3A_363 : memref<32xi32, #tpu.memory_space<vmem>>) target_semaphore(%arg9 : memref<!tpu.dma_semaphore, #tpu.memory_space<semaphore_mem>>)
    %add3A_365 = arith.constant 5248 : i32
    %add3A_366 = arith.addi %add3A_37, %add3A_365 : i32
    %dma_start3A_367 = arith.constant 1312 : i32
    %dma_start3A_368 = tpu.memref_slice %arg6[%dma_start3A_367] : memref<3872xi32, #tpu.memory_space<vmem>> -> memref<32xi32, #tpu.memory_space<vmem>>
    %dma_start3A_369 = tpu.memref_slice %arg3[%add3A_366] : memref<131072xi32, #tpu.memory_space<hbm>> -> memref<32xi32, #tpu.memory_space<hbm>>
    %dma_start3A_370 = arith.constant 1312 : i32
    %dma_start3A_371 = tpu.memref_slice %arg6[%dma_start3A_370] : memref<3872xi32, #tpu.memory_space<vmem>> -> memref<32xi32, #tpu.memory_space<vmem>>
    %dma_start3A_372 = tpu.memref_slice %arg3[%add3A_366] : memref<131072xi32, #tpu.memory_space<hbm>> -> memref<32xi32, #tpu.memory_space<hbm>>
    tpu.enqueue_dma source(%dma_start3A_372 : memref<32xi32, #tpu.memory_space<hbm>>) target(%dma_start3A_371 : memref<32xi32, #tpu.memory_space<vmem>>) target_semaphore(%arg9 : memref<!tpu.dma_semaphore, #tpu.memory_space<semaphore_mem>>)
    %add3A_373 = arith.constant 5376 : i32
    %add3A_374 = arith.addi %add3A_37, %add3A_373 : i32
    %dma_start3A_375 = arith.constant 1344 : i32
    %dma_start3A_376 = tpu.memref_slice %arg6[%dma_start3A_375] : memref<3872xi32, #tpu.memory_space<vmem>> -> memref<32xi32, #tpu.memory_space<vmem>>
    %dma_start3A_377 = tpu.memref_slice %arg3[%add3A_374] : memref<131072xi32, #tpu.memory_space<hbm>> -> memref<32xi32, #tpu.memory_space<hbm>>
    %dma_start3A_378 = arith.constant 1344 : i32
    %dma_start3A_379 = tpu.memref_slice %arg6[%dma_start3A_378] : memref<3872xi32, #tpu.memory_space<vmem>> -> memref<32xi32, #tpu.memory_space<vmem>>
    %dma_start3A_380 = tpu.memref_slice %arg3[%add3A_374] : memref<131072xi32, #tpu.memory_space<hbm>> -> memref<32xi32, #tpu.memory_space<hbm>>
    tpu.enqueue_dma source(%dma_start3A_380 : memref<32xi32, #tpu.memory_space<hbm>>) target(%dma_start3A_379 : memref<32xi32, #tpu.memory_space<vmem>>) target_semaphore(%arg9 : memref<!tpu.dma_semaphore, #tpu.memory_space<semaphore_mem>>)
    %add3A_381 = arith.constant 5504 : i32
    %add3A_382 = arith.addi %add3A_37, %add3A_381 : i32
    %dma_start3A_383 = arith.constant 1376 : i32
    %dma_start3A_384 = tpu.memref_slice %arg6[%dma_start3A_383] : memref<3872xi32, #tpu.memory_space<vmem>> -> memref<32xi32, #tpu.memory_space<vmem>>
    %dma_start3A_385 = tpu.memref_slice %arg3[%add3A_382] : memref<131072xi32, #tpu.memory_space<hbm>> -> memref<32xi32, #tpu.memory_space<hbm>>
    %dma_start3A_386 = arith.constant 1376 : i32
    %dma_start3A_387 = tpu.memref_slice %arg6[%dma_start3A_386] : memref<3872xi32, #tpu.memory_space<vmem>> -> memref<32xi32, #tpu.memory_space<vmem>>
    %dma_start3A_388 = tpu.memref_slice %arg3[%add3A_382] : memref<131072xi32, #tpu.memory_space<hbm>> -> memref<32xi32, #tpu.memory_space<hbm>>
    tpu.enqueue_dma source(%dma_start3A_388 : memref<32xi32, #tpu.memory_space<hbm>>) target(%dma_start3A_387 : memref<32xi32, #tpu.memory_space<vmem>>) target_semaphore(%arg9 : memref<!tpu.dma_semaphore, #tpu.memory_space<semaphore_mem>>)
    %add3A_389 = arith.constant 5632 : i32
    %add3A_390 = arith.addi %add3A_37, %add3A_389 : i32
    %dma_start3A_391 = arith.constant 1408 : i32
    %dma_start3A_392 = tpu.memref_slice %arg6[%dma_start3A_391] : memref<3872xi32, #tpu.memory_space<vmem>> -> memref<32xi32, #tpu.memory_space<vmem>>
    %dma_start3A_393 = tpu.memref_slice %arg3[%add3A_390] : memref<131072xi32, #tpu.memory_space<hbm>> -> memref<32xi32, #tpu.memory_space<hbm>>
    %dma_start3A_394 = arith.constant 1408 : i32
    %dma_start3A_395 = tpu.memref_slice %arg6[%dma_start3A_394] : memref<3872xi32, #tpu.memory_space<vmem>> -> memref<32xi32, #tpu.memory_space<vmem>>
    %dma_start3A_396 = tpu.memref_slice %arg3[%add3A_390] : memref<131072xi32, #tpu.memory_space<hbm>> -> memref<32xi32, #tpu.memory_space<hbm>>
    tpu.enqueue_dma source(%dma_start3A_396 : memref<32xi32, #tpu.memory_space<hbm>>) target(%dma_start3A_395 : memref<32xi32, #tpu.memory_space<vmem>>) target_semaphore(%arg9 : memref<!tpu.dma_semaphore, #tpu.memory_space<semaphore_mem>>)
    %add3A_397 = arith.constant 5760 : i32
    %add3A_398 = arith.addi %add3A_37, %add3A_397 : i32
    %dma_start3A_399 = arith.constant 1440 : i32
    %dma_start3A_400 = tpu.memref_slice %arg6[%dma_start3A_399] : memref<3872xi32, #tpu.memory_space<vmem>> -> memref<32xi32, #tpu.memory_space<vmem>>
    %dma_start3A_401 = tpu.memref_slice %arg3[%add3A_398] : memref<131072xi32, #tpu.memory_space<hbm>> -> memref<32xi32, #tpu.memory_space<hbm>>
    %dma_start3A_402 = arith.constant 1440 : i32
    %dma_start3A_403 = tpu.memref_slice %arg6[%dma_start3A_402] : memref<3872xi32, #tpu.memory_space<vmem>> -> memref<32xi32, #tpu.memory_space<vmem>>
    %dma_start3A_404 = tpu.memref_slice %arg3[%add3A_398] : memref<131072xi32, #tpu.memory_space<hbm>> -> memref<32xi32, #tpu.memory_space<hbm>>
    tpu.enqueue_dma source(%dma_start3A_404 : memref<32xi32, #tpu.memory_space<hbm>>) target(%dma_start3A_403 : memref<32xi32, #tpu.memory_space<vmem>>) target_semaphore(%arg9 : memref<!tpu.dma_semaphore, #tpu.memory_space<semaphore_mem>>)
    %add3A_405 = arith.constant 5888 : i32
    %add3A_406 = arith.addi %add3A_37, %add3A_405 : i32
    %dma_start3A_407 = arith.constant 1472 : i32
    %dma_start3A_408 = tpu.memref_slice %arg6[%dma_start3A_407] : memref<3872xi32, #tpu.memory_space<vmem>> -> memref<32xi32, #tpu.memory_space<vmem>>
    %dma_start3A_409 = tpu.memref_slice %arg3[%add3A_406] : memref<131072xi32, #tpu.memory_space<hbm>> -> memref<32xi32, #tpu.memory_space<hbm>>
    %dma_start3A_410 = arith.constant 1472 : i32
    %dma_start3A_411 = tpu.memref_slice %arg6[%dma_start3A_410] : memref<3872xi32, #tpu.memory_space<vmem>> -> memref<32xi32, #tpu.memory_space<vmem>>
    %dma_start3A_412 = tpu.memref_slice %arg3[%add3A_406] : memref<131072xi32, #tpu.memory_space<hbm>> -> memref<32xi32, #tpu.memory_space<hbm>>
    tpu.enqueue_dma source(%dma_start3A_412 : memref<32xi32, #tpu.memory_space<hbm>>) target(%dma_start3A_411 : memref<32xi32, #tpu.memory_space<vmem>>) target_semaphore(%arg9 : memref<!tpu.dma_semaphore, #tpu.memory_space<semaphore_mem>>)
    %add3A_413 = arith.constant 6016 : i32
    %add3A_414 = arith.addi %add3A_37, %add3A_413 : i32
    %dma_start3A_415 = arith.constant 1504 : i32
    %dma_start3A_416 = tpu.memref_slice %arg6[%dma_start3A_415] : memref<3872xi32, #tpu.memory_space<vmem>> -> memref<32xi32, #tpu.memory_space<vmem>>
    %dma_start3A_417 = tpu.memref_slice %arg3[%add3A_414] : memref<131072xi32, #tpu.memory_space<hbm>> -> memref<32xi32, #tpu.memory_space<hbm>>
    %dma_start3A_418 = arith.constant 1504 : i32
    %dma_start3A_419 = tpu.memref_slice %arg6[%dma_start3A_418] : memref<3872xi32, #tpu.memory_space<vmem>> -> memref<32xi32, #tpu.memory_space<vmem>>
    %dma_start3A_420 = tpu.memref_slice %arg3[%add3A_414] : memref<131072xi32, #tpu.memory_space<hbm>> -> memref<32xi32, #tpu.memory_space<hbm>>
    tpu.enqueue_dma source(%dma_start3A_420 : memref<32xi32, #tpu.memory_space<hbm>>) target(%dma_start3A_419 : memref<32xi32, #tpu.memory_space<vmem>>) target_semaphore(%arg9 : memref<!tpu.dma_semaphore, #tpu.memory_space<semaphore_mem>>)
    %add3A_421 = arith.constant 6144 : i32
    %add3A_422 = arith.addi %add3A_37, %add3A_421 : i32
    %dma_start3A_423 = arith.constant 1536 : i32
    %dma_start3A_424 = tpu.memref_slice %arg6[%dma_start3A_423] : memref<3872xi32, #tpu.memory_space<vmem>> -> memref<32xi32, #tpu.memory_space<vmem>>
    %dma_start3A_425 = tpu.memref_slice %arg3[%add3A_422] : memref<131072xi32, #tpu.memory_space<hbm>> -> memref<32xi32, #tpu.memory_space<hbm>>
    %dma_start3A_426 = arith.constant 1536 : i32
    %dma_start3A_427 = tpu.memref_slice %arg6[%dma_start3A_426] : memref<3872xi32, #tpu.memory_space<vmem>> -> memref<32xi32, #tpu.memory_space<vmem>>
    %dma_start3A_428 = tpu.memref_slice %arg3[%add3A_422] : memref<131072xi32, #tpu.memory_space<hbm>> -> memref<32xi32, #tpu.memory_space<hbm>>
    tpu.enqueue_dma source(%dma_start3A_428 : memref<32xi32, #tpu.memory_space<hbm>>) target(%dma_start3A_427 : memref<32xi32, #tpu.memory_space<vmem>>) target_semaphore(%arg9 : memref<!tpu.dma_semaphore, #tpu.memory_space<semaphore_mem>>)
    %add3A_429 = arith.constant 6272 : i32
    %add3A_430 = arith.addi %add3A_37, %add3A_429 : i32
    %dma_start3A_431 = arith.constant 1568 : i32
    %dma_start3A_432 = tpu.memref_slice %arg6[%dma_start3A_431] : memref<3872xi32, #tpu.memory_space<vmem>> -> memref<32xi32, #tpu.memory_space<vmem>>
    %dma_start3A_433 = tpu.memref_slice %arg3[%add3A_430] : memref<131072xi32, #tpu.memory_space<hbm>> -> memref<32xi32, #tpu.memory_space<hbm>>
    %dma_start3A_434 = arith.constant 1568 : i32
    %dma_start3A_435 = tpu.memref_slice %arg6[%dma_start3A_434] : memref<3872xi32, #tpu.memory_space<vmem>> -> memref<32xi32, #tpu.memory_space<vmem>>
    %dma_start3A_436 = tpu.memref_slice %arg3[%add3A_430] : memref<131072xi32, #tpu.memory_space<hbm>> -> memref<32xi32, #tpu.memory_space<hbm>>
    tpu.enqueue_dma source(%dma_start3A_436 : memref<32xi32, #tpu.memory_space<hbm>>) target(%dma_start3A_435 : memref<32xi32, #tpu.memory_space<vmem>>) target_semaphore(%arg9 : memref<!tpu.dma_semaphore, #tpu.memory_space<semaphore_mem>>)
    %add3A_437 = arith.constant 6400 : i32
    %add3A_438 = arith.addi %add3A_37, %add3A_437 : i32
    %dma_start3A_439 = arith.constant 1600 : i32
    %dma_start3A_440 = tpu.memref_slice %arg6[%dma_start3A_439] : memref<3872xi32, #tpu.memory_space<vmem>> -> memref<32xi32, #tpu.memory_space<vmem>>
    %dma_start3A_441 = tpu.memref_slice %arg3[%add3A_438] : memref<131072xi32, #tpu.memory_space<hbm>> -> memref<32xi32, #tpu.memory_space<hbm>>
    %dma_start3A_442 = arith.constant 1600 : i32
    %dma_start3A_443 = tpu.memref_slice %arg6[%dma_start3A_442] : memref<3872xi32, #tpu.memory_space<vmem>> -> memref<32xi32, #tpu.memory_space<vmem>>
    %dma_start3A_444 = tpu.memref_slice %arg3[%add3A_438] : memref<131072xi32, #tpu.memory_space<hbm>> -> memref<32xi32, #tpu.memory_space<hbm>>
    tpu.enqueue_dma source(%dma_start3A_444 : memref<32xi32, #tpu.memory_space<hbm>>) target(%dma_start3A_443 : memref<32xi32, #tpu.memory_space<vmem>>) target_semaphore(%arg9 : memref<!tpu.dma_semaphore, #tpu.memory_space<semaphore_mem>>)
    %add3A_445 = arith.constant 6528 : i32
    %add3A_446 = arith.addi %add3A_37, %add3A_445 : i32
    %dma_start3A_447 = arith.constant 1632 : i32
    %dma_start3A_448 = tpu.memref_slice %arg6[%dma_start3A_447] : memref<3872xi32, #tpu.memory_space<vmem>> -> memref<32xi32, #tpu.memory_space<vmem>>
    %dma_start3A_449 = tpu.memref_slice %arg3[%add3A_446] : memref<131072xi32, #tpu.memory_space<hbm>> -> memref<32xi32, #tpu.memory_space<hbm>>
    %dma_start3A_450 = arith.constant 1632 : i32
    %dma_start3A_451 = tpu.memref_slice %arg6[%dma_start3A_450] : memref<3872xi32, #tpu.memory_space<vmem>> -> memref<32xi32, #tpu.memory_space<vmem>>
    %dma_start3A_452 = tpu.memref_slice %arg3[%add3A_446] : memref<131072xi32, #tpu.memory_space<hbm>> -> memref<32xi32, #tpu.memory_space<hbm>>
    tpu.enqueue_dma source(%dma_start3A_452 : memref<32xi32, #tpu.memory_space<hbm>>) target(%dma_start3A_451 : memref<32xi32, #tpu.memory_space<vmem>>) target_semaphore(%arg9 : memref<!tpu.dma_semaphore, #tpu.memory_space<semaphore_mem>>)
    %add3A_453 = arith.constant 6656 : i32
    %add3A_454 = arith.addi %add3A_37, %add3A_453 : i32
    %dma_start3A_455 = arith.constant 1664 : i32
    %dma_start3A_456 = tpu.memref_slice %arg6[%dma_start3A_455] : memref<3872xi32, #tpu.memory_space<vmem>> -> memref<32xi32, #tpu.memory_space<vmem>>
    %dma_start3A_457 = tpu.memref_slice %arg3[%add3A_454] : memref<131072xi32, #tpu.memory_space<hbm>> -> memref<32xi32, #tpu.memory_space<hbm>>
    %dma_start3A_458 = arith.constant 1664 : i32
    %dma_start3A_459 = tpu.memref_slice %arg6[%dma_start3A_458] : memref<3872xi32, #tpu.memory_space<vmem>> -> memref<32xi32, #tpu.memory_space<vmem>>
    %dma_start3A_460 = tpu.memref_slice %arg3[%add3A_454] : memref<131072xi32, #tpu.memory_space<hbm>> -> memref<32xi32, #tpu.memory_space<hbm>>
    tpu.enqueue_dma source(%dma_start3A_460 : memref<32xi32, #tpu.memory_space<hbm>>) target(%dma_start3A_459 : memref<32xi32, #tpu.memory_space<vmem>>) target_semaphore(%arg9 : memref<!tpu.dma_semaphore, #tpu.memory_space<semaphore_mem>>)
    %add3A_461 = arith.constant 6784 : i32
    %add3A_462 = arith.addi %add3A_37, %add3A_461 : i32
    %dma_start3A_463 = arith.constant 1696 : i32
    %dma_start3A_464 = tpu.memref_slice %arg6[%dma_start3A_463] : memref<3872xi32, #tpu.memory_space<vmem>> -> memref<32xi32, #tpu.memory_space<vmem>>
    %dma_start3A_465 = tpu.memref_slice %arg3[%add3A_462] : memref<131072xi32, #tpu.memory_space<hbm>> -> memref<32xi32, #tpu.memory_space<hbm>>
    %dma_start3A_466 = arith.constant 1696 : i32
    %dma_start3A_467 = tpu.memref_slice %arg6[%dma_start3A_466] : memref<3872xi32, #tpu.memory_space<vmem>> -> memref<32xi32, #tpu.memory_space<vmem>>
    %dma_start3A_468 = tpu.memref_slice %arg3[%add3A_462] : memref<131072xi32, #tpu.memory_space<hbm>> -> memref<32xi32, #tpu.memory_space<hbm>>
    tpu.enqueue_dma source(%dma_start3A_468 : memref<32xi32, #tpu.memory_space<hbm>>) target(%dma_start3A_467 : memref<32xi32, #tpu.memory_space<vmem>>) target_semaphore(%arg9 : memref<!tpu.dma_semaphore, #tpu.memory_space<semaphore_mem>>)
    %add3A_469 = arith.constant 6912 : i32
    %add3A_470 = arith.addi %add3A_37, %add3A_469 : i32
    %dma_start3A_471 = arith.constant 1728 : i32
    %dma_start3A_472 = tpu.memref_slice %arg6[%dma_start3A_471] : memref<3872xi32, #tpu.memory_space<vmem>> -> memref<32xi32, #tpu.memory_space<vmem>>
    %dma_start3A_473 = tpu.memref_slice %arg3[%add3A_470] : memref<131072xi32, #tpu.memory_space<hbm>> -> memref<32xi32, #tpu.memory_space<hbm>>
    %dma_start3A_474 = arith.constant 1728 : i32
    %dma_start3A_475 = tpu.memref_slice %arg6[%dma_start3A_474] : memref<3872xi32, #tpu.memory_space<vmem>> -> memref<32xi32, #tpu.memory_space<vmem>>
    %dma_start3A_476 = tpu.memref_slice %arg3[%add3A_470] : memref<131072xi32, #tpu.memory_space<hbm>> -> memref<32xi32, #tpu.memory_space<hbm>>
    tpu.enqueue_dma source(%dma_start3A_476 : memref<32xi32, #tpu.memory_space<hbm>>) target(%dma_start3A_475 : memref<32xi32, #tpu.memory_space<vmem>>) target_semaphore(%arg9 : memref<!tpu.dma_semaphore, #tpu.memory_space<semaphore_mem>>)
    %add3A_477 = arith.constant 7040 : i32
    %add3A_478 = arith.addi %add3A_37, %add3A_477 : i32
    %dma_start3A_479 = arith.constant 1760 : i32
    %dma_start3A_480 = tpu.memref_slice %arg6[%dma_start3A_479] : memref<3872xi32, #tpu.memory_space<vmem>> -> memref<32xi32, #tpu.memory_space<vmem>>
    %dma_start3A_481 = tpu.memref_slice %arg3[%add3A_478] : memref<131072xi32, #tpu.memory_space<hbm>> -> memref<32xi32, #tpu.memory_space<hbm>>
    %dma_start3A_482 = arith.constant 1760 : i32
    %dma_start3A_483 = tpu.memref_slice %arg6[%dma_start3A_482] : memref<3872xi32, #tpu.memory_space<vmem>> -> memref<32xi32, #tpu.memory_space<vmem>>
    %dma_start3A_484 = tpu.memref_slice %arg3[%add3A_478] : memref<131072xi32, #tpu.memory_space<hbm>> -> memref<32xi32, #tpu.memory_space<hbm>>
    tpu.enqueue_dma source(%dma_start3A_484 : memref<32xi32, #tpu.memory_space<hbm>>) target(%dma_start3A_483 : memref<32xi32, #tpu.memory_space<vmem>>) target_semaphore(%arg9 : memref<!tpu.dma_semaphore, #tpu.memory_space<semaphore_mem>>)
    %add3A_485 = arith.constant 7168 : i32
    %add3A_486 = arith.addi %add3A_37, %add3A_485 : i32
    %dma_start3A_487 = arith.constant 1792 : i32
    %dma_start3A_488 = tpu.memref_slice %arg6[%dma_start3A_487] : memref<3872xi32, #tpu.memory_space<vmem>> -> memref<32xi32, #tpu.memory_space<vmem>>
    %dma_start3A_489 = tpu.memref_slice %arg3[%add3A_486] : memref<131072xi32, #tpu.memory_space<hbm>> -> memref<32xi32, #tpu.memory_space<hbm>>
    %dma_start3A_490 = arith.constant 1792 : i32
    %dma_start3A_491 = tpu.memref_slice %arg6[%dma_start3A_490] : memref<3872xi32, #tpu.memory_space<vmem>> -> memref<32xi32, #tpu.memory_space<vmem>>
    %dma_start3A_492 = tpu.memref_slice %arg3[%add3A_486] : memref<131072xi32, #tpu.memory_space<hbm>> -> memref<32xi32, #tpu.memory_space<hbm>>
    tpu.enqueue_dma source(%dma_start3A_492 : memref<32xi32, #tpu.memory_space<hbm>>) target(%dma_start3A_491 : memref<32xi32, #tpu.memory_space<vmem>>) target_semaphore(%arg9 : memref<!tpu.dma_semaphore, #tpu.memory_space<semaphore_mem>>)
    %add3A_493 = arith.constant 7296 : i32
    %add3A_494 = arith.addi %add3A_37, %add3A_493 : i32
    %dma_start3A_495 = arith.constant 1824 : i32
    %dma_start3A_496 = tpu.memref_slice %arg6[%dma_start3A_495] : memref<3872xi32, #tpu.memory_space<vmem>> -> memref<32xi32, #tpu.memory_space<vmem>>
    %dma_start3A_497 = tpu.memref_slice %arg3[%add3A_494] : memref<131072xi32, #tpu.memory_space<hbm>> -> memref<32xi32, #tpu.memory_space<hbm>>
    %dma_start3A_498 = arith.constant 1824 : i32
    %dma_start3A_499 = tpu.memref_slice %arg6[%dma_start3A_498] : memref<3872xi32, #tpu.memory_space<vmem>> -> memref<32xi32, #tpu.memory_space<vmem>>
    %dma_start3A_500 = tpu.memref_slice %arg3[%add3A_494] : memref<131072xi32, #tpu.memory_space<hbm>> -> memref<32xi32, #tpu.memory_space<hbm>>
    tpu.enqueue_dma source(%dma_start3A_500 : memref<32xi32, #tpu.memory_space<hbm>>) target(%dma_start3A_499 : memref<32xi32, #tpu.memory_space<vmem>>) target_semaphore(%arg9 : memref<!tpu.dma_semaphore, #tpu.memory_space<semaphore_mem>>)
    %add3A_501 = arith.constant 7424 : i32
    %add3A_502 = arith.addi %add3A_37, %add3A_501 : i32
    %dma_start3A_503 = arith.constant 1856 : i32
    %dma_start3A_504 = tpu.memref_slice %arg6[%dma_start3A_503] : memref<3872xi32, #tpu.memory_space<vmem>> -> memref<32xi32, #tpu.memory_space<vmem>>
    %dma_start3A_505 = tpu.memref_slice %arg3[%add3A_502] : memref<131072xi32, #tpu.memory_space<hbm>> -> memref<32xi32, #tpu.memory_space<hbm>>
    %dma_start3A_506 = arith.constant 1856 : i32
    %dma_start3A_507 = tpu.memref_slice %arg6[%dma_start3A_506] : memref<3872xi32, #tpu.memory_space<vmem>> -> memref<32xi32, #tpu.memory_space<vmem>>
    %dma_start3A_508 = tpu.memref_slice %arg3[%add3A_502] : memref<131072xi32, #tpu.memory_space<hbm>> -> memref<32xi32, #tpu.memory_space<hbm>>
    tpu.enqueue_dma source(%dma_start3A_508 : memref<32xi32, #tpu.memory_space<hbm>>) target(%dma_start3A_507 : memref<32xi32, #tpu.memory_space<vmem>>) target_semaphore(%arg9 : memref<!tpu.dma_semaphore, #tpu.memory_space<semaphore_mem>>)
    %add3A_509 = arith.constant 7552 : i32
    %add3A_510 = arith.addi %add3A_37, %add3A_509 : i32
    %dma_start3A_511 = arith.constant 1888 : i32
    %dma_start3A_512 = tpu.memref_slice %arg6[%dma_start3A_511] : memref<3872xi32, #tpu.memory_space<vmem>> -> memref<32xi32, #tpu.memory_space<vmem>>
    %dma_start3A_513 = tpu.memref_slice %arg3[%add3A_510] : memref<131072xi32, #tpu.memory_space<hbm>> -> memref<32xi32, #tpu.memory_space<hbm>>
    %dma_start3A_514 = arith.constant 1888 : i32
    %dma_start3A_515 = tpu.memref_slice %arg6[%dma_start3A_514] : memref<3872xi32, #tpu.memory_space<vmem>> -> memref<32xi32, #tpu.memory_space<vmem>>
    %dma_start3A_516 = tpu.memref_slice %arg3[%add3A_510] : memref<131072xi32, #tpu.memory_space<hbm>> -> memref<32xi32, #tpu.memory_space<hbm>>
    tpu.enqueue_dma source(%dma_start3A_516 : memref<32xi32, #tpu.memory_space<hbm>>) target(%dma_start3A_515 : memref<32xi32, #tpu.memory_space<vmem>>) target_semaphore(%arg9 : memref<!tpu.dma_semaphore, #tpu.memory_space<semaphore_mem>>)
    %add3A_517 = arith.constant 7680 : i32
    %add3A_518 = arith.addi %add3A_37, %add3A_517 : i32
    %dma_start3A_519 = arith.constant 1920 : i32
    %dma_start3A_520 = tpu.memref_slice %arg6[%dma_start3A_519] : memref<3872xi32, #tpu.memory_space<vmem>> -> memref<32xi32, #tpu.memory_space<vmem>>
    %dma_start3A_521 = tpu.memref_slice %arg3[%add3A_518] : memref<131072xi32, #tpu.memory_space<hbm>> -> memref<32xi32, #tpu.memory_space<hbm>>
    %dma_start3A_522 = arith.constant 1920 : i32
    %dma_start3A_523 = tpu.memref_slice %arg6[%dma_start3A_522] : memref<3872xi32, #tpu.memory_space<vmem>> -> memref<32xi32, #tpu.memory_space<vmem>>
    %dma_start3A_524 = tpu.memref_slice %arg3[%add3A_518] : memref<131072xi32, #tpu.memory_space<hbm>> -> memref<32xi32, #tpu.memory_space<hbm>>
    tpu.enqueue_dma source(%dma_start3A_524 : memref<32xi32, #tpu.memory_space<hbm>>) target(%dma_start3A_523 : memref<32xi32, #tpu.memory_space<vmem>>) target_semaphore(%arg9 : memref<!tpu.dma_semaphore, #tpu.memory_space<semaphore_mem>>)
    %add3A_525 = arith.constant 7808 : i32
    %add3A_526 = arith.addi %add3A_37, %add3A_525 : i32
    %dma_start3A_527 = arith.constant 1952 : i32
    %dma_start3A_528 = tpu.memref_slice %arg6[%dma_start3A_527] : memref<3872xi32, #tpu.memory_space<vmem>> -> memref<32xi32, #tpu.memory_space<vmem>>
    %dma_start3A_529 = tpu.memref_slice %arg3[%add3A_526] : memref<131072xi32, #tpu.memory_space<hbm>> -> memref<32xi32, #tpu.memory_space<hbm>>
    %dma_start3A_530 = arith.constant 1952 : i32
    %dma_start3A_531 = tpu.memref_slice %arg6[%dma_start3A_530] : memref<3872xi32, #tpu.memory_space<vmem>> -> memref<32xi32, #tpu.memory_space<vmem>>
    %dma_start3A_532 = tpu.memref_slice %arg3[%add3A_526] : memref<131072xi32, #tpu.memory_space<hbm>> -> memref<32xi32, #tpu.memory_space<hbm>>
    tpu.enqueue_dma source(%dma_start3A_532 : memref<32xi32, #tpu.memory_space<hbm>>) target(%dma_start3A_531 : memref<32xi32, #tpu.memory_space<vmem>>) target_semaphore(%arg9 : memref<!tpu.dma_semaphore, #tpu.memory_space<semaphore_mem>>)
    %add3A_533 = arith.constant 7936 : i32
    %add3A_534 = arith.addi %add3A_37, %add3A_533 : i32
    %dma_start3A_535 = arith.constant 1984 : i32
    %dma_start3A_536 = tpu.memref_slice %arg6[%dma_start3A_535] : memref<3872xi32, #tpu.memory_space<vmem>> -> memref<32xi32, #tpu.memory_space<vmem>>
    %dma_start3A_537 = tpu.memref_slice %arg3[%add3A_534] : memref<131072xi32, #tpu.memory_space<hbm>> -> memref<32xi32, #tpu.memory_space<hbm>>
    %dma_start3A_538 = arith.constant 1984 : i32
    %dma_start3A_539 = tpu.memref_slice %arg6[%dma_start3A_538] : memref<3872xi32, #tpu.memory_space<vmem>> -> memref<32xi32, #tpu.memory_space<vmem>>
    %dma_start3A_540 = tpu.memref_slice %arg3[%add3A_534] : memref<131072xi32, #tpu.memory_space<hbm>> -> memref<32xi32, #tpu.memory_space<hbm>>
    tpu.enqueue_dma source(%dma_start3A_540 : memref<32xi32, #tpu.memory_space<hbm>>) target(%dma_start3A_539 : memref<32xi32, #tpu.memory_space<vmem>>) target_semaphore(%arg9 : memref<!tpu.dma_semaphore, #tpu.memory_space<semaphore_mem>>)
    %add3A_541 = arith.constant 8064 : i32
    %add3A_542 = arith.addi %add3A_37, %add3A_541 : i32
    %dma_start3A_543 = arith.constant 2016 : i32
    %dma_start3A_544 = tpu.memref_slice %arg6[%dma_start3A_543] : memref<3872xi32, #tpu.memory_space<vmem>> -> memref<32xi32, #tpu.memory_space<vmem>>
    %dma_start3A_545 = tpu.memref_slice %arg3[%add3A_542] : memref<131072xi32, #tpu.memory_space<hbm>> -> memref<32xi32, #tpu.memory_space<hbm>>
    %dma_start3A_546 = arith.constant 2016 : i32
    %dma_start3A_547 = tpu.memref_slice %arg6[%dma_start3A_546] : memref<3872xi32, #tpu.memory_space<vmem>> -> memref<32xi32, #tpu.memory_space<vmem>>
    %dma_start3A_548 = tpu.memref_slice %arg3[%add3A_542] : memref<131072xi32, #tpu.memory_space<hbm>> -> memref<32xi32, #tpu.memory_space<hbm>>
    tpu.enqueue_dma source(%dma_start3A_548 : memref<32xi32, #tpu.memory_space<hbm>>) target(%dma_start3A_547 : memref<32xi32, #tpu.memory_space<vmem>>) target_semaphore(%arg9 : memref<!tpu.dma_semaphore, #tpu.memory_space<semaphore_mem>>)
    %add3A_549 = arith.constant 8192 : i32
    %add3A_550 = arith.addi %add3A_37, %add3A_549 : i32
    %dma_start3A_551 = arith.constant 2048 : i32
    %dma_start3A_552 = tpu.memref_slice %arg6[%dma_start3A_551] : memref<3872xi32, #tpu.memory_space<vmem>> -> memref<32xi32, #tpu.memory_space<vmem>>
    %dma_start3A_553 = tpu.memref_slice %arg3[%add3A_550] : memref<131072xi32, #tpu.memory_space<hbm>> -> memref<32xi32, #tpu.memory_space<hbm>>
    %dma_start3A_554 = arith.constant 2048 : i32
    %dma_start3A_555 = tpu.memref_slice %arg6[%dma_start3A_554] : memref<3872xi32, #tpu.memory_space<vmem>> -> memref<32xi32, #tpu.memory_space<vmem>>
    %dma_start3A_556 = tpu.memref_slice %arg3[%add3A_550] : memref<131072xi32, #tpu.memory_space<hbm>> -> memref<32xi32, #tpu.memory_space<hbm>>
    tpu.enqueue_dma source(%dma_start3A_556 : memref<32xi32, #tpu.memory_space<hbm>>) target(%dma_start3A_555 : memref<32xi32, #tpu.memory_space<vmem>>) target_semaphore(%arg9 : memref<!tpu.dma_semaphore, #tpu.memory_space<semaphore_mem>>)
    %add3A_557 = arith.constant 8320 : i32
    %add3A_558 = arith.addi %add3A_37, %add3A_557 : i32
    %dma_start3A_559 = arith.constant 2080 : i32
    %dma_start3A_560 = tpu.memref_slice %arg6[%dma_start3A_559] : memref<3872xi32, #tpu.memory_space<vmem>> -> memref<32xi32, #tpu.memory_space<vmem>>
    %dma_start3A_561 = tpu.memref_slice %arg3[%add3A_558] : memref<131072xi32, #tpu.memory_space<hbm>> -> memref<32xi32, #tpu.memory_space<hbm>>
    %dma_start3A_562 = arith.constant 2080 : i32
    %dma_start3A_563 = tpu.memref_slice %arg6[%dma_start3A_562] : memref<3872xi32, #tpu.memory_space<vmem>> -> memref<32xi32, #tpu.memory_space<vmem>>
    %dma_start3A_564 = tpu.memref_slice %arg3[%add3A_558] : memref<131072xi32, #tpu.memory_space<hbm>> -> memref<32xi32, #tpu.memory_space<hbm>>
    tpu.enqueue_dma source(%dma_start3A_564 : memref<32xi32, #tpu.memory_space<hbm>>) target(%dma_start3A_563 : memref<32xi32, #tpu.memory_space<vmem>>) target_semaphore(%arg9 : memref<!tpu.dma_semaphore, #tpu.memory_space<semaphore_mem>>)
    %add3A_565 = arith.constant 8448 : i32
    %add3A_566 = arith.addi %add3A_37, %add3A_565 : i32
    %dma_start3A_567 = arith.constant 2112 : i32
    %dma_start3A_568 = tpu.memref_slice %arg6[%dma_start3A_567] : memref<3872xi32, #tpu.memory_space<vmem>> -> memref<32xi32, #tpu.memory_space<vmem>>
    %dma_start3A_569 = tpu.memref_slice %arg3[%add3A_566] : memref<131072xi32, #tpu.memory_space<hbm>> -> memref<32xi32, #tpu.memory_space<hbm>>
    %dma_start3A_570 = arith.constant 2112 : i32
    %dma_start3A_571 = tpu.memref_slice %arg6[%dma_start3A_570] : memref<3872xi32, #tpu.memory_space<vmem>> -> memref<32xi32, #tpu.memory_space<vmem>>
    %dma_start3A_572 = tpu.memref_slice %arg3[%add3A_566] : memref<131072xi32, #tpu.memory_space<hbm>> -> memref<32xi32, #tpu.memory_space<hbm>>
    tpu.enqueue_dma source(%dma_start3A_572 : memref<32xi32, #tpu.memory_space<hbm>>) target(%dma_start3A_571 : memref<32xi32, #tpu.memory_space<vmem>>) target_semaphore(%arg9 : memref<!tpu.dma_semaphore, #tpu.memory_space<semaphore_mem>>)
    %add3A_573 = arith.constant 8576 : i32
    %add3A_574 = arith.addi %add3A_37, %add3A_573 : i32
    %dma_start3A_575 = arith.constant 2144 : i32
    %dma_start3A_576 = tpu.memref_slice %arg6[%dma_start3A_575] : memref<3872xi32, #tpu.memory_space<vmem>> -> memref<32xi32, #tpu.memory_space<vmem>>
    %dma_start3A_577 = tpu.memref_slice %arg3[%add3A_574] : memref<131072xi32, #tpu.memory_space<hbm>> -> memref<32xi32, #tpu.memory_space<hbm>>
    %dma_start3A_578 = arith.constant 2144 : i32
    %dma_start3A_579 = tpu.memref_slice %arg6[%dma_start3A_578] : memref<3872xi32, #tpu.memory_space<vmem>> -> memref<32xi32, #tpu.memory_space<vmem>>
    %dma_start3A_580 = tpu.memref_slice %arg3[%add3A_574] : memref<131072xi32, #tpu.memory_space<hbm>> -> memref<32xi32, #tpu.memory_space<hbm>>
    tpu.enqueue_dma source(%dma_start3A_580 : memref<32xi32, #tpu.memory_space<hbm>>) target(%dma_start3A_579 : memref<32xi32, #tpu.memory_space<vmem>>) target_semaphore(%arg9 : memref<!tpu.dma_semaphore, #tpu.memory_space<semaphore_mem>>)
    %add3A_581 = arith.constant 8704 : i32
    %add3A_582 = arith.addi %add3A_37, %add3A_581 : i32
    %dma_start3A_583 = arith.constant 2176 : i32
    %dma_start3A_584 = tpu.memref_slice %arg6[%dma_start3A_583] : memref<3872xi32, #tpu.memory_space<vmem>> -> memref<32xi32, #tpu.memory_space<vmem>>
    %dma_start3A_585 = tpu.memref_slice %arg3[%add3A_582] : memref<131072xi32, #tpu.memory_space<hbm>> -> memref<32xi32, #tpu.memory_space<hbm>>
    %dma_start3A_586 = arith.constant 2176 : i32
    %dma_start3A_587 = tpu.memref_slice %arg6[%dma_start3A_586] : memref<3872xi32, #tpu.memory_space<vmem>> -> memref<32xi32, #tpu.memory_space<vmem>>
    %dma_start3A_588 = tpu.memref_slice %arg3[%add3A_582] : memref<131072xi32, #tpu.memory_space<hbm>> -> memref<32xi32, #tpu.memory_space<hbm>>
    tpu.enqueue_dma source(%dma_start3A_588 : memref<32xi32, #tpu.memory_space<hbm>>) target(%dma_start3A_587 : memref<32xi32, #tpu.memory_space<vmem>>) target_semaphore(%arg9 : memref<!tpu.dma_semaphore, #tpu.memory_space<semaphore_mem>>)
    %add3A_589 = arith.constant 8832 : i32
    %add3A_590 = arith.addi %add3A_37, %add3A_589 : i32
    %dma_start3A_591 = arith.constant 2208 : i32
    %dma_start3A_592 = tpu.memref_slice %arg6[%dma_start3A_591] : memref<3872xi32, #tpu.memory_space<vmem>> -> memref<32xi32, #tpu.memory_space<vmem>>
    %dma_start3A_593 = tpu.memref_slice %arg3[%add3A_590] : memref<131072xi32, #tpu.memory_space<hbm>> -> memref<32xi32, #tpu.memory_space<hbm>>
    %dma_start3A_594 = arith.constant 2208 : i32
    %dma_start3A_595 = tpu.memref_slice %arg6[%dma_start3A_594] : memref<3872xi32, #tpu.memory_space<vmem>> -> memref<32xi32, #tpu.memory_space<vmem>>
    %dma_start3A_596 = tpu.memref_slice %arg3[%add3A_590] : memref<131072xi32, #tpu.memory_space<hbm>> -> memref<32xi32, #tpu.memory_space<hbm>>
    tpu.enqueue_dma source(%dma_start3A_596 : memref<32xi32, #tpu.memory_space<hbm>>) target(%dma_start3A_595 : memref<32xi32, #tpu.memory_space<vmem>>) target_semaphore(%arg9 : memref<!tpu.dma_semaphore, #tpu.memory_space<semaphore_mem>>)
    %add3A_597 = arith.constant 8960 : i32
    %add3A_598 = arith.addi %add3A_37, %add3A_597 : i32
    %dma_start3A_599 = arith.constant 2240 : i32
    %dma_start3A_600 = tpu.memref_slice %arg6[%dma_start3A_599] : memref<3872xi32, #tpu.memory_space<vmem>> -> memref<32xi32, #tpu.memory_space<vmem>>
    %dma_start3A_601 = tpu.memref_slice %arg3[%add3A_598] : memref<131072xi32, #tpu.memory_space<hbm>> -> memref<32xi32, #tpu.memory_space<hbm>>
    %dma_start3A_602 = arith.constant 2240 : i32
    %dma_start3A_603 = tpu.memref_slice %arg6[%dma_start3A_602] : memref<3872xi32, #tpu.memory_space<vmem>> -> memref<32xi32, #tpu.memory_space<vmem>>
    %dma_start3A_604 = tpu.memref_slice %arg3[%add3A_598] : memref<131072xi32, #tpu.memory_space<hbm>> -> memref<32xi32, #tpu.memory_space<hbm>>
    tpu.enqueue_dma source(%dma_start3A_604 : memref<32xi32, #tpu.memory_space<hbm>>) target(%dma_start3A_603 : memref<32xi32, #tpu.memory_space<vmem>>) target_semaphore(%arg9 : memref<!tpu.dma_semaphore, #tpu.memory_space<semaphore_mem>>)
    %add3A_605 = arith.constant 9088 : i32
    %add3A_606 = arith.addi %add3A_37, %add3A_605 : i32
    %dma_start3A_607 = arith.constant 2272 : i32
    %dma_start3A_608 = tpu.memref_slice %arg6[%dma_start3A_607] : memref<3872xi32, #tpu.memory_space<vmem>> -> memref<32xi32, #tpu.memory_space<vmem>>
    %dma_start3A_609 = tpu.memref_slice %arg3[%add3A_606] : memref<131072xi32, #tpu.memory_space<hbm>> -> memref<32xi32, #tpu.memory_space<hbm>>
    %dma_start3A_610 = arith.constant 2272 : i32
    %dma_start3A_611 = tpu.memref_slice %arg6[%dma_start3A_610] : memref<3872xi32, #tpu.memory_space<vmem>> -> memref<32xi32, #tpu.memory_space<vmem>>
    %dma_start3A_612 = tpu.memref_slice %arg3[%add3A_606] : memref<131072xi32, #tpu.memory_space<hbm>> -> memref<32xi32, #tpu.memory_space<hbm>>
    tpu.enqueue_dma source(%dma_start3A_612 : memref<32xi32, #tpu.memory_space<hbm>>) target(%dma_start3A_611 : memref<32xi32, #tpu.memory_space<vmem>>) target_semaphore(%arg9 : memref<!tpu.dma_semaphore, #tpu.memory_space<semaphore_mem>>)
    %add3A_613 = arith.constant 9216 : i32
    %add3A_614 = arith.addi %add3A_37, %add3A_613 : i32
    %dma_start3A_615 = arith.constant 2304 : i32
    %dma_start3A_616 = tpu.memref_slice %arg6[%dma_start3A_615] : memref<3872xi32, #tpu.memory_space<vmem>> -> memref<32xi32, #tpu.memory_space<vmem>>
    %dma_start3A_617 = tpu.memref_slice %arg3[%add3A_614] : memref<131072xi32, #tpu.memory_space<hbm>> -> memref<32xi32, #tpu.memory_space<hbm>>
    %dma_start3A_618 = arith.constant 2304 : i32
    %dma_start3A_619 = tpu.memref_slice %arg6[%dma_start3A_618] : memref<3872xi32, #tpu.memory_space<vmem>> -> memref<32xi32, #tpu.memory_space<vmem>>
    %dma_start3A_620 = tpu.memref_slice %arg3[%add3A_614] : memref<131072xi32, #tpu.memory_space<hbm>> -> memref<32xi32, #tpu.memory_space<hbm>>
    tpu.enqueue_dma source(%dma_start3A_620 : memref<32xi32, #tpu.memory_space<hbm>>) target(%dma_start3A_619 : memref<32xi32, #tpu.memory_space<vmem>>) target_semaphore(%arg9 : memref<!tpu.dma_semaphore, #tpu.memory_space<semaphore_mem>>)
    %add3A_621 = arith.constant 9344 : i32
    %add3A_622 = arith.addi %add3A_37, %add3A_621 : i32
    %dma_start3A_623 = arith.constant 2336 : i32
    %dma_start3A_624 = tpu.memref_slice %arg6[%dma_start3A_623] : memref<3872xi32, #tpu.memory_space<vmem>> -> memref<32xi32, #tpu.memory_space<vmem>>
    %dma_start3A_625 = tpu.memref_slice %arg3[%add3A_622] : memref<131072xi32, #tpu.memory_space<hbm>> -> memref<32xi32, #tpu.memory_space<hbm>>
    %dma_start3A_626 = arith.constant 2336 : i32
    %dma_start3A_627 = tpu.memref_slice %arg6[%dma_start3A_626] : memref<3872xi32, #tpu.memory_space<vmem>> -> memref<32xi32, #tpu.memory_space<vmem>>
    %dma_start3A_628 = tpu.memref_slice %arg3[%add3A_622] : memref<131072xi32, #tpu.memory_space<hbm>> -> memref<32xi32, #tpu.memory_space<hbm>>
    tpu.enqueue_dma source(%dma_start3A_628 : memref<32xi32, #tpu.memory_space<hbm>>) target(%dma_start3A_627 : memref<32xi32, #tpu.memory_space<vmem>>) target_semaphore(%arg9 : memref<!tpu.dma_semaphore, #tpu.memory_space<semaphore_mem>>)
    %add3A_629 = arith.constant 9472 : i32
    %add3A_630 = arith.addi %add3A_37, %add3A_629 : i32
    %dma_start3A_631 = arith.constant 2368 : i32
    %dma_start3A_632 = tpu.memref_slice %arg6[%dma_start3A_631] : memref<3872xi32, #tpu.memory_space<vmem>> -> memref<32xi32, #tpu.memory_space<vmem>>
    %dma_start3A_633 = tpu.memref_slice %arg3[%add3A_630] : memref<131072xi32, #tpu.memory_space<hbm>> -> memref<32xi32, #tpu.memory_space<hbm>>
    %dma_start3A_634 = arith.constant 2368 : i32
    %dma_start3A_635 = tpu.memref_slice %arg6[%dma_start3A_634] : memref<3872xi32, #tpu.memory_space<vmem>> -> memref<32xi32, #tpu.memory_space<vmem>>
    %dma_start3A_636 = tpu.memref_slice %arg3[%add3A_630] : memref<131072xi32, #tpu.memory_space<hbm>> -> memref<32xi32, #tpu.memory_space<hbm>>
    tpu.enqueue_dma source(%dma_start3A_636 : memref<32xi32, #tpu.memory_space<hbm>>) target(%dma_start3A_635 : memref<32xi32, #tpu.memory_space<vmem>>) target_semaphore(%arg9 : memref<!tpu.dma_semaphore, #tpu.memory_space<semaphore_mem>>)
    %add3A_637 = arith.constant 9600 : i32
    %add3A_638 = arith.addi %add3A_37, %add3A_637 : i32
    %dma_start3A_639 = arith.constant 2400 : i32
    %dma_start3A_640 = tpu.memref_slice %arg6[%dma_start3A_639] : memref<3872xi32, #tpu.memory_space<vmem>> -> memref<32xi32, #tpu.memory_space<vmem>>
    %dma_start3A_641 = tpu.memref_slice %arg3[%add3A_638] : memref<131072xi32, #tpu.memory_space<hbm>> -> memref<32xi32, #tpu.memory_space<hbm>>
    %dma_start3A_642 = arith.constant 2400 : i32
    %dma_start3A_643 = tpu.memref_slice %arg6[%dma_start3A_642] : memref<3872xi32, #tpu.memory_space<vmem>> -> memref<32xi32, #tpu.memory_space<vmem>>
    %dma_start3A_644 = tpu.memref_slice %arg3[%add3A_638] : memref<131072xi32, #tpu.memory_space<hbm>> -> memref<32xi32, #tpu.memory_space<hbm>>
    tpu.enqueue_dma source(%dma_start3A_644 : memref<32xi32, #tpu.memory_space<hbm>>) target(%dma_start3A_643 : memref<32xi32, #tpu.memory_space<vmem>>) target_semaphore(%arg9 : memref<!tpu.dma_semaphore, #tpu.memory_space<semaphore_mem>>)
    %add3A_645 = arith.constant 9728 : i32
    %add3A_646 = arith.addi %add3A_37, %add3A_645 : i32
    %dma_start3A_647 = arith.constant 2432 : i32
    %dma_start3A_648 = tpu.memref_slice %arg6[%dma_start3A_647] : memref<3872xi32, #tpu.memory_space<vmem>> -> memref<32xi32, #tpu.memory_space<vmem>>
    %dma_start3A_649 = tpu.memref_slice %arg3[%add3A_646] : memref<131072xi32, #tpu.memory_space<hbm>> -> memref<32xi32, #tpu.memory_space<hbm>>
    %dma_start3A_650 = arith.constant 2432 : i32
    %dma_start3A_651 = tpu.memref_slice %arg6[%dma_start3A_650] : memref<3872xi32, #tpu.memory_space<vmem>> -> memref<32xi32, #tpu.memory_space<vmem>>
    %dma_start3A_652 = tpu.memref_slice %arg3[%add3A_646] : memref<131072xi32, #tpu.memory_space<hbm>> -> memref<32xi32, #tpu.memory_space<hbm>>
    tpu.enqueue_dma source(%dma_start3A_652 : memref<32xi32, #tpu.memory_space<hbm>>) target(%dma_start3A_651 : memref<32xi32, #tpu.memory_space<vmem>>) target_semaphore(%arg9 : memref<!tpu.dma_semaphore, #tpu.memory_space<semaphore_mem>>)
    %add3A_653 = arith.constant 9856 : i32
    %add3A_654 = arith.addi %add3A_37, %add3A_653 : i32
    %dma_start3A_655 = arith.constant 2464 : i32
    %dma_start3A_656 = tpu.memref_slice %arg6[%dma_start3A_655] : memref<3872xi32, #tpu.memory_space<vmem>> -> memref<32xi32, #tpu.memory_space<vmem>>
    %dma_start3A_657 = tpu.memref_slice %arg3[%add3A_654] : memref<131072xi32, #tpu.memory_space<hbm>> -> memref<32xi32, #tpu.memory_space<hbm>>
    %dma_start3A_658 = arith.constant 2464 : i32
    %dma_start3A_659 = tpu.memref_slice %arg6[%dma_start3A_658] : memref<3872xi32, #tpu.memory_space<vmem>> -> memref<32xi32, #tpu.memory_space<vmem>>
    %dma_start3A_660 = tpu.memref_slice %arg3[%add3A_654] : memref<131072xi32, #tpu.memory_space<hbm>> -> memref<32xi32, #tpu.memory_space<hbm>>
    tpu.enqueue_dma source(%dma_start3A_660 : memref<32xi32, #tpu.memory_space<hbm>>) target(%dma_start3A_659 : memref<32xi32, #tpu.memory_space<vmem>>) target_semaphore(%arg9 : memref<!tpu.dma_semaphore, #tpu.memory_space<semaphore_mem>>)
    %add3A_661 = arith.constant 9984 : i32
    %add3A_662 = arith.addi %add3A_37, %add3A_661 : i32
    %dma_start3A_663 = arith.constant 2496 : i32
    %dma_start3A_664 = tpu.memref_slice %arg6[%dma_start3A_663] : memref<3872xi32, #tpu.memory_space<vmem>> -> memref<32xi32, #tpu.memory_space<vmem>>
    %dma_start3A_665 = tpu.memref_slice %arg3[%add3A_662] : memref<131072xi32, #tpu.memory_space<hbm>> -> memref<32xi32, #tpu.memory_space<hbm>>
    %dma_start3A_666 = arith.constant 2496 : i32
    %dma_start3A_667 = tpu.memref_slice %arg6[%dma_start3A_666] : memref<3872xi32, #tpu.memory_space<vmem>> -> memref<32xi32, #tpu.memory_space<vmem>>
    %dma_start3A_668 = tpu.memref_slice %arg3[%add3A_662] : memref<131072xi32, #tpu.memory_space<hbm>> -> memref<32xi32, #tpu.memory_space<hbm>>
    tpu.enqueue_dma source(%dma_start3A_668 : memref<32xi32, #tpu.memory_space<hbm>>) target(%dma_start3A_667 : memref<32xi32, #tpu.memory_space<vmem>>) target_semaphore(%arg9 : memref<!tpu.dma_semaphore, #tpu.memory_space<semaphore_mem>>)
    %add3A_669 = arith.constant 10112 : i32
    %add3A_670 = arith.addi %add3A_37, %add3A_669 : i32
    %dma_start3A_671 = arith.constant 2528 : i32
    %dma_start3A_672 = tpu.memref_slice %arg6[%dma_start3A_671] : memref<3872xi32, #tpu.memory_space<vmem>> -> memref<32xi32, #tpu.memory_space<vmem>>
    %dma_start3A_673 = tpu.memref_slice %arg3[%add3A_670] : memref<131072xi32, #tpu.memory_space<hbm>> -> memref<32xi32, #tpu.memory_space<hbm>>
    %dma_start3A_674 = arith.constant 2528 : i32
    %dma_start3A_675 = tpu.memref_slice %arg6[%dma_start3A_674] : memref<3872xi32, #tpu.memory_space<vmem>> -> memref<32xi32, #tpu.memory_space<vmem>>
    %dma_start3A_676 = tpu.memref_slice %arg3[%add3A_670] : memref<131072xi32, #tpu.memory_space<hbm>> -> memref<32xi32, #tpu.memory_space<hbm>>
    tpu.enqueue_dma source(%dma_start3A_676 : memref<32xi32, #tpu.memory_space<hbm>>) target(%dma_start3A_675 : memref<32xi32, #tpu.memory_space<vmem>>) target_semaphore(%arg9 : memref<!tpu.dma_semaphore, #tpu.memory_space<semaphore_mem>>)
    %add3A_677 = arith.constant 10240 : i32
    %add3A_678 = arith.addi %add3A_37, %add3A_677 : i32
    %dma_start3A_679 = arith.constant 2560 : i32
    %dma_start3A_680 = tpu.memref_slice %arg6[%dma_start3A_679] : memref<3872xi32, #tpu.memory_space<vmem>> -> memref<32xi32, #tpu.memory_space<vmem>>
    %dma_start3A_681 = tpu.memref_slice %arg3[%add3A_678] : memref<131072xi32, #tpu.memory_space<hbm>> -> memref<32xi32, #tpu.memory_space<hbm>>
    %dma_start3A_682 = arith.constant 2560 : i32
    %dma_start3A_683 = tpu.memref_slice %arg6[%dma_start3A_682] : memref<3872xi32, #tpu.memory_space<vmem>> -> memref<32xi32, #tpu.memory_space<vmem>>
    %dma_start3A_684 = tpu.memref_slice %arg3[%add3A_678] : memref<131072xi32, #tpu.memory_space<hbm>> -> memref<32xi32, #tpu.memory_space<hbm>>
    tpu.enqueue_dma source(%dma_start3A_684 : memref<32xi32, #tpu.memory_space<hbm>>) target(%dma_start3A_683 : memref<32xi32, #tpu.memory_space<vmem>>) target_semaphore(%arg9 : memref<!tpu.dma_semaphore, #tpu.memory_space<semaphore_mem>>)
    %add3A_685 = arith.constant 10368 : i32
    %add3A_686 = arith.addi %add3A_37, %add3A_685 : i32
    %dma_start3A_687 = arith.constant 2592 : i32
    %dma_start3A_688 = tpu.memref_slice %arg6[%dma_start3A_687] : memref<3872xi32, #tpu.memory_space<vmem>> -> memref<32xi32, #tpu.memory_space<vmem>>
    %dma_start3A_689 = tpu.memref_slice %arg3[%add3A_686] : memref<131072xi32, #tpu.memory_space<hbm>> -> memref<32xi32, #tpu.memory_space<hbm>>
    %dma_start3A_690 = arith.constant 2592 : i32
    %dma_start3A_691 = tpu.memref_slice %arg6[%dma_start3A_690] : memref<3872xi32, #tpu.memory_space<vmem>> -> memref<32xi32, #tpu.memory_space<vmem>>
    %dma_start3A_692 = tpu.memref_slice %arg3[%add3A_686] : memref<131072xi32, #tpu.memory_space<hbm>> -> memref<32xi32, #tpu.memory_space<hbm>>
    tpu.enqueue_dma source(%dma_start3A_692 : memref<32xi32, #tpu.memory_space<hbm>>) target(%dma_start3A_691 : memref<32xi32, #tpu.memory_space<vmem>>) target_semaphore(%arg9 : memref<!tpu.dma_semaphore, #tpu.memory_space<semaphore_mem>>)
    %add3A_693 = arith.constant 10496 : i32
    %add3A_694 = arith.addi %add3A_37, %add3A_693 : i32
    %dma_start3A_695 = arith.constant 2624 : i32
    %dma_start3A_696 = tpu.memref_slice %arg6[%dma_start3A_695] : memref<3872xi32, #tpu.memory_space<vmem>> -> memref<32xi32, #tpu.memory_space<vmem>>
    %dma_start3A_697 = tpu.memref_slice %arg3[%add3A_694] : memref<131072xi32, #tpu.memory_space<hbm>> -> memref<32xi32, #tpu.memory_space<hbm>>
    %dma_start3A_698 = arith.constant 2624 : i32
    %dma_start3A_699 = tpu.memref_slice %arg6[%dma_start3A_698] : memref<3872xi32, #tpu.memory_space<vmem>> -> memref<32xi32, #tpu.memory_space<vmem>>
    %dma_start3A_700 = tpu.memref_slice %arg3[%add3A_694] : memref<131072xi32, #tpu.memory_space<hbm>> -> memref<32xi32, #tpu.memory_space<hbm>>
    tpu.enqueue_dma source(%dma_start3A_700 : memref<32xi32, #tpu.memory_space<hbm>>) target(%dma_start3A_699 : memref<32xi32, #tpu.memory_space<vmem>>) target_semaphore(%arg9 : memref<!tpu.dma_semaphore, #tpu.memory_space<semaphore_mem>>)
    %add3A_701 = arith.constant 10624 : i32
    %add3A_702 = arith.addi %add3A_37, %add3A_701 : i32
    %dma_start3A_703 = arith.constant 2656 : i32
    %dma_start3A_704 = tpu.memref_slice %arg6[%dma_start3A_703] : memref<3872xi32, #tpu.memory_space<vmem>> -> memref<32xi32, #tpu.memory_space<vmem>>
    %dma_start3A_705 = tpu.memref_slice %arg3[%add3A_702] : memref<131072xi32, #tpu.memory_space<hbm>> -> memref<32xi32, #tpu.memory_space<hbm>>
    %dma_start3A_706 = arith.constant 2656 : i32
    %dma_start3A_707 = tpu.memref_slice %arg6[%dma_start3A_706] : memref<3872xi32, #tpu.memory_space<vmem>> -> memref<32xi32, #tpu.memory_space<vmem>>
    %dma_start3A_708 = tpu.memref_slice %arg3[%add3A_702] : memref<131072xi32, #tpu.memory_space<hbm>> -> memref<32xi32, #tpu.memory_space<hbm>>
    tpu.enqueue_dma source(%dma_start3A_708 : memref<32xi32, #tpu.memory_space<hbm>>) target(%dma_start3A_707 : memref<32xi32, #tpu.memory_space<vmem>>) target_semaphore(%arg9 : memref<!tpu.dma_semaphore, #tpu.memory_space<semaphore_mem>>)
    %add3A_709 = arith.constant 10752 : i32
    %add3A_710 = arith.addi %add3A_37, %add3A_709 : i32
    %dma_start3A_711 = arith.constant 2688 : i32
    %dma_start3A_712 = tpu.memref_slice %arg6[%dma_start3A_711] : memref<3872xi32, #tpu.memory_space<vmem>> -> memref<32xi32, #tpu.memory_space<vmem>>
    %dma_start3A_713 = tpu.memref_slice %arg3[%add3A_710] : memref<131072xi32, #tpu.memory_space<hbm>> -> memref<32xi32, #tpu.memory_space<hbm>>
    %dma_start3A_714 = arith.constant 2688 : i32
    %dma_start3A_715 = tpu.memref_slice %arg6[%dma_start3A_714] : memref<3872xi32, #tpu.memory_space<vmem>> -> memref<32xi32, #tpu.memory_space<vmem>>
    %dma_start3A_716 = tpu.memref_slice %arg3[%add3A_710] : memref<131072xi32, #tpu.memory_space<hbm>> -> memref<32xi32, #tpu.memory_space<hbm>>
    tpu.enqueue_dma source(%dma_start3A_716 : memref<32xi32, #tpu.memory_space<hbm>>) target(%dma_start3A_715 : memref<32xi32, #tpu.memory_space<vmem>>) target_semaphore(%arg9 : memref<!tpu.dma_semaphore, #tpu.memory_space<semaphore_mem>>)
    %add3A_717 = arith.constant 10880 : i32
    %add3A_718 = arith.addi %add3A_37, %add3A_717 : i32
    %dma_start3A_719 = arith.constant 2720 : i32
    %dma_start3A_720 = tpu.memref_slice %arg6[%dma_start3A_719] : memref<3872xi32, #tpu.memory_space<vmem>> -> memref<32xi32, #tpu.memory_space<vmem>>
    %dma_start3A_721 = tpu.memref_slice %arg3[%add3A_718] : memref<131072xi32, #tpu.memory_space<hbm>> -> memref<32xi32, #tpu.memory_space<hbm>>
    %dma_start3A_722 = arith.constant 2720 : i32
    %dma_start3A_723 = tpu.memref_slice %arg6[%dma_start3A_722] : memref<3872xi32, #tpu.memory_space<vmem>> -> memref<32xi32, #tpu.memory_space<vmem>>
    %dma_start3A_724 = tpu.memref_slice %arg3[%add3A_718] : memref<131072xi32, #tpu.memory_space<hbm>> -> memref<32xi32, #tpu.memory_space<hbm>>
    tpu.enqueue_dma source(%dma_start3A_724 : memref<32xi32, #tpu.memory_space<hbm>>) target(%dma_start3A_723 : memref<32xi32, #tpu.memory_space<vmem>>) target_semaphore(%arg9 : memref<!tpu.dma_semaphore, #tpu.memory_space<semaphore_mem>>)
    %add3A_725 = arith.constant 11008 : i32
    %add3A_726 = arith.addi %add3A_37, %add3A_725 : i32
    %dma_start3A_727 = arith.constant 2752 : i32
    %dma_start3A_728 = tpu.memref_slice %arg6[%dma_start3A_727] : memref<3872xi32, #tpu.memory_space<vmem>> -> memref<32xi32, #tpu.memory_space<vmem>>
    %dma_start3A_729 = tpu.memref_slice %arg3[%add3A_726] : memref<131072xi32, #tpu.memory_space<hbm>> -> memref<32xi32, #tpu.memory_space<hbm>>
    %dma_start3A_730 = arith.constant 2752 : i32
    %dma_start3A_731 = tpu.memref_slice %arg6[%dma_start3A_730] : memref<3872xi32, #tpu.memory_space<vmem>> -> memref<32xi32, #tpu.memory_space<vmem>>
    %dma_start3A_732 = tpu.memref_slice %arg3[%add3A_726] : memref<131072xi32, #tpu.memory_space<hbm>> -> memref<32xi32, #tpu.memory_space<hbm>>
    tpu.enqueue_dma source(%dma_start3A_732 : memref<32xi32, #tpu.memory_space<hbm>>) target(%dma_start3A_731 : memref<32xi32, #tpu.memory_space<vmem>>) target_semaphore(%arg9 : memref<!tpu.dma_semaphore, #tpu.memory_space<semaphore_mem>>)
    %add3A_733 = arith.constant 11136 : i32
    %add3A_734 = arith.addi %add3A_37, %add3A_733 : i32
    %dma_start3A_735 = arith.constant 2784 : i32
    %dma_start3A_736 = tpu.memref_slice %arg6[%dma_start3A_735] : memref<3872xi32, #tpu.memory_space<vmem>> -> memref<32xi32, #tpu.memory_space<vmem>>
    %dma_start3A_737 = tpu.memref_slice %arg3[%add3A_734] : memref<131072xi32, #tpu.memory_space<hbm>> -> memref<32xi32, #tpu.memory_space<hbm>>
    %dma_start3A_738 = arith.constant 2784 : i32
    %dma_start3A_739 = tpu.memref_slice %arg6[%dma_start3A_738] : memref<3872xi32, #tpu.memory_space<vmem>> -> memref<32xi32, #tpu.memory_space<vmem>>
    %dma_start3A_740 = tpu.memref_slice %arg3[%add3A_734] : memref<131072xi32, #tpu.memory_space<hbm>> -> memref<32xi32, #tpu.memory_space<hbm>>
    tpu.enqueue_dma source(%dma_start3A_740 : memref<32xi32, #tpu.memory_space<hbm>>) target(%dma_start3A_739 : memref<32xi32, #tpu.memory_space<vmem>>) target_semaphore(%arg9 : memref<!tpu.dma_semaphore, #tpu.memory_space<semaphore_mem>>)
    %add3A_741 = arith.constant 11264 : i32
    %add3A_742 = arith.addi %add3A_37, %add3A_741 : i32
    %dma_start3A_743 = arith.constant 2816 : i32
    %dma_start3A_744 = tpu.memref_slice %arg6[%dma_start3A_743] : memref<3872xi32, #tpu.memory_space<vmem>> -> memref<32xi32, #tpu.memory_space<vmem>>
    %dma_start3A_745 = tpu.memref_slice %arg3[%add3A_742] : memref<131072xi32, #tpu.memory_space<hbm>> -> memref<32xi32, #tpu.memory_space<hbm>>
    %dma_start3A_746 = arith.constant 2816 : i32
    %dma_start3A_747 = tpu.memref_slice %arg6[%dma_start3A_746] : memref<3872xi32, #tpu.memory_space<vmem>> -> memref<32xi32, #tpu.memory_space<vmem>>
    %dma_start3A_748 = tpu.memref_slice %arg3[%add3A_742] : memref<131072xi32, #tpu.memory_space<hbm>> -> memref<32xi32, #tpu.memory_space<hbm>>
    tpu.enqueue_dma source(%dma_start3A_748 : memref<32xi32, #tpu.memory_space<hbm>>) target(%dma_start3A_747 : memref<32xi32, #tpu.memory_space<vmem>>) target_semaphore(%arg9 : memref<!tpu.dma_semaphore, #tpu.memory_space<semaphore_mem>>)
    %add3A_749 = arith.constant 11392 : i32
    %add3A_750 = arith.addi %add3A_37, %add3A_749 : i32
    %dma_start3A_751 = arith.constant 2848 : i32
    %dma_start3A_752 = tpu.memref_slice %arg6[%dma_start3A_751] : memref<3872xi32, #tpu.memory_space<vmem>> -> memref<32xi32, #tpu.memory_space<vmem>>
    %dma_start3A_753 = tpu.memref_slice %arg3[%add3A_750] : memref<131072xi32, #tpu.memory_space<hbm>> -> memref<32xi32, #tpu.memory_space<hbm>>
    %dma_start3A_754 = arith.constant 2848 : i32
    %dma_start3A_755 = tpu.memref_slice %arg6[%dma_start3A_754] : memref<3872xi32, #tpu.memory_space<vmem>> -> memref<32xi32, #tpu.memory_space<vmem>>
    %dma_start3A_756 = tpu.memref_slice %arg3[%add3A_750] : memref<131072xi32, #tpu.memory_space<hbm>> -> memref<32xi32, #tpu.memory_space<hbm>>
    tpu.enqueue_dma source(%dma_start3A_756 : memref<32xi32, #tpu.memory_space<hbm>>) target(%dma_start3A_755 : memref<32xi32, #tpu.memory_space<vmem>>) target_semaphore(%arg9 : memref<!tpu.dma_semaphore, #tpu.memory_space<semaphore_mem>>)
    %add3A_757 = arith.constant 11520 : i32
    %add3A_758 = arith.addi %add3A_37, %add3A_757 : i32
    %dma_start3A_759 = arith.constant 2880 : i32
    %dma_start3A_760 = tpu.memref_slice %arg6[%dma_start3A_759] : memref<3872xi32, #tpu.memory_space<vmem>> -> memref<32xi32, #tpu.memory_space<vmem>>
    %dma_start3A_761 = tpu.memref_slice %arg3[%add3A_758] : memref<131072xi32, #tpu.memory_space<hbm>> -> memref<32xi32, #tpu.memory_space<hbm>>
    %dma_start3A_762 = arith.constant 2880 : i32
    %dma_start3A_763 = tpu.memref_slice %arg6[%dma_start3A_762] : memref<3872xi32, #tpu.memory_space<vmem>> -> memref<32xi32, #tpu.memory_space<vmem>>
    %dma_start3A_764 = tpu.memref_slice %arg3[%add3A_758] : memref<131072xi32, #tpu.memory_space<hbm>> -> memref<32xi32, #tpu.memory_space<hbm>>
    tpu.enqueue_dma source(%dma_start3A_764 : memref<32xi32, #tpu.memory_space<hbm>>) target(%dma_start3A_763 : memref<32xi32, #tpu.memory_space<vmem>>) target_semaphore(%arg9 : memref<!tpu.dma_semaphore, #tpu.memory_space<semaphore_mem>>)
    %add3A_765 = arith.constant 11648 : i32
    %add3A_766 = arith.addi %add3A_37, %add3A_765 : i32
    %dma_start3A_767 = arith.constant 2912 : i32
    %dma_start3A_768 = tpu.memref_slice %arg6[%dma_start3A_767] : memref<3872xi32, #tpu.memory_space<vmem>> -> memref<32xi32, #tpu.memory_space<vmem>>
    %dma_start3A_769 = tpu.memref_slice %arg3[%add3A_766] : memref<131072xi32, #tpu.memory_space<hbm>> -> memref<32xi32, #tpu.memory_space<hbm>>
    %dma_start3A_770 = arith.constant 2912 : i32
    %dma_start3A_771 = tpu.memref_slice %arg6[%dma_start3A_770] : memref<3872xi32, #tpu.memory_space<vmem>> -> memref<32xi32, #tpu.memory_space<vmem>>
    %dma_start3A_772 = tpu.memref_slice %arg3[%add3A_766] : memref<131072xi32, #tpu.memory_space<hbm>> -> memref<32xi32, #tpu.memory_space<hbm>>
    tpu.enqueue_dma source(%dma_start3A_772 : memref<32xi32, #tpu.memory_space<hbm>>) target(%dma_start3A_771 : memref<32xi32, #tpu.memory_space<vmem>>) target_semaphore(%arg9 : memref<!tpu.dma_semaphore, #tpu.memory_space<semaphore_mem>>)
    %add3A_773 = arith.constant 11776 : i32
    %add3A_774 = arith.addi %add3A_37, %add3A_773 : i32
    %dma_start3A_775 = arith.constant 2944 : i32
    %dma_start3A_776 = tpu.memref_slice %arg6[%dma_start3A_775] : memref<3872xi32, #tpu.memory_space<vmem>> -> memref<32xi32, #tpu.memory_space<vmem>>
    %dma_start3A_777 = tpu.memref_slice %arg3[%add3A_774] : memref<131072xi32, #tpu.memory_space<hbm>> -> memref<32xi32, #tpu.memory_space<hbm>>
    %dma_start3A_778 = arith.constant 2944 : i32
    %dma_start3A_779 = tpu.memref_slice %arg6[%dma_start3A_778] : memref<3872xi32, #tpu.memory_space<vmem>> -> memref<32xi32, #tpu.memory_space<vmem>>
    %dma_start3A_780 = tpu.memref_slice %arg3[%add3A_774] : memref<131072xi32, #tpu.memory_space<hbm>> -> memref<32xi32, #tpu.memory_space<hbm>>
    tpu.enqueue_dma source(%dma_start3A_780 : memref<32xi32, #tpu.memory_space<hbm>>) target(%dma_start3A_779 : memref<32xi32, #tpu.memory_space<vmem>>) target_semaphore(%arg9 : memref<!tpu.dma_semaphore, #tpu.memory_space<semaphore_mem>>)
    %add3A_781 = arith.constant 11904 : i32
    %add3A_782 = arith.addi %add3A_37, %add3A_781 : i32
    %dma_start3A_783 = arith.constant 2976 : i32
    %dma_start3A_784 = tpu.memref_slice %arg6[%dma_start3A_783] : memref<3872xi32, #tpu.memory_space<vmem>> -> memref<32xi32, #tpu.memory_space<vmem>>
    %dma_start3A_785 = tpu.memref_slice %arg3[%add3A_782] : memref<131072xi32, #tpu.memory_space<hbm>> -> memref<32xi32, #tpu.memory_space<hbm>>
    %dma_start3A_786 = arith.constant 2976 : i32
    %dma_start3A_787 = tpu.memref_slice %arg6[%dma_start3A_786] : memref<3872xi32, #tpu.memory_space<vmem>> -> memref<32xi32, #tpu.memory_space<vmem>>
    %dma_start3A_788 = tpu.memref_slice %arg3[%add3A_782] : memref<131072xi32, #tpu.memory_space<hbm>> -> memref<32xi32, #tpu.memory_space<hbm>>
    tpu.enqueue_dma source(%dma_start3A_788 : memref<32xi32, #tpu.memory_space<hbm>>) target(%dma_start3A_787 : memref<32xi32, #tpu.memory_space<vmem>>) target_semaphore(%arg9 : memref<!tpu.dma_semaphore, #tpu.memory_space<semaphore_mem>>)
    %add3A_789 = arith.constant 12032 : i32
    %add3A_790 = arith.addi %add3A_37, %add3A_789 : i32
    %dma_start3A_791 = arith.constant 3008 : i32
    %dma_start3A_792 = tpu.memref_slice %arg6[%dma_start3A_791] : memref<3872xi32, #tpu.memory_space<vmem>> -> memref<32xi32, #tpu.memory_space<vmem>>
    %dma_start3A_793 = tpu.memref_slice %arg3[%add3A_790] : memref<131072xi32, #tpu.memory_space<hbm>> -> memref<32xi32, #tpu.memory_space<hbm>>
    %dma_start3A_794 = arith.constant 3008 : i32
    %dma_start3A_795 = tpu.memref_slice %arg6[%dma_start3A_794] : memref<3872xi32, #tpu.memory_space<vmem>> -> memref<32xi32, #tpu.memory_space<vmem>>
    %dma_start3A_796 = tpu.memref_slice %arg3[%add3A_790] : memref<131072xi32, #tpu.memory_space<hbm>> -> memref<32xi32, #tpu.memory_space<hbm>>
    tpu.enqueue_dma source(%dma_start3A_796 : memref<32xi32, #tpu.memory_space<hbm>>) target(%dma_start3A_795 : memref<32xi32, #tpu.memory_space<vmem>>) target_semaphore(%arg9 : memref<!tpu.dma_semaphore, #tpu.memory_space<semaphore_mem>>)
    %add3A_797 = arith.constant 12160 : i32
    %add3A_798 = arith.addi %add3A_37, %add3A_797 : i32
    %dma_start3A_799 = arith.constant 3040 : i32
    %dma_start3A_800 = tpu.memref_slice %arg6[%dma_start3A_799] : memref<3872xi32, #tpu.memory_space<vmem>> -> memref<32xi32, #tpu.memory_space<vmem>>
    %dma_start3A_801 = tpu.memref_slice %arg3[%add3A_798] : memref<131072xi32, #tpu.memory_space<hbm>> -> memref<32xi32, #tpu.memory_space<hbm>>
    %dma_start3A_802 = arith.constant 3040 : i32
    %dma_start3A_803 = tpu.memref_slice %arg6[%dma_start3A_802] : memref<3872xi32, #tpu.memory_space<vmem>> -> memref<32xi32, #tpu.memory_space<vmem>>
    %dma_start3A_804 = tpu.memref_slice %arg3[%add3A_798] : memref<131072xi32, #tpu.memory_space<hbm>> -> memref<32xi32, #tpu.memory_space<hbm>>
    tpu.enqueue_dma source(%dma_start3A_804 : memref<32xi32, #tpu.memory_space<hbm>>) target(%dma_start3A_803 : memref<32xi32, #tpu.memory_space<vmem>>) target_semaphore(%arg9 : memref<!tpu.dma_semaphore, #tpu.memory_space<semaphore_mem>>)
    %add3A_805 = arith.constant 12288 : i32
    %add3A_806 = arith.addi %add3A_37, %add3A_805 : i32
    %dma_start3A_807 = arith.constant 3072 : i32
    %dma_start3A_808 = tpu.memref_slice %arg6[%dma_start3A_807] : memref<3872xi32, #tpu.memory_space<vmem>> -> memref<32xi32, #tpu.memory_space<vmem>>
    %dma_start3A_809 = tpu.memref_slice %arg3[%add3A_806] : memref<131072xi32, #tpu.memory_space<hbm>> -> memref<32xi32, #tpu.memory_space<hbm>>
    %dma_start3A_810 = arith.constant 3072 : i32
    %dma_start3A_811 = tpu.memref_slice %arg6[%dma_start3A_810] : memref<3872xi32, #tpu.memory_space<vmem>> -> memref<32xi32, #tpu.memory_space<vmem>>
    %dma_start3A_812 = tpu.memref_slice %arg3[%add3A_806] : memref<131072xi32, #tpu.memory_space<hbm>> -> memref<32xi32, #tpu.memory_space<hbm>>
    tpu.enqueue_dma source(%dma_start3A_812 : memref<32xi32, #tpu.memory_space<hbm>>) target(%dma_start3A_811 : memref<32xi32, #tpu.memory_space<vmem>>) target_semaphore(%arg9 : memref<!tpu.dma_semaphore, #tpu.memory_space<semaphore_mem>>)
    %add3A_813 = arith.constant 12416 : i32
    %add3A_814 = arith.addi %add3A_37, %add3A_813 : i32
    %dma_start3A_815 = arith.constant 3104 : i32
    %dma_start3A_816 = tpu.memref_slice %arg6[%dma_start3A_815] : memref<3872xi32, #tpu.memory_space<vmem>> -> memref<32xi32, #tpu.memory_space<vmem>>
    %dma_start3A_817 = tpu.memref_slice %arg3[%add3A_814] : memref<131072xi32, #tpu.memory_space<hbm>> -> memref<32xi32, #tpu.memory_space<hbm>>
    %dma_start3A_818 = arith.constant 3104 : i32
    %dma_start3A_819 = tpu.memref_slice %arg6[%dma_start3A_818] : memref<3872xi32, #tpu.memory_space<vmem>> -> memref<32xi32, #tpu.memory_space<vmem>>
    %dma_start3A_820 = tpu.memref_slice %arg3[%add3A_814] : memref<131072xi32, #tpu.memory_space<hbm>> -> memref<32xi32, #tpu.memory_space<hbm>>
    tpu.enqueue_dma source(%dma_start3A_820 : memref<32xi32, #tpu.memory_space<hbm>>) target(%dma_start3A_819 : memref<32xi32, #tpu.memory_space<vmem>>) target_semaphore(%arg9 : memref<!tpu.dma_semaphore, #tpu.memory_space<semaphore_mem>>)
    %add3A_821 = arith.constant 12544 : i32
    %add3A_822 = arith.addi %add3A_37, %add3A_821 : i32
    %dma_start3A_823 = arith.constant 3136 : i32
    %dma_start3A_824 = tpu.memref_slice %arg6[%dma_start3A_823] : memref<3872xi32, #tpu.memory_space<vmem>> -> memref<32xi32, #tpu.memory_space<vmem>>
    %dma_start3A_825 = tpu.memref_slice %arg3[%add3A_822] : memref<131072xi32, #tpu.memory_space<hbm>> -> memref<32xi32, #tpu.memory_space<hbm>>
    %dma_start3A_826 = arith.constant 3136 : i32
    %dma_start3A_827 = tpu.memref_slice %arg6[%dma_start3A_826] : memref<3872xi32, #tpu.memory_space<vmem>> -> memref<32xi32, #tpu.memory_space<vmem>>
    %dma_start3A_828 = tpu.memref_slice %arg3[%add3A_822] : memref<131072xi32, #tpu.memory_space<hbm>> -> memref<32xi32, #tpu.memory_space<hbm>>
    tpu.enqueue_dma source(%dma_start3A_828 : memref<32xi32, #tpu.memory_space<hbm>>) target(%dma_start3A_827 : memref<32xi32, #tpu.memory_space<vmem>>) target_semaphore(%arg9 : memref<!tpu.dma_semaphore, #tpu.memory_space<semaphore_mem>>)
    %add3A_829 = arith.constant 12672 : i32
    %add3A_830 = arith.addi %add3A_37, %add3A_829 : i32
    %dma_start3A_831 = arith.constant 3168 : i32
    %dma_start3A_832 = tpu.memref_slice %arg6[%dma_start3A_831] : memref<3872xi32, #tpu.memory_space<vmem>> -> memref<32xi32, #tpu.memory_space<vmem>>
    %dma_start3A_833 = tpu.memref_slice %arg3[%add3A_830] : memref<131072xi32, #tpu.memory_space<hbm>> -> memref<32xi32, #tpu.memory_space<hbm>>
    %dma_start3A_834 = arith.constant 3168 : i32
    %dma_start3A_835 = tpu.memref_slice %arg6[%dma_start3A_834] : memref<3872xi32, #tpu.memory_space<vmem>> -> memref<32xi32, #tpu.memory_space<vmem>>
    %dma_start3A_836 = tpu.memref_slice %arg3[%add3A_830] : memref<131072xi32, #tpu.memory_space<hbm>> -> memref<32xi32, #tpu.memory_space<hbm>>
    tpu.enqueue_dma source(%dma_start3A_836 : memref<32xi32, #tpu.memory_space<hbm>>) target(%dma_start3A_835 : memref<32xi32, #tpu.memory_space<vmem>>) target_semaphore(%arg9 : memref<!tpu.dma_semaphore, #tpu.memory_space<semaphore_mem>>)
    %add3A_837 = arith.constant 12800 : i32
    %add3A_838 = arith.addi %add3A_37, %add3A_837 : i32
    %dma_start3A_839 = arith.constant 3200 : i32
    %dma_start3A_840 = tpu.memref_slice %arg6[%dma_start3A_839] : memref<3872xi32, #tpu.memory_space<vmem>> -> memref<32xi32, #tpu.memory_space<vmem>>
    %dma_start3A_841 = tpu.memref_slice %arg3[%add3A_838] : memref<131072xi32, #tpu.memory_space<hbm>> -> memref<32xi32, #tpu.memory_space<hbm>>
    %dma_start3A_842 = arith.constant 3200 : i32
    %dma_start3A_843 = tpu.memref_slice %arg6[%dma_start3A_842] : memref<3872xi32, #tpu.memory_space<vmem>> -> memref<32xi32, #tpu.memory_space<vmem>>
    %dma_start3A_844 = tpu.memref_slice %arg3[%add3A_838] : memref<131072xi32, #tpu.memory_space<hbm>> -> memref<32xi32, #tpu.memory_space<hbm>>
    tpu.enqueue_dma source(%dma_start3A_844 : memref<32xi32, #tpu.memory_space<hbm>>) target(%dma_start3A_843 : memref<32xi32, #tpu.memory_space<vmem>>) target_semaphore(%arg9 : memref<!tpu.dma_semaphore, #tpu.memory_space<semaphore_mem>>)
    %add3A_845 = arith.constant 12928 : i32
    %add3A_846 = arith.addi %add3A_37, %add3A_845 : i32
    %dma_start3A_847 = arith.constant 3232 : i32
    %dma_start3A_848 = tpu.memref_slice %arg6[%dma_start3A_847] : memref<3872xi32, #tpu.memory_space<vmem>> -> memref<32xi32, #tpu.memory_space<vmem>>
    %dma_start3A_849 = tpu.memref_slice %arg3[%add3A_846] : memref<131072xi32, #tpu.memory_space<hbm>> -> memref<32xi32, #tpu.memory_space<hbm>>
    %dma_start3A_850 = arith.constant 3232 : i32
    %dma_start3A_851 = tpu.memref_slice %arg6[%dma_start3A_850] : memref<3872xi32, #tpu.memory_space<vmem>> -> memref<32xi32, #tpu.memory_space<vmem>>
    %dma_start3A_852 = tpu.memref_slice %arg3[%add3A_846] : memref<131072xi32, #tpu.memory_space<hbm>> -> memref<32xi32, #tpu.memory_space<hbm>>
    tpu.enqueue_dma source(%dma_start3A_852 : memref<32xi32, #tpu.memory_space<hbm>>) target(%dma_start3A_851 : memref<32xi32, #tpu.memory_space<vmem>>) target_semaphore(%arg9 : memref<!tpu.dma_semaphore, #tpu.memory_space<semaphore_mem>>)
    %add3A_853 = arith.constant 13056 : i32
    %add3A_854 = arith.addi %add3A_37, %add3A_853 : i32
    %dma_start3A_855 = arith.constant 3264 : i32
    %dma_start3A_856 = tpu.memref_slice %arg6[%dma_start3A_855] : memref<3872xi32, #tpu.memory_space<vmem>> -> memref<32xi32, #tpu.memory_space<vmem>>
    %dma_start3A_857 = tpu.memref_slice %arg3[%add3A_854] : memref<131072xi32, #tpu.memory_space<hbm>> -> memref<32xi32, #tpu.memory_space<hbm>>
    %dma_start3A_858 = arith.constant 3264 : i32
    %dma_start3A_859 = tpu.memref_slice %arg6[%dma_start3A_858] : memref<3872xi32, #tpu.memory_space<vmem>> -> memref<32xi32, #tpu.memory_space<vmem>>
    %dma_start3A_860 = tpu.memref_slice %arg3[%add3A_854] : memref<131072xi32, #tpu.memory_space<hbm>> -> memref<32xi32, #tpu.memory_space<hbm>>
    tpu.enqueue_dma source(%dma_start3A_860 : memref<32xi32, #tpu.memory_space<hbm>>) target(%dma_start3A_859 : memref<32xi32, #tpu.memory_space<vmem>>) target_semaphore(%arg9 : memref<!tpu.dma_semaphore, #tpu.memory_space<semaphore_mem>>)
    %add3A_861 = arith.constant 13184 : i32
    %add3A_862 = arith.addi %add3A_37, %add3A_861 : i32
    %dma_start3A_863 = arith.constant 3296 : i32
    %dma_start3A_864 = tpu.memref_slice %arg6[%dma_start3A_863] : memref<3872xi32, #tpu.memory_space<vmem>> -> memref<32xi32, #tpu.memory_space<vmem>>
    %dma_start3A_865 = tpu.memref_slice %arg3[%add3A_862] : memref<131072xi32, #tpu.memory_space<hbm>> -> memref<32xi32, #tpu.memory_space<hbm>>
    %dma_start3A_866 = arith.constant 3296 : i32
    %dma_start3A_867 = tpu.memref_slice %arg6[%dma_start3A_866] : memref<3872xi32, #tpu.memory_space<vmem>> -> memref<32xi32, #tpu.memory_space<vmem>>
    %dma_start3A_868 = tpu.memref_slice %arg3[%add3A_862] : memref<131072xi32, #tpu.memory_space<hbm>> -> memref<32xi32, #tpu.memory_space<hbm>>
    tpu.enqueue_dma source(%dma_start3A_868 : memref<32xi32, #tpu.memory_space<hbm>>) target(%dma_start3A_867 : memref<32xi32, #tpu.memory_space<vmem>>) target_semaphore(%arg9 : memref<!tpu.dma_semaphore, #tpu.memory_space<semaphore_mem>>)
    %add3A_869 = arith.constant 13312 : i32
    %add3A_870 = arith.addi %add3A_37, %add3A_869 : i32
    %dma_start3A_871 = arith.constant 3328 : i32
    %dma_start3A_872 = tpu.memref_slice %arg6[%dma_start3A_871] : memref<3872xi32, #tpu.memory_space<vmem>> -> memref<32xi32, #tpu.memory_space<vmem>>
    %dma_start3A_873 = tpu.memref_slice %arg3[%add3A_870] : memref<131072xi32, #tpu.memory_space<hbm>> -> memref<32xi32, #tpu.memory_space<hbm>>
    %dma_start3A_874 = arith.constant 3328 : i32
    %dma_start3A_875 = tpu.memref_slice %arg6[%dma_start3A_874] : memref<3872xi32, #tpu.memory_space<vmem>> -> memref<32xi32, #tpu.memory_space<vmem>>
    %dma_start3A_876 = tpu.memref_slice %arg3[%add3A_870] : memref<131072xi32, #tpu.memory_space<hbm>> -> memref<32xi32, #tpu.memory_space<hbm>>
    tpu.enqueue_dma source(%dma_start3A_876 : memref<32xi32, #tpu.memory_space<hbm>>) target(%dma_start3A_875 : memref<32xi32, #tpu.memory_space<vmem>>) target_semaphore(%arg9 : memref<!tpu.dma_semaphore, #tpu.memory_space<semaphore_mem>>)
    %add3A_877 = arith.constant 13440 : i32
    %add3A_878 = arith.addi %add3A_37, %add3A_877 : i32
    %dma_start3A_879 = arith.constant 3360 : i32
    %dma_start3A_880 = tpu.memref_slice %arg6[%dma_start3A_879] : memref<3872xi32, #tpu.memory_space<vmem>> -> memref<32xi32, #tpu.memory_space<vmem>>
    %dma_start3A_881 = tpu.memref_slice %arg3[%add3A_878] : memref<131072xi32, #tpu.memory_space<hbm>> -> memref<32xi32, #tpu.memory_space<hbm>>
    %dma_start3A_882 = arith.constant 3360 : i32
    %dma_start3A_883 = tpu.memref_slice %arg6[%dma_start3A_882] : memref<3872xi32, #tpu.memory_space<vmem>> -> memref<32xi32, #tpu.memory_space<vmem>>
    %dma_start3A_884 = tpu.memref_slice %arg3[%add3A_878] : memref<131072xi32, #tpu.memory_space<hbm>> -> memref<32xi32, #tpu.memory_space<hbm>>
    tpu.enqueue_dma source(%dma_start3A_884 : memref<32xi32, #tpu.memory_space<hbm>>) target(%dma_start3A_883 : memref<32xi32, #tpu.memory_space<vmem>>) target_semaphore(%arg9 : memref<!tpu.dma_semaphore, #tpu.memory_space<semaphore_mem>>)
    %add3A_885 = arith.constant 13568 : i32
    %add3A_886 = arith.addi %add3A_37, %add3A_885 : i32
    %dma_start3A_887 = arith.constant 3392 : i32
    %dma_start3A_888 = tpu.memref_slice %arg6[%dma_start3A_887] : memref<3872xi32, #tpu.memory_space<vmem>> -> memref<32xi32, #tpu.memory_space<vmem>>
    %dma_start3A_889 = tpu.memref_slice %arg3[%add3A_886] : memref<131072xi32, #tpu.memory_space<hbm>> -> memref<32xi32, #tpu.memory_space<hbm>>
    %dma_start3A_890 = arith.constant 3392 : i32
    %dma_start3A_891 = tpu.memref_slice %arg6[%dma_start3A_890] : memref<3872xi32, #tpu.memory_space<vmem>> -> memref<32xi32, #tpu.memory_space<vmem>>
    %dma_start3A_892 = tpu.memref_slice %arg3[%add3A_886] : memref<131072xi32, #tpu.memory_space<hbm>> -> memref<32xi32, #tpu.memory_space<hbm>>
    tpu.enqueue_dma source(%dma_start3A_892 : memref<32xi32, #tpu.memory_space<hbm>>) target(%dma_start3A_891 : memref<32xi32, #tpu.memory_space<vmem>>) target_semaphore(%arg9 : memref<!tpu.dma_semaphore, #tpu.memory_space<semaphore_mem>>)
    %add3A_893 = arith.constant 13696 : i32
    %add3A_894 = arith.addi %add3A_37, %add3A_893 : i32
    %dma_start3A_895 = arith.constant 3424 : i32
    %dma_start3A_896 = tpu.memref_slice %arg6[%dma_start3A_895] : memref<3872xi32, #tpu.memory_space<vmem>> -> memref<32xi32, #tpu.memory_space<vmem>>
    %dma_start3A_897 = tpu.memref_slice %arg3[%add3A_894] : memref<131072xi32, #tpu.memory_space<hbm>> -> memref<32xi32, #tpu.memory_space<hbm>>
    %dma_start3A_898 = arith.constant 3424 : i32
    %dma_start3A_899 = tpu.memref_slice %arg6[%dma_start3A_898] : memref<3872xi32, #tpu.memory_space<vmem>> -> memref<32xi32, #tpu.memory_space<vmem>>
    %dma_start3A_900 = tpu.memref_slice %arg3[%add3A_894] : memref<131072xi32, #tpu.memory_space<hbm>> -> memref<32xi32, #tpu.memory_space<hbm>>
    tpu.enqueue_dma source(%dma_start3A_900 : memref<32xi32, #tpu.memory_space<hbm>>) target(%dma_start3A_899 : memref<32xi32, #tpu.memory_space<vmem>>) target_semaphore(%arg9 : memref<!tpu.dma_semaphore, #tpu.memory_space<semaphore_mem>>)
    %add3A_901 = arith.constant 13824 : i32
    %add3A_902 = arith.addi %add3A_37, %add3A_901 : i32
    %dma_start3A_903 = arith.constant 3456 : i32
    %dma_start3A_904 = tpu.memref_slice %arg6[%dma_start3A_903] : memref<3872xi32, #tpu.memory_space<vmem>> -> memref<32xi32, #tpu.memory_space<vmem>>
    %dma_start3A_905 = tpu.memref_slice %arg3[%add3A_902] : memref<131072xi32, #tpu.memory_space<hbm>> -> memref<32xi32, #tpu.memory_space<hbm>>
    %dma_start3A_906 = arith.constant 3456 : i32
    %dma_start3A_907 = tpu.memref_slice %arg6[%dma_start3A_906] : memref<3872xi32, #tpu.memory_space<vmem>> -> memref<32xi32, #tpu.memory_space<vmem>>
    %dma_start3A_908 = tpu.memref_slice %arg3[%add3A_902] : memref<131072xi32, #tpu.memory_space<hbm>> -> memref<32xi32, #tpu.memory_space<hbm>>
    tpu.enqueue_dma source(%dma_start3A_908 : memref<32xi32, #tpu.memory_space<hbm>>) target(%dma_start3A_907 : memref<32xi32, #tpu.memory_space<vmem>>) target_semaphore(%arg9 : memref<!tpu.dma_semaphore, #tpu.memory_space<semaphore_mem>>)
    %add3A_909 = arith.constant 13952 : i32
    %add3A_910 = arith.addi %add3A_37, %add3A_909 : i32
    %dma_start3A_911 = arith.constant 3488 : i32
    %dma_start3A_912 = tpu.memref_slice %arg6[%dma_start3A_911] : memref<3872xi32, #tpu.memory_space<vmem>> -> memref<32xi32, #tpu.memory_space<vmem>>
    %dma_start3A_913 = tpu.memref_slice %arg3[%add3A_910] : memref<131072xi32, #tpu.memory_space<hbm>> -> memref<32xi32, #tpu.memory_space<hbm>>
    %dma_start3A_914 = arith.constant 3488 : i32
    %dma_start3A_915 = tpu.memref_slice %arg6[%dma_start3A_914] : memref<3872xi32, #tpu.memory_space<vmem>> -> memref<32xi32, #tpu.memory_space<vmem>>
    %dma_start3A_916 = tpu.memref_slice %arg3[%add3A_910] : memref<131072xi32, #tpu.memory_space<hbm>> -> memref<32xi32, #tpu.memory_space<hbm>>
    tpu.enqueue_dma source(%dma_start3A_916 : memref<32xi32, #tpu.memory_space<hbm>>) target(%dma_start3A_915 : memref<32xi32, #tpu.memory_space<vmem>>) target_semaphore(%arg9 : memref<!tpu.dma_semaphore, #tpu.memory_space<semaphore_mem>>)
    %add3A_917 = arith.constant 14080 : i32
    %add3A_918 = arith.addi %add3A_37, %add3A_917 : i32
    %dma_start3A_919 = arith.constant 3520 : i32
    %dma_start3A_920 = tpu.memref_slice %arg6[%dma_start3A_919] : memref<3872xi32, #tpu.memory_space<vmem>> -> memref<32xi32, #tpu.memory_space<vmem>>
    %dma_start3A_921 = tpu.memref_slice %arg3[%add3A_918] : memref<131072xi32, #tpu.memory_space<hbm>> -> memref<32xi32, #tpu.memory_space<hbm>>
    %dma_start3A_922 = arith.constant 3520 : i32
    %dma_start3A_923 = tpu.memref_slice %arg6[%dma_start3A_922] : memref<3872xi32, #tpu.memory_space<vmem>> -> memref<32xi32, #tpu.memory_space<vmem>>
    %dma_start3A_924 = tpu.memref_slice %arg3[%add3A_918] : memref<131072xi32, #tpu.memory_space<hbm>> -> memref<32xi32, #tpu.memory_space<hbm>>
    tpu.enqueue_dma source(%dma_start3A_924 : memref<32xi32, #tpu.memory_space<hbm>>) target(%dma_start3A_923 : memref<32xi32, #tpu.memory_space<vmem>>) target_semaphore(%arg9 : memref<!tpu.dma_semaphore, #tpu.memory_space<semaphore_mem>>)
    %add3A_925 = arith.constant 14208 : i32
    %add3A_926 = arith.addi %add3A_37, %add3A_925 : i32
    %dma_start3A_927 = arith.constant 3552 : i32
    %dma_start3A_928 = tpu.memref_slice %arg6[%dma_start3A_927] : memref<3872xi32, #tpu.memory_space<vmem>> -> memref<32xi32, #tpu.memory_space<vmem>>
    %dma_start3A_929 = tpu.memref_slice %arg3[%add3A_926] : memref<131072xi32, #tpu.memory_space<hbm>> -> memref<32xi32, #tpu.memory_space<hbm>>
    %dma_start3A_930 = arith.constant 3552 : i32
    %dma_start3A_931 = tpu.memref_slice %arg6[%dma_start3A_930] : memref<3872xi32, #tpu.memory_space<vmem>> -> memref<32xi32, #tpu.memory_space<vmem>>
    %dma_start3A_932 = tpu.memref_slice %arg3[%add3A_926] : memref<131072xi32, #tpu.memory_space<hbm>> -> memref<32xi32, #tpu.memory_space<hbm>>
    tpu.enqueue_dma source(%dma_start3A_932 : memref<32xi32, #tpu.memory_space<hbm>>) target(%dma_start3A_931 : memref<32xi32, #tpu.memory_space<vmem>>) target_semaphore(%arg9 : memref<!tpu.dma_semaphore, #tpu.memory_space<semaphore_mem>>)
    %add3A_933 = arith.constant 14336 : i32
    %add3A_934 = arith.addi %add3A_37, %add3A_933 : i32
    %dma_start3A_935 = arith.constant 3584 : i32
    %dma_start3A_936 = tpu.memref_slice %arg6[%dma_start3A_935] : memref<3872xi32, #tpu.memory_space<vmem>> -> memref<32xi32, #tpu.memory_space<vmem>>
    %dma_start3A_937 = tpu.memref_slice %arg3[%add3A_934] : memref<131072xi32, #tpu.memory_space<hbm>> -> memref<32xi32, #tpu.memory_space<hbm>>
    %dma_start3A_938 = arith.constant 3584 : i32
    %dma_start3A_939 = tpu.memref_slice %arg6[%dma_start3A_938] : memref<3872xi32, #tpu.memory_space<vmem>> -> memref<32xi32, #tpu.memory_space<vmem>>
    %dma_start3A_940 = tpu.memref_slice %arg3[%add3A_934] : memref<131072xi32, #tpu.memory_space<hbm>> -> memref<32xi32, #tpu.memory_space<hbm>>
    tpu.enqueue_dma source(%dma_start3A_940 : memref<32xi32, #tpu.memory_space<hbm>>) target(%dma_start3A_939 : memref<32xi32, #tpu.memory_space<vmem>>) target_semaphore(%arg9 : memref<!tpu.dma_semaphore, #tpu.memory_space<semaphore_mem>>)
    %add3A_941 = arith.constant 14464 : i32
    %add3A_942 = arith.addi %add3A_37, %add3A_941 : i32
    %dma_start3A_943 = arith.constant 3616 : i32
    %dma_start3A_944 = tpu.memref_slice %arg6[%dma_start3A_943] : memref<3872xi32, #tpu.memory_space<vmem>> -> memref<32xi32, #tpu.memory_space<vmem>>
    %dma_start3A_945 = tpu.memref_slice %arg3[%add3A_942] : memref<131072xi32, #tpu.memory_space<hbm>> -> memref<32xi32, #tpu.memory_space<hbm>>
    %dma_start3A_946 = arith.constant 3616 : i32
    %dma_start3A_947 = tpu.memref_slice %arg6[%dma_start3A_946] : memref<3872xi32, #tpu.memory_space<vmem>> -> memref<32xi32, #tpu.memory_space<vmem>>
    %dma_start3A_948 = tpu.memref_slice %arg3[%add3A_942] : memref<131072xi32, #tpu.memory_space<hbm>> -> memref<32xi32, #tpu.memory_space<hbm>>
    tpu.enqueue_dma source(%dma_start3A_948 : memref<32xi32, #tpu.memory_space<hbm>>) target(%dma_start3A_947 : memref<32xi32, #tpu.memory_space<vmem>>) target_semaphore(%arg9 : memref<!tpu.dma_semaphore, #tpu.memory_space<semaphore_mem>>)
    %add3A_949 = arith.constant 14592 : i32
    %add3A_950 = arith.addi %add3A_37, %add3A_949 : i32
    %dma_start3A_951 = arith.constant 3648 : i32
    %dma_start3A_952 = tpu.memref_slice %arg6[%dma_start3A_951] : memref<3872xi32, #tpu.memory_space<vmem>> -> memref<32xi32, #tpu.memory_space<vmem>>
    %dma_start3A_953 = tpu.memref_slice %arg3[%add3A_950] : memref<131072xi32, #tpu.memory_space<hbm>> -> memref<32xi32, #tpu.memory_space<hbm>>
    %dma_start3A_954 = arith.constant 3648 : i32
    %dma_start3A_955 = tpu.memref_slice %arg6[%dma_start3A_954] : memref<3872xi32, #tpu.memory_space<vmem>> -> memref<32xi32, #tpu.memory_space<vmem>>
    %dma_start3A_956 = tpu.memref_slice %arg3[%add3A_950] : memref<131072xi32, #tpu.memory_space<hbm>> -> memref<32xi32, #tpu.memory_space<hbm>>
    tpu.enqueue_dma source(%dma_start3A_956 : memref<32xi32, #tpu.memory_space<hbm>>) target(%dma_start3A_955 : memref<32xi32, #tpu.memory_space<vmem>>) target_semaphore(%arg9 : memref<!tpu.dma_semaphore, #tpu.memory_space<semaphore_mem>>)
    %add3A_957 = arith.constant 14720 : i32
    %add3A_958 = arith.addi %add3A_37, %add3A_957 : i32
    %dma_start3A_959 = arith.constant 3680 : i32
    %dma_start3A_960 = tpu.memref_slice %arg6[%dma_start3A_959] : memref<3872xi32, #tpu.memory_space<vmem>> -> memref<32xi32, #tpu.memory_space<vmem>>
    %dma_start3A_961 = tpu.memref_slice %arg3[%add3A_958] : memref<131072xi32, #tpu.memory_space<hbm>> -> memref<32xi32, #tpu.memory_space<hbm>>
    %dma_start3A_962 = arith.constant 3680 : i32
    %dma_start3A_963 = tpu.memref_slice %arg6[%dma_start3A_962] : memref<3872xi32, #tpu.memory_space<vmem>> -> memref<32xi32, #tpu.memory_space<vmem>>
    %dma_start3A_964 = tpu.memref_slice %arg3[%add3A_958] : memref<131072xi32, #tpu.memory_space<hbm>> -> memref<32xi32, #tpu.memory_space<hbm>>
    tpu.enqueue_dma source(%dma_start3A_964 : memref<32xi32, #tpu.memory_space<hbm>>) target(%dma_start3A_963 : memref<32xi32, #tpu.memory_space<vmem>>) target_semaphore(%arg9 : memref<!tpu.dma_semaphore, #tpu.memory_space<semaphore_mem>>)
    %add3A_965 = arith.constant 14848 : i32
    %add3A_966 = arith.addi %add3A_37, %add3A_965 : i32
    %dma_start3A_967 = arith.constant 3712 : i32
    %dma_start3A_968 = tpu.memref_slice %arg6[%dma_start3A_967] : memref<3872xi32, #tpu.memory_space<vmem>> -> memref<32xi32, #tpu.memory_space<vmem>>
    %dma_start3A_969 = tpu.memref_slice %arg3[%add3A_966] : memref<131072xi32, #tpu.memory_space<hbm>> -> memref<32xi32, #tpu.memory_space<hbm>>
    %dma_start3A_970 = arith.constant 3712 : i32
    %dma_start3A_971 = tpu.memref_slice %arg6[%dma_start3A_970] : memref<3872xi32, #tpu.memory_space<vmem>> -> memref<32xi32, #tpu.memory_space<vmem>>
    %dma_start3A_972 = tpu.memref_slice %arg3[%add3A_966] : memref<131072xi32, #tpu.memory_space<hbm>> -> memref<32xi32, #tpu.memory_space<hbm>>
    tpu.enqueue_dma source(%dma_start3A_972 : memref<32xi32, #tpu.memory_space<hbm>>) target(%dma_start3A_971 : memref<32xi32, #tpu.memory_space<vmem>>) target_semaphore(%arg9 : memref<!tpu.dma_semaphore, #tpu.memory_space<semaphore_mem>>)
    %add3A_973 = arith.constant 14976 : i32
    %add3A_974 = arith.addi %add3A_37, %add3A_973 : i32
    %dma_start3A_975 = arith.constant 3744 : i32
    %dma_start3A_976 = tpu.memref_slice %arg6[%dma_start3A_975] : memref<3872xi32, #tpu.memory_space<vmem>> -> memref<32xi32, #tpu.memory_space<vmem>>
    %dma_start3A_977 = tpu.memref_slice %arg3[%add3A_974] : memref<131072xi32, #tpu.memory_space<hbm>> -> memref<32xi32, #tpu.memory_space<hbm>>
    %dma_start3A_978 = arith.constant 3744 : i32
    %dma_start3A_979 = tpu.memref_slice %arg6[%dma_start3A_978] : memref<3872xi32, #tpu.memory_space<vmem>> -> memref<32xi32, #tpu.memory_space<vmem>>
    %dma_start3A_980 = tpu.memref_slice %arg3[%add3A_974] : memref<131072xi32, #tpu.memory_space<hbm>> -> memref<32xi32, #tpu.memory_space<hbm>>
    tpu.enqueue_dma source(%dma_start3A_980 : memref<32xi32, #tpu.memory_space<hbm>>) target(%dma_start3A_979 : memref<32xi32, #tpu.memory_space<vmem>>) target_semaphore(%arg9 : memref<!tpu.dma_semaphore, #tpu.memory_space<semaphore_mem>>)
    %add3A_981 = arith.constant 15104 : i32
    %add3A_982 = arith.addi %add3A_37, %add3A_981 : i32
    %dma_start3A_983 = arith.constant 3776 : i32
    %dma_start3A_984 = tpu.memref_slice %arg6[%dma_start3A_983] : memref<3872xi32, #tpu.memory_space<vmem>> -> memref<32xi32, #tpu.memory_space<vmem>>
    %dma_start3A_985 = tpu.memref_slice %arg3[%add3A_982] : memref<131072xi32, #tpu.memory_space<hbm>> -> memref<32xi32, #tpu.memory_space<hbm>>
    %dma_start3A_986 = arith.constant 3776 : i32
    %dma_start3A_987 = tpu.memref_slice %arg6[%dma_start3A_986] : memref<3872xi32, #tpu.memory_space<vmem>> -> memref<32xi32, #tpu.memory_space<vmem>>
    %dma_start3A_988 = tpu.memref_slice %arg3[%add3A_982] : memref<131072xi32, #tpu.memory_space<hbm>> -> memref<32xi32, #tpu.memory_space<hbm>>
    tpu.enqueue_dma source(%dma_start3A_988 : memref<32xi32, #tpu.memory_space<hbm>>) target(%dma_start3A_987 : memref<32xi32, #tpu.memory_space<vmem>>) target_semaphore(%arg9 : memref<!tpu.dma_semaphore, #tpu.memory_space<semaphore_mem>>)
    %add3A_989 = arith.constant 15232 : i32
    %add3A_990 = arith.addi %add3A_37, %add3A_989 : i32
    %dma_start3A_991 = arith.constant 3808 : i32
    %dma_start3A_992 = tpu.memref_slice %arg6[%dma_start3A_991] : memref<3872xi32, #tpu.memory_space<vmem>> -> memref<32xi32, #tpu.memory_space<vmem>>
    %dma_start3A_993 = tpu.memref_slice %arg3[%add3A_990] : memref<131072xi32, #tpu.memory_space<hbm>> -> memref<32xi32, #tpu.memory_space<hbm>>
    %dma_start3A_994 = arith.constant 3808 : i32
    %dma_start3A_995 = tpu.memref_slice %arg6[%dma_start3A_994] : memref<3872xi32, #tpu.memory_space<vmem>> -> memref<32xi32, #tpu.memory_space<vmem>>
    %dma_start3A_996 = tpu.memref_slice %arg3[%add3A_990] : memref<131072xi32, #tpu.memory_space<hbm>> -> memref<32xi32, #tpu.memory_space<hbm>>
    tpu.enqueue_dma source(%dma_start3A_996 : memref<32xi32, #tpu.memory_space<hbm>>) target(%dma_start3A_995 : memref<32xi32, #tpu.memory_space<vmem>>) target_semaphore(%arg9 : memref<!tpu.dma_semaphore, #tpu.memory_space<semaphore_mem>>)
    %add3A_997 = arith.constant 15360 : i32
    %add3A_998 = arith.addi %add3A_37, %add3A_997 : i32
    %dma_start3A_999 = arith.constant 3840 : i32
    %dma_start3A_1000 = tpu.memref_slice %arg6[%dma_start3A_999] : memref<3872xi32, #tpu.memory_space<vmem>> -> memref<32xi32, #tpu.memory_space<vmem>>
    %dma_start3A_1001 = tpu.memref_slice %arg3[%add3A_998] : memref<131072xi32, #tpu.memory_space<hbm>> -> memref<32xi32, #tpu.memory_space<hbm>>
    %dma_start3A_1002 = arith.constant 3840 : i32
    %dma_start3A_1003 = tpu.memref_slice %arg6[%dma_start3A_1002] : memref<3872xi32, #tpu.memory_space<vmem>> -> memref<32xi32, #tpu.memory_space<vmem>>
    %dma_start3A_1004 = tpu.memref_slice %arg3[%add3A_998] : memref<131072xi32, #tpu.memory_space<hbm>> -> memref<32xi32, #tpu.memory_space<hbm>>
    tpu.enqueue_dma source(%dma_start3A_1004 : memref<32xi32, #tpu.memory_space<hbm>>) target(%dma_start3A_1003 : memref<32xi32, #tpu.memory_space<vmem>>) target_semaphore(%arg9 : memref<!tpu.dma_semaphore, #tpu.memory_space<semaphore_mem>>)
    %dma_wait3A = arith.constant 0 : i32
    %dma_wait3A_1005 = tpu.memref_slice %arg6[%dma_wait3A] : memref<3872xi32, #tpu.memory_space<vmem>> -> memref<32xi32, #tpu.memory_space<vmem>>
    %dma_wait3A_1006 = tpu.memref_slice %arg3[%add3A_39] : memref<131072xi32, #tpu.memory_space<hbm>> -> memref<32xi32, #tpu.memory_space<hbm>>
    %dma_wait3A_1007 = arith.constant 0 : i32
    %dma_wait3A_1008 = tpu.memref_slice %arg6[%dma_wait3A_1007] : memref<3872xi32, #tpu.memory_space<vmem>> -> memref<32xi32, #tpu.memory_space<vmem>>
    %dma_wait3A_1009 = tpu.memref_slice %arg3[%add3A_39] : memref<131072xi32, #tpu.memory_space<hbm>> -> memref<32xi32, #tpu.memory_space<hbm>>
    tpu.wait_dma2 semaphore(%arg9 : memref<!tpu.dma_semaphore, #tpu.memory_space<semaphore_mem>>) src(%dma_wait3A_1009 : memref<32xi32, #tpu.memory_space<hbm>>) dst(%dma_wait3A_1008 : memref<32xi32, #tpu.memory_space<vmem>>)
    %dma_wait3A_1010 = arith.constant 32 : i32
    %dma_wait3A_1011 = tpu.memref_slice %arg6[%dma_wait3A_1010] : memref<3872xi32, #tpu.memory_space<vmem>> -> memref<32xi32, #tpu.memory_space<vmem>>
    %dma_wait3A_1012 = tpu.memref_slice %arg3[%add3A_46] : memref<131072xi32, #tpu.memory_space<hbm>> -> memref<32xi32, #tpu.memory_space<hbm>>
    %dma_wait3A_1013 = arith.constant 32 : i32
    %dma_wait3A_1014 = tpu.memref_slice %arg6[%dma_wait3A_1013] : memref<3872xi32, #tpu.memory_space<vmem>> -> memref<32xi32, #tpu.memory_space<vmem>>
    %dma_wait3A_1015 = tpu.memref_slice %arg3[%add3A_46] : memref<131072xi32, #tpu.memory_space<hbm>> -> memref<32xi32, #tpu.memory_space<hbm>>
    tpu.wait_dma2 semaphore(%arg9 : memref<!tpu.dma_semaphore, #tpu.memory_space<semaphore_mem>>) src(%dma_wait3A_1015 : memref<32xi32, #tpu.memory_space<hbm>>) dst(%dma_wait3A_1014 : memref<32xi32, #tpu.memory_space<vmem>>)
    %dma_wait3A_1016 = arith.constant 64 : i32
    %dma_wait3A_1017 = tpu.memref_slice %arg6[%dma_wait3A_1016] : memref<3872xi32, #tpu.memory_space<vmem>> -> memref<32xi32, #tpu.memory_space<vmem>>
    %dma_wait3A_1018 = tpu.memref_slice %arg3[%add3A_54] : memref<131072xi32, #tpu.memory_space<hbm>> -> memref<32xi32, #tpu.memory_space<hbm>>
    %dma_wait3A_1019 = arith.constant 64 : i32
    %dma_wait3A_1020 = tpu.memref_slice %arg6[%dma_wait3A_1019] : memref<3872xi32, #tpu.memory_space<vmem>> -> memref<32xi32, #tpu.memory_space<vmem>>
    %dma_wait3A_1021 = tpu.memref_slice %arg3[%add3A_54] : memref<131072xi32, #tpu.memory_space<hbm>> -> memref<32xi32, #tpu.memory_space<hbm>>
    tpu.wait_dma2 semaphore(%arg9 : memref<!tpu.dma_semaphore, #tpu.memory_space<semaphore_mem>>) src(%dma_wait3A_1021 : memref<32xi32, #tpu.memory_space<hbm>>) dst(%dma_wait3A_1020 : memref<32xi32, #tpu.memory_space<vmem>>)
    %dma_wait3A_1022 = arith.constant 96 : i32
    %dma_wait3A_1023 = tpu.memref_slice %arg6[%dma_wait3A_1022] : memref<3872xi32, #tpu.memory_space<vmem>> -> memref<32xi32, #tpu.memory_space<vmem>>
    %dma_wait3A_1024 = tpu.memref_slice %arg3[%add3A_62] : memref<131072xi32, #tpu.memory_space<hbm>> -> memref<32xi32, #tpu.memory_space<hbm>>
    %dma_wait3A_1025 = arith.constant 96 : i32
    %dma_wait3A_1026 = tpu.memref_slice %arg6[%dma_wait3A_1025] : memref<3872xi32, #tpu.memory_space<vmem>> -> memref<32xi32, #tpu.memory_space<vmem>>
    %dma_wait3A_1027 = tpu.memref_slice %arg3[%add3A_62] : memref<131072xi32, #tpu.memory_space<hbm>> -> memref<32xi32, #tpu.memory_space<hbm>>
    tpu.wait_dma2 semaphore(%arg9 : memref<!tpu.dma_semaphore, #tpu.memory_space<semaphore_mem>>) src(%dma_wait3A_1027 : memref<32xi32, #tpu.memory_space<hbm>>) dst(%dma_wait3A_1026 : memref<32xi32, #tpu.memory_space<vmem>>)
    %dma_wait3A_1028 = arith.constant 128 : i32
    %dma_wait3A_1029 = tpu.memref_slice %arg6[%dma_wait3A_1028] : memref<3872xi32, #tpu.memory_space<vmem>> -> memref<32xi32, #tpu.memory_space<vmem>>
    %dma_wait3A_1030 = tpu.memref_slice %arg3[%add3A_70] : memref<131072xi32, #tpu.memory_space<hbm>> -> memref<32xi32, #tpu.memory_space<hbm>>
    %dma_wait3A_1031 = arith.constant 128 : i32
    %dma_wait3A_1032 = tpu.memref_slice %arg6[%dma_wait3A_1031] : memref<3872xi32, #tpu.memory_space<vmem>> -> memref<32xi32, #tpu.memory_space<vmem>>
    %dma_wait3A_1033 = tpu.memref_slice %arg3[%add3A_70] : memref<131072xi32, #tpu.memory_space<hbm>> -> memref<32xi32, #tpu.memory_space<hbm>>
    tpu.wait_dma2 semaphore(%arg9 : memref<!tpu.dma_semaphore, #tpu.memory_space<semaphore_mem>>) src(%dma_wait3A_1033 : memref<32xi32, #tpu.memory_space<hbm>>) dst(%dma_wait3A_1032 : memref<32xi32, #tpu.memory_space<vmem>>)
    %dma_wait3A_1034 = arith.constant 160 : i32
    %dma_wait3A_1035 = tpu.memref_slice %arg6[%dma_wait3A_1034] : memref<3872xi32, #tpu.memory_space<vmem>> -> memref<32xi32, #tpu.memory_space<vmem>>
    %dma_wait3A_1036 = tpu.memref_slice %arg3[%add3A_78] : memref<131072xi32, #tpu.memory_space<hbm>> -> memref<32xi32, #tpu.memory_space<hbm>>
    %dma_wait3A_1037 = arith.constant 160 : i32
    %dma_wait3A_1038 = tpu.memref_slice %arg6[%dma_wait3A_1037] : memref<3872xi32, #tpu.memory_space<vmem>> -> memref<32xi32, #tpu.memory_space<vmem>>
    %dma_wait3A_1039 = tpu.memref_slice %arg3[%add3A_78] : memref<131072xi32, #tpu.memory_space<hbm>> -> memref<32xi32, #tpu.memory_space<hbm>>
    tpu.wait_dma2 semaphore(%arg9 : memref<!tpu.dma_semaphore, #tpu.memory_space<semaphore_mem>>) src(%dma_wait3A_1039 : memref<32xi32, #tpu.memory_space<hbm>>) dst(%dma_wait3A_1038 : memref<32xi32, #tpu.memory_space<vmem>>)
    %dma_wait3A_1040 = arith.constant 192 : i32
    %dma_wait3A_1041 = tpu.memref_slice %arg6[%dma_wait3A_1040] : memref<3872xi32, #tpu.memory_space<vmem>> -> memref<32xi32, #tpu.memory_space<vmem>>
    %dma_wait3A_1042 = tpu.memref_slice %arg3[%add3A_86] : memref<131072xi32, #tpu.memory_space<hbm>> -> memref<32xi32, #tpu.memory_space<hbm>>
    %dma_wait3A_1043 = arith.constant 192 : i32
    %dma_wait3A_1044 = tpu.memref_slice %arg6[%dma_wait3A_1043] : memref<3872xi32, #tpu.memory_space<vmem>> -> memref<32xi32, #tpu.memory_space<vmem>>
    %dma_wait3A_1045 = tpu.memref_slice %arg3[%add3A_86] : memref<131072xi32, #tpu.memory_space<hbm>> -> memref<32xi32, #tpu.memory_space<hbm>>
    tpu.wait_dma2 semaphore(%arg9 : memref<!tpu.dma_semaphore, #tpu.memory_space<semaphore_mem>>) src(%dma_wait3A_1045 : memref<32xi32, #tpu.memory_space<hbm>>) dst(%dma_wait3A_1044 : memref<32xi32, #tpu.memory_space<vmem>>)
    %dma_wait3A_1046 = arith.constant 224 : i32
    %dma_wait3A_1047 = tpu.memref_slice %arg6[%dma_wait3A_1046] : memref<3872xi32, #tpu.memory_space<vmem>> -> memref<32xi32, #tpu.memory_space<vmem>>
    %dma_wait3A_1048 = tpu.memref_slice %arg3[%add3A_94] : memref<131072xi32, #tpu.memory_space<hbm>> -> memref<32xi32, #tpu.memory_space<hbm>>
    %dma_wait3A_1049 = arith.constant 224 : i32
    %dma_wait3A_1050 = tpu.memref_slice %arg6[%dma_wait3A_1049] : memref<3872xi32, #tpu.memory_space<vmem>> -> memref<32xi32, #tpu.memory_space<vmem>>
    %dma_wait3A_1051 = tpu.memref_slice %arg3[%add3A_94] : memref<131072xi32, #tpu.memory_space<hbm>> -> memref<32xi32, #tpu.memory_space<hbm>>
    tpu.wait_dma2 semaphore(%arg9 : memref<!tpu.dma_semaphore, #tpu.memory_space<semaphore_mem>>) src(%dma_wait3A_1051 : memref<32xi32, #tpu.memory_space<hbm>>) dst(%dma_wait3A_1050 : memref<32xi32, #tpu.memory_space<vmem>>)
    %dma_wait3A_1052 = arith.constant 256 : i32
    %dma_wait3A_1053 = tpu.memref_slice %arg6[%dma_wait3A_1052] : memref<3872xi32, #tpu.memory_space<vmem>> -> memref<32xi32, #tpu.memory_space<vmem>>
    %dma_wait3A_1054 = tpu.memref_slice %arg3[%add3A_102] : memref<131072xi32, #tpu.memory_space<hbm>> -> memref<32xi32, #tpu.memory_space<hbm>>
    %dma_wait3A_1055 = arith.constant 256 : i32
    %dma_wait3A_1056 = tpu.memref_slice %arg6[%dma_wait3A_1055] : memref<3872xi32, #tpu.memory_space<vmem>> -> memref<32xi32, #tpu.memory_space<vmem>>
    %dma_wait3A_1057 = tpu.memref_slice %arg3[%add3A_102] : memref<131072xi32, #tpu.memory_space<hbm>> -> memref<32xi32, #tpu.memory_space<hbm>>
    tpu.wait_dma2 semaphore(%arg9 : memref<!tpu.dma_semaphore, #tpu.memory_space<semaphore_mem>>) src(%dma_wait3A_1057 : memref<32xi32, #tpu.memory_space<hbm>>) dst(%dma_wait3A_1056 : memref<32xi32, #tpu.memory_space<vmem>>)
    %dma_wait3A_1058 = arith.constant 288 : i32
    %dma_wait3A_1059 = tpu.memref_slice %arg6[%dma_wait3A_1058] : memref<3872xi32, #tpu.memory_space<vmem>> -> memref<32xi32, #tpu.memory_space<vmem>>
    %dma_wait3A_1060 = tpu.memref_slice %arg3[%add3A_110] : memref<131072xi32, #tpu.memory_space<hbm>> -> memref<32xi32, #tpu.memory_space<hbm>>
    %dma_wait3A_1061 = arith.constant 288 : i32
    %dma_wait3A_1062 = tpu.memref_slice %arg6[%dma_wait3A_1061] : memref<3872xi32, #tpu.memory_space<vmem>> -> memref<32xi32, #tpu.memory_space<vmem>>
    %dma_wait3A_1063 = tpu.memref_slice %arg3[%add3A_110] : memref<131072xi32, #tpu.memory_space<hbm>> -> memref<32xi32, #tpu.memory_space<hbm>>
    tpu.wait_dma2 semaphore(%arg9 : memref<!tpu.dma_semaphore, #tpu.memory_space<semaphore_mem>>) src(%dma_wait3A_1063 : memref<32xi32, #tpu.memory_space<hbm>>) dst(%dma_wait3A_1062 : memref<32xi32, #tpu.memory_space<vmem>>)
    %dma_wait3A_1064 = arith.constant 320 : i32
    %dma_wait3A_1065 = tpu.memref_slice %arg6[%dma_wait3A_1064] : memref<3872xi32, #tpu.memory_space<vmem>> -> memref<32xi32, #tpu.memory_space<vmem>>
    %dma_wait3A_1066 = tpu.memref_slice %arg3[%add3A_118] : memref<131072xi32, #tpu.memory_space<hbm>> -> memref<32xi32, #tpu.memory_space<hbm>>
    %dma_wait3A_1067 = arith.constant 320 : i32
    %dma_wait3A_1068 = tpu.memref_slice %arg6[%dma_wait3A_1067] : memref<3872xi32, #tpu.memory_space<vmem>> -> memref<32xi32, #tpu.memory_space<vmem>>
    %dma_wait3A_1069 = tpu.memref_slice %arg3[%add3A_118] : memref<131072xi32, #tpu.memory_space<hbm>> -> memref<32xi32, #tpu.memory_space<hbm>>
    tpu.wait_dma2 semaphore(%arg9 : memref<!tpu.dma_semaphore, #tpu.memory_space<semaphore_mem>>) src(%dma_wait3A_1069 : memref<32xi32, #tpu.memory_space<hbm>>) dst(%dma_wait3A_1068 : memref<32xi32, #tpu.memory_space<vmem>>)
    %dma_wait3A_1070 = arith.constant 352 : i32
    %dma_wait3A_1071 = tpu.memref_slice %arg6[%dma_wait3A_1070] : memref<3872xi32, #tpu.memory_space<vmem>> -> memref<32xi32, #tpu.memory_space<vmem>>
    %dma_wait3A_1072 = tpu.memref_slice %arg3[%add3A_126] : memref<131072xi32, #tpu.memory_space<hbm>> -> memref<32xi32, #tpu.memory_space<hbm>>
    %dma_wait3A_1073 = arith.constant 352 : i32
    %dma_wait3A_1074 = tpu.memref_slice %arg6[%dma_wait3A_1073] : memref<3872xi32, #tpu.memory_space<vmem>> -> memref<32xi32, #tpu.memory_space<vmem>>
    %dma_wait3A_1075 = tpu.memref_slice %arg3[%add3A_126] : memref<131072xi32, #tpu.memory_space<hbm>> -> memref<32xi32, #tpu.memory_space<hbm>>
    tpu.wait_dma2 semaphore(%arg9 : memref<!tpu.dma_semaphore, #tpu.memory_space<semaphore_mem>>) src(%dma_wait3A_1075 : memref<32xi32, #tpu.memory_space<hbm>>) dst(%dma_wait3A_1074 : memref<32xi32, #tpu.memory_space<vmem>>)
    %dma_wait3A_1076 = arith.constant 384 : i32
    %dma_wait3A_1077 = tpu.memref_slice %arg6[%dma_wait3A_1076] : memref<3872xi32, #tpu.memory_space<vmem>> -> memref<32xi32, #tpu.memory_space<vmem>>
    %dma_wait3A_1078 = tpu.memref_slice %arg3[%add3A_134] : memref<131072xi32, #tpu.memory_space<hbm>> -> memref<32xi32, #tpu.memory_space<hbm>>
    %dma_wait3A_1079 = arith.constant 384 : i32
    %dma_wait3A_1080 = tpu.memref_slice %arg6[%dma_wait3A_1079] : memref<3872xi32, #tpu.memory_space<vmem>> -> memref<32xi32, #tpu.memory_space<vmem>>
    %dma_wait3A_1081 = tpu.memref_slice %arg3[%add3A_134] : memref<131072xi32, #tpu.memory_space<hbm>> -> memref<32xi32, #tpu.memory_space<hbm>>
    tpu.wait_dma2 semaphore(%arg9 : memref<!tpu.dma_semaphore, #tpu.memory_space<semaphore_mem>>) src(%dma_wait3A_1081 : memref<32xi32, #tpu.memory_space<hbm>>) dst(%dma_wait3A_1080 : memref<32xi32, #tpu.memory_space<vmem>>)
    %dma_wait3A_1082 = arith.constant 416 : i32
    %dma_wait3A_1083 = tpu.memref_slice %arg6[%dma_wait3A_1082] : memref<3872xi32, #tpu.memory_space<vmem>> -> memref<32xi32, #tpu.memory_space<vmem>>
    %dma_wait3A_1084 = tpu.memref_slice %arg3[%add3A_142] : memref<131072xi32, #tpu.memory_space<hbm>> -> memref<32xi32, #tpu.memory_space<hbm>>
    %dma_wait3A_1085 = arith.constant 416 : i32
    %dma_wait3A_1086 = tpu.memref_slice %arg6[%dma_wait3A_1085] : memref<3872xi32, #tpu.memory_space<vmem>> -> memref<32xi32, #tpu.memory_space<vmem>>
    %dma_wait3A_1087 = tpu.memref_slice %arg3[%add3A_142] : memref<131072xi32, #tpu.memory_space<hbm>> -> memref<32xi32, #tpu.memory_space<hbm>>
    tpu.wait_dma2 semaphore(%arg9 : memref<!tpu.dma_semaphore, #tpu.memory_space<semaphore_mem>>) src(%dma_wait3A_1087 : memref<32xi32, #tpu.memory_space<hbm>>) dst(%dma_wait3A_1086 : memref<32xi32, #tpu.memory_space<vmem>>)
    %dma_wait3A_1088 = arith.constant 448 : i32
    %dma_wait3A_1089 = tpu.memref_slice %arg6[%dma_wait3A_1088] : memref<3872xi32, #tpu.memory_space<vmem>> -> memref<32xi32, #tpu.memory_space<vmem>>
    %dma_wait3A_1090 = tpu.memref_slice %arg3[%add3A_150] : memref<131072xi32, #tpu.memory_space<hbm>> -> memref<32xi32, #tpu.memory_space<hbm>>
    %dma_wait3A_1091 = arith.constant 448 : i32
    %dma_wait3A_1092 = tpu.memref_slice %arg6[%dma_wait3A_1091] : memref<3872xi32, #tpu.memory_space<vmem>> -> memref<32xi32, #tpu.memory_space<vmem>>
    %dma_wait3A_1093 = tpu.memref_slice %arg3[%add3A_150] : memref<131072xi32, #tpu.memory_space<hbm>> -> memref<32xi32, #tpu.memory_space<hbm>>
    tpu.wait_dma2 semaphore(%arg9 : memref<!tpu.dma_semaphore, #tpu.memory_space<semaphore_mem>>) src(%dma_wait3A_1093 : memref<32xi32, #tpu.memory_space<hbm>>) dst(%dma_wait3A_1092 : memref<32xi32, #tpu.memory_space<vmem>>)
    %dma_wait3A_1094 = arith.constant 480 : i32
    %dma_wait3A_1095 = tpu.memref_slice %arg6[%dma_wait3A_1094] : memref<3872xi32, #tpu.memory_space<vmem>> -> memref<32xi32, #tpu.memory_space<vmem>>
    %dma_wait3A_1096 = tpu.memref_slice %arg3[%add3A_158] : memref<131072xi32, #tpu.memory_space<hbm>> -> memref<32xi32, #tpu.memory_space<hbm>>
    %dma_wait3A_1097 = arith.constant 480 : i32
    %dma_wait3A_1098 = tpu.memref_slice %arg6[%dma_wait3A_1097] : memref<3872xi32, #tpu.memory_space<vmem>> -> memref<32xi32, #tpu.memory_space<vmem>>
    %dma_wait3A_1099 = tpu.memref_slice %arg3[%add3A_158] : memref<131072xi32, #tpu.memory_space<hbm>> -> memref<32xi32, #tpu.memory_space<hbm>>
    tpu.wait_dma2 semaphore(%arg9 : memref<!tpu.dma_semaphore, #tpu.memory_space<semaphore_mem>>) src(%dma_wait3A_1099 : memref<32xi32, #tpu.memory_space<hbm>>) dst(%dma_wait3A_1098 : memref<32xi32, #tpu.memory_space<vmem>>)
    %dma_wait3A_1100 = arith.constant 512 : i32
    %dma_wait3A_1101 = tpu.memref_slice %arg6[%dma_wait3A_1100] : memref<3872xi32, #tpu.memory_space<vmem>> -> memref<32xi32, #tpu.memory_space<vmem>>
    %dma_wait3A_1102 = tpu.memref_slice %arg3[%add3A_166] : memref<131072xi32, #tpu.memory_space<hbm>> -> memref<32xi32, #tpu.memory_space<hbm>>
    %dma_wait3A_1103 = arith.constant 512 : i32
    %dma_wait3A_1104 = tpu.memref_slice %arg6[%dma_wait3A_1103] : memref<3872xi32, #tpu.memory_space<vmem>> -> memref<32xi32, #tpu.memory_space<vmem>>
    %dma_wait3A_1105 = tpu.memref_slice %arg3[%add3A_166] : memref<131072xi32, #tpu.memory_space<hbm>> -> memref<32xi32, #tpu.memory_space<hbm>>
    tpu.wait_dma2 semaphore(%arg9 : memref<!tpu.dma_semaphore, #tpu.memory_space<semaphore_mem>>) src(%dma_wait3A_1105 : memref<32xi32, #tpu.memory_space<hbm>>) dst(%dma_wait3A_1104 : memref<32xi32, #tpu.memory_space<vmem>>)
    %dma_wait3A_1106 = arith.constant 544 : i32
    %dma_wait3A_1107 = tpu.memref_slice %arg6[%dma_wait3A_1106] : memref<3872xi32, #tpu.memory_space<vmem>> -> memref<32xi32, #tpu.memory_space<vmem>>
    %dma_wait3A_1108 = tpu.memref_slice %arg3[%add3A_174] : memref<131072xi32, #tpu.memory_space<hbm>> -> memref<32xi32, #tpu.memory_space<hbm>>
    %dma_wait3A_1109 = arith.constant 544 : i32
    %dma_wait3A_1110 = tpu.memref_slice %arg6[%dma_wait3A_1109] : memref<3872xi32, #tpu.memory_space<vmem>> -> memref<32xi32, #tpu.memory_space<vmem>>
    %dma_wait3A_1111 = tpu.memref_slice %arg3[%add3A_174] : memref<131072xi32, #tpu.memory_space<hbm>> -> memref<32xi32, #tpu.memory_space<hbm>>
    tpu.wait_dma2 semaphore(%arg9 : memref<!tpu.dma_semaphore, #tpu.memory_space<semaphore_mem>>) src(%dma_wait3A_1111 : memref<32xi32, #tpu.memory_space<hbm>>) dst(%dma_wait3A_1110 : memref<32xi32, #tpu.memory_space<vmem>>)
    %dma_wait3A_1112 = arith.constant 576 : i32
    %dma_wait3A_1113 = tpu.memref_slice %arg6[%dma_wait3A_1112] : memref<3872xi32, #tpu.memory_space<vmem>> -> memref<32xi32, #tpu.memory_space<vmem>>
    %dma_wait3A_1114 = tpu.memref_slice %arg3[%add3A_182] : memref<131072xi32, #tpu.memory_space<hbm>> -> memref<32xi32, #tpu.memory_space<hbm>>
    %dma_wait3A_1115 = arith.constant 576 : i32
    %dma_wait3A_1116 = tpu.memref_slice %arg6[%dma_wait3A_1115] : memref<3872xi32, #tpu.memory_space<vmem>> -> memref<32xi32, #tpu.memory_space<vmem>>
    %dma_wait3A_1117 = tpu.memref_slice %arg3[%add3A_182] : memref<131072xi32, #tpu.memory_space<hbm>> -> memref<32xi32, #tpu.memory_space<hbm>>
    tpu.wait_dma2 semaphore(%arg9 : memref<!tpu.dma_semaphore, #tpu.memory_space<semaphore_mem>>) src(%dma_wait3A_1117 : memref<32xi32, #tpu.memory_space<hbm>>) dst(%dma_wait3A_1116 : memref<32xi32, #tpu.memory_space<vmem>>)
    %dma_wait3A_1118 = arith.constant 608 : i32
    %dma_wait3A_1119 = tpu.memref_slice %arg6[%dma_wait3A_1118] : memref<3872xi32, #tpu.memory_space<vmem>> -> memref<32xi32, #tpu.memory_space<vmem>>
    %dma_wait3A_1120 = tpu.memref_slice %arg3[%add3A_190] : memref<131072xi32, #tpu.memory_space<hbm>> -> memref<32xi32, #tpu.memory_space<hbm>>
    %dma_wait3A_1121 = arith.constant 608 : i32
    %dma_wait3A_1122 = tpu.memref_slice %arg6[%dma_wait3A_1121] : memref<3872xi32, #tpu.memory_space<vmem>> -> memref<32xi32, #tpu.memory_space<vmem>>
    %dma_wait3A_1123 = tpu.memref_slice %arg3[%add3A_190] : memref<131072xi32, #tpu.memory_space<hbm>> -> memref<32xi32, #tpu.memory_space<hbm>>
    tpu.wait_dma2 semaphore(%arg9 : memref<!tpu.dma_semaphore, #tpu.memory_space<semaphore_mem>>) src(%dma_wait3A_1123 : memref<32xi32, #tpu.memory_space<hbm>>) dst(%dma_wait3A_1122 : memref<32xi32, #tpu.memory_space<vmem>>)
    %dma_wait3A_1124 = arith.constant 640 : i32
    %dma_wait3A_1125 = tpu.memref_slice %arg6[%dma_wait3A_1124] : memref<3872xi32, #tpu.memory_space<vmem>> -> memref<32xi32, #tpu.memory_space<vmem>>
    %dma_wait3A_1126 = tpu.memref_slice %arg3[%add3A_198] : memref<131072xi32, #tpu.memory_space<hbm>> -> memref<32xi32, #tpu.memory_space<hbm>>
    %dma_wait3A_1127 = arith.constant 640 : i32
    %dma_wait3A_1128 = tpu.memref_slice %arg6[%dma_wait3A_1127] : memref<3872xi32, #tpu.memory_space<vmem>> -> memref<32xi32, #tpu.memory_space<vmem>>
    %dma_wait3A_1129 = tpu.memref_slice %arg3[%add3A_198] : memref<131072xi32, #tpu.memory_space<hbm>> -> memref<32xi32, #tpu.memory_space<hbm>>
    tpu.wait_dma2 semaphore(%arg9 : memref<!tpu.dma_semaphore, #tpu.memory_space<semaphore_mem>>) src(%dma_wait3A_1129 : memref<32xi32, #tpu.memory_space<hbm>>) dst(%dma_wait3A_1128 : memref<32xi32, #tpu.memory_space<vmem>>)
    %dma_wait3A_1130 = arith.constant 672 : i32
    %dma_wait3A_1131 = tpu.memref_slice %arg6[%dma_wait3A_1130] : memref<3872xi32, #tpu.memory_space<vmem>> -> memref<32xi32, #tpu.memory_space<vmem>>
    %dma_wait3A_1132 = tpu.memref_slice %arg3[%add3A_206] : memref<131072xi32, #tpu.memory_space<hbm>> -> memref<32xi32, #tpu.memory_space<hbm>>
    %dma_wait3A_1133 = arith.constant 672 : i32
    %dma_wait3A_1134 = tpu.memref_slice %arg6[%dma_wait3A_1133] : memref<3872xi32, #tpu.memory_space<vmem>> -> memref<32xi32, #tpu.memory_space<vmem>>
    %dma_wait3A_1135 = tpu.memref_slice %arg3[%add3A_206] : memref<131072xi32, #tpu.memory_space<hbm>> -> memref<32xi32, #tpu.memory_space<hbm>>
    tpu.wait_dma2 semaphore(%arg9 : memref<!tpu.dma_semaphore, #tpu.memory_space<semaphore_mem>>) src(%dma_wait3A_1135 : memref<32xi32, #tpu.memory_space<hbm>>) dst(%dma_wait3A_1134 : memref<32xi32, #tpu.memory_space<vmem>>)
    %dma_wait3A_1136 = arith.constant 704 : i32
    %dma_wait3A_1137 = tpu.memref_slice %arg6[%dma_wait3A_1136] : memref<3872xi32, #tpu.memory_space<vmem>> -> memref<32xi32, #tpu.memory_space<vmem>>
    %dma_wait3A_1138 = tpu.memref_slice %arg3[%add3A_214] : memref<131072xi32, #tpu.memory_space<hbm>> -> memref<32xi32, #tpu.memory_space<hbm>>
    %dma_wait3A_1139 = arith.constant 704 : i32
    %dma_wait3A_1140 = tpu.memref_slice %arg6[%dma_wait3A_1139] : memref<3872xi32, #tpu.memory_space<vmem>> -> memref<32xi32, #tpu.memory_space<vmem>>
    %dma_wait3A_1141 = tpu.memref_slice %arg3[%add3A_214] : memref<131072xi32, #tpu.memory_space<hbm>> -> memref<32xi32, #tpu.memory_space<hbm>>
    tpu.wait_dma2 semaphore(%arg9 : memref<!tpu.dma_semaphore, #tpu.memory_space<semaphore_mem>>) src(%dma_wait3A_1141 : memref<32xi32, #tpu.memory_space<hbm>>) dst(%dma_wait3A_1140 : memref<32xi32, #tpu.memory_space<vmem>>)
    %dma_wait3A_1142 = arith.constant 736 : i32
    %dma_wait3A_1143 = tpu.memref_slice %arg6[%dma_wait3A_1142] : memref<3872xi32, #tpu.memory_space<vmem>> -> memref<32xi32, #tpu.memory_space<vmem>>
    %dma_wait3A_1144 = tpu.memref_slice %arg3[%add3A_222] : memref<131072xi32, #tpu.memory_space<hbm>> -> memref<32xi32, #tpu.memory_space<hbm>>
    %dma_wait3A_1145 = arith.constant 736 : i32
    %dma_wait3A_1146 = tpu.memref_slice %arg6[%dma_wait3A_1145] : memref<3872xi32, #tpu.memory_space<vmem>> -> memref<32xi32, #tpu.memory_space<vmem>>
    %dma_wait3A_1147 = tpu.memref_slice %arg3[%add3A_222] : memref<131072xi32, #tpu.memory_space<hbm>> -> memref<32xi32, #tpu.memory_space<hbm>>
    tpu.wait_dma2 semaphore(%arg9 : memref<!tpu.dma_semaphore, #tpu.memory_space<semaphore_mem>>) src(%dma_wait3A_1147 : memref<32xi32, #tpu.memory_space<hbm>>) dst(%dma_wait3A_1146 : memref<32xi32, #tpu.memory_space<vmem>>)
    %dma_wait3A_1148 = arith.constant 768 : i32
    %dma_wait3A_1149 = tpu.memref_slice %arg6[%dma_wait3A_1148] : memref<3872xi32, #tpu.memory_space<vmem>> -> memref<32xi32, #tpu.memory_space<vmem>>
    %dma_wait3A_1150 = tpu.memref_slice %arg3[%add3A_230] : memref<131072xi32, #tpu.memory_space<hbm>> -> memref<32xi32, #tpu.memory_space<hbm>>
    %dma_wait3A_1151 = arith.constant 768 : i32
    %dma_wait3A_1152 = tpu.memref_slice %arg6[%dma_wait3A_1151] : memref<3872xi32, #tpu.memory_space<vmem>> -> memref<32xi32, #tpu.memory_space<vmem>>
    %dma_wait3A_1153 = tpu.memref_slice %arg3[%add3A_230] : memref<131072xi32, #tpu.memory_space<hbm>> -> memref<32xi32, #tpu.memory_space<hbm>>
    tpu.wait_dma2 semaphore(%arg9 : memref<!tpu.dma_semaphore, #tpu.memory_space<semaphore_mem>>) src(%dma_wait3A_1153 : memref<32xi32, #tpu.memory_space<hbm>>) dst(%dma_wait3A_1152 : memref<32xi32, #tpu.memory_space<vmem>>)
    %dma_wait3A_1154 = arith.constant 800 : i32
    %dma_wait3A_1155 = tpu.memref_slice %arg6[%dma_wait3A_1154] : memref<3872xi32, #tpu.memory_space<vmem>> -> memref<32xi32, #tpu.memory_space<vmem>>
    %dma_wait3A_1156 = tpu.memref_slice %arg3[%add3A_238] : memref<131072xi32, #tpu.memory_space<hbm>> -> memref<32xi32, #tpu.memory_space<hbm>>
    %dma_wait3A_1157 = arith.constant 800 : i32
    %dma_wait3A_1158 = tpu.memref_slice %arg6[%dma_wait3A_1157] : memref<3872xi32, #tpu.memory_space<vmem>> -> memref<32xi32, #tpu.memory_space<vmem>>
    %dma_wait3A_1159 = tpu.memref_slice %arg3[%add3A_238] : memref<131072xi32, #tpu.memory_space<hbm>> -> memref<32xi32, #tpu.memory_space<hbm>>
    tpu.wait_dma2 semaphore(%arg9 : memref<!tpu.dma_semaphore, #tpu.memory_space<semaphore_mem>>) src(%dma_wait3A_1159 : memref<32xi32, #tpu.memory_space<hbm>>) dst(%dma_wait3A_1158 : memref<32xi32, #tpu.memory_space<vmem>>)
    %dma_wait3A_1160 = arith.constant 832 : i32
    %dma_wait3A_1161 = tpu.memref_slice %arg6[%dma_wait3A_1160] : memref<3872xi32, #tpu.memory_space<vmem>> -> memref<32xi32, #tpu.memory_space<vmem>>
    %dma_wait3A_1162 = tpu.memref_slice %arg3[%add3A_246] : memref<131072xi32, #tpu.memory_space<hbm>> -> memref<32xi32, #tpu.memory_space<hbm>>
    %dma_wait3A_1163 = arith.constant 832 : i32
    %dma_wait3A_1164 = tpu.memref_slice %arg6[%dma_wait3A_1163] : memref<3872xi32, #tpu.memory_space<vmem>> -> memref<32xi32, #tpu.memory_space<vmem>>
    %dma_wait3A_1165 = tpu.memref_slice %arg3[%add3A_246] : memref<131072xi32, #tpu.memory_space<hbm>> -> memref<32xi32, #tpu.memory_space<hbm>>
    tpu.wait_dma2 semaphore(%arg9 : memref<!tpu.dma_semaphore, #tpu.memory_space<semaphore_mem>>) src(%dma_wait3A_1165 : memref<32xi32, #tpu.memory_space<hbm>>) dst(%dma_wait3A_1164 : memref<32xi32, #tpu.memory_space<vmem>>)
    %dma_wait3A_1166 = arith.constant 864 : i32
    %dma_wait3A_1167 = tpu.memref_slice %arg6[%dma_wait3A_1166] : memref<3872xi32, #tpu.memory_space<vmem>> -> memref<32xi32, #tpu.memory_space<vmem>>
    %dma_wait3A_1168 = tpu.memref_slice %arg3[%add3A_254] : memref<131072xi32, #tpu.memory_space<hbm>> -> memref<32xi32, #tpu.memory_space<hbm>>
    %dma_wait3A_1169 = arith.constant 864 : i32
    %dma_wait3A_1170 = tpu.memref_slice %arg6[%dma_wait3A_1169] : memref<3872xi32, #tpu.memory_space<vmem>> -> memref<32xi32, #tpu.memory_space<vmem>>
    %dma_wait3A_1171 = tpu.memref_slice %arg3[%add3A_254] : memref<131072xi32, #tpu.memory_space<hbm>> -> memref<32xi32, #tpu.memory_space<hbm>>
    tpu.wait_dma2 semaphore(%arg9 : memref<!tpu.dma_semaphore, #tpu.memory_space<semaphore_mem>>) src(%dma_wait3A_1171 : memref<32xi32, #tpu.memory_space<hbm>>) dst(%dma_wait3A_1170 : memref<32xi32, #tpu.memory_space<vmem>>)
    %dma_wait3A_1172 = arith.constant 896 : i32
    %dma_wait3A_1173 = tpu.memref_slice %arg6[%dma_wait3A_1172] : memref<3872xi32, #tpu.memory_space<vmem>> -> memref<32xi32, #tpu.memory_space<vmem>>
    %dma_wait3A_1174 = tpu.memref_slice %arg3[%add3A_262] : memref<131072xi32, #tpu.memory_space<hbm>> -> memref<32xi32, #tpu.memory_space<hbm>>
    %dma_wait3A_1175 = arith.constant 896 : i32
    %dma_wait3A_1176 = tpu.memref_slice %arg6[%dma_wait3A_1175] : memref<3872xi32, #tpu.memory_space<vmem>> -> memref<32xi32, #tpu.memory_space<vmem>>
    %dma_wait3A_1177 = tpu.memref_slice %arg3[%add3A_262] : memref<131072xi32, #tpu.memory_space<hbm>> -> memref<32xi32, #tpu.memory_space<hbm>>
    tpu.wait_dma2 semaphore(%arg9 : memref<!tpu.dma_semaphore, #tpu.memory_space<semaphore_mem>>) src(%dma_wait3A_1177 : memref<32xi32, #tpu.memory_space<hbm>>) dst(%dma_wait3A_1176 : memref<32xi32, #tpu.memory_space<vmem>>)
    %dma_wait3A_1178 = arith.constant 928 : i32
    %dma_wait3A_1179 = tpu.memref_slice %arg6[%dma_wait3A_1178] : memref<3872xi32, #tpu.memory_space<vmem>> -> memref<32xi32, #tpu.memory_space<vmem>>
    %dma_wait3A_1180 = tpu.memref_slice %arg3[%add3A_270] : memref<131072xi32, #tpu.memory_space<hbm>> -> memref<32xi32, #tpu.memory_space<hbm>>
    %dma_wait3A_1181 = arith.constant 928 : i32
    %dma_wait3A_1182 = tpu.memref_slice %arg6[%dma_wait3A_1181] : memref<3872xi32, #tpu.memory_space<vmem>> -> memref<32xi32, #tpu.memory_space<vmem>>
    %dma_wait3A_1183 = tpu.memref_slice %arg3[%add3A_270] : memref<131072xi32, #tpu.memory_space<hbm>> -> memref<32xi32, #tpu.memory_space<hbm>>
    tpu.wait_dma2 semaphore(%arg9 : memref<!tpu.dma_semaphore, #tpu.memory_space<semaphore_mem>>) src(%dma_wait3A_1183 : memref<32xi32, #tpu.memory_space<hbm>>) dst(%dma_wait3A_1182 : memref<32xi32, #tpu.memory_space<vmem>>)
    %dma_wait3A_1184 = arith.constant 960 : i32
    %dma_wait3A_1185 = tpu.memref_slice %arg6[%dma_wait3A_1184] : memref<3872xi32, #tpu.memory_space<vmem>> -> memref<32xi32, #tpu.memory_space<vmem>>
    %dma_wait3A_1186 = tpu.memref_slice %arg3[%add3A_278] : memref<131072xi32, #tpu.memory_space<hbm>> -> memref<32xi32, #tpu.memory_space<hbm>>
    %dma_wait3A_1187 = arith.constant 960 : i32
    %dma_wait3A_1188 = tpu.memref_slice %arg6[%dma_wait3A_1187] : memref<3872xi32, #tpu.memory_space<vmem>> -> memref<32xi32, #tpu.memory_space<vmem>>
    %dma_wait3A_1189 = tpu.memref_slice %arg3[%add3A_278] : memref<131072xi32, #tpu.memory_space<hbm>> -> memref<32xi32, #tpu.memory_space<hbm>>
    tpu.wait_dma2 semaphore(%arg9 : memref<!tpu.dma_semaphore, #tpu.memory_space<semaphore_mem>>) src(%dma_wait3A_1189 : memref<32xi32, #tpu.memory_space<hbm>>) dst(%dma_wait3A_1188 : memref<32xi32, #tpu.memory_space<vmem>>)
    %dma_wait3A_1190 = arith.constant 992 : i32
    %dma_wait3A_1191 = tpu.memref_slice %arg6[%dma_wait3A_1190] : memref<3872xi32, #tpu.memory_space<vmem>> -> memref<32xi32, #tpu.memory_space<vmem>>
    %dma_wait3A_1192 = tpu.memref_slice %arg3[%add3A_286] : memref<131072xi32, #tpu.memory_space<hbm>> -> memref<32xi32, #tpu.memory_space<hbm>>
    %dma_wait3A_1193 = arith.constant 992 : i32
    %dma_wait3A_1194 = tpu.memref_slice %arg6[%dma_wait3A_1193] : memref<3872xi32, #tpu.memory_space<vmem>> -> memref<32xi32, #tpu.memory_space<vmem>>
    %dma_wait3A_1195 = tpu.memref_slice %arg3[%add3A_286] : memref<131072xi32, #tpu.memory_space<hbm>> -> memref<32xi32, #tpu.memory_space<hbm>>
    tpu.wait_dma2 semaphore(%arg9 : memref<!tpu.dma_semaphore, #tpu.memory_space<semaphore_mem>>) src(%dma_wait3A_1195 : memref<32xi32, #tpu.memory_space<hbm>>) dst(%dma_wait3A_1194 : memref<32xi32, #tpu.memory_space<vmem>>)
    %dma_wait3A_1196 = arith.constant 1024 : i32
    %dma_wait3A_1197 = tpu.memref_slice %arg6[%dma_wait3A_1196] : memref<3872xi32, #tpu.memory_space<vmem>> -> memref<32xi32, #tpu.memory_space<vmem>>
    %dma_wait3A_1198 = tpu.memref_slice %arg3[%add3A_294] : memref<131072xi32, #tpu.memory_space<hbm>> -> memref<32xi32, #tpu.memory_space<hbm>>
    %dma_wait3A_1199 = arith.constant 1024 : i32
    %dma_wait3A_1200 = tpu.memref_slice %arg6[%dma_wait3A_1199] : memref<3872xi32, #tpu.memory_space<vmem>> -> memref<32xi32, #tpu.memory_space<vmem>>
    %dma_wait3A_1201 = tpu.memref_slice %arg3[%add3A_294] : memref<131072xi32, #tpu.memory_space<hbm>> -> memref<32xi32, #tpu.memory_space<hbm>>
    tpu.wait_dma2 semaphore(%arg9 : memref<!tpu.dma_semaphore, #tpu.memory_space<semaphore_mem>>) src(%dma_wait3A_1201 : memref<32xi32, #tpu.memory_space<hbm>>) dst(%dma_wait3A_1200 : memref<32xi32, #tpu.memory_space<vmem>>)
    %dma_wait3A_1202 = arith.constant 1056 : i32
    %dma_wait3A_1203 = tpu.memref_slice %arg6[%dma_wait3A_1202] : memref<3872xi32, #tpu.memory_space<vmem>> -> memref<32xi32, #tpu.memory_space<vmem>>
    %dma_wait3A_1204 = tpu.memref_slice %arg3[%add3A_302] : memref<131072xi32, #tpu.memory_space<hbm>> -> memref<32xi32, #tpu.memory_space<hbm>>
    %dma_wait3A_1205 = arith.constant 1056 : i32
    %dma_wait3A_1206 = tpu.memref_slice %arg6[%dma_wait3A_1205] : memref<3872xi32, #tpu.memory_space<vmem>> -> memref<32xi32, #tpu.memory_space<vmem>>
    %dma_wait3A_1207 = tpu.memref_slice %arg3[%add3A_302] : memref<131072xi32, #tpu.memory_space<hbm>> -> memref<32xi32, #tpu.memory_space<hbm>>
    tpu.wait_dma2 semaphore(%arg9 : memref<!tpu.dma_semaphore, #tpu.memory_space<semaphore_mem>>) src(%dma_wait3A_1207 : memref<32xi32, #tpu.memory_space<hbm>>) dst(%dma_wait3A_1206 : memref<32xi32, #tpu.memory_space<vmem>>)
    %dma_wait3A_1208 = arith.constant 1088 : i32
    %dma_wait3A_1209 = tpu.memref_slice %arg6[%dma_wait3A_1208] : memref<3872xi32, #tpu.memory_space<vmem>> -> memref<32xi32, #tpu.memory_space<vmem>>
    %dma_wait3A_1210 = tpu.memref_slice %arg3[%add3A_310] : memref<131072xi32, #tpu.memory_space<hbm>> -> memref<32xi32, #tpu.memory_space<hbm>>
    %dma_wait3A_1211 = arith.constant 1088 : i32
    %dma_wait3A_1212 = tpu.memref_slice %arg6[%dma_wait3A_1211] : memref<3872xi32, #tpu.memory_space<vmem>> -> memref<32xi32, #tpu.memory_space<vmem>>
    %dma_wait3A_1213 = tpu.memref_slice %arg3[%add3A_310] : memref<131072xi32, #tpu.memory_space<hbm>> -> memref<32xi32, #tpu.memory_space<hbm>>
    tpu.wait_dma2 semaphore(%arg9 : memref<!tpu.dma_semaphore, #tpu.memory_space<semaphore_mem>>) src(%dma_wait3A_1213 : memref<32xi32, #tpu.memory_space<hbm>>) dst(%dma_wait3A_1212 : memref<32xi32, #tpu.memory_space<vmem>>)
    %dma_wait3A_1214 = arith.constant 1120 : i32
    %dma_wait3A_1215 = tpu.memref_slice %arg6[%dma_wait3A_1214] : memref<3872xi32, #tpu.memory_space<vmem>> -> memref<32xi32, #tpu.memory_space<vmem>>
    %dma_wait3A_1216 = tpu.memref_slice %arg3[%add3A_318] : memref<131072xi32, #tpu.memory_space<hbm>> -> memref<32xi32, #tpu.memory_space<hbm>>
    %dma_wait3A_1217 = arith.constant 1120 : i32
    %dma_wait3A_1218 = tpu.memref_slice %arg6[%dma_wait3A_1217] : memref<3872xi32, #tpu.memory_space<vmem>> -> memref<32xi32, #tpu.memory_space<vmem>>
    %dma_wait3A_1219 = tpu.memref_slice %arg3[%add3A_318] : memref<131072xi32, #tpu.memory_space<hbm>> -> memref<32xi32, #tpu.memory_space<hbm>>
    tpu.wait_dma2 semaphore(%arg9 : memref<!tpu.dma_semaphore, #tpu.memory_space<semaphore_mem>>) src(%dma_wait3A_1219 : memref<32xi32, #tpu.memory_space<hbm>>) dst(%dma_wait3A_1218 : memref<32xi32, #tpu.memory_space<vmem>>)
    %dma_wait3A_1220 = arith.constant 1152 : i32
    %dma_wait3A_1221 = tpu.memref_slice %arg6[%dma_wait3A_1220] : memref<3872xi32, #tpu.memory_space<vmem>> -> memref<32xi32, #tpu.memory_space<vmem>>
    %dma_wait3A_1222 = tpu.memref_slice %arg3[%add3A_326] : memref<131072xi32, #tpu.memory_space<hbm>> -> memref<32xi32, #tpu.memory_space<hbm>>
    %dma_wait3A_1223 = arith.constant 1152 : i32
    %dma_wait3A_1224 = tpu.memref_slice %arg6[%dma_wait3A_1223] : memref<3872xi32, #tpu.memory_space<vmem>> -> memref<32xi32, #tpu.memory_space<vmem>>
    %dma_wait3A_1225 = tpu.memref_slice %arg3[%add3A_326] : memref<131072xi32, #tpu.memory_space<hbm>> -> memref<32xi32, #tpu.memory_space<hbm>>
    tpu.wait_dma2 semaphore(%arg9 : memref<!tpu.dma_semaphore, #tpu.memory_space<semaphore_mem>>) src(%dma_wait3A_1225 : memref<32xi32, #tpu.memory_space<hbm>>) dst(%dma_wait3A_1224 : memref<32xi32, #tpu.memory_space<vmem>>)
    %dma_wait3A_1226 = arith.constant 1184 : i32
    %dma_wait3A_1227 = tpu.memref_slice %arg6[%dma_wait3A_1226] : memref<3872xi32, #tpu.memory_space<vmem>> -> memref<32xi32, #tpu.memory_space<vmem>>
    %dma_wait3A_1228 = tpu.memref_slice %arg3[%add3A_334] : memref<131072xi32, #tpu.memory_space<hbm>> -> memref<32xi32, #tpu.memory_space<hbm>>
    %dma_wait3A_1229 = arith.constant 1184 : i32
    %dma_wait3A_1230 = tpu.memref_slice %arg6[%dma_wait3A_1229] : memref<3872xi32, #tpu.memory_space<vmem>> -> memref<32xi32, #tpu.memory_space<vmem>>
    %dma_wait3A_1231 = tpu.memref_slice %arg3[%add3A_334] : memref<131072xi32, #tpu.memory_space<hbm>> -> memref<32xi32, #tpu.memory_space<hbm>>
    tpu.wait_dma2 semaphore(%arg9 : memref<!tpu.dma_semaphore, #tpu.memory_space<semaphore_mem>>) src(%dma_wait3A_1231 : memref<32xi32, #tpu.memory_space<hbm>>) dst(%dma_wait3A_1230 : memref<32xi32, #tpu.memory_space<vmem>>)
    %dma_wait3A_1232 = arith.constant 1216 : i32
    %dma_wait3A_1233 = tpu.memref_slice %arg6[%dma_wait3A_1232] : memref<3872xi32, #tpu.memory_space<vmem>> -> memref<32xi32, #tpu.memory_space<vmem>>
    %dma_wait3A_1234 = tpu.memref_slice %arg3[%add3A_342] : memref<131072xi32, #tpu.memory_space<hbm>> -> memref<32xi32, #tpu.memory_space<hbm>>
    %dma_wait3A_1235 = arith.constant 1216 : i32
    %dma_wait3A_1236 = tpu.memref_slice %arg6[%dma_wait3A_1235] : memref<3872xi32, #tpu.memory_space<vmem>> -> memref<32xi32, #tpu.memory_space<vmem>>
    %dma_wait3A_1237 = tpu.memref_slice %arg3[%add3A_342] : memref<131072xi32, #tpu.memory_space<hbm>> -> memref<32xi32, #tpu.memory_space<hbm>>
    tpu.wait_dma2 semaphore(%arg9 : memref<!tpu.dma_semaphore, #tpu.memory_space<semaphore_mem>>) src(%dma_wait3A_1237 : memref<32xi32, #tpu.memory_space<hbm>>) dst(%dma_wait3A_1236 : memref<32xi32, #tpu.memory_space<vmem>>)
    %dma_wait3A_1238 = arith.constant 1248 : i32
    %dma_wait3A_1239 = tpu.memref_slice %arg6[%dma_wait3A_1238] : memref<3872xi32, #tpu.memory_space<vmem>> -> memref<32xi32, #tpu.memory_space<vmem>>
    %dma_wait3A_1240 = tpu.memref_slice %arg3[%add3A_350] : memref<131072xi32, #tpu.memory_space<hbm>> -> memref<32xi32, #tpu.memory_space<hbm>>
    %dma_wait3A_1241 = arith.constant 1248 : i32
    %dma_wait3A_1242 = tpu.memref_slice %arg6[%dma_wait3A_1241] : memref<3872xi32, #tpu.memory_space<vmem>> -> memref<32xi32, #tpu.memory_space<vmem>>
    %dma_wait3A_1243 = tpu.memref_slice %arg3[%add3A_350] : memref<131072xi32, #tpu.memory_space<hbm>> -> memref<32xi32, #tpu.memory_space<hbm>>
    tpu.wait_dma2 semaphore(%arg9 : memref<!tpu.dma_semaphore, #tpu.memory_space<semaphore_mem>>) src(%dma_wait3A_1243 : memref<32xi32, #tpu.memory_space<hbm>>) dst(%dma_wait3A_1242 : memref<32xi32, #tpu.memory_space<vmem>>)
    %dma_wait3A_1244 = arith.constant 1280 : i32
    %dma_wait3A_1245 = tpu.memref_slice %arg6[%dma_wait3A_1244] : memref<3872xi32, #tpu.memory_space<vmem>> -> memref<32xi32, #tpu.memory_space<vmem>>
    %dma_wait3A_1246 = tpu.memref_slice %arg3[%add3A_358] : memref<131072xi32, #tpu.memory_space<hbm>> -> memref<32xi32, #tpu.memory_space<hbm>>
    %dma_wait3A_1247 = arith.constant 1280 : i32
    %dma_wait3A_1248 = tpu.memref_slice %arg6[%dma_wait3A_1247] : memref<3872xi32, #tpu.memory_space<vmem>> -> memref<32xi32, #tpu.memory_space<vmem>>
    %dma_wait3A_1249 = tpu.memref_slice %arg3[%add3A_358] : memref<131072xi32, #tpu.memory_space<hbm>> -> memref<32xi32, #tpu.memory_space<hbm>>
    tpu.wait_dma2 semaphore(%arg9 : memref<!tpu.dma_semaphore, #tpu.memory_space<semaphore_mem>>) src(%dma_wait3A_1249 : memref<32xi32, #tpu.memory_space<hbm>>) dst(%dma_wait3A_1248 : memref<32xi32, #tpu.memory_space<vmem>>)
    %dma_wait3A_1250 = arith.constant 1312 : i32
    %dma_wait3A_1251 = tpu.memref_slice %arg6[%dma_wait3A_1250] : memref<3872xi32, #tpu.memory_space<vmem>> -> memref<32xi32, #tpu.memory_space<vmem>>
    %dma_wait3A_1252 = tpu.memref_slice %arg3[%add3A_366] : memref<131072xi32, #tpu.memory_space<hbm>> -> memref<32xi32, #tpu.memory_space<hbm>>
    %dma_wait3A_1253 = arith.constant 1312 : i32
    %dma_wait3A_1254 = tpu.memref_slice %arg6[%dma_wait3A_1253] : memref<3872xi32, #tpu.memory_space<vmem>> -> memref<32xi32, #tpu.memory_space<vmem>>
    %dma_wait3A_1255 = tpu.memref_slice %arg3[%add3A_366] : memref<131072xi32, #tpu.memory_space<hbm>> -> memref<32xi32, #tpu.memory_space<hbm>>
    tpu.wait_dma2 semaphore(%arg9 : memref<!tpu.dma_semaphore, #tpu.memory_space<semaphore_mem>>) src(%dma_wait3A_1255 : memref<32xi32, #tpu.memory_space<hbm>>) dst(%dma_wait3A_1254 : memref<32xi32, #tpu.memory_space<vmem>>)
    %dma_wait3A_1256 = arith.constant 1344 : i32
    %dma_wait3A_1257 = tpu.memref_slice %arg6[%dma_wait3A_1256] : memref<3872xi32, #tpu.memory_space<vmem>> -> memref<32xi32, #tpu.memory_space<vmem>>
    %dma_wait3A_1258 = tpu.memref_slice %arg3[%add3A_374] : memref<131072xi32, #tpu.memory_space<hbm>> -> memref<32xi32, #tpu.memory_space<hbm>>
    %dma_wait3A_1259 = arith.constant 1344 : i32
    %dma_wait3A_1260 = tpu.memref_slice %arg6[%dma_wait3A_1259] : memref<3872xi32, #tpu.memory_space<vmem>> -> memref<32xi32, #tpu.memory_space<vmem>>
    %dma_wait3A_1261 = tpu.memref_slice %arg3[%add3A_374] : memref<131072xi32, #tpu.memory_space<hbm>> -> memref<32xi32, #tpu.memory_space<hbm>>
    tpu.wait_dma2 semaphore(%arg9 : memref<!tpu.dma_semaphore, #tpu.memory_space<semaphore_mem>>) src(%dma_wait3A_1261 : memref<32xi32, #tpu.memory_space<hbm>>) dst(%dma_wait3A_1260 : memref<32xi32, #tpu.memory_space<vmem>>)
    %dma_wait3A_1262 = arith.constant 1376 : i32
    %dma_wait3A_1263 = tpu.memref_slice %arg6[%dma_wait3A_1262] : memref<3872xi32, #tpu.memory_space<vmem>> -> memref<32xi32, #tpu.memory_space<vmem>>
    %dma_wait3A_1264 = tpu.memref_slice %arg3[%add3A_382] : memref<131072xi32, #tpu.memory_space<hbm>> -> memref<32xi32, #tpu.memory_space<hbm>>
    %dma_wait3A_1265 = arith.constant 1376 : i32
    %dma_wait3A_1266 = tpu.memref_slice %arg6[%dma_wait3A_1265] : memref<3872xi32, #tpu.memory_space<vmem>> -> memref<32xi32, #tpu.memory_space<vmem>>
    %dma_wait3A_1267 = tpu.memref_slice %arg3[%add3A_382] : memref<131072xi32, #tpu.memory_space<hbm>> -> memref<32xi32, #tpu.memory_space<hbm>>
    tpu.wait_dma2 semaphore(%arg9 : memref<!tpu.dma_semaphore, #tpu.memory_space<semaphore_mem>>) src(%dma_wait3A_1267 : memref<32xi32, #tpu.memory_space<hbm>>) dst(%dma_wait3A_1266 : memref<32xi32, #tpu.memory_space<vmem>>)
    %dma_wait3A_1268 = arith.constant 1408 : i32
    %dma_wait3A_1269 = tpu.memref_slice %arg6[%dma_wait3A_1268] : memref<3872xi32, #tpu.memory_space<vmem>> -> memref<32xi32, #tpu.memory_space<vmem>>
    %dma_wait3A_1270 = tpu.memref_slice %arg3[%add3A_390] : memref<131072xi32, #tpu.memory_space<hbm>> -> memref<32xi32, #tpu.memory_space<hbm>>
    %dma_wait3A_1271 = arith.constant 1408 : i32
    %dma_wait3A_1272 = tpu.memref_slice %arg6[%dma_wait3A_1271] : memref<3872xi32, #tpu.memory_space<vmem>> -> memref<32xi32, #tpu.memory_space<vmem>>
    %dma_wait3A_1273 = tpu.memref_slice %arg3[%add3A_390] : memref<131072xi32, #tpu.memory_space<hbm>> -> memref<32xi32, #tpu.memory_space<hbm>>
    tpu.wait_dma2 semaphore(%arg9 : memref<!tpu.dma_semaphore, #tpu.memory_space<semaphore_mem>>) src(%dma_wait3A_1273 : memref<32xi32, #tpu.memory_space<hbm>>) dst(%dma_wait3A_1272 : memref<32xi32, #tpu.memory_space<vmem>>)
    %dma_wait3A_1274 = arith.constant 1440 : i32
    %dma_wait3A_1275 = tpu.memref_slice %arg6[%dma_wait3A_1274] : memref<3872xi32, #tpu.memory_space<vmem>> -> memref<32xi32, #tpu.memory_space<vmem>>
    %dma_wait3A_1276 = tpu.memref_slice %arg3[%add3A_398] : memref<131072xi32, #tpu.memory_space<hbm>> -> memref<32xi32, #tpu.memory_space<hbm>>
    %dma_wait3A_1277 = arith.constant 1440 : i32
    %dma_wait3A_1278 = tpu.memref_slice %arg6[%dma_wait3A_1277] : memref<3872xi32, #tpu.memory_space<vmem>> -> memref<32xi32, #tpu.memory_space<vmem>>
    %dma_wait3A_1279 = tpu.memref_slice %arg3[%add3A_398] : memref<131072xi32, #tpu.memory_space<hbm>> -> memref<32xi32, #tpu.memory_space<hbm>>
    tpu.wait_dma2 semaphore(%arg9 : memref<!tpu.dma_semaphore, #tpu.memory_space<semaphore_mem>>) src(%dma_wait3A_1279 : memref<32xi32, #tpu.memory_space<hbm>>) dst(%dma_wait3A_1278 : memref<32xi32, #tpu.memory_space<vmem>>)
    %dma_wait3A_1280 = arith.constant 1472 : i32
    %dma_wait3A_1281 = tpu.memref_slice %arg6[%dma_wait3A_1280] : memref<3872xi32, #tpu.memory_space<vmem>> -> memref<32xi32, #tpu.memory_space<vmem>>
    %dma_wait3A_1282 = tpu.memref_slice %arg3[%add3A_406] : memref<131072xi32, #tpu.memory_space<hbm>> -> memref<32xi32, #tpu.memory_space<hbm>>
    %dma_wait3A_1283 = arith.constant 1472 : i32
    %dma_wait3A_1284 = tpu.memref_slice %arg6[%dma_wait3A_1283] : memref<3872xi32, #tpu.memory_space<vmem>> -> memref<32xi32, #tpu.memory_space<vmem>>
    %dma_wait3A_1285 = tpu.memref_slice %arg3[%add3A_406] : memref<131072xi32, #tpu.memory_space<hbm>> -> memref<32xi32, #tpu.memory_space<hbm>>
    tpu.wait_dma2 semaphore(%arg9 : memref<!tpu.dma_semaphore, #tpu.memory_space<semaphore_mem>>) src(%dma_wait3A_1285 : memref<32xi32, #tpu.memory_space<hbm>>) dst(%dma_wait3A_1284 : memref<32xi32, #tpu.memory_space<vmem>>)
    %dma_wait3A_1286 = arith.constant 1504 : i32
    %dma_wait3A_1287 = tpu.memref_slice %arg6[%dma_wait3A_1286] : memref<3872xi32, #tpu.memory_space<vmem>> -> memref<32xi32, #tpu.memory_space<vmem>>
    %dma_wait3A_1288 = tpu.memref_slice %arg3[%add3A_414] : memref<131072xi32, #tpu.memory_space<hbm>> -> memref<32xi32, #tpu.memory_space<hbm>>
    %dma_wait3A_1289 = arith.constant 1504 : i32
    %dma_wait3A_1290 = tpu.memref_slice %arg6[%dma_wait3A_1289] : memref<3872xi32, #tpu.memory_space<vmem>> -> memref<32xi32, #tpu.memory_space<vmem>>
    %dma_wait3A_1291 = tpu.memref_slice %arg3[%add3A_414] : memref<131072xi32, #tpu.memory_space<hbm>> -> memref<32xi32, #tpu.memory_space<hbm>>
    tpu.wait_dma2 semaphore(%arg9 : memref<!tpu.dma_semaphore, #tpu.memory_space<semaphore_mem>>) src(%dma_wait3A_1291 : memref<32xi32, #tpu.memory_space<hbm>>) dst(%dma_wait3A_1290 : memref<32xi32, #tpu.memory_space<vmem>>)
    %dma_wait3A_1292 = arith.constant 1536 : i32
    %dma_wait3A_1293 = tpu.memref_slice %arg6[%dma_wait3A_1292] : memref<3872xi32, #tpu.memory_space<vmem>> -> memref<32xi32, #tpu.memory_space<vmem>>
    %dma_wait3A_1294 = tpu.memref_slice %arg3[%add3A_422] : memref<131072xi32, #tpu.memory_space<hbm>> -> memref<32xi32, #tpu.memory_space<hbm>>
    %dma_wait3A_1295 = arith.constant 1536 : i32
    %dma_wait3A_1296 = tpu.memref_slice %arg6[%dma_wait3A_1295] : memref<3872xi32, #tpu.memory_space<vmem>> -> memref<32xi32, #tpu.memory_space<vmem>>
    %dma_wait3A_1297 = tpu.memref_slice %arg3[%add3A_422] : memref<131072xi32, #tpu.memory_space<hbm>> -> memref<32xi32, #tpu.memory_space<hbm>>
    tpu.wait_dma2 semaphore(%arg9 : memref<!tpu.dma_semaphore, #tpu.memory_space<semaphore_mem>>) src(%dma_wait3A_1297 : memref<32xi32, #tpu.memory_space<hbm>>) dst(%dma_wait3A_1296 : memref<32xi32, #tpu.memory_space<vmem>>)
    %dma_wait3A_1298 = arith.constant 1568 : i32
    %dma_wait3A_1299 = tpu.memref_slice %arg6[%dma_wait3A_1298] : memref<3872xi32, #tpu.memory_space<vmem>> -> memref<32xi32, #tpu.memory_space<vmem>>
    %dma_wait3A_1300 = tpu.memref_slice %arg3[%add3A_430] : memref<131072xi32, #tpu.memory_space<hbm>> -> memref<32xi32, #tpu.memory_space<hbm>>
    %dma_wait3A_1301 = arith.constant 1568 : i32
    %dma_wait3A_1302 = tpu.memref_slice %arg6[%dma_wait3A_1301] : memref<3872xi32, #tpu.memory_space<vmem>> -> memref<32xi32, #tpu.memory_space<vmem>>
    %dma_wait3A_1303 = tpu.memref_slice %arg3[%add3A_430] : memref<131072xi32, #tpu.memory_space<hbm>> -> memref<32xi32, #tpu.memory_space<hbm>>
    tpu.wait_dma2 semaphore(%arg9 : memref<!tpu.dma_semaphore, #tpu.memory_space<semaphore_mem>>) src(%dma_wait3A_1303 : memref<32xi32, #tpu.memory_space<hbm>>) dst(%dma_wait3A_1302 : memref<32xi32, #tpu.memory_space<vmem>>)
    %dma_wait3A_1304 = arith.constant 1600 : i32
    %dma_wait3A_1305 = tpu.memref_slice %arg6[%dma_wait3A_1304] : memref<3872xi32, #tpu.memory_space<vmem>> -> memref<32xi32, #tpu.memory_space<vmem>>
    %dma_wait3A_1306 = tpu.memref_slice %arg3[%add3A_438] : memref<131072xi32, #tpu.memory_space<hbm>> -> memref<32xi32, #tpu.memory_space<hbm>>
    %dma_wait3A_1307 = arith.constant 1600 : i32
    %dma_wait3A_1308 = tpu.memref_slice %arg6[%dma_wait3A_1307] : memref<3872xi32, #tpu.memory_space<vmem>> -> memref<32xi32, #tpu.memory_space<vmem>>
    %dma_wait3A_1309 = tpu.memref_slice %arg3[%add3A_438] : memref<131072xi32, #tpu.memory_space<hbm>> -> memref<32xi32, #tpu.memory_space<hbm>>
    tpu.wait_dma2 semaphore(%arg9 : memref<!tpu.dma_semaphore, #tpu.memory_space<semaphore_mem>>) src(%dma_wait3A_1309 : memref<32xi32, #tpu.memory_space<hbm>>) dst(%dma_wait3A_1308 : memref<32xi32, #tpu.memory_space<vmem>>)
    %dma_wait3A_1310 = arith.constant 1632 : i32
    %dma_wait3A_1311 = tpu.memref_slice %arg6[%dma_wait3A_1310] : memref<3872xi32, #tpu.memory_space<vmem>> -> memref<32xi32, #tpu.memory_space<vmem>>
    %dma_wait3A_1312 = tpu.memref_slice %arg3[%add3A_446] : memref<131072xi32, #tpu.memory_space<hbm>> -> memref<32xi32, #tpu.memory_space<hbm>>
    %dma_wait3A_1313 = arith.constant 1632 : i32
    %dma_wait3A_1314 = tpu.memref_slice %arg6[%dma_wait3A_1313] : memref<3872xi32, #tpu.memory_space<vmem>> -> memref<32xi32, #tpu.memory_space<vmem>>
    %dma_wait3A_1315 = tpu.memref_slice %arg3[%add3A_446] : memref<131072xi32, #tpu.memory_space<hbm>> -> memref<32xi32, #tpu.memory_space<hbm>>
    tpu.wait_dma2 semaphore(%arg9 : memref<!tpu.dma_semaphore, #tpu.memory_space<semaphore_mem>>) src(%dma_wait3A_1315 : memref<32xi32, #tpu.memory_space<hbm>>) dst(%dma_wait3A_1314 : memref<32xi32, #tpu.memory_space<vmem>>)
    %dma_wait3A_1316 = arith.constant 1664 : i32
    %dma_wait3A_1317 = tpu.memref_slice %arg6[%dma_wait3A_1316] : memref<3872xi32, #tpu.memory_space<vmem>> -> memref<32xi32, #tpu.memory_space<vmem>>
    %dma_wait3A_1318 = tpu.memref_slice %arg3[%add3A_454] : memref<131072xi32, #tpu.memory_space<hbm>> -> memref<32xi32, #tpu.memory_space<hbm>>
    %dma_wait3A_1319 = arith.constant 1664 : i32
    %dma_wait3A_1320 = tpu.memref_slice %arg6[%dma_wait3A_1319] : memref<3872xi32, #tpu.memory_space<vmem>> -> memref<32xi32, #tpu.memory_space<vmem>>
    %dma_wait3A_1321 = tpu.memref_slice %arg3[%add3A_454] : memref<131072xi32, #tpu.memory_space<hbm>> -> memref<32xi32, #tpu.memory_space<hbm>>
    tpu.wait_dma2 semaphore(%arg9 : memref<!tpu.dma_semaphore, #tpu.memory_space<semaphore_mem>>) src(%dma_wait3A_1321 : memref<32xi32, #tpu.memory_space<hbm>>) dst(%dma_wait3A_1320 : memref<32xi32, #tpu.memory_space<vmem>>)
    %dma_wait3A_1322 = arith.constant 1696 : i32
    %dma_wait3A_1323 = tpu.memref_slice %arg6[%dma_wait3A_1322] : memref<3872xi32, #tpu.memory_space<vmem>> -> memref<32xi32, #tpu.memory_space<vmem>>
    %dma_wait3A_1324 = tpu.memref_slice %arg3[%add3A_462] : memref<131072xi32, #tpu.memory_space<hbm>> -> memref<32xi32, #tpu.memory_space<hbm>>
    %dma_wait3A_1325 = arith.constant 1696 : i32
    %dma_wait3A_1326 = tpu.memref_slice %arg6[%dma_wait3A_1325] : memref<3872xi32, #tpu.memory_space<vmem>> -> memref<32xi32, #tpu.memory_space<vmem>>
    %dma_wait3A_1327 = tpu.memref_slice %arg3[%add3A_462] : memref<131072xi32, #tpu.memory_space<hbm>> -> memref<32xi32, #tpu.memory_space<hbm>>
    tpu.wait_dma2 semaphore(%arg9 : memref<!tpu.dma_semaphore, #tpu.memory_space<semaphore_mem>>) src(%dma_wait3A_1327 : memref<32xi32, #tpu.memory_space<hbm>>) dst(%dma_wait3A_1326 : memref<32xi32, #tpu.memory_space<vmem>>)
    %dma_wait3A_1328 = arith.constant 1728 : i32
    %dma_wait3A_1329 = tpu.memref_slice %arg6[%dma_wait3A_1328] : memref<3872xi32, #tpu.memory_space<vmem>> -> memref<32xi32, #tpu.memory_space<vmem>>
    %dma_wait3A_1330 = tpu.memref_slice %arg3[%add3A_470] : memref<131072xi32, #tpu.memory_space<hbm>> -> memref<32xi32, #tpu.memory_space<hbm>>
    %dma_wait3A_1331 = arith.constant 1728 : i32
    %dma_wait3A_1332 = tpu.memref_slice %arg6[%dma_wait3A_1331] : memref<3872xi32, #tpu.memory_space<vmem>> -> memref<32xi32, #tpu.memory_space<vmem>>
    %dma_wait3A_1333 = tpu.memref_slice %arg3[%add3A_470] : memref<131072xi32, #tpu.memory_space<hbm>> -> memref<32xi32, #tpu.memory_space<hbm>>
    tpu.wait_dma2 semaphore(%arg9 : memref<!tpu.dma_semaphore, #tpu.memory_space<semaphore_mem>>) src(%dma_wait3A_1333 : memref<32xi32, #tpu.memory_space<hbm>>) dst(%dma_wait3A_1332 : memref<32xi32, #tpu.memory_space<vmem>>)
    %dma_wait3A_1334 = arith.constant 1760 : i32
    %dma_wait3A_1335 = tpu.memref_slice %arg6[%dma_wait3A_1334] : memref<3872xi32, #tpu.memory_space<vmem>> -> memref<32xi32, #tpu.memory_space<vmem>>
    %dma_wait3A_1336 = tpu.memref_slice %arg3[%add3A_478] : memref<131072xi32, #tpu.memory_space<hbm>> -> memref<32xi32, #tpu.memory_space<hbm>>
    %dma_wait3A_1337 = arith.constant 1760 : i32
    %dma_wait3A_1338 = tpu.memref_slice %arg6[%dma_wait3A_1337] : memref<3872xi32, #tpu.memory_space<vmem>> -> memref<32xi32, #tpu.memory_space<vmem>>
    %dma_wait3A_1339 = tpu.memref_slice %arg3[%add3A_478] : memref<131072xi32, #tpu.memory_space<hbm>> -> memref<32xi32, #tpu.memory_space<hbm>>
    tpu.wait_dma2 semaphore(%arg9 : memref<!tpu.dma_semaphore, #tpu.memory_space<semaphore_mem>>) src(%dma_wait3A_1339 : memref<32xi32, #tpu.memory_space<hbm>>) dst(%dma_wait3A_1338 : memref<32xi32, #tpu.memory_space<vmem>>)
    %dma_wait3A_1340 = arith.constant 1792 : i32
    %dma_wait3A_1341 = tpu.memref_slice %arg6[%dma_wait3A_1340] : memref<3872xi32, #tpu.memory_space<vmem>> -> memref<32xi32, #tpu.memory_space<vmem>>
    %dma_wait3A_1342 = tpu.memref_slice %arg3[%add3A_486] : memref<131072xi32, #tpu.memory_space<hbm>> -> memref<32xi32, #tpu.memory_space<hbm>>
    %dma_wait3A_1343 = arith.constant 1792 : i32
    %dma_wait3A_1344 = tpu.memref_slice %arg6[%dma_wait3A_1343] : memref<3872xi32, #tpu.memory_space<vmem>> -> memref<32xi32, #tpu.memory_space<vmem>>
    %dma_wait3A_1345 = tpu.memref_slice %arg3[%add3A_486] : memref<131072xi32, #tpu.memory_space<hbm>> -> memref<32xi32, #tpu.memory_space<hbm>>
    tpu.wait_dma2 semaphore(%arg9 : memref<!tpu.dma_semaphore, #tpu.memory_space<semaphore_mem>>) src(%dma_wait3A_1345 : memref<32xi32, #tpu.memory_space<hbm>>) dst(%dma_wait3A_1344 : memref<32xi32, #tpu.memory_space<vmem>>)
    %dma_wait3A_1346 = arith.constant 1824 : i32
    %dma_wait3A_1347 = tpu.memref_slice %arg6[%dma_wait3A_1346] : memref<3872xi32, #tpu.memory_space<vmem>> -> memref<32xi32, #tpu.memory_space<vmem>>
    %dma_wait3A_1348 = tpu.memref_slice %arg3[%add3A_494] : memref<131072xi32, #tpu.memory_space<hbm>> -> memref<32xi32, #tpu.memory_space<hbm>>
    %dma_wait3A_1349 = arith.constant 1824 : i32
    %dma_wait3A_1350 = tpu.memref_slice %arg6[%dma_wait3A_1349] : memref<3872xi32, #tpu.memory_space<vmem>> -> memref<32xi32, #tpu.memory_space<vmem>>
    %dma_wait3A_1351 = tpu.memref_slice %arg3[%add3A_494] : memref<131072xi32, #tpu.memory_space<hbm>> -> memref<32xi32, #tpu.memory_space<hbm>>
    tpu.wait_dma2 semaphore(%arg9 : memref<!tpu.dma_semaphore, #tpu.memory_space<semaphore_mem>>) src(%dma_wait3A_1351 : memref<32xi32, #tpu.memory_space<hbm>>) dst(%dma_wait3A_1350 : memref<32xi32, #tpu.memory_space<vmem>>)
    %dma_wait3A_1352 = arith.constant 1856 : i32
    %dma_wait3A_1353 = tpu.memref_slice %arg6[%dma_wait3A_1352] : memref<3872xi32, #tpu.memory_space<vmem>> -> memref<32xi32, #tpu.memory_space<vmem>>
    %dma_wait3A_1354 = tpu.memref_slice %arg3[%add3A_502] : memref<131072xi32, #tpu.memory_space<hbm>> -> memref<32xi32, #tpu.memory_space<hbm>>
    %dma_wait3A_1355 = arith.constant 1856 : i32
    %dma_wait3A_1356 = tpu.memref_slice %arg6[%dma_wait3A_1355] : memref<3872xi32, #tpu.memory_space<vmem>> -> memref<32xi32, #tpu.memory_space<vmem>>
    %dma_wait3A_1357 = tpu.memref_slice %arg3[%add3A_502] : memref<131072xi32, #tpu.memory_space<hbm>> -> memref<32xi32, #tpu.memory_space<hbm>>
    tpu.wait_dma2 semaphore(%arg9 : memref<!tpu.dma_semaphore, #tpu.memory_space<semaphore_mem>>) src(%dma_wait3A_1357 : memref<32xi32, #tpu.memory_space<hbm>>) dst(%dma_wait3A_1356 : memref<32xi32, #tpu.memory_space<vmem>>)
    %dma_wait3A_1358 = arith.constant 1888 : i32
    %dma_wait3A_1359 = tpu.memref_slice %arg6[%dma_wait3A_1358] : memref<3872xi32, #tpu.memory_space<vmem>> -> memref<32xi32, #tpu.memory_space<vmem>>
    %dma_wait3A_1360 = tpu.memref_slice %arg3[%add3A_510] : memref<131072xi32, #tpu.memory_space<hbm>> -> memref<32xi32, #tpu.memory_space<hbm>>
    %dma_wait3A_1361 = arith.constant 1888 : i32
    %dma_wait3A_1362 = tpu.memref_slice %arg6[%dma_wait3A_1361] : memref<3872xi32, #tpu.memory_space<vmem>> -> memref<32xi32, #tpu.memory_space<vmem>>
    %dma_wait3A_1363 = tpu.memref_slice %arg3[%add3A_510] : memref<131072xi32, #tpu.memory_space<hbm>> -> memref<32xi32, #tpu.memory_space<hbm>>
    tpu.wait_dma2 semaphore(%arg9 : memref<!tpu.dma_semaphore, #tpu.memory_space<semaphore_mem>>) src(%dma_wait3A_1363 : memref<32xi32, #tpu.memory_space<hbm>>) dst(%dma_wait3A_1362 : memref<32xi32, #tpu.memory_space<vmem>>)
    %dma_wait3A_1364 = arith.constant 1920 : i32
    %dma_wait3A_1365 = tpu.memref_slice %arg6[%dma_wait3A_1364] : memref<3872xi32, #tpu.memory_space<vmem>> -> memref<32xi32, #tpu.memory_space<vmem>>
    %dma_wait3A_1366 = tpu.memref_slice %arg3[%add3A_518] : memref<131072xi32, #tpu.memory_space<hbm>> -> memref<32xi32, #tpu.memory_space<hbm>>
    %dma_wait3A_1367 = arith.constant 1920 : i32
    %dma_wait3A_1368 = tpu.memref_slice %arg6[%dma_wait3A_1367] : memref<3872xi32, #tpu.memory_space<vmem>> -> memref<32xi32, #tpu.memory_space<vmem>>
    %dma_wait3A_1369 = tpu.memref_slice %arg3[%add3A_518] : memref<131072xi32, #tpu.memory_space<hbm>> -> memref<32xi32, #tpu.memory_space<hbm>>
    tpu.wait_dma2 semaphore(%arg9 : memref<!tpu.dma_semaphore, #tpu.memory_space<semaphore_mem>>) src(%dma_wait3A_1369 : memref<32xi32, #tpu.memory_space<hbm>>) dst(%dma_wait3A_1368 : memref<32xi32, #tpu.memory_space<vmem>>)
    %dma_wait3A_1370 = arith.constant 1952 : i32
    %dma_wait3A_1371 = tpu.memref_slice %arg6[%dma_wait3A_1370] : memref<3872xi32, #tpu.memory_space<vmem>> -> memref<32xi32, #tpu.memory_space<vmem>>
    %dma_wait3A_1372 = tpu.memref_slice %arg3[%add3A_526] : memref<131072xi32, #tpu.memory_space<hbm>> -> memref<32xi32, #tpu.memory_space<hbm>>
    %dma_wait3A_1373 = arith.constant 1952 : i32
    %dma_wait3A_1374 = tpu.memref_slice %arg6[%dma_wait3A_1373] : memref<3872xi32, #tpu.memory_space<vmem>> -> memref<32xi32, #tpu.memory_space<vmem>>
    %dma_wait3A_1375 = tpu.memref_slice %arg3[%add3A_526] : memref<131072xi32, #tpu.memory_space<hbm>> -> memref<32xi32, #tpu.memory_space<hbm>>
    tpu.wait_dma2 semaphore(%arg9 : memref<!tpu.dma_semaphore, #tpu.memory_space<semaphore_mem>>) src(%dma_wait3A_1375 : memref<32xi32, #tpu.memory_space<hbm>>) dst(%dma_wait3A_1374 : memref<32xi32, #tpu.memory_space<vmem>>)
    %dma_wait3A_1376 = arith.constant 1984 : i32
    %dma_wait3A_1377 = tpu.memref_slice %arg6[%dma_wait3A_1376] : memref<3872xi32, #tpu.memory_space<vmem>> -> memref<32xi32, #tpu.memory_space<vmem>>
    %dma_wait3A_1378 = tpu.memref_slice %arg3[%add3A_534] : memref<131072xi32, #tpu.memory_space<hbm>> -> memref<32xi32, #tpu.memory_space<hbm>>
    %dma_wait3A_1379 = arith.constant 1984 : i32
    %dma_wait3A_1380 = tpu.memref_slice %arg6[%dma_wait3A_1379] : memref<3872xi32, #tpu.memory_space<vmem>> -> memref<32xi32, #tpu.memory_space<vmem>>
    %dma_wait3A_1381 = tpu.memref_slice %arg3[%add3A_534] : memref<131072xi32, #tpu.memory_space<hbm>> -> memref<32xi32, #tpu.memory_space<hbm>>
    tpu.wait_dma2 semaphore(%arg9 : memref<!tpu.dma_semaphore, #tpu.memory_space<semaphore_mem>>) src(%dma_wait3A_1381 : memref<32xi32, #tpu.memory_space<hbm>>) dst(%dma_wait3A_1380 : memref<32xi32, #tpu.memory_space<vmem>>)
    %dma_wait3A_1382 = arith.constant 2016 : i32
    %dma_wait3A_1383 = tpu.memref_slice %arg6[%dma_wait3A_1382] : memref<3872xi32, #tpu.memory_space<vmem>> -> memref<32xi32, #tpu.memory_space<vmem>>
    %dma_wait3A_1384 = tpu.memref_slice %arg3[%add3A_542] : memref<131072xi32, #tpu.memory_space<hbm>> -> memref<32xi32, #tpu.memory_space<hbm>>
    %dma_wait3A_1385 = arith.constant 2016 : i32
    %dma_wait3A_1386 = tpu.memref_slice %arg6[%dma_wait3A_1385] : memref<3872xi32, #tpu.memory_space<vmem>> -> memref<32xi32, #tpu.memory_space<vmem>>
    %dma_wait3A_1387 = tpu.memref_slice %arg3[%add3A_542] : memref<131072xi32, #tpu.memory_space<hbm>> -> memref<32xi32, #tpu.memory_space<hbm>>
    tpu.wait_dma2 semaphore(%arg9 : memref<!tpu.dma_semaphore, #tpu.memory_space<semaphore_mem>>) src(%dma_wait3A_1387 : memref<32xi32, #tpu.memory_space<hbm>>) dst(%dma_wait3A_1386 : memref<32xi32, #tpu.memory_space<vmem>>)
    %dma_wait3A_1388 = arith.constant 2048 : i32
    %dma_wait3A_1389 = tpu.memref_slice %arg6[%dma_wait3A_1388] : memref<3872xi32, #tpu.memory_space<vmem>> -> memref<32xi32, #tpu.memory_space<vmem>>
    %dma_wait3A_1390 = tpu.memref_slice %arg3[%add3A_550] : memref<131072xi32, #tpu.memory_space<hbm>> -> memref<32xi32, #tpu.memory_space<hbm>>
    %dma_wait3A_1391 = arith.constant 2048 : i32
    %dma_wait3A_1392 = tpu.memref_slice %arg6[%dma_wait3A_1391] : memref<3872xi32, #tpu.memory_space<vmem>> -> memref<32xi32, #tpu.memory_space<vmem>>
    %dma_wait3A_1393 = tpu.memref_slice %arg3[%add3A_550] : memref<131072xi32, #tpu.memory_space<hbm>> -> memref<32xi32, #tpu.memory_space<hbm>>
    tpu.wait_dma2 semaphore(%arg9 : memref<!tpu.dma_semaphore, #tpu.memory_space<semaphore_mem>>) src(%dma_wait3A_1393 : memref<32xi32, #tpu.memory_space<hbm>>) dst(%dma_wait3A_1392 : memref<32xi32, #tpu.memory_space<vmem>>)
    %dma_wait3A_1394 = arith.constant 2080 : i32
    %dma_wait3A_1395 = tpu.memref_slice %arg6[%dma_wait3A_1394] : memref<3872xi32, #tpu.memory_space<vmem>> -> memref<32xi32, #tpu.memory_space<vmem>>
    %dma_wait3A_1396 = tpu.memref_slice %arg3[%add3A_558] : memref<131072xi32, #tpu.memory_space<hbm>> -> memref<32xi32, #tpu.memory_space<hbm>>
    %dma_wait3A_1397 = arith.constant 2080 : i32
    %dma_wait3A_1398 = tpu.memref_slice %arg6[%dma_wait3A_1397] : memref<3872xi32, #tpu.memory_space<vmem>> -> memref<32xi32, #tpu.memory_space<vmem>>
    %dma_wait3A_1399 = tpu.memref_slice %arg3[%add3A_558] : memref<131072xi32, #tpu.memory_space<hbm>> -> memref<32xi32, #tpu.memory_space<hbm>>
    tpu.wait_dma2 semaphore(%arg9 : memref<!tpu.dma_semaphore, #tpu.memory_space<semaphore_mem>>) src(%dma_wait3A_1399 : memref<32xi32, #tpu.memory_space<hbm>>) dst(%dma_wait3A_1398 : memref<32xi32, #tpu.memory_space<vmem>>)
    %dma_wait3A_1400 = arith.constant 2112 : i32
    %dma_wait3A_1401 = tpu.memref_slice %arg6[%dma_wait3A_1400] : memref<3872xi32, #tpu.memory_space<vmem>> -> memref<32xi32, #tpu.memory_space<vmem>>
    %dma_wait3A_1402 = tpu.memref_slice %arg3[%add3A_566] : memref<131072xi32, #tpu.memory_space<hbm>> -> memref<32xi32, #tpu.memory_space<hbm>>
    %dma_wait3A_1403 = arith.constant 2112 : i32
    %dma_wait3A_1404 = tpu.memref_slice %arg6[%dma_wait3A_1403] : memref<3872xi32, #tpu.memory_space<vmem>> -> memref<32xi32, #tpu.memory_space<vmem>>
    %dma_wait3A_1405 = tpu.memref_slice %arg3[%add3A_566] : memref<131072xi32, #tpu.memory_space<hbm>> -> memref<32xi32, #tpu.memory_space<hbm>>
    tpu.wait_dma2 semaphore(%arg9 : memref<!tpu.dma_semaphore, #tpu.memory_space<semaphore_mem>>) src(%dma_wait3A_1405 : memref<32xi32, #tpu.memory_space<hbm>>) dst(%dma_wait3A_1404 : memref<32xi32, #tpu.memory_space<vmem>>)
    %dma_wait3A_1406 = arith.constant 2144 : i32
    %dma_wait3A_1407 = tpu.memref_slice %arg6[%dma_wait3A_1406] : memref<3872xi32, #tpu.memory_space<vmem>> -> memref<32xi32, #tpu.memory_space<vmem>>
    %dma_wait3A_1408 = tpu.memref_slice %arg3[%add3A_574] : memref<131072xi32, #tpu.memory_space<hbm>> -> memref<32xi32, #tpu.memory_space<hbm>>
    %dma_wait3A_1409 = arith.constant 2144 : i32
    %dma_wait3A_1410 = tpu.memref_slice %arg6[%dma_wait3A_1409] : memref<3872xi32, #tpu.memory_space<vmem>> -> memref<32xi32, #tpu.memory_space<vmem>>
    %dma_wait3A_1411 = tpu.memref_slice %arg3[%add3A_574] : memref<131072xi32, #tpu.memory_space<hbm>> -> memref<32xi32, #tpu.memory_space<hbm>>
    tpu.wait_dma2 semaphore(%arg9 : memref<!tpu.dma_semaphore, #tpu.memory_space<semaphore_mem>>) src(%dma_wait3A_1411 : memref<32xi32, #tpu.memory_space<hbm>>) dst(%dma_wait3A_1410 : memref<32xi32, #tpu.memory_space<vmem>>)
    %dma_wait3A_1412 = arith.constant 2176 : i32
    %dma_wait3A_1413 = tpu.memref_slice %arg6[%dma_wait3A_1412] : memref<3872xi32, #tpu.memory_space<vmem>> -> memref<32xi32, #tpu.memory_space<vmem>>
    %dma_wait3A_1414 = tpu.memref_slice %arg3[%add3A_582] : memref<131072xi32, #tpu.memory_space<hbm>> -> memref<32xi32, #tpu.memory_space<hbm>>
    %dma_wait3A_1415 = arith.constant 2176 : i32
    %dma_wait3A_1416 = tpu.memref_slice %arg6[%dma_wait3A_1415] : memref<3872xi32, #tpu.memory_space<vmem>> -> memref<32xi32, #tpu.memory_space<vmem>>
    %dma_wait3A_1417 = tpu.memref_slice %arg3[%add3A_582] : memref<131072xi32, #tpu.memory_space<hbm>> -> memref<32xi32, #tpu.memory_space<hbm>>
    tpu.wait_dma2 semaphore(%arg9 : memref<!tpu.dma_semaphore, #tpu.memory_space<semaphore_mem>>) src(%dma_wait3A_1417 : memref<32xi32, #tpu.memory_space<hbm>>) dst(%dma_wait3A_1416 : memref<32xi32, #tpu.memory_space<vmem>>)
    %dma_wait3A_1418 = arith.constant 2208 : i32
    %dma_wait3A_1419 = tpu.memref_slice %arg6[%dma_wait3A_1418] : memref<3872xi32, #tpu.memory_space<vmem>> -> memref<32xi32, #tpu.memory_space<vmem>>
    %dma_wait3A_1420 = tpu.memref_slice %arg3[%add3A_590] : memref<131072xi32, #tpu.memory_space<hbm>> -> memref<32xi32, #tpu.memory_space<hbm>>
    %dma_wait3A_1421 = arith.constant 2208 : i32
    %dma_wait3A_1422 = tpu.memref_slice %arg6[%dma_wait3A_1421] : memref<3872xi32, #tpu.memory_space<vmem>> -> memref<32xi32, #tpu.memory_space<vmem>>
    %dma_wait3A_1423 = tpu.memref_slice %arg3[%add3A_590] : memref<131072xi32, #tpu.memory_space<hbm>> -> memref<32xi32, #tpu.memory_space<hbm>>
    tpu.wait_dma2 semaphore(%arg9 : memref<!tpu.dma_semaphore, #tpu.memory_space<semaphore_mem>>) src(%dma_wait3A_1423 : memref<32xi32, #tpu.memory_space<hbm>>) dst(%dma_wait3A_1422 : memref<32xi32, #tpu.memory_space<vmem>>)
    %dma_wait3A_1424 = arith.constant 2240 : i32
    %dma_wait3A_1425 = tpu.memref_slice %arg6[%dma_wait3A_1424] : memref<3872xi32, #tpu.memory_space<vmem>> -> memref<32xi32, #tpu.memory_space<vmem>>
    %dma_wait3A_1426 = tpu.memref_slice %arg3[%add3A_598] : memref<131072xi32, #tpu.memory_space<hbm>> -> memref<32xi32, #tpu.memory_space<hbm>>
    %dma_wait3A_1427 = arith.constant 2240 : i32
    %dma_wait3A_1428 = tpu.memref_slice %arg6[%dma_wait3A_1427] : memref<3872xi32, #tpu.memory_space<vmem>> -> memref<32xi32, #tpu.memory_space<vmem>>
    %dma_wait3A_1429 = tpu.memref_slice %arg3[%add3A_598] : memref<131072xi32, #tpu.memory_space<hbm>> -> memref<32xi32, #tpu.memory_space<hbm>>
    tpu.wait_dma2 semaphore(%arg9 : memref<!tpu.dma_semaphore, #tpu.memory_space<semaphore_mem>>) src(%dma_wait3A_1429 : memref<32xi32, #tpu.memory_space<hbm>>) dst(%dma_wait3A_1428 : memref<32xi32, #tpu.memory_space<vmem>>)
    %dma_wait3A_1430 = arith.constant 2272 : i32
    %dma_wait3A_1431 = tpu.memref_slice %arg6[%dma_wait3A_1430] : memref<3872xi32, #tpu.memory_space<vmem>> -> memref<32xi32, #tpu.memory_space<vmem>>
    %dma_wait3A_1432 = tpu.memref_slice %arg3[%add3A_606] : memref<131072xi32, #tpu.memory_space<hbm>> -> memref<32xi32, #tpu.memory_space<hbm>>
    %dma_wait3A_1433 = arith.constant 2272 : i32
    %dma_wait3A_1434 = tpu.memref_slice %arg6[%dma_wait3A_1433] : memref<3872xi32, #tpu.memory_space<vmem>> -> memref<32xi32, #tpu.memory_space<vmem>>
    %dma_wait3A_1435 = tpu.memref_slice %arg3[%add3A_606] : memref<131072xi32, #tpu.memory_space<hbm>> -> memref<32xi32, #tpu.memory_space<hbm>>
    tpu.wait_dma2 semaphore(%arg9 : memref<!tpu.dma_semaphore, #tpu.memory_space<semaphore_mem>>) src(%dma_wait3A_1435 : memref<32xi32, #tpu.memory_space<hbm>>) dst(%dma_wait3A_1434 : memref<32xi32, #tpu.memory_space<vmem>>)
    %dma_wait3A_1436 = arith.constant 2304 : i32
    %dma_wait3A_1437 = tpu.memref_slice %arg6[%dma_wait3A_1436] : memref<3872xi32, #tpu.memory_space<vmem>> -> memref<32xi32, #tpu.memory_space<vmem>>
    %dma_wait3A_1438 = tpu.memref_slice %arg3[%add3A_614] : memref<131072xi32, #tpu.memory_space<hbm>> -> memref<32xi32, #tpu.memory_space<hbm>>
    %dma_wait3A_1439 = arith.constant 2304 : i32
    %dma_wait3A_1440 = tpu.memref_slice %arg6[%dma_wait3A_1439] : memref<3872xi32, #tpu.memory_space<vmem>> -> memref<32xi32, #tpu.memory_space<vmem>>
    %dma_wait3A_1441 = tpu.memref_slice %arg3[%add3A_614] : memref<131072xi32, #tpu.memory_space<hbm>> -> memref<32xi32, #tpu.memory_space<hbm>>
    tpu.wait_dma2 semaphore(%arg9 : memref<!tpu.dma_semaphore, #tpu.memory_space<semaphore_mem>>) src(%dma_wait3A_1441 : memref<32xi32, #tpu.memory_space<hbm>>) dst(%dma_wait3A_1440 : memref<32xi32, #tpu.memory_space<vmem>>)
    %dma_wait3A_1442 = arith.constant 2336 : i32
    %dma_wait3A_1443 = tpu.memref_slice %arg6[%dma_wait3A_1442] : memref<3872xi32, #tpu.memory_space<vmem>> -> memref<32xi32, #tpu.memory_space<vmem>>
    %dma_wait3A_1444 = tpu.memref_slice %arg3[%add3A_622] : memref<131072xi32, #tpu.memory_space<hbm>> -> memref<32xi32, #tpu.memory_space<hbm>>
    %dma_wait3A_1445 = arith.constant 2336 : i32
    %dma_wait3A_1446 = tpu.memref_slice %arg6[%dma_wait3A_1445] : memref<3872xi32, #tpu.memory_space<vmem>> -> memref<32xi32, #tpu.memory_space<vmem>>
    %dma_wait3A_1447 = tpu.memref_slice %arg3[%add3A_622] : memref<131072xi32, #tpu.memory_space<hbm>> -> memref<32xi32, #tpu.memory_space<hbm>>
    tpu.wait_dma2 semaphore(%arg9 : memref<!tpu.dma_semaphore, #tpu.memory_space<semaphore_mem>>) src(%dma_wait3A_1447 : memref<32xi32, #tpu.memory_space<hbm>>) dst(%dma_wait3A_1446 : memref<32xi32, #tpu.memory_space<vmem>>)
    %dma_wait3A_1448 = arith.constant 2368 : i32
    %dma_wait3A_1449 = tpu.memref_slice %arg6[%dma_wait3A_1448] : memref<3872xi32, #tpu.memory_space<vmem>> -> memref<32xi32, #tpu.memory_space<vmem>>
    %dma_wait3A_1450 = tpu.memref_slice %arg3[%add3A_630] : memref<131072xi32, #tpu.memory_space<hbm>> -> memref<32xi32, #tpu.memory_space<hbm>>
    %dma_wait3A_1451 = arith.constant 2368 : i32
    %dma_wait3A_1452 = tpu.memref_slice %arg6[%dma_wait3A_1451] : memref<3872xi32, #tpu.memory_space<vmem>> -> memref<32xi32, #tpu.memory_space<vmem>>
    %dma_wait3A_1453 = tpu.memref_slice %arg3[%add3A_630] : memref<131072xi32, #tpu.memory_space<hbm>> -> memref<32xi32, #tpu.memory_space<hbm>>
    tpu.wait_dma2 semaphore(%arg9 : memref<!tpu.dma_semaphore, #tpu.memory_space<semaphore_mem>>) src(%dma_wait3A_1453 : memref<32xi32, #tpu.memory_space<hbm>>) dst(%dma_wait3A_1452 : memref<32xi32, #tpu.memory_space<vmem>>)
    %dma_wait3A_1454 = arith.constant 2400 : i32
    %dma_wait3A_1455 = tpu.memref_slice %arg6[%dma_wait3A_1454] : memref<3872xi32, #tpu.memory_space<vmem>> -> memref<32xi32, #tpu.memory_space<vmem>>
    %dma_wait3A_1456 = tpu.memref_slice %arg3[%add3A_638] : memref<131072xi32, #tpu.memory_space<hbm>> -> memref<32xi32, #tpu.memory_space<hbm>>
    %dma_wait3A_1457 = arith.constant 2400 : i32
    %dma_wait3A_1458 = tpu.memref_slice %arg6[%dma_wait3A_1457] : memref<3872xi32, #tpu.memory_space<vmem>> -> memref<32xi32, #tpu.memory_space<vmem>>
    %dma_wait3A_1459 = tpu.memref_slice %arg3[%add3A_638] : memref<131072xi32, #tpu.memory_space<hbm>> -> memref<32xi32, #tpu.memory_space<hbm>>
    tpu.wait_dma2 semaphore(%arg9 : memref<!tpu.dma_semaphore, #tpu.memory_space<semaphore_mem>>) src(%dma_wait3A_1459 : memref<32xi32, #tpu.memory_space<hbm>>) dst(%dma_wait3A_1458 : memref<32xi32, #tpu.memory_space<vmem>>)
    %dma_wait3A_1460 = arith.constant 2432 : i32
    %dma_wait3A_1461 = tpu.memref_slice %arg6[%dma_wait3A_1460] : memref<3872xi32, #tpu.memory_space<vmem>> -> memref<32xi32, #tpu.memory_space<vmem>>
    %dma_wait3A_1462 = tpu.memref_slice %arg3[%add3A_646] : memref<131072xi32, #tpu.memory_space<hbm>> -> memref<32xi32, #tpu.memory_space<hbm>>
    %dma_wait3A_1463 = arith.constant 2432 : i32
    %dma_wait3A_1464 = tpu.memref_slice %arg6[%dma_wait3A_1463] : memref<3872xi32, #tpu.memory_space<vmem>> -> memref<32xi32, #tpu.memory_space<vmem>>
    %dma_wait3A_1465 = tpu.memref_slice %arg3[%add3A_646] : memref<131072xi32, #tpu.memory_space<hbm>> -> memref<32xi32, #tpu.memory_space<hbm>>
    tpu.wait_dma2 semaphore(%arg9 : memref<!tpu.dma_semaphore, #tpu.memory_space<semaphore_mem>>) src(%dma_wait3A_1465 : memref<32xi32, #tpu.memory_space<hbm>>) dst(%dma_wait3A_1464 : memref<32xi32, #tpu.memory_space<vmem>>)
    %dma_wait3A_1466 = arith.constant 2464 : i32
    %dma_wait3A_1467 = tpu.memref_slice %arg6[%dma_wait3A_1466] : memref<3872xi32, #tpu.memory_space<vmem>> -> memref<32xi32, #tpu.memory_space<vmem>>
    %dma_wait3A_1468 = tpu.memref_slice %arg3[%add3A_654] : memref<131072xi32, #tpu.memory_space<hbm>> -> memref<32xi32, #tpu.memory_space<hbm>>
    %dma_wait3A_1469 = arith.constant 2464 : i32
    %dma_wait3A_1470 = tpu.memref_slice %arg6[%dma_wait3A_1469] : memref<3872xi32, #tpu.memory_space<vmem>> -> memref<32xi32, #tpu.memory_space<vmem>>
    %dma_wait3A_1471 = tpu.memref_slice %arg3[%add3A_654] : memref<131072xi32, #tpu.memory_space<hbm>> -> memref<32xi32, #tpu.memory_space<hbm>>
    tpu.wait_dma2 semaphore(%arg9 : memref<!tpu.dma_semaphore, #tpu.memory_space<semaphore_mem>>) src(%dma_wait3A_1471 : memref<32xi32, #tpu.memory_space<hbm>>) dst(%dma_wait3A_1470 : memref<32xi32, #tpu.memory_space<vmem>>)
    %dma_wait3A_1472 = arith.constant 2496 : i32
    %dma_wait3A_1473 = tpu.memref_slice %arg6[%dma_wait3A_1472] : memref<3872xi32, #tpu.memory_space<vmem>> -> memref<32xi32, #tpu.memory_space<vmem>>
    %dma_wait3A_1474 = tpu.memref_slice %arg3[%add3A_662] : memref<131072xi32, #tpu.memory_space<hbm>> -> memref<32xi32, #tpu.memory_space<hbm>>
    %dma_wait3A_1475 = arith.constant 2496 : i32
    %dma_wait3A_1476 = tpu.memref_slice %arg6[%dma_wait3A_1475] : memref<3872xi32, #tpu.memory_space<vmem>> -> memref<32xi32, #tpu.memory_space<vmem>>
    %dma_wait3A_1477 = tpu.memref_slice %arg3[%add3A_662] : memref<131072xi32, #tpu.memory_space<hbm>> -> memref<32xi32, #tpu.memory_space<hbm>>
    tpu.wait_dma2 semaphore(%arg9 : memref<!tpu.dma_semaphore, #tpu.memory_space<semaphore_mem>>) src(%dma_wait3A_1477 : memref<32xi32, #tpu.memory_space<hbm>>) dst(%dma_wait3A_1476 : memref<32xi32, #tpu.memory_space<vmem>>)
    %dma_wait3A_1478 = arith.constant 2528 : i32
    %dma_wait3A_1479 = tpu.memref_slice %arg6[%dma_wait3A_1478] : memref<3872xi32, #tpu.memory_space<vmem>> -> memref<32xi32, #tpu.memory_space<vmem>>
    %dma_wait3A_1480 = tpu.memref_slice %arg3[%add3A_670] : memref<131072xi32, #tpu.memory_space<hbm>> -> memref<32xi32, #tpu.memory_space<hbm>>
    %dma_wait3A_1481 = arith.constant 2528 : i32
    %dma_wait3A_1482 = tpu.memref_slice %arg6[%dma_wait3A_1481] : memref<3872xi32, #tpu.memory_space<vmem>> -> memref<32xi32, #tpu.memory_space<vmem>>
    %dma_wait3A_1483 = tpu.memref_slice %arg3[%add3A_670] : memref<131072xi32, #tpu.memory_space<hbm>> -> memref<32xi32, #tpu.memory_space<hbm>>
    tpu.wait_dma2 semaphore(%arg9 : memref<!tpu.dma_semaphore, #tpu.memory_space<semaphore_mem>>) src(%dma_wait3A_1483 : memref<32xi32, #tpu.memory_space<hbm>>) dst(%dma_wait3A_1482 : memref<32xi32, #tpu.memory_space<vmem>>)
    %dma_wait3A_1484 = arith.constant 2560 : i32
    %dma_wait3A_1485 = tpu.memref_slice %arg6[%dma_wait3A_1484] : memref<3872xi32, #tpu.memory_space<vmem>> -> memref<32xi32, #tpu.memory_space<vmem>>
    %dma_wait3A_1486 = tpu.memref_slice %arg3[%add3A_678] : memref<131072xi32, #tpu.memory_space<hbm>> -> memref<32xi32, #tpu.memory_space<hbm>>
    %dma_wait3A_1487 = arith.constant 2560 : i32
    %dma_wait3A_1488 = tpu.memref_slice %arg6[%dma_wait3A_1487] : memref<3872xi32, #tpu.memory_space<vmem>> -> memref<32xi32, #tpu.memory_space<vmem>>
    %dma_wait3A_1489 = tpu.memref_slice %arg3[%add3A_678] : memref<131072xi32, #tpu.memory_space<hbm>> -> memref<32xi32, #tpu.memory_space<hbm>>
    tpu.wait_dma2 semaphore(%arg9 : memref<!tpu.dma_semaphore, #tpu.memory_space<semaphore_mem>>) src(%dma_wait3A_1489 : memref<32xi32, #tpu.memory_space<hbm>>) dst(%dma_wait3A_1488 : memref<32xi32, #tpu.memory_space<vmem>>)
    %dma_wait3A_1490 = arith.constant 2592 : i32
    %dma_wait3A_1491 = tpu.memref_slice %arg6[%dma_wait3A_1490] : memref<3872xi32, #tpu.memory_space<vmem>> -> memref<32xi32, #tpu.memory_space<vmem>>
    %dma_wait3A_1492 = tpu.memref_slice %arg3[%add3A_686] : memref<131072xi32, #tpu.memory_space<hbm>> -> memref<32xi32, #tpu.memory_space<hbm>>
    %dma_wait3A_1493 = arith.constant 2592 : i32
    %dma_wait3A_1494 = tpu.memref_slice %arg6[%dma_wait3A_1493] : memref<3872xi32, #tpu.memory_space<vmem>> -> memref<32xi32, #tpu.memory_space<vmem>>
    %dma_wait3A_1495 = tpu.memref_slice %arg3[%add3A_686] : memref<131072xi32, #tpu.memory_space<hbm>> -> memref<32xi32, #tpu.memory_space<hbm>>
    tpu.wait_dma2 semaphore(%arg9 : memref<!tpu.dma_semaphore, #tpu.memory_space<semaphore_mem>>) src(%dma_wait3A_1495 : memref<32xi32, #tpu.memory_space<hbm>>) dst(%dma_wait3A_1494 : memref<32xi32, #tpu.memory_space<vmem>>)
    %dma_wait3A_1496 = arith.constant 2624 : i32
    %dma_wait3A_1497 = tpu.memref_slice %arg6[%dma_wait3A_1496] : memref<3872xi32, #tpu.memory_space<vmem>> -> memref<32xi32, #tpu.memory_space<vmem>>
    %dma_wait3A_1498 = tpu.memref_slice %arg3[%add3A_694] : memref<131072xi32, #tpu.memory_space<hbm>> -> memref<32xi32, #tpu.memory_space<hbm>>
    %dma_wait3A_1499 = arith.constant 2624 : i32
    %dma_wait3A_1500 = tpu.memref_slice %arg6[%dma_wait3A_1499] : memref<3872xi32, #tpu.memory_space<vmem>> -> memref<32xi32, #tpu.memory_space<vmem>>
    %dma_wait3A_1501 = tpu.memref_slice %arg3[%add3A_694] : memref<131072xi32, #tpu.memory_space<hbm>> -> memref<32xi32, #tpu.memory_space<hbm>>
    tpu.wait_dma2 semaphore(%arg9 : memref<!tpu.dma_semaphore, #tpu.memory_space<semaphore_mem>>) src(%dma_wait3A_1501 : memref<32xi32, #tpu.memory_space<hbm>>) dst(%dma_wait3A_1500 : memref<32xi32, #tpu.memory_space<vmem>>)
    %dma_wait3A_1502 = arith.constant 2656 : i32
    %dma_wait3A_1503 = tpu.memref_slice %arg6[%dma_wait3A_1502] : memref<3872xi32, #tpu.memory_space<vmem>> -> memref<32xi32, #tpu.memory_space<vmem>>
    %dma_wait3A_1504 = tpu.memref_slice %arg3[%add3A_702] : memref<131072xi32, #tpu.memory_space<hbm>> -> memref<32xi32, #tpu.memory_space<hbm>>
    %dma_wait3A_1505 = arith.constant 2656 : i32
    %dma_wait3A_1506 = tpu.memref_slice %arg6[%dma_wait3A_1505] : memref<3872xi32, #tpu.memory_space<vmem>> -> memref<32xi32, #tpu.memory_space<vmem>>
    %dma_wait3A_1507 = tpu.memref_slice %arg3[%add3A_702] : memref<131072xi32, #tpu.memory_space<hbm>> -> memref<32xi32, #tpu.memory_space<hbm>>
    tpu.wait_dma2 semaphore(%arg9 : memref<!tpu.dma_semaphore, #tpu.memory_space<semaphore_mem>>) src(%dma_wait3A_1507 : memref<32xi32, #tpu.memory_space<hbm>>) dst(%dma_wait3A_1506 : memref<32xi32, #tpu.memory_space<vmem>>)
    %dma_wait3A_1508 = arith.constant 2688 : i32
    %dma_wait3A_1509 = tpu.memref_slice %arg6[%dma_wait3A_1508] : memref<3872xi32, #tpu.memory_space<vmem>> -> memref<32xi32, #tpu.memory_space<vmem>>
    %dma_wait3A_1510 = tpu.memref_slice %arg3[%add3A_710] : memref<131072xi32, #tpu.memory_space<hbm>> -> memref<32xi32, #tpu.memory_space<hbm>>
    %dma_wait3A_1511 = arith.constant 2688 : i32
    %dma_wait3A_1512 = tpu.memref_slice %arg6[%dma_wait3A_1511] : memref<3872xi32, #tpu.memory_space<vmem>> -> memref<32xi32, #tpu.memory_space<vmem>>
    %dma_wait3A_1513 = tpu.memref_slice %arg3[%add3A_710] : memref<131072xi32, #tpu.memory_space<hbm>> -> memref<32xi32, #tpu.memory_space<hbm>>
    tpu.wait_dma2 semaphore(%arg9 : memref<!tpu.dma_semaphore, #tpu.memory_space<semaphore_mem>>) src(%dma_wait3A_1513 : memref<32xi32, #tpu.memory_space<hbm>>) dst(%dma_wait3A_1512 : memref<32xi32, #tpu.memory_space<vmem>>)
    %dma_wait3A_1514 = arith.constant 2720 : i32
    %dma_wait3A_1515 = tpu.memref_slice %arg6[%dma_wait3A_1514] : memref<3872xi32, #tpu.memory_space<vmem>> -> memref<32xi32, #tpu.memory_space<vmem>>
    %dma_wait3A_1516 = tpu.memref_slice %arg3[%add3A_718] : memref<131072xi32, #tpu.memory_space<hbm>> -> memref<32xi32, #tpu.memory_space<hbm>>
    %dma_wait3A_1517 = arith.constant 2720 : i32
    %dma_wait3A_1518 = tpu.memref_slice %arg6[%dma_wait3A_1517] : memref<3872xi32, #tpu.memory_space<vmem>> -> memref<32xi32, #tpu.memory_space<vmem>>
    %dma_wait3A_1519 = tpu.memref_slice %arg3[%add3A_718] : memref<131072xi32, #tpu.memory_space<hbm>> -> memref<32xi32, #tpu.memory_space<hbm>>
    tpu.wait_dma2 semaphore(%arg9 : memref<!tpu.dma_semaphore, #tpu.memory_space<semaphore_mem>>) src(%dma_wait3A_1519 : memref<32xi32, #tpu.memory_space<hbm>>) dst(%dma_wait3A_1518 : memref<32xi32, #tpu.memory_space<vmem>>)
    %dma_wait3A_1520 = arith.constant 2752 : i32
    %dma_wait3A_1521 = tpu.memref_slice %arg6[%dma_wait3A_1520] : memref<3872xi32, #tpu.memory_space<vmem>> -> memref<32xi32, #tpu.memory_space<vmem>>
    %dma_wait3A_1522 = tpu.memref_slice %arg3[%add3A_726] : memref<131072xi32, #tpu.memory_space<hbm>> -> memref<32xi32, #tpu.memory_space<hbm>>
    %dma_wait3A_1523 = arith.constant 2752 : i32
    %dma_wait3A_1524 = tpu.memref_slice %arg6[%dma_wait3A_1523] : memref<3872xi32, #tpu.memory_space<vmem>> -> memref<32xi32, #tpu.memory_space<vmem>>
    %dma_wait3A_1525 = tpu.memref_slice %arg3[%add3A_726] : memref<131072xi32, #tpu.memory_space<hbm>> -> memref<32xi32, #tpu.memory_space<hbm>>
    tpu.wait_dma2 semaphore(%arg9 : memref<!tpu.dma_semaphore, #tpu.memory_space<semaphore_mem>>) src(%dma_wait3A_1525 : memref<32xi32, #tpu.memory_space<hbm>>) dst(%dma_wait3A_1524 : memref<32xi32, #tpu.memory_space<vmem>>)
    %dma_wait3A_1526 = arith.constant 2784 : i32
    %dma_wait3A_1527 = tpu.memref_slice %arg6[%dma_wait3A_1526] : memref<3872xi32, #tpu.memory_space<vmem>> -> memref<32xi32, #tpu.memory_space<vmem>>
    %dma_wait3A_1528 = tpu.memref_slice %arg3[%add3A_734] : memref<131072xi32, #tpu.memory_space<hbm>> -> memref<32xi32, #tpu.memory_space<hbm>>
    %dma_wait3A_1529 = arith.constant 2784 : i32
    %dma_wait3A_1530 = tpu.memref_slice %arg6[%dma_wait3A_1529] : memref<3872xi32, #tpu.memory_space<vmem>> -> memref<32xi32, #tpu.memory_space<vmem>>
    %dma_wait3A_1531 = tpu.memref_slice %arg3[%add3A_734] : memref<131072xi32, #tpu.memory_space<hbm>> -> memref<32xi32, #tpu.memory_space<hbm>>
    tpu.wait_dma2 semaphore(%arg9 : memref<!tpu.dma_semaphore, #tpu.memory_space<semaphore_mem>>) src(%dma_wait3A_1531 : memref<32xi32, #tpu.memory_space<hbm>>) dst(%dma_wait3A_1530 : memref<32xi32, #tpu.memory_space<vmem>>)
    %dma_wait3A_1532 = arith.constant 2816 : i32
    %dma_wait3A_1533 = tpu.memref_slice %arg6[%dma_wait3A_1532] : memref<3872xi32, #tpu.memory_space<vmem>> -> memref<32xi32, #tpu.memory_space<vmem>>
    %dma_wait3A_1534 = tpu.memref_slice %arg3[%add3A_742] : memref<131072xi32, #tpu.memory_space<hbm>> -> memref<32xi32, #tpu.memory_space<hbm>>
    %dma_wait3A_1535 = arith.constant 2816 : i32
    %dma_wait3A_1536 = tpu.memref_slice %arg6[%dma_wait3A_1535] : memref<3872xi32, #tpu.memory_space<vmem>> -> memref<32xi32, #tpu.memory_space<vmem>>
    %dma_wait3A_1537 = tpu.memref_slice %arg3[%add3A_742] : memref<131072xi32, #tpu.memory_space<hbm>> -> memref<32xi32, #tpu.memory_space<hbm>>
    tpu.wait_dma2 semaphore(%arg9 : memref<!tpu.dma_semaphore, #tpu.memory_space<semaphore_mem>>) src(%dma_wait3A_1537 : memref<32xi32, #tpu.memory_space<hbm>>) dst(%dma_wait3A_1536 : memref<32xi32, #tpu.memory_space<vmem>>)
    %dma_wait3A_1538 = arith.constant 2848 : i32
    %dma_wait3A_1539 = tpu.memref_slice %arg6[%dma_wait3A_1538] : memref<3872xi32, #tpu.memory_space<vmem>> -> memref<32xi32, #tpu.memory_space<vmem>>
    %dma_wait3A_1540 = tpu.memref_slice %arg3[%add3A_750] : memref<131072xi32, #tpu.memory_space<hbm>> -> memref<32xi32, #tpu.memory_space<hbm>>
    %dma_wait3A_1541 = arith.constant 2848 : i32
    %dma_wait3A_1542 = tpu.memref_slice %arg6[%dma_wait3A_1541] : memref<3872xi32, #tpu.memory_space<vmem>> -> memref<32xi32, #tpu.memory_space<vmem>>
    %dma_wait3A_1543 = tpu.memref_slice %arg3[%add3A_750] : memref<131072xi32, #tpu.memory_space<hbm>> -> memref<32xi32, #tpu.memory_space<hbm>>
    tpu.wait_dma2 semaphore(%arg9 : memref<!tpu.dma_semaphore, #tpu.memory_space<semaphore_mem>>) src(%dma_wait3A_1543 : memref<32xi32, #tpu.memory_space<hbm>>) dst(%dma_wait3A_1542 : memref<32xi32, #tpu.memory_space<vmem>>)
    %dma_wait3A_1544 = arith.constant 2880 : i32
    %dma_wait3A_1545 = tpu.memref_slice %arg6[%dma_wait3A_1544] : memref<3872xi32, #tpu.memory_space<vmem>> -> memref<32xi32, #tpu.memory_space<vmem>>
    %dma_wait3A_1546 = tpu.memref_slice %arg3[%add3A_758] : memref<131072xi32, #tpu.memory_space<hbm>> -> memref<32xi32, #tpu.memory_space<hbm>>
    %dma_wait3A_1547 = arith.constant 2880 : i32
    %dma_wait3A_1548 = tpu.memref_slice %arg6[%dma_wait3A_1547] : memref<3872xi32, #tpu.memory_space<vmem>> -> memref<32xi32, #tpu.memory_space<vmem>>
    %dma_wait3A_1549 = tpu.memref_slice %arg3[%add3A_758] : memref<131072xi32, #tpu.memory_space<hbm>> -> memref<32xi32, #tpu.memory_space<hbm>>
    tpu.wait_dma2 semaphore(%arg9 : memref<!tpu.dma_semaphore, #tpu.memory_space<semaphore_mem>>) src(%dma_wait3A_1549 : memref<32xi32, #tpu.memory_space<hbm>>) dst(%dma_wait3A_1548 : memref<32xi32, #tpu.memory_space<vmem>>)
    %dma_wait3A_1550 = arith.constant 2912 : i32
    %dma_wait3A_1551 = tpu.memref_slice %arg6[%dma_wait3A_1550] : memref<3872xi32, #tpu.memory_space<vmem>> -> memref<32xi32, #tpu.memory_space<vmem>>
    %dma_wait3A_1552 = tpu.memref_slice %arg3[%add3A_766] : memref<131072xi32, #tpu.memory_space<hbm>> -> memref<32xi32, #tpu.memory_space<hbm>>
    %dma_wait3A_1553 = arith.constant 2912 : i32
    %dma_wait3A_1554 = tpu.memref_slice %arg6[%dma_wait3A_1553] : memref<3872xi32, #tpu.memory_space<vmem>> -> memref<32xi32, #tpu.memory_space<vmem>>
    %dma_wait3A_1555 = tpu.memref_slice %arg3[%add3A_766] : memref<131072xi32, #tpu.memory_space<hbm>> -> memref<32xi32, #tpu.memory_space<hbm>>
    tpu.wait_dma2 semaphore(%arg9 : memref<!tpu.dma_semaphore, #tpu.memory_space<semaphore_mem>>) src(%dma_wait3A_1555 : memref<32xi32, #tpu.memory_space<hbm>>) dst(%dma_wait3A_1554 : memref<32xi32, #tpu.memory_space<vmem>>)
    %dma_wait3A_1556 = arith.constant 2944 : i32
    %dma_wait3A_1557 = tpu.memref_slice %arg6[%dma_wait3A_1556] : memref<3872xi32, #tpu.memory_space<vmem>> -> memref<32xi32, #tpu.memory_space<vmem>>
    %dma_wait3A_1558 = tpu.memref_slice %arg3[%add3A_774] : memref<131072xi32, #tpu.memory_space<hbm>> -> memref<32xi32, #tpu.memory_space<hbm>>
    %dma_wait3A_1559 = arith.constant 2944 : i32
    %dma_wait3A_1560 = tpu.memref_slice %arg6[%dma_wait3A_1559] : memref<3872xi32, #tpu.memory_space<vmem>> -> memref<32xi32, #tpu.memory_space<vmem>>
    %dma_wait3A_1561 = tpu.memref_slice %arg3[%add3A_774] : memref<131072xi32, #tpu.memory_space<hbm>> -> memref<32xi32, #tpu.memory_space<hbm>>
    tpu.wait_dma2 semaphore(%arg9 : memref<!tpu.dma_semaphore, #tpu.memory_space<semaphore_mem>>) src(%dma_wait3A_1561 : memref<32xi32, #tpu.memory_space<hbm>>) dst(%dma_wait3A_1560 : memref<32xi32, #tpu.memory_space<vmem>>)
    %dma_wait3A_1562 = arith.constant 2976 : i32
    %dma_wait3A_1563 = tpu.memref_slice %arg6[%dma_wait3A_1562] : memref<3872xi32, #tpu.memory_space<vmem>> -> memref<32xi32, #tpu.memory_space<vmem>>
    %dma_wait3A_1564 = tpu.memref_slice %arg3[%add3A_782] : memref<131072xi32, #tpu.memory_space<hbm>> -> memref<32xi32, #tpu.memory_space<hbm>>
    %dma_wait3A_1565 = arith.constant 2976 : i32
    %dma_wait3A_1566 = tpu.memref_slice %arg6[%dma_wait3A_1565] : memref<3872xi32, #tpu.memory_space<vmem>> -> memref<32xi32, #tpu.memory_space<vmem>>
    %dma_wait3A_1567 = tpu.memref_slice %arg3[%add3A_782] : memref<131072xi32, #tpu.memory_space<hbm>> -> memref<32xi32, #tpu.memory_space<hbm>>
    tpu.wait_dma2 semaphore(%arg9 : memref<!tpu.dma_semaphore, #tpu.memory_space<semaphore_mem>>) src(%dma_wait3A_1567 : memref<32xi32, #tpu.memory_space<hbm>>) dst(%dma_wait3A_1566 : memref<32xi32, #tpu.memory_space<vmem>>)
    %dma_wait3A_1568 = arith.constant 3008 : i32
    %dma_wait3A_1569 = tpu.memref_slice %arg6[%dma_wait3A_1568] : memref<3872xi32, #tpu.memory_space<vmem>> -> memref<32xi32, #tpu.memory_space<vmem>>
    %dma_wait3A_1570 = tpu.memref_slice %arg3[%add3A_790] : memref<131072xi32, #tpu.memory_space<hbm>> -> memref<32xi32, #tpu.memory_space<hbm>>
    %dma_wait3A_1571 = arith.constant 3008 : i32
    %dma_wait3A_1572 = tpu.memref_slice %arg6[%dma_wait3A_1571] : memref<3872xi32, #tpu.memory_space<vmem>> -> memref<32xi32, #tpu.memory_space<vmem>>
    %dma_wait3A_1573 = tpu.memref_slice %arg3[%add3A_790] : memref<131072xi32, #tpu.memory_space<hbm>> -> memref<32xi32, #tpu.memory_space<hbm>>
    tpu.wait_dma2 semaphore(%arg9 : memref<!tpu.dma_semaphore, #tpu.memory_space<semaphore_mem>>) src(%dma_wait3A_1573 : memref<32xi32, #tpu.memory_space<hbm>>) dst(%dma_wait3A_1572 : memref<32xi32, #tpu.memory_space<vmem>>)
    %dma_wait3A_1574 = arith.constant 3040 : i32
    %dma_wait3A_1575 = tpu.memref_slice %arg6[%dma_wait3A_1574] : memref<3872xi32, #tpu.memory_space<vmem>> -> memref<32xi32, #tpu.memory_space<vmem>>
    %dma_wait3A_1576 = tpu.memref_slice %arg3[%add3A_798] : memref<131072xi32, #tpu.memory_space<hbm>> -> memref<32xi32, #tpu.memory_space<hbm>>
    %dma_wait3A_1577 = arith.constant 3040 : i32
    %dma_wait3A_1578 = tpu.memref_slice %arg6[%dma_wait3A_1577] : memref<3872xi32, #tpu.memory_space<vmem>> -> memref<32xi32, #tpu.memory_space<vmem>>
    %dma_wait3A_1579 = tpu.memref_slice %arg3[%add3A_798] : memref<131072xi32, #tpu.memory_space<hbm>> -> memref<32xi32, #tpu.memory_space<hbm>>
    tpu.wait_dma2 semaphore(%arg9 : memref<!tpu.dma_semaphore, #tpu.memory_space<semaphore_mem>>) src(%dma_wait3A_1579 : memref<32xi32, #tpu.memory_space<hbm>>) dst(%dma_wait3A_1578 : memref<32xi32, #tpu.memory_space<vmem>>)
    %dma_wait3A_1580 = arith.constant 3072 : i32
    %dma_wait3A_1581 = tpu.memref_slice %arg6[%dma_wait3A_1580] : memref<3872xi32, #tpu.memory_space<vmem>> -> memref<32xi32, #tpu.memory_space<vmem>>
    %dma_wait3A_1582 = tpu.memref_slice %arg3[%add3A_806] : memref<131072xi32, #tpu.memory_space<hbm>> -> memref<32xi32, #tpu.memory_space<hbm>>
    %dma_wait3A_1583 = arith.constant 3072 : i32
    %dma_wait3A_1584 = tpu.memref_slice %arg6[%dma_wait3A_1583] : memref<3872xi32, #tpu.memory_space<vmem>> -> memref<32xi32, #tpu.memory_space<vmem>>
    %dma_wait3A_1585 = tpu.memref_slice %arg3[%add3A_806] : memref<131072xi32, #tpu.memory_space<hbm>> -> memref<32xi32, #tpu.memory_space<hbm>>
    tpu.wait_dma2 semaphore(%arg9 : memref<!tpu.dma_semaphore, #tpu.memory_space<semaphore_mem>>) src(%dma_wait3A_1585 : memref<32xi32, #tpu.memory_space<hbm>>) dst(%dma_wait3A_1584 : memref<32xi32, #tpu.memory_space<vmem>>)
    %dma_wait3A_1586 = arith.constant 3104 : i32
    %dma_wait3A_1587 = tpu.memref_slice %arg6[%dma_wait3A_1586] : memref<3872xi32, #tpu.memory_space<vmem>> -> memref<32xi32, #tpu.memory_space<vmem>>
    %dma_wait3A_1588 = tpu.memref_slice %arg3[%add3A_814] : memref<131072xi32, #tpu.memory_space<hbm>> -> memref<32xi32, #tpu.memory_space<hbm>>
    %dma_wait3A_1589 = arith.constant 3104 : i32
    %dma_wait3A_1590 = tpu.memref_slice %arg6[%dma_wait3A_1589] : memref<3872xi32, #tpu.memory_space<vmem>> -> memref<32xi32, #tpu.memory_space<vmem>>
    %dma_wait3A_1591 = tpu.memref_slice %arg3[%add3A_814] : memref<131072xi32, #tpu.memory_space<hbm>> -> memref<32xi32, #tpu.memory_space<hbm>>
    tpu.wait_dma2 semaphore(%arg9 : memref<!tpu.dma_semaphore, #tpu.memory_space<semaphore_mem>>) src(%dma_wait3A_1591 : memref<32xi32, #tpu.memory_space<hbm>>) dst(%dma_wait3A_1590 : memref<32xi32, #tpu.memory_space<vmem>>)
    %dma_wait3A_1592 = arith.constant 3136 : i32
    %dma_wait3A_1593 = tpu.memref_slice %arg6[%dma_wait3A_1592] : memref<3872xi32, #tpu.memory_space<vmem>> -> memref<32xi32, #tpu.memory_space<vmem>>
    %dma_wait3A_1594 = tpu.memref_slice %arg3[%add3A_822] : memref<131072xi32, #tpu.memory_space<hbm>> -> memref<32xi32, #tpu.memory_space<hbm>>
    %dma_wait3A_1595 = arith.constant 3136 : i32
    %dma_wait3A_1596 = tpu.memref_slice %arg6[%dma_wait3A_1595] : memref<3872xi32, #tpu.memory_space<vmem>> -> memref<32xi32, #tpu.memory_space<vmem>>
    %dma_wait3A_1597 = tpu.memref_slice %arg3[%add3A_822] : memref<131072xi32, #tpu.memory_space<hbm>> -> memref<32xi32, #tpu.memory_space<hbm>>
    tpu.wait_dma2 semaphore(%arg9 : memref<!tpu.dma_semaphore, #tpu.memory_space<semaphore_mem>>) src(%dma_wait3A_1597 : memref<32xi32, #tpu.memory_space<hbm>>) dst(%dma_wait3A_1596 : memref<32xi32, #tpu.memory_space<vmem>>)
    %dma_wait3A_1598 = arith.constant 3168 : i32
    %dma_wait3A_1599 = tpu.memref_slice %arg6[%dma_wait3A_1598] : memref<3872xi32, #tpu.memory_space<vmem>> -> memref<32xi32, #tpu.memory_space<vmem>>
    %dma_wait3A_1600 = tpu.memref_slice %arg3[%add3A_830] : memref<131072xi32, #tpu.memory_space<hbm>> -> memref<32xi32, #tpu.memory_space<hbm>>
    %dma_wait3A_1601 = arith.constant 3168 : i32
    %dma_wait3A_1602 = tpu.memref_slice %arg6[%dma_wait3A_1601] : memref<3872xi32, #tpu.memory_space<vmem>> -> memref<32xi32, #tpu.memory_space<vmem>>
    %dma_wait3A_1603 = tpu.memref_slice %arg3[%add3A_830] : memref<131072xi32, #tpu.memory_space<hbm>> -> memref<32xi32, #tpu.memory_space<hbm>>
    tpu.wait_dma2 semaphore(%arg9 : memref<!tpu.dma_semaphore, #tpu.memory_space<semaphore_mem>>) src(%dma_wait3A_1603 : memref<32xi32, #tpu.memory_space<hbm>>) dst(%dma_wait3A_1602 : memref<32xi32, #tpu.memory_space<vmem>>)
    %dma_wait3A_1604 = arith.constant 3200 : i32
    %dma_wait3A_1605 = tpu.memref_slice %arg6[%dma_wait3A_1604] : memref<3872xi32, #tpu.memory_space<vmem>> -> memref<32xi32, #tpu.memory_space<vmem>>
    %dma_wait3A_1606 = tpu.memref_slice %arg3[%add3A_838] : memref<131072xi32, #tpu.memory_space<hbm>> -> memref<32xi32, #tpu.memory_space<hbm>>
    %dma_wait3A_1607 = arith.constant 3200 : i32
    %dma_wait3A_1608 = tpu.memref_slice %arg6[%dma_wait3A_1607] : memref<3872xi32, #tpu.memory_space<vmem>> -> memref<32xi32, #tpu.memory_space<vmem>>
    %dma_wait3A_1609 = tpu.memref_slice %arg3[%add3A_838] : memref<131072xi32, #tpu.memory_space<hbm>> -> memref<32xi32, #tpu.memory_space<hbm>>
    tpu.wait_dma2 semaphore(%arg9 : memref<!tpu.dma_semaphore, #tpu.memory_space<semaphore_mem>>) src(%dma_wait3A_1609 : memref<32xi32, #tpu.memory_space<hbm>>) dst(%dma_wait3A_1608 : memref<32xi32, #tpu.memory_space<vmem>>)
    %dma_wait3A_1610 = arith.constant 3232 : i32
    %dma_wait3A_1611 = tpu.memref_slice %arg6[%dma_wait3A_1610] : memref<3872xi32, #tpu.memory_space<vmem>> -> memref<32xi32, #tpu.memory_space<vmem>>
    %dma_wait3A_1612 = tpu.memref_slice %arg3[%add3A_846] : memref<131072xi32, #tpu.memory_space<hbm>> -> memref<32xi32, #tpu.memory_space<hbm>>
    %dma_wait3A_1613 = arith.constant 3232 : i32
    %dma_wait3A_1614 = tpu.memref_slice %arg6[%dma_wait3A_1613] : memref<3872xi32, #tpu.memory_space<vmem>> -> memref<32xi32, #tpu.memory_space<vmem>>
    %dma_wait3A_1615 = tpu.memref_slice %arg3[%add3A_846] : memref<131072xi32, #tpu.memory_space<hbm>> -> memref<32xi32, #tpu.memory_space<hbm>>
    tpu.wait_dma2 semaphore(%arg9 : memref<!tpu.dma_semaphore, #tpu.memory_space<semaphore_mem>>) src(%dma_wait3A_1615 : memref<32xi32, #tpu.memory_space<hbm>>) dst(%dma_wait3A_1614 : memref<32xi32, #tpu.memory_space<vmem>>)
    %dma_wait3A_1616 = arith.constant 3264 : i32
    %dma_wait3A_1617 = tpu.memref_slice %arg6[%dma_wait3A_1616] : memref<3872xi32, #tpu.memory_space<vmem>> -> memref<32xi32, #tpu.memory_space<vmem>>
    %dma_wait3A_1618 = tpu.memref_slice %arg3[%add3A_854] : memref<131072xi32, #tpu.memory_space<hbm>> -> memref<32xi32, #tpu.memory_space<hbm>>
    %dma_wait3A_1619 = arith.constant 3264 : i32
    %dma_wait3A_1620 = tpu.memref_slice %arg6[%dma_wait3A_1619] : memref<3872xi32, #tpu.memory_space<vmem>> -> memref<32xi32, #tpu.memory_space<vmem>>
    %dma_wait3A_1621 = tpu.memref_slice %arg3[%add3A_854] : memref<131072xi32, #tpu.memory_space<hbm>> -> memref<32xi32, #tpu.memory_space<hbm>>
    tpu.wait_dma2 semaphore(%arg9 : memref<!tpu.dma_semaphore, #tpu.memory_space<semaphore_mem>>) src(%dma_wait3A_1621 : memref<32xi32, #tpu.memory_space<hbm>>) dst(%dma_wait3A_1620 : memref<32xi32, #tpu.memory_space<vmem>>)
    %dma_wait3A_1622 = arith.constant 3296 : i32
    %dma_wait3A_1623 = tpu.memref_slice %arg6[%dma_wait3A_1622] : memref<3872xi32, #tpu.memory_space<vmem>> -> memref<32xi32, #tpu.memory_space<vmem>>
    %dma_wait3A_1624 = tpu.memref_slice %arg3[%add3A_862] : memref<131072xi32, #tpu.memory_space<hbm>> -> memref<32xi32, #tpu.memory_space<hbm>>
    %dma_wait3A_1625 = arith.constant 3296 : i32
    %dma_wait3A_1626 = tpu.memref_slice %arg6[%dma_wait3A_1625] : memref<3872xi32, #tpu.memory_space<vmem>> -> memref<32xi32, #tpu.memory_space<vmem>>
    %dma_wait3A_1627 = tpu.memref_slice %arg3[%add3A_862] : memref<131072xi32, #tpu.memory_space<hbm>> -> memref<32xi32, #tpu.memory_space<hbm>>
    tpu.wait_dma2 semaphore(%arg9 : memref<!tpu.dma_semaphore, #tpu.memory_space<semaphore_mem>>) src(%dma_wait3A_1627 : memref<32xi32, #tpu.memory_space<hbm>>) dst(%dma_wait3A_1626 : memref<32xi32, #tpu.memory_space<vmem>>)
    %dma_wait3A_1628 = arith.constant 3328 : i32
    %dma_wait3A_1629 = tpu.memref_slice %arg6[%dma_wait3A_1628] : memref<3872xi32, #tpu.memory_space<vmem>> -> memref<32xi32, #tpu.memory_space<vmem>>
    %dma_wait3A_1630 = tpu.memref_slice %arg3[%add3A_870] : memref<131072xi32, #tpu.memory_space<hbm>> -> memref<32xi32, #tpu.memory_space<hbm>>
    %dma_wait3A_1631 = arith.constant 3328 : i32
    %dma_wait3A_1632 = tpu.memref_slice %arg6[%dma_wait3A_1631] : memref<3872xi32, #tpu.memory_space<vmem>> -> memref<32xi32, #tpu.memory_space<vmem>>
    %dma_wait3A_1633 = tpu.memref_slice %arg3[%add3A_870] : memref<131072xi32, #tpu.memory_space<hbm>> -> memref<32xi32, #tpu.memory_space<hbm>>
    tpu.wait_dma2 semaphore(%arg9 : memref<!tpu.dma_semaphore, #tpu.memory_space<semaphore_mem>>) src(%dma_wait3A_1633 : memref<32xi32, #tpu.memory_space<hbm>>) dst(%dma_wait3A_1632 : memref<32xi32, #tpu.memory_space<vmem>>)
    %dma_wait3A_1634 = arith.constant 3360 : i32
    %dma_wait3A_1635 = tpu.memref_slice %arg6[%dma_wait3A_1634] : memref<3872xi32, #tpu.memory_space<vmem>> -> memref<32xi32, #tpu.memory_space<vmem>>
    %dma_wait3A_1636 = tpu.memref_slice %arg3[%add3A_878] : memref<131072xi32, #tpu.memory_space<hbm>> -> memref<32xi32, #tpu.memory_space<hbm>>
    %dma_wait3A_1637 = arith.constant 3360 : i32
    %dma_wait3A_1638 = tpu.memref_slice %arg6[%dma_wait3A_1637] : memref<3872xi32, #tpu.memory_space<vmem>> -> memref<32xi32, #tpu.memory_space<vmem>>
    %dma_wait3A_1639 = tpu.memref_slice %arg3[%add3A_878] : memref<131072xi32, #tpu.memory_space<hbm>> -> memref<32xi32, #tpu.memory_space<hbm>>
    tpu.wait_dma2 semaphore(%arg9 : memref<!tpu.dma_semaphore, #tpu.memory_space<semaphore_mem>>) src(%dma_wait3A_1639 : memref<32xi32, #tpu.memory_space<hbm>>) dst(%dma_wait3A_1638 : memref<32xi32, #tpu.memory_space<vmem>>)
    %dma_wait3A_1640 = arith.constant 3392 : i32
    %dma_wait3A_1641 = tpu.memref_slice %arg6[%dma_wait3A_1640] : memref<3872xi32, #tpu.memory_space<vmem>> -> memref<32xi32, #tpu.memory_space<vmem>>
    %dma_wait3A_1642 = tpu.memref_slice %arg3[%add3A_886] : memref<131072xi32, #tpu.memory_space<hbm>> -> memref<32xi32, #tpu.memory_space<hbm>>
    %dma_wait3A_1643 = arith.constant 3392 : i32
    %dma_wait3A_1644 = tpu.memref_slice %arg6[%dma_wait3A_1643] : memref<3872xi32, #tpu.memory_space<vmem>> -> memref<32xi32, #tpu.memory_space<vmem>>
    %dma_wait3A_1645 = tpu.memref_slice %arg3[%add3A_886] : memref<131072xi32, #tpu.memory_space<hbm>> -> memref<32xi32, #tpu.memory_space<hbm>>
    tpu.wait_dma2 semaphore(%arg9 : memref<!tpu.dma_semaphore, #tpu.memory_space<semaphore_mem>>) src(%dma_wait3A_1645 : memref<32xi32, #tpu.memory_space<hbm>>) dst(%dma_wait3A_1644 : memref<32xi32, #tpu.memory_space<vmem>>)
    %dma_wait3A_1646 = arith.constant 3424 : i32
    %dma_wait3A_1647 = tpu.memref_slice %arg6[%dma_wait3A_1646] : memref<3872xi32, #tpu.memory_space<vmem>> -> memref<32xi32, #tpu.memory_space<vmem>>
    %dma_wait3A_1648 = tpu.memref_slice %arg3[%add3A_894] : memref<131072xi32, #tpu.memory_space<hbm>> -> memref<32xi32, #tpu.memory_space<hbm>>
    %dma_wait3A_1649 = arith.constant 3424 : i32
    %dma_wait3A_1650 = tpu.memref_slice %arg6[%dma_wait3A_1649] : memref<3872xi32, #tpu.memory_space<vmem>> -> memref<32xi32, #tpu.memory_space<vmem>>
    %dma_wait3A_1651 = tpu.memref_slice %arg3[%add3A_894] : memref<131072xi32, #tpu.memory_space<hbm>> -> memref<32xi32, #tpu.memory_space<hbm>>
    tpu.wait_dma2 semaphore(%arg9 : memref<!tpu.dma_semaphore, #tpu.memory_space<semaphore_mem>>) src(%dma_wait3A_1651 : memref<32xi32, #tpu.memory_space<hbm>>) dst(%dma_wait3A_1650 : memref<32xi32, #tpu.memory_space<vmem>>)
    %dma_wait3A_1652 = arith.constant 3456 : i32
    %dma_wait3A_1653 = tpu.memref_slice %arg6[%dma_wait3A_1652] : memref<3872xi32, #tpu.memory_space<vmem>> -> memref<32xi32, #tpu.memory_space<vmem>>
    %dma_wait3A_1654 = tpu.memref_slice %arg3[%add3A_902] : memref<131072xi32, #tpu.memory_space<hbm>> -> memref<32xi32, #tpu.memory_space<hbm>>
    %dma_wait3A_1655 = arith.constant 3456 : i32
    %dma_wait3A_1656 = tpu.memref_slice %arg6[%dma_wait3A_1655] : memref<3872xi32, #tpu.memory_space<vmem>> -> memref<32xi32, #tpu.memory_space<vmem>>
    %dma_wait3A_1657 = tpu.memref_slice %arg3[%add3A_902] : memref<131072xi32, #tpu.memory_space<hbm>> -> memref<32xi32, #tpu.memory_space<hbm>>
    tpu.wait_dma2 semaphore(%arg9 : memref<!tpu.dma_semaphore, #tpu.memory_space<semaphore_mem>>) src(%dma_wait3A_1657 : memref<32xi32, #tpu.memory_space<hbm>>) dst(%dma_wait3A_1656 : memref<32xi32, #tpu.memory_space<vmem>>)
    %dma_wait3A_1658 = arith.constant 3488 : i32
    %dma_wait3A_1659 = tpu.memref_slice %arg6[%dma_wait3A_1658] : memref<3872xi32, #tpu.memory_space<vmem>> -> memref<32xi32, #tpu.memory_space<vmem>>
    %dma_wait3A_1660 = tpu.memref_slice %arg3[%add3A_910] : memref<131072xi32, #tpu.memory_space<hbm>> -> memref<32xi32, #tpu.memory_space<hbm>>
    %dma_wait3A_1661 = arith.constant 3488 : i32
    %dma_wait3A_1662 = tpu.memref_slice %arg6[%dma_wait3A_1661] : memref<3872xi32, #tpu.memory_space<vmem>> -> memref<32xi32, #tpu.memory_space<vmem>>
    %dma_wait3A_1663 = tpu.memref_slice %arg3[%add3A_910] : memref<131072xi32, #tpu.memory_space<hbm>> -> memref<32xi32, #tpu.memory_space<hbm>>
    tpu.wait_dma2 semaphore(%arg9 : memref<!tpu.dma_semaphore, #tpu.memory_space<semaphore_mem>>) src(%dma_wait3A_1663 : memref<32xi32, #tpu.memory_space<hbm>>) dst(%dma_wait3A_1662 : memref<32xi32, #tpu.memory_space<vmem>>)
    %dma_wait3A_1664 = arith.constant 3520 : i32
    %dma_wait3A_1665 = tpu.memref_slice %arg6[%dma_wait3A_1664] : memref<3872xi32, #tpu.memory_space<vmem>> -> memref<32xi32, #tpu.memory_space<vmem>>
    %dma_wait3A_1666 = tpu.memref_slice %arg3[%add3A_918] : memref<131072xi32, #tpu.memory_space<hbm>> -> memref<32xi32, #tpu.memory_space<hbm>>
    %dma_wait3A_1667 = arith.constant 3520 : i32
    %dma_wait3A_1668 = tpu.memref_slice %arg6[%dma_wait3A_1667] : memref<3872xi32, #tpu.memory_space<vmem>> -> memref<32xi32, #tpu.memory_space<vmem>>
    %dma_wait3A_1669 = tpu.memref_slice %arg3[%add3A_918] : memref<131072xi32, #tpu.memory_space<hbm>> -> memref<32xi32, #tpu.memory_space<hbm>>
    tpu.wait_dma2 semaphore(%arg9 : memref<!tpu.dma_semaphore, #tpu.memory_space<semaphore_mem>>) src(%dma_wait3A_1669 : memref<32xi32, #tpu.memory_space<hbm>>) dst(%dma_wait3A_1668 : memref<32xi32, #tpu.memory_space<vmem>>)
    %dma_wait3A_1670 = arith.constant 3552 : i32
    %dma_wait3A_1671 = tpu.memref_slice %arg6[%dma_wait3A_1670] : memref<3872xi32, #tpu.memory_space<vmem>> -> memref<32xi32, #tpu.memory_space<vmem>>
    %dma_wait3A_1672 = tpu.memref_slice %arg3[%add3A_926] : memref<131072xi32, #tpu.memory_space<hbm>> -> memref<32xi32, #tpu.memory_space<hbm>>
    %dma_wait3A_1673 = arith.constant 3552 : i32
    %dma_wait3A_1674 = tpu.memref_slice %arg6[%dma_wait3A_1673] : memref<3872xi32, #tpu.memory_space<vmem>> -> memref<32xi32, #tpu.memory_space<vmem>>
    %dma_wait3A_1675 = tpu.memref_slice %arg3[%add3A_926] : memref<131072xi32, #tpu.memory_space<hbm>> -> memref<32xi32, #tpu.memory_space<hbm>>
    tpu.wait_dma2 semaphore(%arg9 : memref<!tpu.dma_semaphore, #tpu.memory_space<semaphore_mem>>) src(%dma_wait3A_1675 : memref<32xi32, #tpu.memory_space<hbm>>) dst(%dma_wait3A_1674 : memref<32xi32, #tpu.memory_space<vmem>>)
    %dma_wait3A_1676 = arith.constant 3584 : i32
    %dma_wait3A_1677 = tpu.memref_slice %arg6[%dma_wait3A_1676] : memref<3872xi32, #tpu.memory_space<vmem>> -> memref<32xi32, #tpu.memory_space<vmem>>
    %dma_wait3A_1678 = tpu.memref_slice %arg3[%add3A_934] : memref<131072xi32, #tpu.memory_space<hbm>> -> memref<32xi32, #tpu.memory_space<hbm>>
    %dma_wait3A_1679 = arith.constant 3584 : i32
    %dma_wait3A_1680 = tpu.memref_slice %arg6[%dma_wait3A_1679] : memref<3872xi32, #tpu.memory_space<vmem>> -> memref<32xi32, #tpu.memory_space<vmem>>
    %dma_wait3A_1681 = tpu.memref_slice %arg3[%add3A_934] : memref<131072xi32, #tpu.memory_space<hbm>> -> memref<32xi32, #tpu.memory_space<hbm>>
    tpu.wait_dma2 semaphore(%arg9 : memref<!tpu.dma_semaphore, #tpu.memory_space<semaphore_mem>>) src(%dma_wait3A_1681 : memref<32xi32, #tpu.memory_space<hbm>>) dst(%dma_wait3A_1680 : memref<32xi32, #tpu.memory_space<vmem>>)
    %dma_wait3A_1682 = arith.constant 3616 : i32
    %dma_wait3A_1683 = tpu.memref_slice %arg6[%dma_wait3A_1682] : memref<3872xi32, #tpu.memory_space<vmem>> -> memref<32xi32, #tpu.memory_space<vmem>>
    %dma_wait3A_1684 = tpu.memref_slice %arg3[%add3A_942] : memref<131072xi32, #tpu.memory_space<hbm>> -> memref<32xi32, #tpu.memory_space<hbm>>
    %dma_wait3A_1685 = arith.constant 3616 : i32
    %dma_wait3A_1686 = tpu.memref_slice %arg6[%dma_wait3A_1685] : memref<3872xi32, #tpu.memory_space<vmem>> -> memref<32xi32, #tpu.memory_space<vmem>>
    %dma_wait3A_1687 = tpu.memref_slice %arg3[%add3A_942] : memref<131072xi32, #tpu.memory_space<hbm>> -> memref<32xi32, #tpu.memory_space<hbm>>
    tpu.wait_dma2 semaphore(%arg9 : memref<!tpu.dma_semaphore, #tpu.memory_space<semaphore_mem>>) src(%dma_wait3A_1687 : memref<32xi32, #tpu.memory_space<hbm>>) dst(%dma_wait3A_1686 : memref<32xi32, #tpu.memory_space<vmem>>)
    %dma_wait3A_1688 = arith.constant 3648 : i32
    %dma_wait3A_1689 = tpu.memref_slice %arg6[%dma_wait3A_1688] : memref<3872xi32, #tpu.memory_space<vmem>> -> memref<32xi32, #tpu.memory_space<vmem>>
    %dma_wait3A_1690 = tpu.memref_slice %arg3[%add3A_950] : memref<131072xi32, #tpu.memory_space<hbm>> -> memref<32xi32, #tpu.memory_space<hbm>>
    %dma_wait3A_1691 = arith.constant 3648 : i32
    %dma_wait3A_1692 = tpu.memref_slice %arg6[%dma_wait3A_1691] : memref<3872xi32, #tpu.memory_space<vmem>> -> memref<32xi32, #tpu.memory_space<vmem>>
    %dma_wait3A_1693 = tpu.memref_slice %arg3[%add3A_950] : memref<131072xi32, #tpu.memory_space<hbm>> -> memref<32xi32, #tpu.memory_space<hbm>>
    tpu.wait_dma2 semaphore(%arg9 : memref<!tpu.dma_semaphore, #tpu.memory_space<semaphore_mem>>) src(%dma_wait3A_1693 : memref<32xi32, #tpu.memory_space<hbm>>) dst(%dma_wait3A_1692 : memref<32xi32, #tpu.memory_space<vmem>>)
    %dma_wait3A_1694 = arith.constant 3680 : i32
    %dma_wait3A_1695 = tpu.memref_slice %arg6[%dma_wait3A_1694] : memref<3872xi32, #tpu.memory_space<vmem>> -> memref<32xi32, #tpu.memory_space<vmem>>
    %dma_wait3A_1696 = tpu.memref_slice %arg3[%add3A_958] : memref<131072xi32, #tpu.memory_space<hbm>> -> memref<32xi32, #tpu.memory_space<hbm>>
    %dma_wait3A_1697 = arith.constant 3680 : i32
    %dma_wait3A_1698 = tpu.memref_slice %arg6[%dma_wait3A_1697] : memref<3872xi32, #tpu.memory_space<vmem>> -> memref<32xi32, #tpu.memory_space<vmem>>
    %dma_wait3A_1699 = tpu.memref_slice %arg3[%add3A_958] : memref<131072xi32, #tpu.memory_space<hbm>> -> memref<32xi32, #tpu.memory_space<hbm>>
    tpu.wait_dma2 semaphore(%arg9 : memref<!tpu.dma_semaphore, #tpu.memory_space<semaphore_mem>>) src(%dma_wait3A_1699 : memref<32xi32, #tpu.memory_space<hbm>>) dst(%dma_wait3A_1698 : memref<32xi32, #tpu.memory_space<vmem>>)
    %dma_wait3A_1700 = arith.constant 3712 : i32
    %dma_wait3A_1701 = tpu.memref_slice %arg6[%dma_wait3A_1700] : memref<3872xi32, #tpu.memory_space<vmem>> -> memref<32xi32, #tpu.memory_space<vmem>>
    %dma_wait3A_1702 = tpu.memref_slice %arg3[%add3A_966] : memref<131072xi32, #tpu.memory_space<hbm>> -> memref<32xi32, #tpu.memory_space<hbm>>
    %dma_wait3A_1703 = arith.constant 3712 : i32
    %dma_wait3A_1704 = tpu.memref_slice %arg6[%dma_wait3A_1703] : memref<3872xi32, #tpu.memory_space<vmem>> -> memref<32xi32, #tpu.memory_space<vmem>>
    %dma_wait3A_1705 = tpu.memref_slice %arg3[%add3A_966] : memref<131072xi32, #tpu.memory_space<hbm>> -> memref<32xi32, #tpu.memory_space<hbm>>
    tpu.wait_dma2 semaphore(%arg9 : memref<!tpu.dma_semaphore, #tpu.memory_space<semaphore_mem>>) src(%dma_wait3A_1705 : memref<32xi32, #tpu.memory_space<hbm>>) dst(%dma_wait3A_1704 : memref<32xi32, #tpu.memory_space<vmem>>)
    %dma_wait3A_1706 = arith.constant 3744 : i32
    %dma_wait3A_1707 = tpu.memref_slice %arg6[%dma_wait3A_1706] : memref<3872xi32, #tpu.memory_space<vmem>> -> memref<32xi32, #tpu.memory_space<vmem>>
    %dma_wait3A_1708 = tpu.memref_slice %arg3[%add3A_974] : memref<131072xi32, #tpu.memory_space<hbm>> -> memref<32xi32, #tpu.memory_space<hbm>>
    %dma_wait3A_1709 = arith.constant 3744 : i32
    %dma_wait3A_1710 = tpu.memref_slice %arg6[%dma_wait3A_1709] : memref<3872xi32, #tpu.memory_space<vmem>> -> memref<32xi32, #tpu.memory_space<vmem>>
    %dma_wait3A_1711 = tpu.memref_slice %arg3[%add3A_974] : memref<131072xi32, #tpu.memory_space<hbm>> -> memref<32xi32, #tpu.memory_space<hbm>>
    tpu.wait_dma2 semaphore(%arg9 : memref<!tpu.dma_semaphore, #tpu.memory_space<semaphore_mem>>) src(%dma_wait3A_1711 : memref<32xi32, #tpu.memory_space<hbm>>) dst(%dma_wait3A_1710 : memref<32xi32, #tpu.memory_space<vmem>>)
    %dma_wait3A_1712 = arith.constant 3776 : i32
    %dma_wait3A_1713 = tpu.memref_slice %arg6[%dma_wait3A_1712] : memref<3872xi32, #tpu.memory_space<vmem>> -> memref<32xi32, #tpu.memory_space<vmem>>
    %dma_wait3A_1714 = tpu.memref_slice %arg3[%add3A_982] : memref<131072xi32, #tpu.memory_space<hbm>> -> memref<32xi32, #tpu.memory_space<hbm>>
    %dma_wait3A_1715 = arith.constant 3776 : i32
    %dma_wait3A_1716 = tpu.memref_slice %arg6[%dma_wait3A_1715] : memref<3872xi32, #tpu.memory_space<vmem>> -> memref<32xi32, #tpu.memory_space<vmem>>
    %dma_wait3A_1717 = tpu.memref_slice %arg3[%add3A_982] : memref<131072xi32, #tpu.memory_space<hbm>> -> memref<32xi32, #tpu.memory_space<hbm>>
    tpu.wait_dma2 semaphore(%arg9 : memref<!tpu.dma_semaphore, #tpu.memory_space<semaphore_mem>>) src(%dma_wait3A_1717 : memref<32xi32, #tpu.memory_space<hbm>>) dst(%dma_wait3A_1716 : memref<32xi32, #tpu.memory_space<vmem>>)
    %dma_wait3A_1718 = arith.constant 3808 : i32
    %dma_wait3A_1719 = tpu.memref_slice %arg6[%dma_wait3A_1718] : memref<3872xi32, #tpu.memory_space<vmem>> -> memref<32xi32, #tpu.memory_space<vmem>>
    %dma_wait3A_1720 = tpu.memref_slice %arg3[%add3A_990] : memref<131072xi32, #tpu.memory_space<hbm>> -> memref<32xi32, #tpu.memory_space<hbm>>
    %dma_wait3A_1721 = arith.constant 3808 : i32
    %dma_wait3A_1722 = tpu.memref_slice %arg6[%dma_wait3A_1721] : memref<3872xi32, #tpu.memory_space<vmem>> -> memref<32xi32, #tpu.memory_space<vmem>>
    %dma_wait3A_1723 = tpu.memref_slice %arg3[%add3A_990] : memref<131072xi32, #tpu.memory_space<hbm>> -> memref<32xi32, #tpu.memory_space<hbm>>
    tpu.wait_dma2 semaphore(%arg9 : memref<!tpu.dma_semaphore, #tpu.memory_space<semaphore_mem>>) src(%dma_wait3A_1723 : memref<32xi32, #tpu.memory_space<hbm>>) dst(%dma_wait3A_1722 : memref<32xi32, #tpu.memory_space<vmem>>)
    %dma_wait3A_1724 = arith.constant 3840 : i32
    %dma_wait3A_1725 = tpu.memref_slice %arg6[%dma_wait3A_1724] : memref<3872xi32, #tpu.memory_space<vmem>> -> memref<32xi32, #tpu.memory_space<vmem>>
    %dma_wait3A_1726 = tpu.memref_slice %arg3[%add3A_998] : memref<131072xi32, #tpu.memory_space<hbm>> -> memref<32xi32, #tpu.memory_space<hbm>>
    %dma_wait3A_1727 = arith.constant 3840 : i32
    %dma_wait3A_1728 = tpu.memref_slice %arg6[%dma_wait3A_1727] : memref<3872xi32, #tpu.memory_space<vmem>> -> memref<32xi32, #tpu.memory_space<vmem>>
    %dma_wait3A_1729 = tpu.memref_slice %arg3[%add3A_998] : memref<131072xi32, #tpu.memory_space<hbm>> -> memref<32xi32, #tpu.memory_space<hbm>>
    tpu.wait_dma2 semaphore(%arg9 : memref<!tpu.dma_semaphore, #tpu.memory_space<semaphore_mem>>) src(%dma_wait3A_1729 : memref<32xi32, #tpu.memory_space<hbm>>) dst(%dma_wait3A_1728 : memref<32xi32, #tpu.memory_space<vmem>>)
    %dma_start3A_1730 = arith.constant 0 : i32
    %dma_start3A_1731 = arith.constant 0 : i32
    %dma_start3A_1732 = tpu.memref_slice %arg2[%dma_start3A_1730, %dma_start3A_1731] : memref<100352x16xf32, #tpu.memory_space<hbm>> -> memref<100352x16xf32, #tpu.memory_space<hbm>>
    tpu.enqueue_indirect_dma source(%dma_start3A_1732 : memref<100352x16xf32, #tpu.memory_space<hbm>>) target(%arg7 : memref<3872x16xf32, #tpu.memory_space<vmem>>) offsets(%arg6 : memref<3872xi32, #tpu.memory_space<vmem>>) semaphore(%arg10 : memref<!tpu.dma_semaphore, #tpu.memory_space<semaphore_mem>>)
    %dma_wait3A_1733 = arith.constant 0 : i32
    %dma_wait3A_1734 = arith.constant 0 : i32
    %dma_wait3A_1735 = tpu.memref_slice %arg2[%dma_wait3A_1733, %dma_wait3A_1734] : memref<100352x16xf32, #tpu.memory_space<hbm>> -> memref<100352x16xf32, #tpu.memory_space<hbm>>
    tpu.wait_indirect_dma semaphore(%arg10 : memref<!tpu.dma_semaphore, #tpu.memory_space<semaphore_mem>>) src(%dma_wait3A_1735 : memref<100352x16xf32, #tpu.memory_space<hbm>>) dst(%arg7 : memref<3872x16xf32, #tpu.memory_space<vmem>>)
    %scan3A = arith.constant 0 : i32
    %scan3A_1736 = arith.constant 0 : i32
    %scan3A_1737 = arith.constant 32 : i32
    %scan3A_1738 = arith.addi %scan3A_1736, %scan3A_1737 : i32
    %scan3A_1739 = arith.constant 1 : i32
    %scan3A_1740 = scf.for %scan3A_1786 = %scan3A_1736 to %scan3A_1738 step %scan3A_1739 iter_args(%scan3A_1787 = %scan3A) -> (i32)  : i32 {
      %jit3A_1788 = arith.constant 8 : i32
      %div3A_1789 = arith.divsi %scan3A_1786, %jit3A_1788 : i32
      %sign3A_1790 = arith.constant 0 : i32
      %sign3A_1791 = arith.cmpi sgt, %scan3A_1786, %sign3A_1790 : i32
      %sign3A_1792 = arith.extui %sign3A_1791 : i1 to i32
      %sign3A_1793 = arith.constant 0 : i32
      %sign3A_1794 = arith.cmpi slt, %scan3A_1786, %sign3A_1793 : i32
      %sign3A_1795 = arith.extui %sign3A_1794 : i1 to i32
      %sign3A_1796 = arith.subi %sign3A_1792, %sign3A_1795 : i32
      %sign3A_1797 = arith.constant 0 : i32
      %sign3A_1798 = arith.cmpi sgt, %jit3A_1788, %sign3A_1797 : i32
      %sign3A_1799 = arith.extui %sign3A_1798 : i1 to i32
      %sign3A_1800 = arith.constant 0 : i32
      %sign3A_1801 = arith.cmpi slt, %jit3A_1788, %sign3A_1800 : i32
      %sign3A_1802 = arith.extui %sign3A_1801 : i1 to i32
      %sign3A_1803 = arith.subi %sign3A_1799, %sign3A_1802 : i32
      %ne3A_1804 = arith.cmpi ne, %sign3A_1796, %sign3A_1803 : i32
      %rem3A_1805 = arith.remsi %scan3A_1786, %jit3A_1788 : i32
      %ne3A_1806 = arith.constant 0 : i32
      %ne3A_1807 = arith.cmpi ne, %rem3A_1805, %ne3A_1806 : i32
      %and3A_1808 = arith.andi %ne3A_1804, %ne3A_1807 : i1
      %sub3A_1809 = arith.constant 1 : i32
      %sub3A_1810 = arith.subi %div3A_1789, %sub3A_1809 : i32
      %select_n3A_1811 = arith.select %and3A_1808, %sub3A_1810, %div3A_1789 : i32
      %mul3A_1812 = arith.constant 128 : i32
      %mul3A_1813 = arith.muli %select_n3A_1811, %mul3A_1812 : i32
      %jit3A_1814 = arith.constant 8 : i32
      %eq3A_1815 = arith.constant 0 : i32
      %eq3A_1816 = arith.cmpi eq, %jit3A_1814, %eq3A_1815 : i32
      %jit3A_1817 = arith.constant 1 : i32
      %select_n3A_1818 = arith.select %eq3A_1816, %jit3A_1817, %jit3A_1814 : i32
      %rem3A_1819 = arith.remsi %scan3A_1786, %select_n3A_1818 : i32
      %ne3A_1820 = arith.constant 0 : i32
      %ne3A_1821 = arith.cmpi ne, %rem3A_1819, %ne3A_1820 : i32
      %lt3A_1822 = arith.constant 0 : i32
      %lt3A_1823 = arith.cmpi slt, %rem3A_1819, %lt3A_1822 : i32
      %lt3A_1824 = arith.constant 0 : i32
      %lt3A_1825 = arith.cmpi slt, %select_n3A_1818, %lt3A_1824 : i32
      %ne3A_1826 = arith.xori %lt3A_1823, %lt3A_1825 : i1
      %and3A_1827 = arith.andi %ne3A_1826, %ne3A_1821 : i1
      %add3A_1828 = arith.addi %rem3A_1819, %select_n3A_1818 : i32
      %select_n3A_1829 = arith.select %and3A_1827, %add3A_1828, %rem3A_1819 : i32
      %mul3A_1830 = arith.constant 16 : i32
      %mul3A_1831 = arith.muli %select_n3A_1829, %mul3A_1830 : i32
      %add3A_1832 = arith.addi %mul3A_1813, %mul3A_1831 : i32
      %add3A_1833 = arith.constant 0 : i32
      %add3A_1834 = arith.addi %add3A_1833, %scan3A_1786 : i32
      %get3A_1835 = arith.index_cast %add3A_1834 : i32 to index
      %get3A_1836 = arith.constant 0 : index
      %get3A_1837 = tpu.vector_load %arg7[%get3A_1835, %get3A_1836] {strides = array<i32>} : memref<3872x16xf32, #tpu.memory_space<vmem>>, vector<1x16xf32>,
      %get3A_1838 = vector.shape_cast %get3A_1837 : vector<1x16xf32> to vector<16xf32>
      %add3A_1839 = arith.constant 32 : i32
      %add3A_1840 = arith.addi %add3A_1839, %scan3A_1786 : i32
      %get3A_1841 = arith.index_cast %add3A_1840 : i32 to index
      %get3A_1842 = arith.constant 0 : index
      %get3A_1843 = tpu.vector_load %arg7[%get3A_1841, %get3A_1842] {strides = array<i32>} : memref<3872x16xf32, #tpu.memory_space<vmem>>, vector<1x16xf32>,
      %get3A_1844 = vector.shape_cast %get3A_1843 : vector<1x16xf32> to vector<16xf32>
      %add3A_1845 = arith.addf %get3A_1838, %get3A_1844 : vector<16xf32>
      %add3A_1846 = arith.constant 64 : i32
      %add3A_1847 = arith.addi %add3A_1846, %scan3A_1786 : i32
      %get3A_1848 = arith.index_cast %add3A_1847 : i32 to index
      %get3A_1849 = arith.constant 0 : index
      %get3A_1850 = tpu.vector_load %arg7[%get3A_1848, %get3A_1849] {strides = array<i32>} : memref<3872x16xf32, #tpu.memory_space<vmem>>, vector<1x16xf32>,
      %get3A_1851 = vector.shape_cast %get3A_1850 : vector<1x16xf32> to vector<16xf32>
      %add3A_1852 = arith.addf %add3A_1845, %get3A_1851 : vector<16xf32>
      %add3A_1853 = arith.constant 96 : i32
      %add3A_1854 = arith.addi %add3A_1853, %scan3A_1786 : i32
      %get3A_1855 = arith.index_cast %add3A_1854 : i32 to index
      %get3A_1856 = arith.constant 0 : index
      %get3A_1857 = tpu.vector_load %arg7[%get3A_1855, %get3A_1856] {strides = array<i32>} : memref<3872x16xf32, #tpu.memory_space<vmem>>, vector<1x16xf32>,
      %get3A_1858 = vector.shape_cast %get3A_1857 : vector<1x16xf32> to vector<16xf32>
      %add3A_1859 = arith.addf %add3A_1852, %get3A_1858 : vector<16xf32>
      %add3A_1860 = arith.constant 128 : i32
      %add3A_1861 = arith.addi %add3A_1860, %scan3A_1786 : i32
      %get3A_1862 = arith.index_cast %add3A_1861 : i32 to index
      %get3A_1863 = arith.constant 0 : index
      %get3A_1864 = tpu.vector_load %arg7[%get3A_1862, %get3A_1863] {strides = array<i32>} : memref<3872x16xf32, #tpu.memory_space<vmem>>, vector<1x16xf32>,
      %get3A_1865 = vector.shape_cast %get3A_1864 : vector<1x16xf32> to vector<16xf32>
      %add3A_1866 = arith.addf %add3A_1859, %get3A_1865 : vector<16xf32>
      %add3A_1867 = arith.constant 160 : i32
      %add3A_1868 = arith.addi %add3A_1867, %scan3A_1786 : i32
      %get3A_1869 = arith.index_cast %add3A_1868 : i32 to index
      %get3A_1870 = arith.constant 0 : index
      %get3A_1871 = tpu.vector_load %arg7[%get3A_1869, %get3A_1870] {strides = array<i32>} : memref<3872x16xf32, #tpu.memory_space<vmem>>, vector<1x16xf32>,
      %get3A_1872 = vector.shape_cast %get3A_1871 : vector<1x16xf32> to vector<16xf32>
      %add3A_1873 = arith.addf %add3A_1866, %get3A_1872 : vector<16xf32>
      %add3A_1874 = arith.constant 192 : i32
      %add3A_1875 = arith.addi %add3A_1874, %scan3A_1786 : i32
      %get3A_1876 = arith.index_cast %add3A_1875 : i32 to index
      %get3A_1877 = arith.constant 0 : index
      %get3A_1878 = tpu.vector_load %arg7[%get3A_1876, %get3A_1877] {strides = array<i32>} : memref<3872x16xf32, #tpu.memory_space<vmem>>, vector<1x16xf32>,
      %get3A_1879 = vector.shape_cast %get3A_1878 : vector<1x16xf32> to vector<16xf32>
      %add3A_1880 = arith.addf %add3A_1873, %get3A_1879 : vector<16xf32>
      %add3A_1881 = arith.constant 224 : i32
      %add3A_1882 = arith.addi %add3A_1881, %scan3A_1786 : i32
      %get3A_1883 = arith.index_cast %add3A_1882 : i32 to index
      %get3A_1884 = arith.constant 0 : index
      %get3A_1885 = tpu.vector_load %arg7[%get3A_1883, %get3A_1884] {strides = array<i32>} : memref<3872x16xf32, #tpu.memory_space<vmem>>, vector<1x16xf32>,
      %get3A_1886 = vector.shape_cast %get3A_1885 : vector<1x16xf32> to vector<16xf32>
      %add3A_1887 = arith.addf %add3A_1880, %get3A_1886 : vector<16xf32>
      %add3A_1888 = arith.constant 256 : i32
      %add3A_1889 = arith.addi %add3A_1888, %scan3A_1786 : i32
      %get3A_1890 = arith.index_cast %add3A_1889 : i32 to index
      %get3A_1891 = arith.constant 0 : index
      %get3A_1892 = tpu.vector_load %arg7[%get3A_1890, %get3A_1891] {strides = array<i32>} : memref<3872x16xf32, #tpu.memory_space<vmem>>, vector<1x16xf32>,
      %get3A_1893 = vector.shape_cast %get3A_1892 : vector<1x16xf32> to vector<16xf32>
      %add3A_1894 = arith.addf %add3A_1887, %get3A_1893 : vector<16xf32>
      %add3A_1895 = arith.constant 288 : i32
      %add3A_1896 = arith.addi %add3A_1895, %scan3A_1786 : i32
      %get3A_1897 = arith.index_cast %add3A_1896 : i32 to index
      %get3A_1898 = arith.constant 0 : index
      %get3A_1899 = tpu.vector_load %arg7[%get3A_1897, %get3A_1898] {strides = array<i32>} : memref<3872x16xf32, #tpu.memory_space<vmem>>, vector<1x16xf32>,
      %get3A_1900 = vector.shape_cast %get3A_1899 : vector<1x16xf32> to vector<16xf32>
      %add3A_1901 = arith.addf %add3A_1894, %get3A_1900 : vector<16xf32>
      %add3A_1902 = arith.constant 320 : i32
      %add3A_1903 = arith.addi %add3A_1902, %scan3A_1786 : i32
      %get3A_1904 = arith.index_cast %add3A_1903 : i32 to index
      %get3A_1905 = arith.constant 0 : index
      %get3A_1906 = tpu.vector_load %arg7[%get3A_1904, %get3A_1905] {strides = array<i32>} : memref<3872x16xf32, #tpu.memory_space<vmem>>, vector<1x16xf32>,
      %get3A_1907 = vector.shape_cast %get3A_1906 : vector<1x16xf32> to vector<16xf32>
      %add3A_1908 = arith.addf %add3A_1901, %get3A_1907 : vector<16xf32>
      %mul3A_1909 = vector.broadcast %squeeze3A : f32 to vector<16xf32>
      %mul3A_1910 = arith.mulf %add3A_1908, %mul3A_1909 : vector<16xf32>
      %add3A_1911 = arith.constant 0 : i32
      %add3A_1912 = arith.addi %add3A_1911, %add3A_1832 : i32
      %swap3A = arith.index_cast %add3A_1912 : i32 to index
      %swap3A_1913 = tpu.vector_load %arg8[%swap3A] {strides = array<i32>} : memref<5632xf32, #tpu.memory_space<vmem>>, vector<16xf32>,
      %swap3A_1914 = vector.shape_cast %swap3A_1913 : vector<16xf32> to vector<16xf32>
      %swap3A_1915 = vector.shape_cast %mul3A_1910 : vector<16xf32> to vector<16xf32>
      tpu.vector_store %arg8[%swap3A], %swap3A_1915 {strides = array<i32>} : memref<5632xf32, #tpu.memory_space<vmem>>, vector<16xf32>,
      %add3A_1916 = arith.constant 352 : i32
      %add3A_1917 = arith.addi %add3A_1916, %scan3A_1786 : i32
      %get3A_1918 = arith.index_cast %add3A_1917 : i32 to index
      %get3A_1919 = arith.constant 0 : index
      %get3A_1920 = tpu.vector_load %arg7[%get3A_1918, %get3A_1919] {strides = array<i32>} : memref<3872x16xf32, #tpu.memory_space<vmem>>, vector<1x16xf32>,
      %get3A_1921 = vector.shape_cast %get3A_1920 : vector<1x16xf32> to vector<16xf32>
      %add3A_1922 = arith.constant 384 : i32
      %add3A_1923 = arith.addi %add3A_1922, %scan3A_1786 : i32
      %get3A_1924 = arith.index_cast %add3A_1923 : i32 to index
      %get3A_1925 = arith.constant 0 : index
      %get3A_1926 = tpu.vector_load %arg7[%get3A_1924, %get3A_1925] {strides = array<i32>} : memref<3872x16xf32, #tpu.memory_space<vmem>>, vector<1x16xf32>,
      %get3A_1927 = vector.shape_cast %get3A_1926 : vector<1x16xf32> to vector<16xf32>
      %add3A_1928 = arith.addf %get3A_1921, %get3A_1927 : vector<16xf32>
      %add3A_1929 = arith.constant 416 : i32
      %add3A_1930 = arith.addi %add3A_1929, %scan3A_1786 : i32
      %get3A_1931 = arith.index_cast %add3A_1930 : i32 to index
      %get3A_1932 = arith.constant 0 : index
      %get3A_1933 = tpu.vector_load %arg7[%get3A_1931, %get3A_1932] {strides = array<i32>} : memref<3872x16xf32, #tpu.memory_space<vmem>>, vector<1x16xf32>,
      %get3A_1934 = vector.shape_cast %get3A_1933 : vector<1x16xf32> to vector<16xf32>
      %add3A_1935 = arith.addf %add3A_1928, %get3A_1934 : vector<16xf32>
      %add3A_1936 = arith.constant 448 : i32
      %add3A_1937 = arith.addi %add3A_1936, %scan3A_1786 : i32
      %get3A_1938 = arith.index_cast %add3A_1937 : i32 to index
      %get3A_1939 = arith.constant 0 : index
      %get3A_1940 = tpu.vector_load %arg7[%get3A_1938, %get3A_1939] {strides = array<i32>} : memref<3872x16xf32, #tpu.memory_space<vmem>>, vector<1x16xf32>,
      %get3A_1941 = vector.shape_cast %get3A_1940 : vector<1x16xf32> to vector<16xf32>
      %add3A_1942 = arith.addf %add3A_1935, %get3A_1941 : vector<16xf32>
      %add3A_1943 = arith.constant 480 : i32
      %add3A_1944 = arith.addi %add3A_1943, %scan3A_1786 : i32
      %get3A_1945 = arith.index_cast %add3A_1944 : i32 to index
      %get3A_1946 = arith.constant 0 : index
      %get3A_1947 = tpu.vector_load %arg7[%get3A_1945, %get3A_1946] {strides = array<i32>} : memref<3872x16xf32, #tpu.memory_space<vmem>>, vector<1x16xf32>,
      %get3A_1948 = vector.shape_cast %get3A_1947 : vector<1x16xf32> to vector<16xf32>
      %add3A_1949 = arith.addf %add3A_1942, %get3A_1948 : vector<16xf32>
      %add3A_1950 = arith.constant 512 : i32
      %add3A_1951 = arith.addi %add3A_1950, %scan3A_1786 : i32
      %get3A_1952 = arith.index_cast %add3A_1951 : i32 to index
      %get3A_1953 = arith.constant 0 : index
      %get3A_1954 = tpu.vector_load %arg7[%get3A_1952, %get3A_1953] {strides = array<i32>} : memref<3872x16xf32, #tpu.memory_space<vmem>>, vector<1x16xf32>,
      %get3A_1955 = vector.shape_cast %get3A_1954 : vector<1x16xf32> to vector<16xf32>
      %add3A_1956 = arith.addf %add3A_1949, %get3A_1955 : vector<16xf32>
      %add3A_1957 = arith.constant 544 : i32
      %add3A_1958 = arith.addi %add3A_1957, %scan3A_1786 : i32
      %get3A_1959 = arith.index_cast %add3A_1958 : i32 to index
      %get3A_1960 = arith.constant 0 : index
      %get3A_1961 = tpu.vector_load %arg7[%get3A_1959, %get3A_1960] {strides = array<i32>} : memref<3872x16xf32, #tpu.memory_space<vmem>>, vector<1x16xf32>,
      %get3A_1962 = vector.shape_cast %get3A_1961 : vector<1x16xf32> to vector<16xf32>
      %add3A_1963 = arith.addf %add3A_1956, %get3A_1962 : vector<16xf32>
      %add3A_1964 = arith.constant 576 : i32
      %add3A_1965 = arith.addi %add3A_1964, %scan3A_1786 : i32
      %get3A_1966 = arith.index_cast %add3A_1965 : i32 to index
      %get3A_1967 = arith.constant 0 : index
      %get3A_1968 = tpu.vector_load %arg7[%get3A_1966, %get3A_1967] {strides = array<i32>} : memref<3872x16xf32, #tpu.memory_space<vmem>>, vector<1x16xf32>,
      %get3A_1969 = vector.shape_cast %get3A_1968 : vector<1x16xf32> to vector<16xf32>
      %add3A_1970 = arith.addf %add3A_1963, %get3A_1969 : vector<16xf32>
      %add3A_1971 = arith.constant 608 : i32
      %add3A_1972 = arith.addi %add3A_1971, %scan3A_1786 : i32
      %get3A_1973 = arith.index_cast %add3A_1972 : i32 to index
      %get3A_1974 = arith.constant 0 : index
      %get3A_1975 = tpu.vector_load %arg7[%get3A_1973, %get3A_1974] {strides = array<i32>} : memref<3872x16xf32, #tpu.memory_space<vmem>>, vector<1x16xf32>,
      %get3A_1976 = vector.shape_cast %get3A_1975 : vector<1x16xf32> to vector<16xf32>
      %add3A_1977 = arith.addf %add3A_1970, %get3A_1976 : vector<16xf32>
      %add3A_1978 = arith.constant 640 : i32
      %add3A_1979 = arith.addi %add3A_1978, %scan3A_1786 : i32
      %get3A_1980 = arith.index_cast %add3A_1979 : i32 to index
      %get3A_1981 = arith.constant 0 : index
      %get3A_1982 = tpu.vector_load %arg7[%get3A_1980, %get3A_1981] {strides = array<i32>} : memref<3872x16xf32, #tpu.memory_space<vmem>>, vector<1x16xf32>,
      %get3A_1983 = vector.shape_cast %get3A_1982 : vector<1x16xf32> to vector<16xf32>
      %add3A_1984 = arith.addf %add3A_1977, %get3A_1983 : vector<16xf32>
      %add3A_1985 = arith.constant 672 : i32
      %add3A_1986 = arith.addi %add3A_1985, %scan3A_1786 : i32
      %get3A_1987 = arith.index_cast %add3A_1986 : i32 to index
      %get3A_1988 = arith.constant 0 : index
      %get3A_1989 = tpu.vector_load %arg7[%get3A_1987, %get3A_1988] {strides = array<i32>} : memref<3872x16xf32, #tpu.memory_space<vmem>>, vector<1x16xf32>,
      %get3A_1990 = vector.shape_cast %get3A_1989 : vector<1x16xf32> to vector<16xf32>
      %add3A_1991 = arith.addf %add3A_1984, %get3A_1990 : vector<16xf32>
      %mul3A_1992 = vector.broadcast %squeeze3A : f32 to vector<16xf32>
      %mul3A_1993 = arith.mulf %add3A_1991, %mul3A_1992 : vector<16xf32>
      %add3A_1994 = arith.constant 512 : i32
      %add3A_1995 = arith.addi %add3A_1994, %add3A_1832 : i32
      %swap3A_1996 = arith.index_cast %add3A_1995 : i32 to index
      %swap3A_1997 = tpu.vector_load %arg8[%swap3A_1996] {strides = array<i32>} : memref<5632xf32, #tpu.memory_space<vmem>>, vector<16xf32>,
      %swap3A_1998 = vector.shape_cast %swap3A_1997 : vector<16xf32> to vector<16xf32>
      %swap3A_1999 = vector.shape_cast %mul3A_1993 : vector<16xf32> to vector<16xf32>
      tpu.vector_store %arg8[%swap3A_1996], %swap3A_1999 {strides = array<i32>} : memref<5632xf32, #tpu.memory_space<vmem>>, vector<16xf32>,
      %add3A_2000 = arith.constant 704 : i32
      %add3A_2001 = arith.addi %add3A_2000, %scan3A_1786 : i32
      %get3A_2002 = arith.index_cast %add3A_2001 : i32 to index
      %get3A_2003 = arith.constant 0 : index
      %get3A_2004 = tpu.vector_load %arg7[%get3A_2002, %get3A_2003] {strides = array<i32>} : memref<3872x16xf32, #tpu.memory_space<vmem>>, vector<1x16xf32>,
      %get3A_2005 = vector.shape_cast %get3A_2004 : vector<1x16xf32> to vector<16xf32>
      %add3A_2006 = arith.constant 736 : i32
      %add3A_2007 = arith.addi %add3A_2006, %scan3A_1786 : i32
      %get3A_2008 = arith.index_cast %add3A_2007 : i32 to index
      %get3A_2009 = arith.constant 0 : index
      %get3A_2010 = tpu.vector_load %arg7[%get3A_2008, %get3A_2009] {strides = array<i32>} : memref<3872x16xf32, #tpu.memory_space<vmem>>, vector<1x16xf32>,
      %get3A_2011 = vector.shape_cast %get3A_2010 : vector<1x16xf32> to vector<16xf32>
      %add3A_2012 = arith.addf %get3A_2005, %get3A_2011 : vector<16xf32>
      %add3A_2013 = arith.constant 768 : i32
      %add3A_2014 = arith.addi %add3A_2013, %scan3A_1786 : i32
      %get3A_2015 = arith.index_cast %add3A_2014 : i32 to index
      %get3A_2016 = arith.constant 0 : index
      %get3A_2017 = tpu.vector_load %arg7[%get3A_2015, %get3A_2016] {strides = array<i32>} : memref<3872x16xf32, #tpu.memory_space<vmem>>, vector<1x16xf32>,
      %get3A_2018 = vector.shape_cast %get3A_2017 : vector<1x16xf32> to vector<16xf32>
      %add3A_2019 = arith.addf %add3A_2012, %get3A_2018 : vector<16xf32>
      %add3A_2020 = arith.constant 800 : i32
      %add3A_2021 = arith.addi %add3A_2020, %scan3A_1786 : i32
      %get3A_2022 = arith.index_cast %add3A_2021 : i32 to index
      %get3A_2023 = arith.constant 0 : index
      %get3A_2024 = tpu.vector_load %arg7[%get3A_2022, %get3A_2023] {strides = array<i32>} : memref<3872x16xf32, #tpu.memory_space<vmem>>, vector<1x16xf32>,
      %get3A_2025 = vector.shape_cast %get3A_2024 : vector<1x16xf32> to vector<16xf32>
      %add3A_2026 = arith.addf %add3A_2019, %get3A_2025 : vector<16xf32>
      %add3A_2027 = arith.constant 832 : i32
      %add3A_2028 = arith.addi %add3A_2027, %scan3A_1786 : i32
      %get3A_2029 = arith.index_cast %add3A_2028 : i32 to index
      %get3A_2030 = arith.constant 0 : index
      %get3A_2031 = tpu.vector_load %arg7[%get3A_2029, %get3A_2030] {strides = array<i32>} : memref<3872x16xf32, #tpu.memory_space<vmem>>, vector<1x16xf32>,
      %get3A_2032 = vector.shape_cast %get3A_2031 : vector<1x16xf32> to vector<16xf32>
      %add3A_2033 = arith.addf %add3A_2026, %get3A_2032 : vector<16xf32>
      %add3A_2034 = arith.constant 864 : i32
      %add3A_2035 = arith.addi %add3A_2034, %scan3A_1786 : i32
      %get3A_2036 = arith.index_cast %add3A_2035 : i32 to index
      %get3A_2037 = arith.constant 0 : index
      %get3A_2038 = tpu.vector_load %arg7[%get3A_2036, %get3A_2037] {strides = array<i32>} : memref<3872x16xf32, #tpu.memory_space<vmem>>, vector<1x16xf32>,
      %get3A_2039 = vector.shape_cast %get3A_2038 : vector<1x16xf32> to vector<16xf32>
      %add3A_2040 = arith.addf %add3A_2033, %get3A_2039 : vector<16xf32>
      %add3A_2041 = arith.constant 896 : i32
      %add3A_2042 = arith.addi %add3A_2041, %scan3A_1786 : i32
      %get3A_2043 = arith.index_cast %add3A_2042 : i32 to index
      %get3A_2044 = arith.constant 0 : index
      %get3A_2045 = tpu.vector_load %arg7[%get3A_2043, %get3A_2044] {strides = array<i32>} : memref<3872x16xf32, #tpu.memory_space<vmem>>, vector<1x16xf32>,
      %get3A_2046 = vector.shape_cast %get3A_2045 : vector<1x16xf32> to vector<16xf32>
      %add3A_2047 = arith.addf %add3A_2040, %get3A_2046 : vector<16xf32>
      %add3A_2048 = arith.constant 928 : i32
      %add3A_2049 = arith.addi %add3A_2048, %scan3A_1786 : i32
      %get3A_2050 = arith.index_cast %add3A_2049 : i32 to index
      %get3A_2051 = arith.constant 0 : index
      %get3A_2052 = tpu.vector_load %arg7[%get3A_2050, %get3A_2051] {strides = array<i32>} : memref<3872x16xf32, #tpu.memory_space<vmem>>, vector<1x16xf32>,
      %get3A_2053 = vector.shape_cast %get3A_2052 : vector<1x16xf32> to vector<16xf32>
      %add3A_2054 = arith.addf %add3A_2047, %get3A_2053 : vector<16xf32>
      %add3A_2055 = arith.constant 960 : i32
      %add3A_2056 = arith.addi %add3A_2055, %scan3A_1786 : i32
      %get3A_2057 = arith.index_cast %add3A_2056 : i32 to index
      %get3A_2058 = arith.constant 0 : index
      %get3A_2059 = tpu.vector_load %arg7[%get3A_2057, %get3A_2058] {strides = array<i32>} : memref<3872x16xf32, #tpu.memory_space<vmem>>, vector<1x16xf32>,
      %get3A_2060 = vector.shape_cast %get3A_2059 : vector<1x16xf32> to vector<16xf32>
      %add3A_2061 = arith.addf %add3A_2054, %get3A_2060 : vector<16xf32>
      %add3A_2062 = arith.constant 992 : i32
      %add3A_2063 = arith.addi %add3A_2062, %scan3A_1786 : i32
      %get3A_2064 = arith.index_cast %add3A_2063 : i32 to index
      %get3A_2065 = arith.constant 0 : index
      %get3A_2066 = tpu.vector_load %arg7[%get3A_2064, %get3A_2065] {strides = array<i32>} : memref<3872x16xf32, #tpu.memory_space<vmem>>, vector<1x16xf32>,
      %get3A_2067 = vector.shape_cast %get3A_2066 : vector<1x16xf32> to vector<16xf32>
      %add3A_2068 = arith.addf %add3A_2061, %get3A_2067 : vector<16xf32>
      %add3A_2069 = arith.constant 1024 : i32
      %add3A_2070 = arith.addi %add3A_2069, %scan3A_1786 : i32
      %get3A_2071 = arith.index_cast %add3A_2070 : i32 to index
      %get3A_2072 = arith.constant 0 : index
      %get3A_2073 = tpu.vector_load %arg7[%get3A_2071, %get3A_2072] {strides = array<i32>} : memref<3872x16xf32, #tpu.memory_space<vmem>>, vector<1x16xf32>,
      %get3A_2074 = vector.shape_cast %get3A_2073 : vector<1x16xf32> to vector<16xf32>
      %add3A_2075 = arith.addf %add3A_2068, %get3A_2074 : vector<16xf32>
      %mul3A_2076 = vector.broadcast %squeeze3A : f32 to vector<16xf32>
      %mul3A_2077 = arith.mulf %add3A_2075, %mul3A_2076 : vector<16xf32>
      %add3A_2078 = arith.constant 1024 : i32
      %add3A_2079 = arith.addi %add3A_2078, %add3A_1832 : i32
      %swap3A_2080 = arith.index_cast %add3A_2079 : i32 to index
      %swap3A_2081 = tpu.vector_load %arg8[%swap3A_2080] {strides = array<i32>} : memref<5632xf32, #tpu.memory_space<vmem>>, vector<16xf32>,
      %swap3A_2082 = vector.shape_cast %swap3A_2081 : vector<16xf32> to vector<16xf32>
      %swap3A_2083 = vector.shape_cast %mul3A_2077 : vector<16xf32> to vector<16xf32>
      tpu.vector_store %arg8[%swap3A_2080], %swap3A_2083 {strides = array<i32>} : memref<5632xf32, #tpu.memory_space<vmem>>, vector<16xf32>,
      %add3A_2084 = arith.constant 1056 : i32
      %add3A_2085 = arith.addi %add3A_2084, %scan3A_1786 : i32
      %get3A_2086 = arith.index_cast %add3A_2085 : i32 to index
      %get3A_2087 = arith.constant 0 : index
      %get3A_2088 = tpu.vector_load %arg7[%get3A_2086, %get3A_2087] {strides = array<i32>} : memref<3872x16xf32, #tpu.memory_space<vmem>>, vector<1x16xf32>,
      %get3A_2089 = vector.shape_cast %get3A_2088 : vector<1x16xf32> to vector<16xf32>
      %add3A_2090 = arith.constant 1088 : i32
      %add3A_2091 = arith.addi %add3A_2090, %scan3A_1786 : i32
      %get3A_2092 = arith.index_cast %add3A_2091 : i32 to index
      %get3A_2093 = arith.constant 0 : index
      %get3A_2094 = tpu.vector_load %arg7[%get3A_2092, %get3A_2093] {strides = array<i32>} : memref<3872x16xf32, #tpu.memory_space<vmem>>, vector<1x16xf32>,
      %get3A_2095 = vector.shape_cast %get3A_2094 : vector<1x16xf32> to vector<16xf32>
      %add3A_2096 = arith.addf %get3A_2089, %get3A_2095 : vector<16xf32>
      %add3A_2097 = arith.constant 1120 : i32
      %add3A_2098 = arith.addi %add3A_2097, %scan3A_1786 : i32
      %get3A_2099 = arith.index_cast %add3A_2098 : i32 to index
      %get3A_2100 = arith.constant 0 : index
      %get3A_2101 = tpu.vector_load %arg7[%get3A_2099, %get3A_2100] {strides = array<i32>} : memref<3872x16xf32, #tpu.memory_space<vmem>>, vector<1x16xf32>,
      %get3A_2102 = vector.shape_cast %get3A_2101 : vector<1x16xf32> to vector<16xf32>
      %add3A_2103 = arith.addf %add3A_2096, %get3A_2102 : vector<16xf32>
      %add3A_2104 = arith.constant 1152 : i32
      %add3A_2105 = arith.addi %add3A_2104, %scan3A_1786 : i32
      %get3A_2106 = arith.index_cast %add3A_2105 : i32 to index
      %get3A_2107 = arith.constant 0 : index
      %get3A_2108 = tpu.vector_load %arg7[%get3A_2106, %get3A_2107] {strides = array<i32>} : memref<3872x16xf32, #tpu.memory_space<vmem>>, vector<1x16xf32>,
      %get3A_2109 = vector.shape_cast %get3A_2108 : vector<1x16xf32> to vector<16xf32>
      %add3A_2110 = arith.addf %add3A_2103, %get3A_2109 : vector<16xf32>
      %add3A_2111 = arith.constant 1184 : i32
      %add3A_2112 = arith.addi %add3A_2111, %scan3A_1786 : i32
      %get3A_2113 = arith.index_cast %add3A_2112 : i32 to index
      %get3A_2114 = arith.constant 0 : index
      %get3A_2115 = tpu.vector_load %arg7[%get3A_2113, %get3A_2114] {strides = array<i32>} : memref<3872x16xf32, #tpu.memory_space<vmem>>, vector<1x16xf32>,
      %get3A_2116 = vector.shape_cast %get3A_2115 : vector<1x16xf32> to vector<16xf32>
      %add3A_2117 = arith.addf %add3A_2110, %get3A_2116 : vector<16xf32>
      %add3A_2118 = arith.constant 1216 : i32
      %add3A_2119 = arith.addi %add3A_2118, %scan3A_1786 : i32
      %get3A_2120 = arith.index_cast %add3A_2119 : i32 to index
      %get3A_2121 = arith.constant 0 : index
      %get3A_2122 = tpu.vector_load %arg7[%get3A_2120, %get3A_2121] {strides = array<i32>} : memref<3872x16xf32, #tpu.memory_space<vmem>>, vector<1x16xf32>,
      %get3A_2123 = vector.shape_cast %get3A_2122 : vector<1x16xf32> to vector<16xf32>
      %add3A_2124 = arith.addf %add3A_2117, %get3A_2123 : vector<16xf32>
      %add3A_2125 = arith.constant 1248 : i32
      %add3A_2126 = arith.addi %add3A_2125, %scan3A_1786 : i32
      %get3A_2127 = arith.index_cast %add3A_2126 : i32 to index
      %get3A_2128 = arith.constant 0 : index
      %get3A_2129 = tpu.vector_load %arg7[%get3A_2127, %get3A_2128] {strides = array<i32>} : memref<3872x16xf32, #tpu.memory_space<vmem>>, vector<1x16xf32>,
      %get3A_2130 = vector.shape_cast %get3A_2129 : vector<1x16xf32> to vector<16xf32>
      %add3A_2131 = arith.addf %add3A_2124, %get3A_2130 : vector<16xf32>
      %add3A_2132 = arith.constant 1280 : i32
      %add3A_2133 = arith.addi %add3A_2132, %scan3A_1786 : i32
      %get3A_2134 = arith.index_cast %add3A_2133 : i32 to index
      %get3A_2135 = arith.constant 0 : index
      %get3A_2136 = tpu.vector_load %arg7[%get3A_2134, %get3A_2135] {strides = array<i32>} : memref<3872x16xf32, #tpu.memory_space<vmem>>, vector<1x16xf32>,
      %get3A_2137 = vector.shape_cast %get3A_2136 : vector<1x16xf32> to vector<16xf32>
      %add3A_2138 = arith.addf %add3A_2131, %get3A_2137 : vector<16xf32>
      %add3A_2139 = arith.constant 1312 : i32
      %add3A_2140 = arith.addi %add3A_2139, %scan3A_1786 : i32
      %get3A_2141 = arith.index_cast %add3A_2140 : i32 to index
      %get3A_2142 = arith.constant 0 : index
      %get3A_2143 = tpu.vector_load %arg7[%get3A_2141, %get3A_2142] {strides = array<i32>} : memref<3872x16xf32, #tpu.memory_space<vmem>>, vector<1x16xf32>,
      %get3A_2144 = vector.shape_cast %get3A_2143 : vector<1x16xf32> to vector<16xf32>
      %add3A_2145 = arith.addf %add3A_2138, %get3A_2144 : vector<16xf32>
      %add3A_2146 = arith.constant 1344 : i32
      %add3A_2147 = arith.addi %add3A_2146, %scan3A_1786 : i32
      %get3A_2148 = arith.index_cast %add3A_2147 : i32 to index
      %get3A_2149 = arith.constant 0 : index
      %get3A_2150 = tpu.vector_load %arg7[%get3A_2148, %get3A_2149] {strides = array<i32>} : memref<3872x16xf32, #tpu.memory_space<vmem>>, vector<1x16xf32>,
      %get3A_2151 = vector.shape_cast %get3A_2150 : vector<1x16xf32> to vector<16xf32>
      %add3A_2152 = arith.addf %add3A_2145, %get3A_2151 : vector<16xf32>
      %add3A_2153 = arith.constant 1376 : i32
      %add3A_2154 = arith.addi %add3A_2153, %scan3A_1786 : i32
      %get3A_2155 = arith.index_cast %add3A_2154 : i32 to index
      %get3A_2156 = arith.constant 0 : index
      %get3A_2157 = tpu.vector_load %arg7[%get3A_2155, %get3A_2156] {strides = array<i32>} : memref<3872x16xf32, #tpu.memory_space<vmem>>, vector<1x16xf32>,
      %get3A_2158 = vector.shape_cast %get3A_2157 : vector<1x16xf32> to vector<16xf32>
      %add3A_2159 = arith.addf %add3A_2152, %get3A_2158 : vector<16xf32>
      %mul3A_2160 = vector.broadcast %squeeze3A : f32 to vector<16xf32>
      %mul3A_2161 = arith.mulf %add3A_2159, %mul3A_2160 : vector<16xf32>
      %add3A_2162 = arith.constant 1536 : i32
      %add3A_2163 = arith.addi %add3A_2162, %add3A_1832 : i32
      %swap3A_2164 = arith.index_cast %add3A_2163 : i32 to index
      %swap3A_2165 = tpu.vector_load %arg8[%swap3A_2164] {strides = array<i32>} : memref<5632xf32, #tpu.memory_space<vmem>>, vector<16xf32>,
      %swap3A_2166 = vector.shape_cast %swap3A_2165 : vector<16xf32> to vector<16xf32>
      %swap3A_2167 = vector.shape_cast %mul3A_2161 : vector<16xf32> to vector<16xf32>
      tpu.vector_store %arg8[%swap3A_2164], %swap3A_2167 {strides = array<i32>} : memref<5632xf32, #tpu.memory_space<vmem>>, vector<16xf32>,
      %add3A_2168 = arith.constant 1408 : i32
      %add3A_2169 = arith.addi %add3A_2168, %scan3A_1786 : i32
      %get3A_2170 = arith.index_cast %add3A_2169 : i32 to index
      %get3A_2171 = arith.constant 0 : index
      %get3A_2172 = tpu.vector_load %arg7[%get3A_2170, %get3A_2171] {strides = array<i32>} : memref<3872x16xf32, #tpu.memory_space<vmem>>, vector<1x16xf32>,
      %get3A_2173 = vector.shape_cast %get3A_2172 : vector<1x16xf32> to vector<16xf32>
      %add3A_2174 = arith.constant 1440 : i32
      %add3A_2175 = arith.addi %add3A_2174, %scan3A_1786 : i32
      %get3A_2176 = arith.index_cast %add3A_2175 : i32 to index
      %get3A_2177 = arith.constant 0 : index
      %get3A_2178 = tpu.vector_load %arg7[%get3A_2176, %get3A_2177] {strides = array<i32>} : memref<3872x16xf32, #tpu.memory_space<vmem>>, vector<1x16xf32>,
      %get3A_2179 = vector.shape_cast %get3A_2178 : vector<1x16xf32> to vector<16xf32>
      %add3A_2180 = arith.addf %get3A_2173, %get3A_2179 : vector<16xf32>
      %add3A_2181 = arith.constant 1472 : i32
      %add3A_2182 = arith.addi %add3A_2181, %scan3A_1786 : i32
      %get3A_2183 = arith.index_cast %add3A_2182 : i32 to index
      %get3A_2184 = arith.constant 0 : index
      %get3A_2185 = tpu.vector_load %arg7[%get3A_2183, %get3A_2184] {strides = array<i32>} : memref<3872x16xf32, #tpu.memory_space<vmem>>, vector<1x16xf32>,
      %get3A_2186 = vector.shape_cast %get3A_2185 : vector<1x16xf32> to vector<16xf32>
      %add3A_2187 = arith.addf %add3A_2180, %get3A_2186 : vector<16xf32>
      %add3A_2188 = arith.constant 1504 : i32
      %add3A_2189 = arith.addi %add3A_2188, %scan3A_1786 : i32
      %get3A_2190 = arith.index_cast %add3A_2189 : i32 to index
      %get3A_2191 = arith.constant 0 : index
      %get3A_2192 = tpu.vector_load %arg7[%get3A_2190, %get3A_2191] {strides = array<i32>} : memref<3872x16xf32, #tpu.memory_space<vmem>>, vector<1x16xf32>,
      %get3A_2193 = vector.shape_cast %get3A_2192 : vector<1x16xf32> to vector<16xf32>
      %add3A_2194 = arith.addf %add3A_2187, %get3A_2193 : vector<16xf32>
      %add3A_2195 = arith.constant 1536 : i32
      %add3A_2196 = arith.addi %add3A_2195, %scan3A_1786 : i32
      %get3A_2197 = arith.index_cast %add3A_2196 : i32 to index
      %get3A_2198 = arith.constant 0 : index
      %get3A_2199 = tpu.vector_load %arg7[%get3A_2197, %get3A_2198] {strides = array<i32>} : memref<3872x16xf32, #tpu.memory_space<vmem>>, vector<1x16xf32>,
      %get3A_2200 = vector.shape_cast %get3A_2199 : vector<1x16xf32> to vector<16xf32>
      %add3A_2201 = arith.addf %add3A_2194, %get3A_2200 : vector<16xf32>
      %add3A_2202 = arith.constant 1568 : i32
      %add3A_2203 = arith.addi %add3A_2202, %scan3A_1786 : i32
      %get3A_2204 = arith.index_cast %add3A_2203 : i32 to index
      %get3A_2205 = arith.constant 0 : index
      %get3A_2206 = tpu.vector_load %arg7[%get3A_2204, %get3A_2205] {strides = array<i32>} : memref<3872x16xf32, #tpu.memory_space<vmem>>, vector<1x16xf32>,
      %get3A_2207 = vector.shape_cast %get3A_2206 : vector<1x16xf32> to vector<16xf32>
      %add3A_2208 = arith.addf %add3A_2201, %get3A_2207 : vector<16xf32>
      %add3A_2209 = arith.constant 1600 : i32
      %add3A_2210 = arith.addi %add3A_2209, %scan3A_1786 : i32
      %get3A_2211 = arith.index_cast %add3A_2210 : i32 to index
      %get3A_2212 = arith.constant 0 : index
      %get3A_2213 = tpu.vector_load %arg7[%get3A_2211, %get3A_2212] {strides = array<i32>} : memref<3872x16xf32, #tpu.memory_space<vmem>>, vector<1x16xf32>,
      %get3A_2214 = vector.shape_cast %get3A_2213 : vector<1x16xf32> to vector<16xf32>
      %add3A_2215 = arith.addf %add3A_2208, %get3A_2214 : vector<16xf32>
      %add3A_2216 = arith.constant 1632 : i32
      %add3A_2217 = arith.addi %add3A_2216, %scan3A_1786 : i32
      %get3A_2218 = arith.index_cast %add3A_2217 : i32 to index
      %get3A_2219 = arith.constant 0 : index
      %get3A_2220 = tpu.vector_load %arg7[%get3A_2218, %get3A_2219] {strides = array<i32>} : memref<3872x16xf32, #tpu.memory_space<vmem>>, vector<1x16xf32>,
      %get3A_2221 = vector.shape_cast %get3A_2220 : vector<1x16xf32> to vector<16xf32>
      %add3A_2222 = arith.addf %add3A_2215, %get3A_2221 : vector<16xf32>
      %add3A_2223 = arith.constant 1664 : i32
      %add3A_2224 = arith.addi %add3A_2223, %scan3A_1786 : i32
      %get3A_2225 = arith.index_cast %add3A_2224 : i32 to index
      %get3A_2226 = arith.constant 0 : index
      %get3A_2227 = tpu.vector_load %arg7[%get3A_2225, %get3A_2226] {strides = array<i32>} : memref<3872x16xf32, #tpu.memory_space<vmem>>, vector<1x16xf32>,
      %get3A_2228 = vector.shape_cast %get3A_2227 : vector<1x16xf32> to vector<16xf32>
      %add3A_2229 = arith.addf %add3A_2222, %get3A_2228 : vector<16xf32>
      %add3A_2230 = arith.constant 1696 : i32
      %add3A_2231 = arith.addi %add3A_2230, %scan3A_1786 : i32
      %get3A_2232 = arith.index_cast %add3A_2231 : i32 to index
      %get3A_2233 = arith.constant 0 : index
      %get3A_2234 = tpu.vector_load %arg7[%get3A_2232, %get3A_2233] {strides = array<i32>} : memref<3872x16xf32, #tpu.memory_space<vmem>>, vector<1x16xf32>,
      %get3A_2235 = vector.shape_cast %get3A_2234 : vector<1x16xf32> to vector<16xf32>
      %add3A_2236 = arith.addf %add3A_2229, %get3A_2235 : vector<16xf32>
      %add3A_2237 = arith.constant 1728 : i32
      %add3A_2238 = arith.addi %add3A_2237, %scan3A_1786 : i32
      %get3A_2239 = arith.index_cast %add3A_2238 : i32 to index
      %get3A_2240 = arith.constant 0 : index
      %get3A_2241 = tpu.vector_load %arg7[%get3A_2239, %get3A_2240] {strides = array<i32>} : memref<3872x16xf32, #tpu.memory_space<vmem>>, vector<1x16xf32>,
      %get3A_2242 = vector.shape_cast %get3A_2241 : vector<1x16xf32> to vector<16xf32>
      %add3A_2243 = arith.addf %add3A_2236, %get3A_2242 : vector<16xf32>
      %mul3A_2244 = vector.broadcast %squeeze3A : f32 to vector<16xf32>
      %mul3A_2245 = arith.mulf %add3A_2243, %mul3A_2244 : vector<16xf32>
      %add3A_2246 = arith.constant 2048 : i32
      %add3A_2247 = arith.addi %add3A_2246, %add3A_1832 : i32
      %swap3A_2248 = arith.index_cast %add3A_2247 : i32 to index
      %swap3A_2249 = tpu.vector_load %arg8[%swap3A_2248] {strides = array<i32>} : memref<5632xf32, #tpu.memory_space<vmem>>, vector<16xf32>,
      %swap3A_2250 = vector.shape_cast %swap3A_2249 : vector<16xf32> to vector<16xf32>
      %swap3A_2251 = vector.shape_cast %mul3A_2245 : vector<16xf32> to vector<16xf32>
      tpu.vector_store %arg8[%swap3A_2248], %swap3A_2251 {strides = array<i32>} : memref<5632xf32, #tpu.memory_space<vmem>>, vector<16xf32>,
      %add3A_2252 = arith.constant 1760 : i32
      %add3A_2253 = arith.addi %add3A_2252, %scan3A_1786 : i32
      %get3A_2254 = arith.index_cast %add3A_2253 : i32 to index
      %get3A_2255 = arith.constant 0 : index
      %get3A_2256 = tpu.vector_load %arg7[%get3A_2254, %get3A_2255] {strides = array<i32>} : memref<3872x16xf32, #tpu.memory_space<vmem>>, vector<1x16xf32>,
      %get3A_2257 = vector.shape_cast %get3A_2256 : vector<1x16xf32> to vector<16xf32>
      %add3A_2258 = arith.constant 1792 : i32
      %add3A_2259 = arith.addi %add3A_2258, %scan3A_1786 : i32
      %get3A_2260 = arith.index_cast %add3A_2259 : i32 to index
      %get3A_2261 = arith.constant 0 : index
      %get3A_2262 = tpu.vector_load %arg7[%get3A_2260, %get3A_2261] {strides = array<i32>} : memref<3872x16xf32, #tpu.memory_space<vmem>>, vector<1x16xf32>,
      %get3A_2263 = vector.shape_cast %get3A_2262 : vector<1x16xf32> to vector<16xf32>
      %add3A_2264 = arith.addf %get3A_2257, %get3A_2263 : vector<16xf32>
      %add3A_2265 = arith.constant 1824 : i32
      %add3A_2266 = arith.addi %add3A_2265, %scan3A_1786 : i32
      %get3A_2267 = arith.index_cast %add3A_2266 : i32 to index
      %get3A_2268 = arith.constant 0 : index
      %get3A_2269 = tpu.vector_load %arg7[%get3A_2267, %get3A_2268] {strides = array<i32>} : memref<3872x16xf32, #tpu.memory_space<vmem>>, vector<1x16xf32>,
      %get3A_2270 = vector.shape_cast %get3A_2269 : vector<1x16xf32> to vector<16xf32>
      %add3A_2271 = arith.addf %add3A_2264, %get3A_2270 : vector<16xf32>
      %add3A_2272 = arith.constant 1856 : i32
      %add3A_2273 = arith.addi %add3A_2272, %scan3A_1786 : i32
      %get3A_2274 = arith.index_cast %add3A_2273 : i32 to index
      %get3A_2275 = arith.constant 0 : index
      %get3A_2276 = tpu.vector_load %arg7[%get3A_2274, %get3A_2275] {strides = array<i32>} : memref<3872x16xf32, #tpu.memory_space<vmem>>, vector<1x16xf32>,
      %get3A_2277 = vector.shape_cast %get3A_2276 : vector<1x16xf32> to vector<16xf32>
      %add3A_2278 = arith.addf %add3A_2271, %get3A_2277 : vector<16xf32>
      %add3A_2279 = arith.constant 1888 : i32
      %add3A_2280 = arith.addi %add3A_2279, %scan3A_1786 : i32
      %get3A_2281 = arith.index_cast %add3A_2280 : i32 to index
      %get3A_2282 = arith.constant 0 : index
      %get3A_2283 = tpu.vector_load %arg7[%get3A_2281, %get3A_2282] {strides = array<i32>} : memref<3872x16xf32, #tpu.memory_space<vmem>>, vector<1x16xf32>,
      %get3A_2284 = vector.shape_cast %get3A_2283 : vector<1x16xf32> to vector<16xf32>
      %add3A_2285 = arith.addf %add3A_2278, %get3A_2284 : vector<16xf32>
      %add3A_2286 = arith.constant 1920 : i32
      %add3A_2287 = arith.addi %add3A_2286, %scan3A_1786 : i32
      %get3A_2288 = arith.index_cast %add3A_2287 : i32 to index
      %get3A_2289 = arith.constant 0 : index
      %get3A_2290 = tpu.vector_load %arg7[%get3A_2288, %get3A_2289] {strides = array<i32>} : memref<3872x16xf32, #tpu.memory_space<vmem>>, vector<1x16xf32>,
      %get3A_2291 = vector.shape_cast %get3A_2290 : vector<1x16xf32> to vector<16xf32>
      %add3A_2292 = arith.addf %add3A_2285, %get3A_2291 : vector<16xf32>
      %add3A_2293 = arith.constant 1952 : i32
      %add3A_2294 = arith.addi %add3A_2293, %scan3A_1786 : i32
      %get3A_2295 = arith.index_cast %add3A_2294 : i32 to index
      %get3A_2296 = arith.constant 0 : index
      %get3A_2297 = tpu.vector_load %arg7[%get3A_2295, %get3A_2296] {strides = array<i32>} : memref<3872x16xf32, #tpu.memory_space<vmem>>, vector<1x16xf32>,
      %get3A_2298 = vector.shape_cast %get3A_2297 : vector<1x16xf32> to vector<16xf32>
      %add3A_2299 = arith.addf %add3A_2292, %get3A_2298 : vector<16xf32>
      %add3A_2300 = arith.constant 1984 : i32
      %add3A_2301 = arith.addi %add3A_2300, %scan3A_1786 : i32
      %get3A_2302 = arith.index_cast %add3A_2301 : i32 to index
      %get3A_2303 = arith.constant 0 : index
      %get3A_2304 = tpu.vector_load %arg7[%get3A_2302, %get3A_2303] {strides = array<i32>} : memref<3872x16xf32, #tpu.memory_space<vmem>>, vector<1x16xf32>,
      %get3A_2305 = vector.shape_cast %get3A_2304 : vector<1x16xf32> to vector<16xf32>
      %add3A_2306 = arith.addf %add3A_2299, %get3A_2305 : vector<16xf32>
      %add3A_2307 = arith.constant 2016 : i32
      %add3A_2308 = arith.addi %add3A_2307, %scan3A_1786 : i32
      %get3A_2309 = arith.index_cast %add3A_2308 : i32 to index
      %get3A_2310 = arith.constant 0 : index
      %get3A_2311 = tpu.vector_load %arg7[%get3A_2309, %get3A_2310] {strides = array<i32>} : memref<3872x16xf32, #tpu.memory_space<vmem>>, vector<1x16xf32>,
      %get3A_2312 = vector.shape_cast %get3A_2311 : vector<1x16xf32> to vector<16xf32>
      %add3A_2313 = arith.addf %add3A_2306, %get3A_2312 : vector<16xf32>
      %add3A_2314 = arith.constant 2048 : i32
      %add3A_2315 = arith.addi %add3A_2314, %scan3A_1786 : i32
      %get3A_2316 = arith.index_cast %add3A_2315 : i32 to index
      %get3A_2317 = arith.constant 0 : index
      %get3A_2318 = tpu.vector_load %arg7[%get3A_2316, %get3A_2317] {strides = array<i32>} : memref<3872x16xf32, #tpu.memory_space<vmem>>, vector<1x16xf32>,
      %get3A_2319 = vector.shape_cast %get3A_2318 : vector<1x16xf32> to vector<16xf32>
      %add3A_2320 = arith.addf %add3A_2313, %get3A_2319 : vector<16xf32>
      %add3A_2321 = arith.constant 2080 : i32
      %add3A_2322 = arith.addi %add3A_2321, %scan3A_1786 : i32
      %get3A_2323 = arith.index_cast %add3A_2322 : i32 to index
      %get3A_2324 = arith.constant 0 : index
      %get3A_2325 = tpu.vector_load %arg7[%get3A_2323, %get3A_2324] {strides = array<i32>} : memref<3872x16xf32, #tpu.memory_space<vmem>>, vector<1x16xf32>,
      %get3A_2326 = vector.shape_cast %get3A_2325 : vector<1x16xf32> to vector<16xf32>
      %add3A_2327 = arith.addf %add3A_2320, %get3A_2326 : vector<16xf32>
      %mul3A_2328 = vector.broadcast %squeeze3A : f32 to vector<16xf32>
      %mul3A_2329 = arith.mulf %add3A_2327, %mul3A_2328 : vector<16xf32>
      %add3A_2330 = arith.constant 2560 : i32
      %add3A_2331 = arith.addi %add3A_2330, %add3A_1832 : i32
      %swap3A_2332 = arith.index_cast %add3A_2331 : i32 to index
      %swap3A_2333 = tpu.vector_load %arg8[%swap3A_2332] {strides = array<i32>} : memref<5632xf32, #tpu.memory_space<vmem>>, vector<16xf32>,
      %swap3A_2334 = vector.shape_cast %swap3A_2333 : vector<16xf32> to vector<16xf32>
      %swap3A_2335 = vector.shape_cast %mul3A_2329 : vector<16xf32> to vector<16xf32>
      tpu.vector_store %arg8[%swap3A_2332], %swap3A_2335 {strides = array<i32>} : memref<5632xf32, #tpu.memory_space<vmem>>, vector<16xf32>,
      %add3A_2336 = arith.constant 2112 : i32
      %add3A_2337 = arith.addi %add3A_2336, %scan3A_1786 : i32
      %get3A_2338 = arith.index_cast %add3A_2337 : i32 to index
      %get3A_2339 = arith.constant 0 : index
      %get3A_2340 = tpu.vector_load %arg7[%get3A_2338, %get3A_2339] {strides = array<i32>} : memref<3872x16xf32, #tpu.memory_space<vmem>>, vector<1x16xf32>,
      %get3A_2341 = vector.shape_cast %get3A_2340 : vector<1x16xf32> to vector<16xf32>
      %add3A_2342 = arith.constant 2144 : i32
      %add3A_2343 = arith.addi %add3A_2342, %scan3A_1786 : i32
      %get3A_2344 = arith.index_cast %add3A_2343 : i32 to index
      %get3A_2345 = arith.constant 0 : index
      %get3A_2346 = tpu.vector_load %arg7[%get3A_2344, %get3A_2345] {strides = array<i32>} : memref<3872x16xf32, #tpu.memory_space<vmem>>, vector<1x16xf32>,
      %get3A_2347 = vector.shape_cast %get3A_2346 : vector<1x16xf32> to vector<16xf32>
      %add3A_2348 = arith.addf %get3A_2341, %get3A_2347 : vector<16xf32>
      %add3A_2349 = arith.constant 2176 : i32
      %add3A_2350 = arith.addi %add3A_2349, %scan3A_1786 : i32
      %get3A_2351 = arith.index_cast %add3A_2350 : i32 to index
      %get3A_2352 = arith.constant 0 : index
      %get3A_2353 = tpu.vector_load %arg7[%get3A_2351, %get3A_2352] {strides = array<i32>} : memref<3872x16xf32, #tpu.memory_space<vmem>>, vector<1x16xf32>,
      %get3A_2354 = vector.shape_cast %get3A_2353 : vector<1x16xf32> to vector<16xf32>
      %add3A_2355 = arith.addf %add3A_2348, %get3A_2354 : vector<16xf32>
      %add3A_2356 = arith.constant 2208 : i32
      %add3A_2357 = arith.addi %add3A_2356, %scan3A_1786 : i32
      %get3A_2358 = arith.index_cast %add3A_2357 : i32 to index
      %get3A_2359 = arith.constant 0 : index
      %get3A_2360 = tpu.vector_load %arg7[%get3A_2358, %get3A_2359] {strides = array<i32>} : memref<3872x16xf32, #tpu.memory_space<vmem>>, vector<1x16xf32>,
      %get3A_2361 = vector.shape_cast %get3A_2360 : vector<1x16xf32> to vector<16xf32>
      %add3A_2362 = arith.addf %add3A_2355, %get3A_2361 : vector<16xf32>
      %add3A_2363 = arith.constant 2240 : i32
      %add3A_2364 = arith.addi %add3A_2363, %scan3A_1786 : i32
      %get3A_2365 = arith.index_cast %add3A_2364 : i32 to index
      %get3A_2366 = arith.constant 0 : index
      %get3A_2367 = tpu.vector_load %arg7[%get3A_2365, %get3A_2366] {strides = array<i32>} : memref<3872x16xf32, #tpu.memory_space<vmem>>, vector<1x16xf32>,
      %get3A_2368 = vector.shape_cast %get3A_2367 : vector<1x16xf32> to vector<16xf32>
      %add3A_2369 = arith.addf %add3A_2362, %get3A_2368 : vector<16xf32>
      %add3A_2370 = arith.constant 2272 : i32
      %add3A_2371 = arith.addi %add3A_2370, %scan3A_1786 : i32
      %get3A_2372 = arith.index_cast %add3A_2371 : i32 to index
      %get3A_2373 = arith.constant 0 : index
      %get3A_2374 = tpu.vector_load %arg7[%get3A_2372, %get3A_2373] {strides = array<i32>} : memref<3872x16xf32, #tpu.memory_space<vmem>>, vector<1x16xf32>,
      %get3A_2375 = vector.shape_cast %get3A_2374 : vector<1x16xf32> to vector<16xf32>
      %add3A_2376 = arith.addf %add3A_2369, %get3A_2375 : vector<16xf32>
      %add3A_2377 = arith.constant 2304 : i32
      %add3A_2378 = arith.addi %add3A_2377, %scan3A_1786 : i32
      %get3A_2379 = arith.index_cast %add3A_2378 : i32 to index
      %get3A_2380 = arith.constant 0 : index
      %get3A_2381 = tpu.vector_load %arg7[%get3A_2379, %get3A_2380] {strides = array<i32>} : memref<3872x16xf32, #tpu.memory_space<vmem>>, vector<1x16xf32>,
      %get3A_2382 = vector.shape_cast %get3A_2381 : vector<1x16xf32> to vector<16xf32>
      %add3A_2383 = arith.addf %add3A_2376, %get3A_2382 : vector<16xf32>
      %add3A_2384 = arith.constant 2336 : i32
      %add3A_2385 = arith.addi %add3A_2384, %scan3A_1786 : i32
      %get3A_2386 = arith.index_cast %add3A_2385 : i32 to index
      %get3A_2387 = arith.constant 0 : index
      %get3A_2388 = tpu.vector_load %arg7[%get3A_2386, %get3A_2387] {strides = array<i32>} : memref<3872x16xf32, #tpu.memory_space<vmem>>, vector<1x16xf32>,
      %get3A_2389 = vector.shape_cast %get3A_2388 : vector<1x16xf32> to vector<16xf32>
      %add3A_2390 = arith.addf %add3A_2383, %get3A_2389 : vector<16xf32>
      %add3A_2391 = arith.constant 2368 : i32
      %add3A_2392 = arith.addi %add3A_2391, %scan3A_1786 : i32
      %get3A_2393 = arith.index_cast %add3A_2392 : i32 to index
      %get3A_2394 = arith.constant 0 : index
      %get3A_2395 = tpu.vector_load %arg7[%get3A_2393, %get3A_2394] {strides = array<i32>} : memref<3872x16xf32, #tpu.memory_space<vmem>>, vector<1x16xf32>,
      %get3A_2396 = vector.shape_cast %get3A_2395 : vector<1x16xf32> to vector<16xf32>
      %add3A_2397 = arith.addf %add3A_2390, %get3A_2396 : vector<16xf32>
      %add3A_2398 = arith.constant 2400 : i32
      %add3A_2399 = arith.addi %add3A_2398, %scan3A_1786 : i32
      %get3A_2400 = arith.index_cast %add3A_2399 : i32 to index
      %get3A_2401 = arith.constant 0 : index
      %get3A_2402 = tpu.vector_load %arg7[%get3A_2400, %get3A_2401] {strides = array<i32>} : memref<3872x16xf32, #tpu.memory_space<vmem>>, vector<1x16xf32>,
      %get3A_2403 = vector.shape_cast %get3A_2402 : vector<1x16xf32> to vector<16xf32>
      %add3A_2404 = arith.addf %add3A_2397, %get3A_2403 : vector<16xf32>
      %add3A_2405 = arith.constant 2432 : i32
      %add3A_2406 = arith.addi %add3A_2405, %scan3A_1786 : i32
      %get3A_2407 = arith.index_cast %add3A_2406 : i32 to index
      %get3A_2408 = arith.constant 0 : index
      %get3A_2409 = tpu.vector_load %arg7[%get3A_2407, %get3A_2408] {strides = array<i32>} : memref<3872x16xf32, #tpu.memory_space<vmem>>, vector<1x16xf32>,
      %get3A_2410 = vector.shape_cast %get3A_2409 : vector<1x16xf32> to vector<16xf32>
      %add3A_2411 = arith.addf %add3A_2404, %get3A_2410 : vector<16xf32>
      %mul3A_2412 = vector.broadcast %squeeze3A : f32 to vector<16xf32>
      %mul3A_2413 = arith.mulf %add3A_2411, %mul3A_2412 : vector<16xf32>
      %add3A_2414 = arith.constant 3072 : i32
      %add3A_2415 = arith.addi %add3A_2414, %add3A_1832 : i32
      %swap3A_2416 = arith.index_cast %add3A_2415 : i32 to index
      %swap3A_2417 = tpu.vector_load %arg8[%swap3A_2416] {strides = array<i32>} : memref<5632xf32, #tpu.memory_space<vmem>>, vector<16xf32>,
      %swap3A_2418 = vector.shape_cast %swap3A_2417 : vector<16xf32> to vector<16xf32>
      %swap3A_2419 = vector.shape_cast %mul3A_2413 : vector<16xf32> to vector<16xf32>
      tpu.vector_store %arg8[%swap3A_2416], %swap3A_2419 {strides = array<i32>} : memref<5632xf32, #tpu.memory_space<vmem>>, vector<16xf32>,
      %add3A_2420 = arith.constant 2464 : i32
      %add3A_2421 = arith.addi %add3A_2420, %scan3A_1786 : i32
      %get3A_2422 = arith.index_cast %add3A_2421 : i32 to index
      %get3A_2423 = arith.constant 0 : index
      %get3A_2424 = tpu.vector_load %arg7[%get3A_2422, %get3A_2423] {strides = array<i32>} : memref<3872x16xf32, #tpu.memory_space<vmem>>, vector<1x16xf32>,
      %get3A_2425 = vector.shape_cast %get3A_2424 : vector<1x16xf32> to vector<16xf32>
      %add3A_2426 = arith.constant 2496 : i32
      %add3A_2427 = arith.addi %add3A_2426, %scan3A_1786 : i32
      %get3A_2428 = arith.index_cast %add3A_2427 : i32 to index
      %get3A_2429 = arith.constant 0 : index
      %get3A_2430 = tpu.vector_load %arg7[%get3A_2428, %get3A_2429] {strides = array<i32>} : memref<3872x16xf32, #tpu.memory_space<vmem>>, vector<1x16xf32>,
      %get3A_2431 = vector.shape_cast %get3A_2430 : vector<1x16xf32> to vector<16xf32>
      %add3A_2432 = arith.addf %get3A_2425, %get3A_2431 : vector<16xf32>
      %add3A_2433 = arith.constant 2528 : i32
      %add3A_2434 = arith.addi %add3A_2433, %scan3A_1786 : i32
      %get3A_2435 = arith.index_cast %add3A_2434 : i32 to index
      %get3A_2436 = arith.constant 0 : index
      %get3A_2437 = tpu.vector_load %arg7[%get3A_2435, %get3A_2436] {strides = array<i32>} : memref<3872x16xf32, #tpu.memory_space<vmem>>, vector<1x16xf32>,
      %get3A_2438 = vector.shape_cast %get3A_2437 : vector<1x16xf32> to vector<16xf32>
      %add3A_2439 = arith.addf %add3A_2432, %get3A_2438 : vector<16xf32>
      %add3A_2440 = arith.constant 2560 : i32
      %add3A_2441 = arith.addi %add3A_2440, %scan3A_1786 : i32
      %get3A_2442 = arith.index_cast %add3A_2441 : i32 to index
      %get3A_2443 = arith.constant 0 : index
      %get3A_2444 = tpu.vector_load %arg7[%get3A_2442, %get3A_2443] {strides = array<i32>} : memref<3872x16xf32, #tpu.memory_space<vmem>>, vector<1x16xf32>,
      %get3A_2445 = vector.shape_cast %get3A_2444 : vector<1x16xf32> to vector<16xf32>
      %add3A_2446 = arith.addf %add3A_2439, %get3A_2445 : vector<16xf32>
      %add3A_2447 = arith.constant 2592 : i32
      %add3A_2448 = arith.addi %add3A_2447, %scan3A_1786 : i32
      %get3A_2449 = arith.index_cast %add3A_2448 : i32 to index
      %get3A_2450 = arith.constant 0 : index
      %get3A_2451 = tpu.vector_load %arg7[%get3A_2449, %get3A_2450] {strides = array<i32>} : memref<3872x16xf32, #tpu.memory_space<vmem>>, vector<1x16xf32>,
      %get3A_2452 = vector.shape_cast %get3A_2451 : vector<1x16xf32> to vector<16xf32>
      %add3A_2453 = arith.addf %add3A_2446, %get3A_2452 : vector<16xf32>
      %add3A_2454 = arith.constant 2624 : i32
      %add3A_2455 = arith.addi %add3A_2454, %scan3A_1786 : i32
      %get3A_2456 = arith.index_cast %add3A_2455 : i32 to index
      %get3A_2457 = arith.constant 0 : index
      %get3A_2458 = tpu.vector_load %arg7[%get3A_2456, %get3A_2457] {strides = array<i32>} : memref<3872x16xf32, #tpu.memory_space<vmem>>, vector<1x16xf32>,
      %get3A_2459 = vector.shape_cast %get3A_2458 : vector<1x16xf32> to vector<16xf32>
      %add3A_2460 = arith.addf %add3A_2453, %get3A_2459 : vector<16xf32>
      %add3A_2461 = arith.constant 2656 : i32
      %add3A_2462 = arith.addi %add3A_2461, %scan3A_1786 : i32
      %get3A_2463 = arith.index_cast %add3A_2462 : i32 to index
      %get3A_2464 = arith.constant 0 : index
      %get3A_2465 = tpu.vector_load %arg7[%get3A_2463, %get3A_2464] {strides = array<i32>} : memref<3872x16xf32, #tpu.memory_space<vmem>>, vector<1x16xf32>,
      %get3A_2466 = vector.shape_cast %get3A_2465 : vector<1x16xf32> to vector<16xf32>
      %add3A_2467 = arith.addf %add3A_2460, %get3A_2466 : vector<16xf32>
      %add3A_2468 = arith.constant 2688 : i32
      %add3A_2469 = arith.addi %add3A_2468, %scan3A_1786 : i32
      %get3A_2470 = arith.index_cast %add3A_2469 : i32 to index
      %get3A_2471 = arith.constant 0 : index
      %get3A_2472 = tpu.vector_load %arg7[%get3A_2470, %get3A_2471] {strides = array<i32>} : memref<3872x16xf32, #tpu.memory_space<vmem>>, vector<1x16xf32>,
      %get3A_2473 = vector.shape_cast %get3A_2472 : vector<1x16xf32> to vector<16xf32>
      %add3A_2474 = arith.addf %add3A_2467, %get3A_2473 : vector<16xf32>
      %add3A_2475 = arith.constant 2720 : i32
      %add3A_2476 = arith.addi %add3A_2475, %scan3A_1786 : i32
      %get3A_2477 = arith.index_cast %add3A_2476 : i32 to index
      %get3A_2478 = arith.constant 0 : index
      %get3A_2479 = tpu.vector_load %arg7[%get3A_2477, %get3A_2478] {strides = array<i32>} : memref<3872x16xf32, #tpu.memory_space<vmem>>, vector<1x16xf32>,
      %get3A_2480 = vector.shape_cast %get3A_2479 : vector<1x16xf32> to vector<16xf32>
      %add3A_2481 = arith.addf %add3A_2474, %get3A_2480 : vector<16xf32>
      %add3A_2482 = arith.constant 2752 : i32
      %add3A_2483 = arith.addi %add3A_2482, %scan3A_1786 : i32
      %get3A_2484 = arith.index_cast %add3A_2483 : i32 to index
      %get3A_2485 = arith.constant 0 : index
      %get3A_2486 = tpu.vector_load %arg7[%get3A_2484, %get3A_2485] {strides = array<i32>} : memref<3872x16xf32, #tpu.memory_space<vmem>>, vector<1x16xf32>,
      %get3A_2487 = vector.shape_cast %get3A_2486 : vector<1x16xf32> to vector<16xf32>
      %add3A_2488 = arith.addf %add3A_2481, %get3A_2487 : vector<16xf32>
      %add3A_2489 = arith.constant 2784 : i32
      %add3A_2490 = arith.addi %add3A_2489, %scan3A_1786 : i32
      %get3A_2491 = arith.index_cast %add3A_2490 : i32 to index
      %get3A_2492 = arith.constant 0 : index
      %get3A_2493 = tpu.vector_load %arg7[%get3A_2491, %get3A_2492] {strides = array<i32>} : memref<3872x16xf32, #tpu.memory_space<vmem>>, vector<1x16xf32>,
      %get3A_2494 = vector.shape_cast %get3A_2493 : vector<1x16xf32> to vector<16xf32>
      %add3A_2495 = arith.addf %add3A_2488, %get3A_2494 : vector<16xf32>
      %mul3A_2496 = vector.broadcast %squeeze3A : f32 to vector<16xf32>
      %mul3A_2497 = arith.mulf %add3A_2495, %mul3A_2496 : vector<16xf32>
      %add3A_2498 = arith.constant 3584 : i32
      %add3A_2499 = arith.addi %add3A_2498, %add3A_1832 : i32
      %swap3A_2500 = arith.index_cast %add3A_2499 : i32 to index
      %swap3A_2501 = tpu.vector_load %arg8[%swap3A_2500] {strides = array<i32>} : memref<5632xf32, #tpu.memory_space<vmem>>, vector<16xf32>,
      %swap3A_2502 = vector.shape_cast %swap3A_2501 : vector<16xf32> to vector<16xf32>
      %swap3A_2503 = vector.shape_cast %mul3A_2497 : vector<16xf32> to vector<16xf32>
      tpu.vector_store %arg8[%swap3A_2500], %swap3A_2503 {strides = array<i32>} : memref<5632xf32, #tpu.memory_space<vmem>>, vector<16xf32>,
      %add3A_2504 = arith.constant 2816 : i32
      %add3A_2505 = arith.addi %add3A_2504, %scan3A_1786 : i32
      %get3A_2506 = arith.index_cast %add3A_2505 : i32 to index
      %get3A_2507 = arith.constant 0 : index
      %get3A_2508 = tpu.vector_load %arg7[%get3A_2506, %get3A_2507] {strides = array<i32>} : memref<3872x16xf32, #tpu.memory_space<vmem>>, vector<1x16xf32>,
      %get3A_2509 = vector.shape_cast %get3A_2508 : vector<1x16xf32> to vector<16xf32>
      %add3A_2510 = arith.constant 2848 : i32
      %add3A_2511 = arith.addi %add3A_2510, %scan3A_1786 : i32
      %get3A_2512 = arith.index_cast %add3A_2511 : i32 to index
      %get3A_2513 = arith.constant 0 : index
      %get3A_2514 = tpu.vector_load %arg7[%get3A_2512, %get3A_2513] {strides = array<i32>} : memref<3872x16xf32, #tpu.memory_space<vmem>>, vector<1x16xf32>,
      %get3A_2515 = vector.shape_cast %get3A_2514 : vector<1x16xf32> to vector<16xf32>
      %add3A_2516 = arith.addf %get3A_2509, %get3A_2515 : vector<16xf32>
      %add3A_2517 = arith.constant 2880 : i32
      %add3A_2518 = arith.addi %add3A_2517, %scan3A_1786 : i32
      %get3A_2519 = arith.index_cast %add3A_2518 : i32 to index
      %get3A_2520 = arith.constant 0 : index
      %get3A_2521 = tpu.vector_load %arg7[%get3A_2519, %get3A_2520] {strides = array<i32>} : memref<3872x16xf32, #tpu.memory_space<vmem>>, vector<1x16xf32>,
      %get3A_2522 = vector.shape_cast %get3A_2521 : vector<1x16xf32> to vector<16xf32>
      %add3A_2523 = arith.addf %add3A_2516, %get3A_2522 : vector<16xf32>
      %add3A_2524 = arith.constant 2912 : i32
      %add3A_2525 = arith.addi %add3A_2524, %scan3A_1786 : i32
      %get3A_2526 = arith.index_cast %add3A_2525 : i32 to index
      %get3A_2527 = arith.constant 0 : index
      %get3A_2528 = tpu.vector_load %arg7[%get3A_2526, %get3A_2527] {strides = array<i32>} : memref<3872x16xf32, #tpu.memory_space<vmem>>, vector<1x16xf32>,
      %get3A_2529 = vector.shape_cast %get3A_2528 : vector<1x16xf32> to vector<16xf32>
      %add3A_2530 = arith.addf %add3A_2523, %get3A_2529 : vector<16xf32>
      %add3A_2531 = arith.constant 2944 : i32
      %add3A_2532 = arith.addi %add3A_2531, %scan3A_1786 : i32
      %get3A_2533 = arith.index_cast %add3A_2532 : i32 to index
      %get3A_2534 = arith.constant 0 : index
      %get3A_2535 = tpu.vector_load %arg7[%get3A_2533, %get3A_2534] {strides = array<i32>} : memref<3872x16xf32, #tpu.memory_space<vmem>>, vector<1x16xf32>,
      %get3A_2536 = vector.shape_cast %get3A_2535 : vector<1x16xf32> to vector<16xf32>
      %add3A_2537 = arith.addf %add3A_2530, %get3A_2536 : vector<16xf32>
      %add3A_2538 = arith.constant 2976 : i32
      %add3A_2539 = arith.addi %add3A_2538, %scan3A_1786 : i32
      %get3A_2540 = arith.index_cast %add3A_2539 : i32 to index
      %get3A_2541 = arith.constant 0 : index
      %get3A_2542 = tpu.vector_load %arg7[%get3A_2540, %get3A_2541] {strides = array<i32>} : memref<3872x16xf32, #tpu.memory_space<vmem>>, vector<1x16xf32>,
      %get3A_2543 = vector.shape_cast %get3A_2542 : vector<1x16xf32> to vector<16xf32>
      %add3A_2544 = arith.addf %add3A_2537, %get3A_2543 : vector<16xf32>
      %add3A_2545 = arith.constant 3008 : i32
      %add3A_2546 = arith.addi %add3A_2545, %scan3A_1786 : i32
      %get3A_2547 = arith.index_cast %add3A_2546 : i32 to index
      %get3A_2548 = arith.constant 0 : index
      %get3A_2549 = tpu.vector_load %arg7[%get3A_2547, %get3A_2548] {strides = array<i32>} : memref<3872x16xf32, #tpu.memory_space<vmem>>, vector<1x16xf32>,
      %get3A_2550 = vector.shape_cast %get3A_2549 : vector<1x16xf32> to vector<16xf32>
      %add3A_2551 = arith.addf %add3A_2544, %get3A_2550 : vector<16xf32>
      %add3A_2552 = arith.constant 3040 : i32
      %add3A_2553 = arith.addi %add3A_2552, %scan3A_1786 : i32
      %get3A_2554 = arith.index_cast %add3A_2553 : i32 to index
      %get3A_2555 = arith.constant 0 : index
      %get3A_2556 = tpu.vector_load %arg7[%get3A_2554, %get3A_2555] {strides = array<i32>} : memref<3872x16xf32, #tpu.memory_space<vmem>>, vector<1x16xf32>,
      %get3A_2557 = vector.shape_cast %get3A_2556 : vector<1x16xf32> to vector<16xf32>
      %add3A_2558 = arith.addf %add3A_2551, %get3A_2557 : vector<16xf32>
      %add3A_2559 = arith.constant 3072 : i32
      %add3A_2560 = arith.addi %add3A_2559, %scan3A_1786 : i32
      %get3A_2561 = arith.index_cast %add3A_2560 : i32 to index
      %get3A_2562 = arith.constant 0 : index
      %get3A_2563 = tpu.vector_load %arg7[%get3A_2561, %get3A_2562] {strides = array<i32>} : memref<3872x16xf32, #tpu.memory_space<vmem>>, vector<1x16xf32>,
      %get3A_2564 = vector.shape_cast %get3A_2563 : vector<1x16xf32> to vector<16xf32>
      %add3A_2565 = arith.addf %add3A_2558, %get3A_2564 : vector<16xf32>
      %add3A_2566 = arith.constant 3104 : i32
      %add3A_2567 = arith.addi %add3A_2566, %scan3A_1786 : i32
      %get3A_2568 = arith.index_cast %add3A_2567 : i32 to index
      %get3A_2569 = arith.constant 0 : index
      %get3A_2570 = tpu.vector_load %arg7[%get3A_2568, %get3A_2569] {strides = array<i32>} : memref<3872x16xf32, #tpu.memory_space<vmem>>, vector<1x16xf32>,
      %get3A_2571 = vector.shape_cast %get3A_2570 : vector<1x16xf32> to vector<16xf32>
      %add3A_2572 = arith.addf %add3A_2565, %get3A_2571 : vector<16xf32>
      %add3A_2573 = arith.constant 3136 : i32
      %add3A_2574 = arith.addi %add3A_2573, %scan3A_1786 : i32
      %get3A_2575 = arith.index_cast %add3A_2574 : i32 to index
      %get3A_2576 = arith.constant 0 : index
      %get3A_2577 = tpu.vector_load %arg7[%get3A_2575, %get3A_2576] {strides = array<i32>} : memref<3872x16xf32, #tpu.memory_space<vmem>>, vector<1x16xf32>,
      %get3A_2578 = vector.shape_cast %get3A_2577 : vector<1x16xf32> to vector<16xf32>
      %add3A_2579 = arith.addf %add3A_2572, %get3A_2578 : vector<16xf32>
      %mul3A_2580 = vector.broadcast %squeeze3A : f32 to vector<16xf32>
      %mul3A_2581 = arith.mulf %add3A_2579, %mul3A_2580 : vector<16xf32>
      %add3A_2582 = arith.constant 4096 : i32
      %add3A_2583 = arith.addi %add3A_2582, %add3A_1832 : i32
      %swap3A_2584 = arith.index_cast %add3A_2583 : i32 to index
      %swap3A_2585 = tpu.vector_load %arg8[%swap3A_2584] {strides = array<i32>} : memref<5632xf32, #tpu.memory_space<vmem>>, vector<16xf32>,
      %swap3A_2586 = vector.shape_cast %swap3A_2585 : vector<16xf32> to vector<16xf32>
      %swap3A_2587 = vector.shape_cast %mul3A_2581 : vector<16xf32> to vector<16xf32>
      tpu.vector_store %arg8[%swap3A_2584], %swap3A_2587 {strides = array<i32>} : memref<5632xf32, #tpu.memory_space<vmem>>, vector<16xf32>,
      %add3A_2588 = arith.constant 3168 : i32
      %add3A_2589 = arith.addi %add3A_2588, %scan3A_1786 : i32
      %get3A_2590 = arith.index_cast %add3A_2589 : i32 to index
      %get3A_2591 = arith.constant 0 : index
      %get3A_2592 = tpu.vector_load %arg7[%get3A_2590, %get3A_2591] {strides = array<i32>} : memref<3872x16xf32, #tpu.memory_space<vmem>>, vector<1x16xf32>,
      %get3A_2593 = vector.shape_cast %get3A_2592 : vector<1x16xf32> to vector<16xf32>
      %add3A_2594 = arith.constant 3200 : i32
      %add3A_2595 = arith.addi %add3A_2594, %scan3A_1786 : i32
      %get3A_2596 = arith.index_cast %add3A_2595 : i32 to index
      %get3A_2597 = arith.constant 0 : index
      %get3A_2598 = tpu.vector_load %arg7[%get3A_2596, %get3A_2597] {strides = array<i32>} : memref<3872x16xf32, #tpu.memory_space<vmem>>, vector<1x16xf32>,
      %get3A_2599 = vector.shape_cast %get3A_2598 : vector<1x16xf32> to vector<16xf32>
      %add3A_2600 = arith.addf %get3A_2593, %get3A_2599 : vector<16xf32>
      %add3A_2601 = arith.constant 3232 : i32
      %add3A_2602 = arith.addi %add3A_2601, %scan3A_1786 : i32
      %get3A_2603 = arith.index_cast %add3A_2602 : i32 to index
      %get3A_2604 = arith.constant 0 : index
      %get3A_2605 = tpu.vector_load %arg7[%get3A_2603, %get3A_2604] {strides = array<i32>} : memref<3872x16xf32, #tpu.memory_space<vmem>>, vector<1x16xf32>,
      %get3A_2606 = vector.shape_cast %get3A_2605 : vector<1x16xf32> to vector<16xf32>
      %add3A_2607 = arith.addf %add3A_2600, %get3A_2606 : vector<16xf32>
      %add3A_2608 = arith.constant 3264 : i32
      %add3A_2609 = arith.addi %add3A_2608, %scan3A_1786 : i32
      %get3A_2610 = arith.index_cast %add3A_2609 : i32 to index
      %get3A_2611 = arith.constant 0 : index
      %get3A_2612 = tpu.vector_load %arg7[%get3A_2610, %get3A_2611] {strides = array<i32>} : memref<3872x16xf32, #tpu.memory_space<vmem>>, vector<1x16xf32>,
      %get3A_2613 = vector.shape_cast %get3A_2612 : vector<1x16xf32> to vector<16xf32>
      %add3A_2614 = arith.addf %add3A_2607, %get3A_2613 : vector<16xf32>
      %add3A_2615 = arith.constant 3296 : i32
      %add3A_2616 = arith.addi %add3A_2615, %scan3A_1786 : i32
      %get3A_2617 = arith.index_cast %add3A_2616 : i32 to index
      %get3A_2618 = arith.constant 0 : index
      %get3A_2619 = tpu.vector_load %arg7[%get3A_2617, %get3A_2618] {strides = array<i32>} : memref<3872x16xf32, #tpu.memory_space<vmem>>, vector<1x16xf32>,
      %get3A_2620 = vector.shape_cast %get3A_2619 : vector<1x16xf32> to vector<16xf32>
      %add3A_2621 = arith.addf %add3A_2614, %get3A_2620 : vector<16xf32>
      %add3A_2622 = arith.constant 3328 : i32
      %add3A_2623 = arith.addi %add3A_2622, %scan3A_1786 : i32
      %get3A_2624 = arith.index_cast %add3A_2623 : i32 to index
      %get3A_2625 = arith.constant 0 : index
      %get3A_2626 = tpu.vector_load %arg7[%get3A_2624, %get3A_2625] {strides = array<i32>} : memref<3872x16xf32, #tpu.memory_space<vmem>>, vector<1x16xf32>,
      %get3A_2627 = vector.shape_cast %get3A_2626 : vector<1x16xf32> to vector<16xf32>
      %add3A_2628 = arith.addf %add3A_2621, %get3A_2627 : vector<16xf32>
      %add3A_2629 = arith.constant 3360 : i32
      %add3A_2630 = arith.addi %add3A_2629, %scan3A_1786 : i32
      %get3A_2631 = arith.index_cast %add3A_2630 : i32 to index
      %get3A_2632 = arith.constant 0 : index
      %get3A_2633 = tpu.vector_load %arg7[%get3A_2631, %get3A_2632] {strides = array<i32>} : memref<3872x16xf32, #tpu.memory_space<vmem>>, vector<1x16xf32>,
      %get3A_2634 = vector.shape_cast %get3A_2633 : vector<1x16xf32> to vector<16xf32>
      %add3A_2635 = arith.addf %add3A_2628, %get3A_2634 : vector<16xf32>
      %add3A_2636 = arith.constant 3392 : i32
      %add3A_2637 = arith.addi %add3A_2636, %scan3A_1786 : i32
      %get3A_2638 = arith.index_cast %add3A_2637 : i32 to index
      %get3A_2639 = arith.constant 0 : index
      %get3A_2640 = tpu.vector_load %arg7[%get3A_2638, %get3A_2639] {strides = array<i32>} : memref<3872x16xf32, #tpu.memory_space<vmem>>, vector<1x16xf32>,
      %get3A_2641 = vector.shape_cast %get3A_2640 : vector<1x16xf32> to vector<16xf32>
      %add3A_2642 = arith.addf %add3A_2635, %get3A_2641 : vector<16xf32>
      %add3A_2643 = arith.constant 3424 : i32
      %add3A_2644 = arith.addi %add3A_2643, %scan3A_1786 : i32
      %get3A_2645 = arith.index_cast %add3A_2644 : i32 to index
      %get3A_2646 = arith.constant 0 : index
      %get3A_2647 = tpu.vector_load %arg7[%get3A_2645, %get3A_2646] {strides = array<i32>} : memref<3872x16xf32, #tpu.memory_space<vmem>>, vector<1x16xf32>,
      %get3A_2648 = vector.shape_cast %get3A_2647 : vector<1x16xf32> to vector<16xf32>
      %add3A_2649 = arith.addf %add3A_2642, %get3A_2648 : vector<16xf32>
      %add3A_2650 = arith.constant 3456 : i32
      %add3A_2651 = arith.addi %add3A_2650, %scan3A_1786 : i32
      %get3A_2652 = arith.index_cast %add3A_2651 : i32 to index
      %get3A_2653 = arith.constant 0 : index
      %get3A_2654 = tpu.vector_load %arg7[%get3A_2652, %get3A_2653] {strides = array<i32>} : memref<3872x16xf32, #tpu.memory_space<vmem>>, vector<1x16xf32>,
      %get3A_2655 = vector.shape_cast %get3A_2654 : vector<1x16xf32> to vector<16xf32>
      %add3A_2656 = arith.addf %add3A_2649, %get3A_2655 : vector<16xf32>
      %add3A_2657 = arith.constant 3488 : i32
      %add3A_2658 = arith.addi %add3A_2657, %scan3A_1786 : i32
      %get3A_2659 = arith.index_cast %add3A_2658 : i32 to index
      %get3A_2660 = arith.constant 0 : index
      %get3A_2661 = tpu.vector_load %arg7[%get3A_2659, %get3A_2660] {strides = array<i32>} : memref<3872x16xf32, #tpu.memory_space<vmem>>, vector<1x16xf32>,
      %get3A_2662 = vector.shape_cast %get3A_2661 : vector<1x16xf32> to vector<16xf32>
      %add3A_2663 = arith.addf %add3A_2656, %get3A_2662 : vector<16xf32>
      %mul3A_2664 = vector.broadcast %squeeze3A : f32 to vector<16xf32>
      %mul3A_2665 = arith.mulf %add3A_2663, %mul3A_2664 : vector<16xf32>
      %add3A_2666 = arith.constant 4608 : i32
      %add3A_2667 = arith.addi %add3A_2666, %add3A_1832 : i32
      %swap3A_2668 = arith.index_cast %add3A_2667 : i32 to index
      %swap3A_2669 = tpu.vector_load %arg8[%swap3A_2668] {strides = array<i32>} : memref<5632xf32, #tpu.memory_space<vmem>>, vector<16xf32>,
      %swap3A_2670 = vector.shape_cast %swap3A_2669 : vector<16xf32> to vector<16xf32>
      %swap3A_2671 = vector.shape_cast %mul3A_2665 : vector<16xf32> to vector<16xf32>
      tpu.vector_store %arg8[%swap3A_2668], %swap3A_2671 {strides = array<i32>} : memref<5632xf32, #tpu.memory_space<vmem>>, vector<16xf32>,
      %add3A_2672 = arith.constant 3520 : i32
      %add3A_2673 = arith.addi %add3A_2672, %scan3A_1786 : i32
      %get3A_2674 = arith.index_cast %add3A_2673 : i32 to index
      %get3A_2675 = arith.constant 0 : index
      %get3A_2676 = tpu.vector_load %arg7[%get3A_2674, %get3A_2675] {strides = array<i32>} : memref<3872x16xf32, #tpu.memory_space<vmem>>, vector<1x16xf32>,
      %get3A_2677 = vector.shape_cast %get3A_2676 : vector<1x16xf32> to vector<16xf32>
      %add3A_2678 = arith.constant 3552 : i32
      %add3A_2679 = arith.addi %add3A_2678, %scan3A_1786 : i32
      %get3A_2680 = arith.index_cast %add3A_2679 : i32 to index
      %get3A_2681 = arith.constant 0 : index
      %get3A_2682 = tpu.vector_load %arg7[%get3A_2680, %get3A_2681] {strides = array<i32>} : memref<3872x16xf32, #tpu.memory_space<vmem>>, vector<1x16xf32>,
      %get3A_2683 = vector.shape_cast %get3A_2682 : vector<1x16xf32> to vector<16xf32>
      %add3A_2684 = arith.addf %get3A_2677, %get3A_2683 : vector<16xf32>
      %add3A_2685 = arith.constant 3584 : i32
      %add3A_2686 = arith.addi %add3A_2685, %scan3A_1786 : i32
      %get3A_2687 = arith.index_cast %add3A_2686 : i32 to index
      %get3A_2688 = arith.constant 0 : index
      %get3A_2689 = tpu.vector_load %arg7[%get3A_2687, %get3A_2688] {strides = array<i32>} : memref<3872x16xf32, #tpu.memory_space<vmem>>, vector<1x16xf32>,
      %get3A_2690 = vector.shape_cast %get3A_2689 : vector<1x16xf32> to vector<16xf32>
      %add3A_2691 = arith.addf %add3A_2684, %get3A_2690 : vector<16xf32>
      %add3A_2692 = arith.constant 3616 : i32
      %add3A_2693 = arith.addi %add3A_2692, %scan3A_1786 : i32
      %get3A_2694 = arith.index_cast %add3A_2693 : i32 to index
      %get3A_2695 = arith.constant 0 : index
      %get3A_2696 = tpu.vector_load %arg7[%get3A_2694, %get3A_2695] {strides = array<i32>} : memref<3872x16xf32, #tpu.memory_space<vmem>>, vector<1x16xf32>,
      %get3A_2697 = vector.shape_cast %get3A_2696 : vector<1x16xf32> to vector<16xf32>
      %add3A_2698 = arith.addf %add3A_2691, %get3A_2697 : vector<16xf32>
      %add3A_2699 = arith.constant 3648 : i32
      %add3A_2700 = arith.addi %add3A_2699, %scan3A_1786 : i32
      %get3A_2701 = arith.index_cast %add3A_2700 : i32 to index
      %get3A_2702 = arith.constant 0 : index
      %get3A_2703 = tpu.vector_load %arg7[%get3A_2701, %get3A_2702] {strides = array<i32>} : memref<3872x16xf32, #tpu.memory_space<vmem>>, vector<1x16xf32>,
      %get3A_2704 = vector.shape_cast %get3A_2703 : vector<1x16xf32> to vector<16xf32>
      %add3A_2705 = arith.addf %add3A_2698, %get3A_2704 : vector<16xf32>
      %add3A_2706 = arith.constant 3680 : i32
      %add3A_2707 = arith.addi %add3A_2706, %scan3A_1786 : i32
      %get3A_2708 = arith.index_cast %add3A_2707 : i32 to index
      %get3A_2709 = arith.constant 0 : index
      %get3A_2710 = tpu.vector_load %arg7[%get3A_2708, %get3A_2709] {strides = array<i32>} : memref<3872x16xf32, #tpu.memory_space<vmem>>, vector<1x16xf32>,
      %get3A_2711 = vector.shape_cast %get3A_2710 : vector<1x16xf32> to vector<16xf32>
      %add3A_2712 = arith.addf %add3A_2705, %get3A_2711 : vector<16xf32>
      %add3A_2713 = arith.constant 3712 : i32
      %add3A_2714 = arith.addi %add3A_2713, %scan3A_1786 : i32
      %get3A_2715 = arith.index_cast %add3A_2714 : i32 to index
      %get3A_2716 = arith.constant 0 : index
      %get3A_2717 = tpu.vector_load %arg7[%get3A_2715, %get3A_2716] {strides = array<i32>} : memref<3872x16xf32, #tpu.memory_space<vmem>>, vector<1x16xf32>,
      %get3A_2718 = vector.shape_cast %get3A_2717 : vector<1x16xf32> to vector<16xf32>
      %add3A_2719 = arith.addf %add3A_2712, %get3A_2718 : vector<16xf32>
      %add3A_2720 = arith.constant 3744 : i32
      %add3A_2721 = arith.addi %add3A_2720, %scan3A_1786 : i32
      %get3A_2722 = arith.index_cast %add3A_2721 : i32 to index
      %get3A_2723 = arith.constant 0 : index
      %get3A_2724 = tpu.vector_load %arg7[%get3A_2722, %get3A_2723] {strides = array<i32>} : memref<3872x16xf32, #tpu.memory_space<vmem>>, vector<1x16xf32>,
      %get3A_2725 = vector.shape_cast %get3A_2724 : vector<1x16xf32> to vector<16xf32>
      %add3A_2726 = arith.addf %add3A_2719, %get3A_2725 : vector<16xf32>
      %add3A_2727 = arith.constant 3776 : i32
      %add3A_2728 = arith.addi %add3A_2727, %scan3A_1786 : i32
      %get3A_2729 = arith.index_cast %add3A_2728 : i32 to index
      %get3A_2730 = arith.constant 0 : index
      %get3A_2731 = tpu.vector_load %arg7[%get3A_2729, %get3A_2730] {strides = array<i32>} : memref<3872x16xf32, #tpu.memory_space<vmem>>, vector<1x16xf32>,
      %get3A_2732 = vector.shape_cast %get3A_2731 : vector<1x16xf32> to vector<16xf32>
      %add3A_2733 = arith.addf %add3A_2726, %get3A_2732 : vector<16xf32>
      %add3A_2734 = arith.constant 3808 : i32
      %add3A_2735 = arith.addi %add3A_2734, %scan3A_1786 : i32
      %get3A_2736 = arith.index_cast %add3A_2735 : i32 to index
      %get3A_2737 = arith.constant 0 : index
      %get3A_2738 = tpu.vector_load %arg7[%get3A_2736, %get3A_2737] {strides = array<i32>} : memref<3872x16xf32, #tpu.memory_space<vmem>>, vector<1x16xf32>,
      %get3A_2739 = vector.shape_cast %get3A_2738 : vector<1x16xf32> to vector<16xf32>
      %add3A_2740 = arith.addf %add3A_2733, %get3A_2739 : vector<16xf32>
      %add3A_2741 = arith.constant 3840 : i32
      %add3A_2742 = arith.addi %add3A_2741, %scan3A_1786 : i32
      %get3A_2743 = arith.index_cast %add3A_2742 : i32 to index
      %get3A_2744 = arith.constant 0 : index
      %get3A_2745 = tpu.vector_load %arg7[%get3A_2743, %get3A_2744] {strides = array<i32>} : memref<3872x16xf32, #tpu.memory_space<vmem>>, vector<1x16xf32>,
      %get3A_2746 = vector.shape_cast %get3A_2745 : vector<1x16xf32> to vector<16xf32>
      %add3A_2747 = arith.addf %add3A_2740, %get3A_2746 : vector<16xf32>
      %mul3A_2748 = vector.broadcast %squeeze3A : f32 to vector<16xf32>
      %mul3A_2749 = arith.mulf %add3A_2747, %mul3A_2748 : vector<16xf32>
      %add3A_2750 = arith.constant 5120 : i32
      %add3A_2751 = arith.addi %add3A_2750, %add3A_1832 : i32
      %swap3A_2752 = arith.index_cast %add3A_2751 : i32 to index
      %swap3A_2753 = tpu.vector_load %arg8[%swap3A_2752] {strides = array<i32>} : memref<5632xf32, #tpu.memory_space<vmem>>, vector<16xf32>,
      %swap3A_2754 = vector.shape_cast %swap3A_2753 : vector<16xf32> to vector<16xf32>
      %swap3A_2755 = vector.shape_cast %mul3A_2749 : vector<16xf32> to vector<16xf32>
      tpu.vector_store %arg8[%swap3A_2752], %swap3A_2755 {strides = array<i32>} : memref<5632xf32, #tpu.memory_space<vmem>>, vector<16xf32>,
      %scan3A_2756 = arith.constant 0 : i32
      scf.yield %scan3A_2756 : i32
    }
    %scan3A_1741 = arith.constant 32 : i32
    %mul3A_1742 = arith.constant 512 : i32
    %mul3A_1743 = arith.muli %add3A, %mul3A_1742 : i32
    %add3A_1744 = arith.constant 0 : i32
    %add3A_1745 = arith.addi %add3A_1744, %mul3A_1743 : i32
    "tpu.region"() ({
      %run_scoped3A = tpu.sem_alloc : memref<!tpu.dma_semaphore, #tpu.memory_space<semaphore_mem>>
      %dma_start3A_1786 = arith.constant 0 : i32
      %dma_start3A_1787 = tpu.memref_slice %arg8[%dma_start3A_1786] : memref<5632xf32, #tpu.memory_space<vmem>> -> memref<512xf32, #tpu.memory_space<vmem>>
      %dma_start3A_1788 = tpu.memref_slice %arg5[%add3A_1745] : memref<180224xf32, #tpu.memory_space<hbm>> -> memref<512xf32, #tpu.memory_space<hbm>>
      %dma_start3A_1789 = tpu.memref_slice %arg5[%add3A_1745] : memref<180224xf32, #tpu.memory_space<hbm>> -> memref<512xf32, #tpu.memory_space<hbm>>
      %dma_start3A_1790 = arith.constant 0 : i32
      %dma_start3A_1791 = tpu.memref_slice %arg8[%dma_start3A_1790] : memref<5632xf32, #tpu.memory_space<vmem>> -> memref<512xf32, #tpu.memory_space<vmem>>
      tpu.enqueue_dma source(%dma_start3A_1791 : memref<512xf32, #tpu.memory_space<vmem>>) target(%dma_start3A_1789 : memref<512xf32, #tpu.memory_space<hbm>>) target_semaphore(%run_scoped3A : memref<!tpu.dma_semaphore, #tpu.memory_space<semaphore_mem>>)
      %dma_wait3A_1792 = arith.constant 0 : i32
      %dma_wait3A_1793 = tpu.memref_slice %arg8[%dma_wait3A_1792] : memref<5632xf32, #tpu.memory_space<vmem>> -> memref<512xf32, #tpu.memory_space<vmem>>
      %dma_wait3A_1794 = tpu.memref_slice %arg5[%add3A_1745] : memref<180224xf32, #tpu.memory_space<hbm>> -> memref<512xf32, #tpu.memory_space<hbm>>
      %dma_wait3A_1795 = tpu.memref_slice %arg5[%add3A_1745] : memref<180224xf32, #tpu.memory_space<hbm>> -> memref<512xf32, #tpu.memory_space<hbm>>
      %dma_wait3A_1796 = arith.constant 0 : i32
      %dma_wait3A_1797 = tpu.memref_slice %arg8[%dma_wait3A_1796] : memref<5632xf32, #tpu.memory_space<vmem>> -> memref<512xf32, #tpu.memory_space<vmem>>
      tpu.wait_dma2 semaphore(%run_scoped3A : memref<!tpu.dma_semaphore, #tpu.memory_space<semaphore_mem>>) src(%dma_wait3A_1797 : memref<512xf32, #tpu.memory_space<vmem>>) dst(%dma_wait3A_1795 : memref<512xf32, #tpu.memory_space<hbm>>)
      tpu.yield
    }) : () -> ()
    %mul3A_1746 = arith.constant 512 : i32
    %mul3A_1747 = arith.muli %add3A, %mul3A_1746 : i32
    %add3A_1748 = arith.constant 16384 : i32
    %add3A_1749 = arith.addi %add3A_1748, %mul3A_1747 : i32
    "tpu.region"() ({
      %run_scoped3A = tpu.sem_alloc : memref<!tpu.dma_semaphore, #tpu.memory_space<semaphore_mem>>
      %dma_start3A_1786 = arith.constant 512 : i32
      %dma_start3A_1787 = tpu.memref_slice %arg8[%dma_start3A_1786] : memref<5632xf32, #tpu.memory_space<vmem>> -> memref<512xf32, #tpu.memory_space<vmem>>
      %dma_start3A_1788 = tpu.memref_slice %arg5[%add3A_1749] : memref<180224xf32, #tpu.memory_space<hbm>> -> memref<512xf32, #tpu.memory_space<hbm>>
      %dma_start3A_1789 = tpu.memref_slice %arg5[%add3A_1749] : memref<180224xf32, #tpu.memory_space<hbm>> -> memref<512xf32, #tpu.memory_space<hbm>>
      %dma_start3A_1790 = arith.constant 512 : i32
      %dma_start3A_1791 = tpu.memref_slice %arg8[%dma_start3A_1790] : memref<5632xf32, #tpu.memory_space<vmem>> -> memref<512xf32, #tpu.memory_space<vmem>>
      tpu.enqueue_dma source(%dma_start3A_1791 : memref<512xf32, #tpu.memory_space<vmem>>) target(%dma_start3A_1789 : memref<512xf32, #tpu.memory_space<hbm>>) target_semaphore(%run_scoped3A : memref<!tpu.dma_semaphore, #tpu.memory_space<semaphore_mem>>)
      %dma_wait3A_1792 = arith.constant 512 : i32
      %dma_wait3A_1793 = tpu.memref_slice %arg8[%dma_wait3A_1792] : memref<5632xf32, #tpu.memory_space<vmem>> -> memref<512xf32, #tpu.memory_space<vmem>>
      %dma_wait3A_1794 = tpu.memref_slice %arg5[%add3A_1749] : memref<180224xf32, #tpu.memory_space<hbm>> -> memref<512xf32, #tpu.memory_space<hbm>>
      %dma_wait3A_1795 = tpu.memref_slice %arg5[%add3A_1749] : memref<180224xf32, #tpu.memory_space<hbm>> -> memref<512xf32, #tpu.memory_space<hbm>>
      %dma_wait3A_1796 = arith.constant 512 : i32
      %dma_wait3A_1797 = tpu.memref_slice %arg8[%dma_wait3A_1796] : memref<5632xf32, #tpu.memory_space<vmem>> -> memref<512xf32, #tpu.memory_space<vmem>>
      tpu.wait_dma2 semaphore(%run_scoped3A : memref<!tpu.dma_semaphore, #tpu.memory_space<semaphore_mem>>) src(%dma_wait3A_1797 : memref<512xf32, #tpu.memory_space<vmem>>) dst(%dma_wait3A_1795 : memref<512xf32, #tpu.memory_space<hbm>>)
      tpu.yield
    }) : () -> ()
    %mul3A_1750 = arith.constant 512 : i32
    %mul3A_1751 = arith.muli %add3A, %mul3A_1750 : i32
    %add3A_1752 = arith.constant 32768 : i32
    %add3A_1753 = arith.addi %add3A_1752, %mul3A_1751 : i32
    "tpu.region"() ({
      %run_scoped3A = tpu.sem_alloc : memref<!tpu.dma_semaphore, #tpu.memory_space<semaphore_mem>>
      %dma_start3A_1786 = arith.constant 1024 : i32
      %dma_start3A_1787 = tpu.memref_slice %arg8[%dma_start3A_1786] : memref<5632xf32, #tpu.memory_space<vmem>> -> memref<512xf32, #tpu.memory_space<vmem>>
      %dma_start3A_1788 = tpu.memref_slice %arg5[%add3A_1753] : memref<180224xf32, #tpu.memory_space<hbm>> -> memref<512xf32, #tpu.memory_space<hbm>>
      %dma_start3A_1789 = tpu.memref_slice %arg5[%add3A_1753] : memref<180224xf32, #tpu.memory_space<hbm>> -> memref<512xf32, #tpu.memory_space<hbm>>
      %dma_start3A_1790 = arith.constant 1024 : i32
      %dma_start3A_1791 = tpu.memref_slice %arg8[%dma_start3A_1790] : memref<5632xf32, #tpu.memory_space<vmem>> -> memref<512xf32, #tpu.memory_space<vmem>>
      tpu.enqueue_dma source(%dma_start3A_1791 : memref<512xf32, #tpu.memory_space<vmem>>) target(%dma_start3A_1789 : memref<512xf32, #tpu.memory_space<hbm>>) target_semaphore(%run_scoped3A : memref<!tpu.dma_semaphore, #tpu.memory_space<semaphore_mem>>)
      %dma_wait3A_1792 = arith.constant 1024 : i32
      %dma_wait3A_1793 = tpu.memref_slice %arg8[%dma_wait3A_1792] : memref<5632xf32, #tpu.memory_space<vmem>> -> memref<512xf32, #tpu.memory_space<vmem>>
      %dma_wait3A_1794 = tpu.memref_slice %arg5[%add3A_1753] : memref<180224xf32, #tpu.memory_space<hbm>> -> memref<512xf32, #tpu.memory_space<hbm>>
      %dma_wait3A_1795 = tpu.memref_slice %arg5[%add3A_1753] : memref<180224xf32, #tpu.memory_space<hbm>> -> memref<512xf32, #tpu.memory_space<hbm>>
      %dma_wait3A_1796 = arith.constant 1024 : i32
      %dma_wait3A_1797 = tpu.memref_slice %arg8[%dma_wait3A_1796] : memref<5632xf32, #tpu.memory_space<vmem>> -> memref<512xf32, #tpu.memory_space<vmem>>
      tpu.wait_dma2 semaphore(%run_scoped3A : memref<!tpu.dma_semaphore, #tpu.memory_space<semaphore_mem>>) src(%dma_wait3A_1797 : memref<512xf32, #tpu.memory_space<vmem>>) dst(%dma_wait3A_1795 : memref<512xf32, #tpu.memory_space<hbm>>)
      tpu.yield
    }) : () -> ()
    %mul3A_1754 = arith.constant 512 : i32
    %mul3A_1755 = arith.muli %add3A, %mul3A_1754 : i32
    %add3A_1756 = arith.constant 49152 : i32
    %add3A_1757 = arith.addi %add3A_1756, %mul3A_1755 : i32
    "tpu.region"() ({
      %run_scoped3A = tpu.sem_alloc : memref<!tpu.dma_semaphore, #tpu.memory_space<semaphore_mem>>
      %dma_start3A_1786 = arith.constant 1536 : i32
      %dma_start3A_1787 = tpu.memref_slice %arg8[%dma_start3A_1786] : memref<5632xf32, #tpu.memory_space<vmem>> -> memref<512xf32, #tpu.memory_space<vmem>>
      %dma_start3A_1788 = tpu.memref_slice %arg5[%add3A_1757] : memref<180224xf32, #tpu.memory_space<hbm>> -> memref<512xf32, #tpu.memory_space<hbm>>
      %dma_start3A_1789 = tpu.memref_slice %arg5[%add3A_1757] : memref<180224xf32, #tpu.memory_space<hbm>> -> memref<512xf32, #tpu.memory_space<hbm>>
      %dma_start3A_1790 = arith.constant 1536 : i32
      %dma_start3A_1791 = tpu.memref_slice %arg8[%dma_start3A_1790] : memref<5632xf32, #tpu.memory_space<vmem>> -> memref<512xf32, #tpu.memory_space<vmem>>
      tpu.enqueue_dma source(%dma_start3A_1791 : memref<512xf32, #tpu.memory_space<vmem>>) target(%dma_start3A_1789 : memref<512xf32, #tpu.memory_space<hbm>>) target_semaphore(%run_scoped3A : memref<!tpu.dma_semaphore, #tpu.memory_space<semaphore_mem>>)
      %dma_wait3A_1792 = arith.constant 1536 : i32
      %dma_wait3A_1793 = tpu.memref_slice %arg8[%dma_wait3A_1792] : memref<5632xf32, #tpu.memory_space<vmem>> -> memref<512xf32, #tpu.memory_space<vmem>>
      %dma_wait3A_1794 = tpu.memref_slice %arg5[%add3A_1757] : memref<180224xf32, #tpu.memory_space<hbm>> -> memref<512xf32, #tpu.memory_space<hbm>>
      %dma_wait3A_1795 = tpu.memref_slice %arg5[%add3A_1757] : memref<180224xf32, #tpu.memory_space<hbm>> -> memref<512xf32, #tpu.memory_space<hbm>>
      %dma_wait3A_1796 = arith.constant 1536 : i32
      %dma_wait3A_1797 = tpu.memref_slice %arg8[%dma_wait3A_1796] : memref<5632xf32, #tpu.memory_space<vmem>> -> memref<512xf32, #tpu.memory_space<vmem>>
      tpu.wait_dma2 semaphore(%run_scoped3A : memref<!tpu.dma_semaphore, #tpu.memory_space<semaphore_mem>>) src(%dma_wait3A_1797 : memref<512xf32, #tpu.memory_space<vmem>>) dst(%dma_wait3A_1795 : memref<512xf32, #tpu.memory_space<hbm>>)
      tpu.yield
    }) : () -> ()
    %mul3A_1758 = arith.constant 512 : i32
    %mul3A_1759 = arith.muli %add3A, %mul3A_1758 : i32
    %add3A_1760 = arith.constant 65536 : i32
    %add3A_1761 = arith.addi %add3A_1760, %mul3A_1759 : i32
    "tpu.region"() ({
      %run_scoped3A = tpu.sem_alloc : memref<!tpu.dma_semaphore, #tpu.memory_space<semaphore_mem>>
      %dma_start3A_1786 = arith.constant 2048 : i32
      %dma_start3A_1787 = tpu.memref_slice %arg8[%dma_start3A_1786] : memref<5632xf32, #tpu.memory_space<vmem>> -> memref<512xf32, #tpu.memory_space<vmem>>
      %dma_start3A_1788 = tpu.memref_slice %arg5[%add3A_1761] : memref<180224xf32, #tpu.memory_space<hbm>> -> memref<512xf32, #tpu.memory_space<hbm>>
      %dma_start3A_1789 = tpu.memref_slice %arg5[%add3A_1761] : memref<180224xf32, #tpu.memory_space<hbm>> -> memref<512xf32, #tpu.memory_space<hbm>>
      %dma_start3A_1790 = arith.constant 2048 : i32
      %dma_start3A_1791 = tpu.memref_slice %arg8[%dma_start3A_1790] : memref<5632xf32, #tpu.memory_space<vmem>> -> memref<512xf32, #tpu.memory_space<vmem>>
      tpu.enqueue_dma source(%dma_start3A_1791 : memref<512xf32, #tpu.memory_space<vmem>>) target(%dma_start3A_1789 : memref<512xf32, #tpu.memory_space<hbm>>) target_semaphore(%run_scoped3A : memref<!tpu.dma_semaphore, #tpu.memory_space<semaphore_mem>>)
      %dma_wait3A_1792 = arith.constant 2048 : i32
      %dma_wait3A_1793 = tpu.memref_slice %arg8[%dma_wait3A_1792] : memref<5632xf32, #tpu.memory_space<vmem>> -> memref<512xf32, #tpu.memory_space<vmem>>
      %dma_wait3A_1794 = tpu.memref_slice %arg5[%add3A_1761] : memref<180224xf32, #tpu.memory_space<hbm>> -> memref<512xf32, #tpu.memory_space<hbm>>
      %dma_wait3A_1795 = tpu.memref_slice %arg5[%add3A_1761] : memref<180224xf32, #tpu.memory_space<hbm>> -> memref<512xf32, #tpu.memory_space<hbm>>
      %dma_wait3A_1796 = arith.constant 2048 : i32
      %dma_wait3A_1797 = tpu.memref_slice %arg8[%dma_wait3A_1796] : memref<5632xf32, #tpu.memory_space<vmem>> -> memref<512xf32, #tpu.memory_space<vmem>>
      tpu.wait_dma2 semaphore(%run_scoped3A : memref<!tpu.dma_semaphore, #tpu.memory_space<semaphore_mem>>) src(%dma_wait3A_1797 : memref<512xf32, #tpu.memory_space<vmem>>) dst(%dma_wait3A_1795 : memref<512xf32, #tpu.memory_space<hbm>>)
      tpu.yield
    }) : () -> ()
    %mul3A_1762 = arith.constant 512 : i32
    %mul3A_1763 = arith.muli %add3A, %mul3A_1762 : i32
    %add3A_1764 = arith.constant 81920 : i32
    %add3A_1765 = arith.addi %add3A_1764, %mul3A_1763 : i32
    "tpu.region"() ({
      %run_scoped3A = tpu.sem_alloc : memref<!tpu.dma_semaphore, #tpu.memory_space<semaphore_mem>>
      %dma_start3A_1786 = arith.constant 2560 : i32
      %dma_start3A_1787 = tpu.memref_slice %arg8[%dma_start3A_1786] : memref<5632xf32, #tpu.memory_space<vmem>> -> memref<512xf32, #tpu.memory_space<vmem>>
      %dma_start3A_1788 = tpu.memref_slice %arg5[%add3A_1765] : memref<180224xf32, #tpu.memory_space<hbm>> -> memref<512xf32, #tpu.memory_space<hbm>>
      %dma_start3A_1789 = tpu.memref_slice %arg5[%add3A_1765] : memref<180224xf32, #tpu.memory_space<hbm>> -> memref<512xf32, #tpu.memory_space<hbm>>
      %dma_start3A_1790 = arith.constant 2560 : i32
      %dma_start3A_1791 = tpu.memref_slice %arg8[%dma_start3A_1790] : memref<5632xf32, #tpu.memory_space<vmem>> -> memref<512xf32, #tpu.memory_space<vmem>>
      tpu.enqueue_dma source(%dma_start3A_1791 : memref<512xf32, #tpu.memory_space<vmem>>) target(%dma_start3A_1789 : memref<512xf32, #tpu.memory_space<hbm>>) target_semaphore(%run_scoped3A : memref<!tpu.dma_semaphore, #tpu.memory_space<semaphore_mem>>)
      %dma_wait3A_1792 = arith.constant 2560 : i32
      %dma_wait3A_1793 = tpu.memref_slice %arg8[%dma_wait3A_1792] : memref<5632xf32, #tpu.memory_space<vmem>> -> memref<512xf32, #tpu.memory_space<vmem>>
      %dma_wait3A_1794 = tpu.memref_slice %arg5[%add3A_1765] : memref<180224xf32, #tpu.memory_space<hbm>> -> memref<512xf32, #tpu.memory_space<hbm>>
      %dma_wait3A_1795 = tpu.memref_slice %arg5[%add3A_1765] : memref<180224xf32, #tpu.memory_space<hbm>> -> memref<512xf32, #tpu.memory_space<hbm>>
      %dma_wait3A_1796 = arith.constant 2560 : i32
      %dma_wait3A_1797 = tpu.memref_slice %arg8[%dma_wait3A_1796] : memref<5632xf32, #tpu.memory_space<vmem>> -> memref<512xf32, #tpu.memory_space<vmem>>
      tpu.wait_dma2 semaphore(%run_scoped3A : memref<!tpu.dma_semaphore, #tpu.memory_space<semaphore_mem>>) src(%dma_wait3A_1797 : memref<512xf32, #tpu.memory_space<vmem>>) dst(%dma_wait3A_1795 : memref<512xf32, #tpu.memory_space<hbm>>)
      tpu.yield
    }) : () -> ()
    %mul3A_1766 = arith.constant 512 : i32
    %mul3A_1767 = arith.muli %add3A, %mul3A_1766 : i32
    %add3A_1768 = arith.constant 98304 : i32
    %add3A_1769 = arith.addi %add3A_1768, %mul3A_1767 : i32
    "tpu.region"() ({
      %run_scoped3A = tpu.sem_alloc : memref<!tpu.dma_semaphore, #tpu.memory_space<semaphore_mem>>
      %dma_start3A_1786 = arith.constant 3072 : i32
      %dma_start3A_1787 = tpu.memref_slice %arg8[%dma_start3A_1786] : memref<5632xf32, #tpu.memory_space<vmem>> -> memref<512xf32, #tpu.memory_space<vmem>>
      %dma_start3A_1788 = tpu.memref_slice %arg5[%add3A_1769] : memref<180224xf32, #tpu.memory_space<hbm>> -> memref<512xf32, #tpu.memory_space<hbm>>
      %dma_start3A_1789 = tpu.memref_slice %arg5[%add3A_1769] : memref<180224xf32, #tpu.memory_space<hbm>> -> memref<512xf32, #tpu.memory_space<hbm>>
      %dma_start3A_1790 = arith.constant 3072 : i32
      %dma_start3A_1791 = tpu.memref_slice %arg8[%dma_start3A_1790] : memref<5632xf32, #tpu.memory_space<vmem>> -> memref<512xf32, #tpu.memory_space<vmem>>
      tpu.enqueue_dma source(%dma_start3A_1791 : memref<512xf32, #tpu.memory_space<vmem>>) target(%dma_start3A_1789 : memref<512xf32, #tpu.memory_space<hbm>>) target_semaphore(%run_scoped3A : memref<!tpu.dma_semaphore, #tpu.memory_space<semaphore_mem>>)
      %dma_wait3A_1792 = arith.constant 3072 : i32
      %dma_wait3A_1793 = tpu.memref_slice %arg8[%dma_wait3A_1792] : memref<5632xf32, #tpu.memory_space<vmem>> -> memref<512xf32, #tpu.memory_space<vmem>>
      %dma_wait3A_1794 = tpu.memref_slice %arg5[%add3A_1769] : memref<180224xf32, #tpu.memory_space<hbm>> -> memref<512xf32, #tpu.memory_space<hbm>>
      %dma_wait3A_1795 = tpu.memref_slice %arg5[%add3A_1769] : memref<180224xf32, #tpu.memory_space<hbm>> -> memref<512xf32, #tpu.memory_space<hbm>>
      %dma_wait3A_1796 = arith.constant 3072 : i32
      %dma_wait3A_1797 = tpu.memref_slice %arg8[%dma_wait3A_1796] : memref<5632xf32, #tpu.memory_space<vmem>> -> memref<512xf32, #tpu.memory_space<vmem>>
      tpu.wait_dma2 semaphore(%run_scoped3A : memref<!tpu.dma_semaphore, #tpu.memory_space<semaphore_mem>>) src(%dma_wait3A_1797 : memref<512xf32, #tpu.memory_space<vmem>>) dst(%dma_wait3A_1795 : memref<512xf32, #tpu.memory_space<hbm>>)
      tpu.yield
    }) : () -> ()
    %mul3A_1770 = arith.constant 512 : i32
    %mul3A_1771 = arith.muli %add3A, %mul3A_1770 : i32
    %add3A_1772 = arith.constant 114688 : i32
    %add3A_1773 = arith.addi %add3A_1772, %mul3A_1771 : i32
    "tpu.region"() ({
      %run_scoped3A = tpu.sem_alloc : memref<!tpu.dma_semaphore, #tpu.memory_space<semaphore_mem>>
      %dma_start3A_1786 = arith.constant 3584 : i32
      %dma_start3A_1787 = tpu.memref_slice %arg8[%dma_start3A_1786] : memref<5632xf32, #tpu.memory_space<vmem>> -> memref<512xf32, #tpu.memory_space<vmem>>
      %dma_start3A_1788 = tpu.memref_slice %arg5[%add3A_1773] : memref<180224xf32, #tpu.memory_space<hbm>> -> memref<512xf32, #tpu.memory_space<hbm>>
      %dma_start3A_1789 = tpu.memref_slice %arg5[%add3A_1773] : memref<180224xf32, #tpu.memory_space<hbm>> -> memref<512xf32, #tpu.memory_space<hbm>>
      %dma_start3A_1790 = arith.constant 3584 : i32
      %dma_start3A_1791 = tpu.memref_slice %arg8[%dma_start3A_1790] : memref<5632xf32, #tpu.memory_space<vmem>> -> memref<512xf32, #tpu.memory_space<vmem>>
      tpu.enqueue_dma source(%dma_start3A_1791 : memref<512xf32, #tpu.memory_space<vmem>>) target(%dma_start3A_1789 : memref<512xf32, #tpu.memory_space<hbm>>) target_semaphore(%run_scoped3A : memref<!tpu.dma_semaphore, #tpu.memory_space<semaphore_mem>>)
      %dma_wait3A_1792 = arith.constant 3584 : i32
      %dma_wait3A_1793 = tpu.memref_slice %arg8[%dma_wait3A_1792] : memref<5632xf32, #tpu.memory_space<vmem>> -> memref<512xf32, #tpu.memory_space<vmem>>
      %dma_wait3A_1794 = tpu.memref_slice %arg5[%add3A_1773] : memref<180224xf32, #tpu.memory_space<hbm>> -> memref<512xf32, #tpu.memory_space<hbm>>
      %dma_wait3A_1795 = tpu.memref_slice %arg5[%add3A_1773] : memref<180224xf32, #tpu.memory_space<hbm>> -> memref<512xf32, #tpu.memory_space<hbm>>
      %dma_wait3A_1796 = arith.constant 3584 : i32
      %dma_wait3A_1797 = tpu.memref_slice %arg8[%dma_wait3A_1796] : memref<5632xf32, #tpu.memory_space<vmem>> -> memref<512xf32, #tpu.memory_space<vmem>>
      tpu.wait_dma2 semaphore(%run_scoped3A : memref<!tpu.dma_semaphore, #tpu.memory_space<semaphore_mem>>) src(%dma_wait3A_1797 : memref<512xf32, #tpu.memory_space<vmem>>) dst(%dma_wait3A_1795 : memref<512xf32, #tpu.memory_space<hbm>>)
      tpu.yield
    }) : () -> ()
    %mul3A_1774 = arith.constant 512 : i32
    %mul3A_1775 = arith.muli %add3A, %mul3A_1774 : i32
    %add3A_1776 = arith.constant 131072 : i32
    %add3A_1777 = arith.addi %add3A_1776, %mul3A_1775 : i32
    "tpu.region"() ({
      %run_scoped3A = tpu.sem_alloc : memref<!tpu.dma_semaphore, #tpu.memory_space<semaphore_mem>>
      %dma_start3A_1786 = arith.constant 4096 : i32
      %dma_start3A_1787 = tpu.memref_slice %arg8[%dma_start3A_1786] : memref<5632xf32, #tpu.memory_space<vmem>> -> memref<512xf32, #tpu.memory_space<vmem>>
      %dma_start3A_1788 = tpu.memref_slice %arg5[%add3A_1777] : memref<180224xf32, #tpu.memory_space<hbm>> -> memref<512xf32, #tpu.memory_space<hbm>>
      %dma_start3A_1789 = tpu.memref_slice %arg5[%add3A_1777] : memref<180224xf32, #tpu.memory_space<hbm>> -> memref<512xf32, #tpu.memory_space<hbm>>
      %dma_start3A_1790 = arith.constant 4096 : i32
      %dma_start3A_1791 = tpu.memref_slice %arg8[%dma_start3A_1790] : memref<5632xf32, #tpu.memory_space<vmem>> -> memref<512xf32, #tpu.memory_space<vmem>>
      tpu.enqueue_dma source(%dma_start3A_1791 : memref<512xf32, #tpu.memory_space<vmem>>) target(%dma_start3A_1789 : memref<512xf32, #tpu.memory_space<hbm>>) target_semaphore(%run_scoped3A : memref<!tpu.dma_semaphore, #tpu.memory_space<semaphore_mem>>)
      %dma_wait3A_1792 = arith.constant 4096 : i32
      %dma_wait3A_1793 = tpu.memref_slice %arg8[%dma_wait3A_1792] : memref<5632xf32, #tpu.memory_space<vmem>> -> memref<512xf32, #tpu.memory_space<vmem>>
      %dma_wait3A_1794 = tpu.memref_slice %arg5[%add3A_1777] : memref<180224xf32, #tpu.memory_space<hbm>> -> memref<512xf32, #tpu.memory_space<hbm>>
      %dma_wait3A_1795 = tpu.memref_slice %arg5[%add3A_1777] : memref<180224xf32, #tpu.memory_space<hbm>> -> memref<512xf32, #tpu.memory_space<hbm>>
      %dma_wait3A_1796 = arith.constant 4096 : i32
      %dma_wait3A_1797 = tpu.memref_slice %arg8[%dma_wait3A_1796] : memref<5632xf32, #tpu.memory_space<vmem>> -> memref<512xf32, #tpu.memory_space<vmem>>
      tpu.wait_dma2 semaphore(%run_scoped3A : memref<!tpu.dma_semaphore, #tpu.memory_space<semaphore_mem>>) src(%dma_wait3A_1797 : memref<512xf32, #tpu.memory_space<vmem>>) dst(%dma_wait3A_1795 : memref<512xf32, #tpu.memory_space<hbm>>)
      tpu.yield
    }) : () -> ()
    %mul3A_1778 = arith.constant 512 : i32
    %mul3A_1779 = arith.muli %add3A, %mul3A_1778 : i32
    %add3A_1780 = arith.constant 147456 : i32
    %add3A_1781 = arith.addi %add3A_1780, %mul3A_1779 : i32
    "tpu.region"() ({
      %run_scoped3A = tpu.sem_alloc : memref<!tpu.dma_semaphore, #tpu.memory_space<semaphore_mem>>
      %dma_start3A_1786 = arith.constant 4608 : i32
      %dma_start3A_1787 = tpu.memref_slice %arg8[%dma_start3A_1786] : memref<5632xf32, #tpu.memory_space<vmem>> -> memref<512xf32, #tpu.memory_space<vmem>>
      %dma_start3A_1788 = tpu.memref_slice %arg5[%add3A_1781] : memref<180224xf32, #tpu.memory_space<hbm>> -> memref<512xf32, #tpu.memory_space<hbm>>
      %dma_start3A_1789 = tpu.memref_slice %arg5[%add3A_1781] : memref<180224xf32, #tpu.memory_space<hbm>> -> memref<512xf32, #tpu.memory_space<hbm>>
      %dma_start3A_1790 = arith.constant 4608 : i32
      %dma_start3A_1791 = tpu.memref_slice %arg8[%dma_start3A_1790] : memref<5632xf32, #tpu.memory_space<vmem>> -> memref<512xf32, #tpu.memory_space<vmem>>
      tpu.enqueue_dma source(%dma_start3A_1791 : memref<512xf32, #tpu.memory_space<vmem>>) target(%dma_start3A_1789 : memref<512xf32, #tpu.memory_space<hbm>>) target_semaphore(%run_scoped3A : memref<!tpu.dma_semaphore, #tpu.memory_space<semaphore_mem>>)
      %dma_wait3A_1792 = arith.constant 4608 : i32
      %dma_wait3A_1793 = tpu.memref_slice %arg8[%dma_wait3A_1792] : memref<5632xf32, #tpu.memory_space<vmem>> -> memref<512xf32, #tpu.memory_space<vmem>>
      %dma_wait3A_1794 = tpu.memref_slice %arg5[%add3A_1781] : memref<180224xf32, #tpu.memory_space<hbm>> -> memref<512xf32, #tpu.memory_space<hbm>>
      %dma_wait3A_1795 = tpu.memref_slice %arg5[%add3A_1781] : memref<180224xf32, #tpu.memory_space<hbm>> -> memref<512xf32, #tpu.memory_space<hbm>>
      %dma_wait3A_1796 = arith.constant 4608 : i32
      %dma_wait3A_1797 = tpu.memref_slice %arg8[%dma_wait3A_1796] : memref<5632xf32, #tpu.memory_space<vmem>> -> memref<512xf32, #tpu.memory_space<vmem>>
      tpu.wait_dma2 semaphore(%run_scoped3A : memref<!tpu.dma_semaphore, #tpu.memory_space<semaphore_mem>>) src(%dma_wait3A_1797 : memref<512xf32, #tpu.memory_space<vmem>>) dst(%dma_wait3A_1795 : memref<512xf32, #tpu.memory_space<hbm>>)
      tpu.yield
    }) : () -> ()
    %mul3A_1782 = arith.constant 512 : i32
    %mul3A_1783 = arith.muli %add3A, %mul3A_1782 : i32
    %add3A_1784 = arith.constant 163840 : i32
    %add3A_1785 = arith.addi %add3A_1784, %mul3A_1783 : i32
    "tpu.region"() ({
      %run_scoped3A = tpu.sem_alloc : memref<!tpu.dma_semaphore, #tpu.memory_space<semaphore_mem>>
      %dma_start3A_1786 = arith.constant 5120 : i32
      %dma_start3A_1787 = tpu.memref_slice %arg8[%dma_start3A_1786] : memref<5632xf32, #tpu.memory_space<vmem>> -> memref<512xf32, #tpu.memory_space<vmem>>
      %dma_start3A_1788 = tpu.memref_slice %arg5[%add3A_1785] : memref<180224xf32, #tpu.memory_space<hbm>> -> memref<512xf32, #tpu.memory_space<hbm>>
      %dma_start3A_1789 = tpu.memref_slice %arg5[%add3A_1785] : memref<180224xf32, #tpu.memory_space<hbm>> -> memref<512xf32, #tpu.memory_space<hbm>>
      %dma_start3A_1790 = arith.constant 5120 : i32
      %dma_start3A_1791 = tpu.memref_slice %arg8[%dma_start3A_1790] : memref<5632xf32, #tpu.memory_space<vmem>> -> memref<512xf32, #tpu.memory_space<vmem>>
      tpu.enqueue_dma source(%dma_start3A_1791 : memref<512xf32, #tpu.memory_space<vmem>>) target(%dma_start3A_1789 : memref<512xf32, #tpu.memory_space<hbm>>) target_semaphore(%run_scoped3A : memref<!tpu.dma_semaphore, #tpu.memory_space<semaphore_mem>>)
      %dma_wait3A_1792 = arith.constant 5120 : i32
      %dma_wait3A_1793 = tpu.memref_slice %arg8[%dma_wait3A_1792] : memref<5632xf32, #tpu.memory_space<vmem>> -> memref<512xf32, #tpu.memory_space<vmem>>
      %dma_wait3A_1794 = tpu.memref_slice %arg5[%add3A_1785] : memref<180224xf32, #tpu.memory_space<hbm>> -> memref<512xf32, #tpu.memory_space<hbm>>
      %dma_wait3A_1795 = tpu.memref_slice %arg5[%add3A_1785] : memref<180224xf32, #tpu.memory_space<hbm>> -> memref<512xf32, #tpu.memory_space<hbm>>
      %dma_wait3A_1796 = arith.constant 5120 : i32
      %dma_wait3A_1797 = tpu.memref_slice %arg8[%dma_wait3A_1796] : memref<5632xf32, #tpu.memory_space<vmem>> -> memref<512xf32, #tpu.memory_space<vmem>>
      tpu.wait_dma2 semaphore(%run_scoped3A : memref<!tpu.dma_semaphore, #tpu.memory_space<semaphore_mem>>) src(%dma_wait3A_1797 : memref<512xf32, #tpu.memory_space<vmem>>) dst(%dma_wait3A_1795 : memref<512xf32, #tpu.memory_space<hbm>>)
      tpu.yield
    }) : () -> ()
    return
  }
}

module attributes {stable_mosaic.version = 14 : i64} {
  func.func @_stage_a_body(%arg0: i32, %arg1: memref<1568x128xf32, #tpu.memory_space<vmem>>, %arg2: memref<1568x128xf32, #tpu.memory_space<vmem>>, %arg3: memref<1568x128xf32, #tpu.memory_space<vmem>>, %arg4: memref<1568x128xf32, #tpu.memory_space<vmem>>, %arg5: memref<1568x128xf32, #tpu.memory_space<vmem>>, %arg6: memref<1568x128xf32, #tpu.memory_space<vmem>>, %arg7: memref<1568x128xf32, #tpu.memory_space<vmem>>, %arg8: memref<1568x128xf32, #tpu.memory_space<vmem>>, %arg9: memref<11x11x128xi32, #tpu.memory_space<vmem>>, %arg10: memref<128x8xf32, #tpu.memory_space<vmem>>, %arg11: memref<1x8xf32, #tpu.memory_space<vmem>>, %arg12: memref<1x8xf32, #tpu.memory_space<vmem>>, %arg13: memref<1x8xf32, #tpu.memory_space<vmem>>, %arg14: memref<1568x128xf32, #tpu.memory_space<vmem>>, %arg15: memref<128x128xi32, #tpu.memory_space<vmem>>) attributes {dimension_semantics = [#tpu.dimension_semantics<arbitrary>], iteration_bounds = array<i64: 8>, scalar_prefetch = 0 : i64, scratch_operands = 0 : i64, tpu.core_type = #tpu.core_type<tc>, window_params = [{transform_indices = @transform_0, window_bounds = array<i64: 1568, 128>}, {transform_indices = @transform_1, window_bounds = array<i64: 1568, 128>}, {transform_indices = @transform_2, window_bounds = array<i64: 1568, 128>}, {transform_indices = @transform_3, window_bounds = array<i64: 1568, 128>}, {transform_indices = @transform_4, window_bounds = array<i64: 1568, 128>}, {transform_indices = @transform_5, window_bounds = array<i64: 1568, 128>}, {transform_indices = @transform_6, window_bounds = array<i64: 1568, 128>}, {transform_indices = @transform_7, window_bounds = array<i64: 1568, 128>}, {transform_indices = @transform_8, window_bounds = array<i64: 11, 11, 128>}, {pipeline_mode = #tpu.pipeline_mode<synchronous>, transform_indices = @transform_9, window_bounds = array<i64: 128, 8>}, {pipeline_mode = #tpu.pipeline_mode<synchronous>, transform_indices = @transform_10, window_bounds = array<i64: 1, 8>}, {pipeline_mode = #tpu.pipeline_mode<synchronous>, transform_indices = @transform_11, window_bounds = array<i64: 1, 8>}, {pipeline_mode = #tpu.pipeline_mode<synchronous>, transform_indices = @transform_12, window_bounds = array<i64: 1, 8>}, {transform_indices = @transform_13, window_bounds = array<i64: 1568, 128>}, {transform_indices = @transform_14, window_bounds = array<i64: 128, 128>}]} {
    %get3A = arith.constant 0 : index
    %get3A_0 = arith.constant 0 : index
    %get3A_1 = vector.load %arg12[%get3A, %get3A_0] : memref<1x8xf32, #tpu.memory_space<vmem>>, vector<1x8xf32>
    %rsqrt3A = arith.constant 1.000010e+00 : f32
    %rsqrt3A_2 = math.rsqrt %rsqrt3A : f32
    %mul3A = vector.broadcast %rsqrt3A_2 : f32 to vector<1x8xf32>
    %mul3A_3 = arith.mulf %get3A_1, %mul3A : vector<1x8xf32>
    %get3A_4 = arith.constant 0 : index
    %get3A_5 = arith.constant 0 : index
    %get3A_6 = vector.load %arg11[%get3A_4, %get3A_5] : memref<1x8xf32, #tpu.memory_space<vmem>>, vector<1x8xf32>
    %mul3A_7 = arith.mulf %get3A_6, %mul3A_3 : vector<1x8xf32>
    %get3A_8 = arith.constant 0 : index
    %get3A_9 = arith.constant 0 : index
    %get3A_10 = vector.load %arg13[%get3A_8, %get3A_9] : memref<1x8xf32, #tpu.memory_space<vmem>>, vector<1x8xf32>
    %add3A = arith.addf %mul3A_7, %get3A_10 : vector<1x8xf32>
    %get3A_11 = arith.constant 0 : index
    %get3A_12 = arith.constant 0 : index
    %get3A_13 = vector.load %arg1[%get3A_11, %get3A_12] : memref<1568x128xf32, #tpu.memory_space<vmem>>, vector<1568x128xf32>
    %get3A_14 = arith.constant 0 : index
    %get3A_15 = arith.constant 0 : index
    %get3A_16 = vector.load %arg10[%get3A_14, %get3A_15] : memref<128x8xf32, #tpu.memory_space<vmem>>, vector<128x8xf32>
    %dot_general3A = arith.constant dense<0.000000e+00> : vector<1568x8xf32>
    %dot_general3A_17 = tpu.matmul %get3A_13, %get3A_16, %dot_general3A {dimension_numbers = #tpu.dot_dimension_numbers<[1], [0], [0], [1], [0, 0, 1, 1], [], []>, transpose_lhs_hint = false} : vector<1568x128xf32>, vector<128x8xf32>, vector<1568x8xf32> -> vector<1568x8xf32>
    %mul3A_18 = vector.broadcast %mul3A_3 : vector<1x8xf32> to vector<1568x8xf32>
    %mul3A_19 = arith.mulf %dot_general3A_17, %mul3A_18 : vector<1568x8xf32>
    %add3A_20 = vector.broadcast %add3A : vector<1x8xf32> to vector<1568x8xf32>
    %add3A_21 = arith.addf %mul3A_19, %add3A_20 : vector<1568x8xf32>
    %tanh3A = math.tanh %add3A_21 : vector<1568x8xf32>
    %broadcast_in_dim3A = arith.constant 0.000000e+00 : f32
    %broadcast_in_dim3A_22 = vector.broadcast %broadcast_in_dim3A : f32 to vector<1568x8xf32>
    %get3A_23 = arith.constant 0 : index
    %get3A_24 = arith.constant 0 : index
    %get3A_25 = vector.load %arg2[%get3A_23, %get3A_24] : memref<1568x128xf32, #tpu.memory_space<vmem>>, vector<1568x128xf32>
    %get3A_26 = arith.constant 0 : index
    %get3A_27 = arith.constant 0 : index
    %get3A_28 = vector.load %arg10[%get3A_26, %get3A_27] : memref<128x8xf32, #tpu.memory_space<vmem>>, vector<128x8xf32>
    %dot_general3A_29 = arith.constant dense<0.000000e+00> : vector<1568x8xf32>
    %dot_general3A_30 = tpu.matmul %get3A_25, %get3A_28, %dot_general3A_29 {dimension_numbers = #tpu.dot_dimension_numbers<[1], [0], [0], [1], [0, 0, 1, 1], [], []>, transpose_lhs_hint = false} : vector<1568x128xf32>, vector<128x8xf32>, vector<1568x8xf32> -> vector<1568x8xf32>
    %mul3A_31 = vector.broadcast %mul3A_3 : vector<1x8xf32> to vector<1568x8xf32>
    %mul3A_32 = arith.mulf %dot_general3A_30, %mul3A_31 : vector<1568x8xf32>
    %add3A_33 = vector.broadcast %add3A : vector<1x8xf32> to vector<1568x8xf32>
    %add3A_34 = arith.addf %mul3A_32, %add3A_33 : vector<1568x8xf32>
    %tanh3A_35 = math.tanh %add3A_34 : vector<1568x8xf32>
    %broadcast_in_dim3A_36 = arith.constant 0.000000e+00 : f32
    %broadcast_in_dim3A_37 = vector.broadcast %broadcast_in_dim3A_36 : f32 to vector<1568x8xf32>
    %get3A_38 = arith.constant 0 : index
    %get3A_39 = arith.constant 0 : index
    %get3A_40 = vector.load %arg3[%get3A_38, %get3A_39] : memref<1568x128xf32, #tpu.memory_space<vmem>>, vector<1568x128xf32>
    %get3A_41 = arith.constant 0 : index
    %get3A_42 = arith.constant 0 : index
    %get3A_43 = vector.load %arg10[%get3A_41, %get3A_42] : memref<128x8xf32, #tpu.memory_space<vmem>>, vector<128x8xf32>
    %dot_general3A_44 = arith.constant dense<0.000000e+00> : vector<1568x8xf32>
    %dot_general3A_45 = tpu.matmul %get3A_40, %get3A_43, %dot_general3A_44 {dimension_numbers = #tpu.dot_dimension_numbers<[1], [0], [0], [1], [0, 0, 1, 1], [], []>, transpose_lhs_hint = false} : vector<1568x128xf32>, vector<128x8xf32>, vector<1568x8xf32> -> vector<1568x8xf32>
    %mul3A_46 = vector.broadcast %mul3A_3 : vector<1x8xf32> to vector<1568x8xf32>
    %mul3A_47 = arith.mulf %dot_general3A_45, %mul3A_46 : vector<1568x8xf32>
    %add3A_48 = vector.broadcast %add3A : vector<1x8xf32> to vector<1568x8xf32>
    %add3A_49 = arith.addf %mul3A_47, %add3A_48 : vector<1568x8xf32>
    %tanh3A_50 = math.tanh %add3A_49 : vector<1568x8xf32>
    %broadcast_in_dim3A_51 = arith.constant 0.000000e+00 : f32
    %broadcast_in_dim3A_52 = vector.broadcast %broadcast_in_dim3A_51 : f32 to vector<1568x8xf32>
    %get3A_53 = arith.constant 0 : index
    %get3A_54 = arith.constant 0 : index
    %get3A_55 = vector.load %arg4[%get3A_53, %get3A_54] : memref<1568x128xf32, #tpu.memory_space<vmem>>, vector<1568x128xf32>
    %get3A_56 = arith.constant 0 : index
    %get3A_57 = arith.constant 0 : index
    %get3A_58 = vector.load %arg10[%get3A_56, %get3A_57] : memref<128x8xf32, #tpu.memory_space<vmem>>, vector<128x8xf32>
    %dot_general3A_59 = arith.constant dense<0.000000e+00> : vector<1568x8xf32>
    %dot_general3A_60 = tpu.matmul %get3A_55, %get3A_58, %dot_general3A_59 {dimension_numbers = #tpu.dot_dimension_numbers<[1], [0], [0], [1], [0, 0, 1, 1], [], []>, transpose_lhs_hint = false} : vector<1568x128xf32>, vector<128x8xf32>, vector<1568x8xf32> -> vector<1568x8xf32>
    %mul3A_61 = vector.broadcast %mul3A_3 : vector<1x8xf32> to vector<1568x8xf32>
    %mul3A_62 = arith.mulf %dot_general3A_60, %mul3A_61 : vector<1568x8xf32>
    %add3A_63 = vector.broadcast %add3A : vector<1x8xf32> to vector<1568x8xf32>
    %add3A_64 = arith.addf %mul3A_62, %add3A_63 : vector<1568x8xf32>
    %tanh3A_65 = math.tanh %add3A_64 : vector<1568x8xf32>
    %broadcast_in_dim3A_66 = arith.constant 0.000000e+00 : f32
    %broadcast_in_dim3A_67 = vector.broadcast %broadcast_in_dim3A_66 : f32 to vector<1568x8xf32>
    %get3A_68 = arith.constant 0 : index
    %get3A_69 = arith.constant 0 : index
    %get3A_70 = vector.load %arg5[%get3A_68, %get3A_69] : memref<1568x128xf32, #tpu.memory_space<vmem>>, vector<1568x128xf32>
    %get3A_71 = arith.constant 0 : index
    %get3A_72 = arith.constant 0 : index
    %get3A_73 = vector.load %arg10[%get3A_71, %get3A_72] : memref<128x8xf32, #tpu.memory_space<vmem>>, vector<128x8xf32>
    %dot_general3A_74 = arith.constant dense<0.000000e+00> : vector<1568x8xf32>
    %dot_general3A_75 = tpu.matmul %get3A_70, %get3A_73, %dot_general3A_74 {dimension_numbers = #tpu.dot_dimension_numbers<[1], [0], [0], [1], [0, 0, 1, 1], [], []>, transpose_lhs_hint = false} : vector<1568x128xf32>, vector<128x8xf32>, vector<1568x8xf32> -> vector<1568x8xf32>
    %mul3A_76 = vector.broadcast %mul3A_3 : vector<1x8xf32> to vector<1568x8xf32>
    %mul3A_77 = arith.mulf %dot_general3A_75, %mul3A_76 : vector<1568x8xf32>
    %add3A_78 = vector.broadcast %add3A : vector<1x8xf32> to vector<1568x8xf32>
    %add3A_79 = arith.addf %mul3A_77, %add3A_78 : vector<1568x8xf32>
    %tanh3A_80 = math.tanh %add3A_79 : vector<1568x8xf32>
    %broadcast_in_dim3A_81 = arith.constant 0.000000e+00 : f32
    %broadcast_in_dim3A_82 = vector.broadcast %broadcast_in_dim3A_81 : f32 to vector<1568x8xf32>
    %get3A_83 = arith.constant 0 : index
    %get3A_84 = arith.constant 0 : index
    %get3A_85 = vector.load %arg6[%get3A_83, %get3A_84] : memref<1568x128xf32, #tpu.memory_space<vmem>>, vector<1568x128xf32>
    %get3A_86 = arith.constant 0 : index
    %get3A_87 = arith.constant 0 : index
    %get3A_88 = vector.load %arg10[%get3A_86, %get3A_87] : memref<128x8xf32, #tpu.memory_space<vmem>>, vector<128x8xf32>
    %dot_general3A_89 = arith.constant dense<0.000000e+00> : vector<1568x8xf32>
    %dot_general3A_90 = tpu.matmul %get3A_85, %get3A_88, %dot_general3A_89 {dimension_numbers = #tpu.dot_dimension_numbers<[1], [0], [0], [1], [0, 0, 1, 1], [], []>, transpose_lhs_hint = false} : vector<1568x128xf32>, vector<128x8xf32>, vector<1568x8xf32> -> vector<1568x8xf32>
    %mul3A_91 = vector.broadcast %mul3A_3 : vector<1x8xf32> to vector<1568x8xf32>
    %mul3A_92 = arith.mulf %dot_general3A_90, %mul3A_91 : vector<1568x8xf32>
    %add3A_93 = vector.broadcast %add3A : vector<1x8xf32> to vector<1568x8xf32>
    %add3A_94 = arith.addf %mul3A_92, %add3A_93 : vector<1568x8xf32>
    %tanh3A_95 = math.tanh %add3A_94 : vector<1568x8xf32>
    %broadcast_in_dim3A_96 = arith.constant 0.000000e+00 : f32
    %broadcast_in_dim3A_97 = vector.broadcast %broadcast_in_dim3A_96 : f32 to vector<1568x8xf32>
    %get3A_98 = arith.constant 0 : index
    %get3A_99 = arith.constant 0 : index
    %get3A_100 = vector.load %arg7[%get3A_98, %get3A_99] : memref<1568x128xf32, #tpu.memory_space<vmem>>, vector<1568x128xf32>
    %get3A_101 = arith.constant 0 : index
    %get3A_102 = arith.constant 0 : index
    %get3A_103 = vector.load %arg10[%get3A_101, %get3A_102] : memref<128x8xf32, #tpu.memory_space<vmem>>, vector<128x8xf32>
    %dot_general3A_104 = arith.constant dense<0.000000e+00> : vector<1568x8xf32>
    %dot_general3A_105 = tpu.matmul %get3A_100, %get3A_103, %dot_general3A_104 {dimension_numbers = #tpu.dot_dimension_numbers<[1], [0], [0], [1], [0, 0, 1, 1], [], []>, transpose_lhs_hint = false} : vector<1568x128xf32>, vector<128x8xf32>, vector<1568x8xf32> -> vector<1568x8xf32>
    %mul3A_106 = vector.broadcast %mul3A_3 : vector<1x8xf32> to vector<1568x8xf32>
    %mul3A_107 = arith.mulf %dot_general3A_105, %mul3A_106 : vector<1568x8xf32>
    %add3A_108 = vector.broadcast %add3A : vector<1x8xf32> to vector<1568x8xf32>
    %add3A_109 = arith.addf %mul3A_107, %add3A_108 : vector<1568x8xf32>
    %tanh3A_110 = math.tanh %add3A_109 : vector<1568x8xf32>
    %broadcast_in_dim3A_111 = arith.constant 0.000000e+00 : f32
    %broadcast_in_dim3A_112 = vector.broadcast %broadcast_in_dim3A_111 : f32 to vector<1568x8xf32>
    %get3A_113 = arith.constant 0 : index
    %get3A_114 = arith.constant 0 : index
    %get3A_115 = vector.load %arg8[%get3A_113, %get3A_114] : memref<1568x128xf32, #tpu.memory_space<vmem>>, vector<1568x128xf32>
    %get3A_116 = arith.constant 0 : index
    %get3A_117 = arith.constant 0 : index
    %get3A_118 = vector.load %arg10[%get3A_116, %get3A_117] : memref<128x8xf32, #tpu.memory_space<vmem>>, vector<128x8xf32>
    %dot_general3A_119 = arith.constant dense<0.000000e+00> : vector<1568x8xf32>
    %dot_general3A_120 = tpu.matmul %get3A_115, %get3A_118, %dot_general3A_119 {dimension_numbers = #tpu.dot_dimension_numbers<[1], [0], [0], [1], [0, 0, 1, 1], [], []>, transpose_lhs_hint = false} : vector<1568x128xf32>, vector<128x8xf32>, vector<1568x8xf32> -> vector<1568x8xf32>
    %mul3A_121 = vector.broadcast %mul3A_3 : vector<1x8xf32> to vector<1568x8xf32>
    %mul3A_122 = arith.mulf %dot_general3A_120, %mul3A_121 : vector<1568x8xf32>
    %add3A_123 = vector.broadcast %add3A : vector<1x8xf32> to vector<1568x8xf32>
    %add3A_124 = arith.addf %mul3A_122, %add3A_123 : vector<1568x8xf32>
    %tanh3A_125 = math.tanh %add3A_124 : vector<1568x8xf32>
    %broadcast_in_dim3A_126 = arith.constant 0.000000e+00 : f32
    %broadcast_in_dim3A_127 = vector.broadcast %broadcast_in_dim3A_126 : f32 to vector<1568x8xf32>
    %concatenate3A = tpu.concatenate %tanh3A, %broadcast_in_dim3A_22, %tanh3A_35, %broadcast_in_dim3A_37, %tanh3A_50, %broadcast_in_dim3A_52, %tanh3A_65, %broadcast_in_dim3A_67, %tanh3A_80, %broadcast_in_dim3A_82, %tanh3A_95, %broadcast_in_dim3A_97, %tanh3A_110, %broadcast_in_dim3A_112, %tanh3A_125, %broadcast_in_dim3A_127 in 1 : vector<1568x8xf32>, vector<1568x8xf32>, vector<1568x8xf32>, vector<1568x8xf32>, vector<1568x8xf32>, vector<1568x8xf32>, vector<1568x8xf32>, vector<1568x8xf32>, vector<1568x8xf32>, vector<1568x8xf32>, vector<1568x8xf32>, vector<1568x8xf32>, vector<1568x8xf32>, vector<1568x8xf32>, vector<1568x8xf32>, vector<1568x8xf32> -> vector<1568x128xf32>
    %swap3A = arith.constant 0 : index
    %swap3A_128 = arith.constant 0 : index
    %swap3A_129 = vector.load %arg14[%swap3A, %swap3A_128] : memref<1568x128xf32, #tpu.memory_space<vmem>>, vector<1568x128xf32>
    tpu.vector_store %arg14[%swap3A, %swap3A_128], %concatenate3A {strides = array<i32>} : memref<1568x128xf32, #tpu.memory_space<vmem>>, vector<1568x128xf32>,
    %get3A_130 = arith.constant 0 : index
    %get3A_131 = arith.constant 0 : index
    %get3A_132 = arith.constant 0 : index
    %get3A_133 = vector.load %arg9[%get3A_130, %get3A_131, %get3A_132] : memref<11x11x128xi32, #tpu.memory_space<vmem>>, vector<11x11x128xi32>
    %broadcast_in_dim3A_134 = arith.constant 0 : i32
    %broadcast_in_dim3A_135 = vector.broadcast %broadcast_in_dim3A_134 : i32 to vector<11x11x128xi32>
    %ge3A = arith.constant 12544 : i32
    %ge3A_136 = vector.broadcast %ge3A : i32 to vector<11x11x128xi32>
    %ge3A_137 = arith.cmpi sge, %get3A_133, %ge3A_136 : vector<11x11x128xi32>
    %convert_element_type3A = arith.extui %ge3A_137 : vector<11x11x128xi1> to vector<11x11x128xi32>
    %add3A_138 = arith.addi %broadcast_in_dim3A_135, %convert_element_type3A : vector<11x11x128xi32>
    %ge3A_139 = arith.constant 25088 : i32
    %ge3A_140 = vector.broadcast %ge3A_139 : i32 to vector<11x11x128xi32>
    %ge3A_141 = arith.cmpi sge, %get3A_133, %ge3A_140 : vector<11x11x128xi32>
    %convert_element_type3A_142 = arith.extui %ge3A_141 : vector<11x11x128xi1> to vector<11x11x128xi32>
    %add3A_143 = arith.addi %add3A_138, %convert_element_type3A_142 : vector<11x11x128xi32>
    %ge3A_144 = arith.constant 37632 : i32
    %ge3A_145 = vector.broadcast %ge3A_144 : i32 to vector<11x11x128xi32>
    %ge3A_146 = arith.cmpi sge, %get3A_133, %ge3A_145 : vector<11x11x128xi32>
    %convert_element_type3A_147 = arith.extui %ge3A_146 : vector<11x11x128xi1> to vector<11x11x128xi32>
    %add3A_148 = arith.addi %add3A_143, %convert_element_type3A_147 : vector<11x11x128xi32>
    %ge3A_149 = arith.constant 50176 : i32
    %ge3A_150 = vector.broadcast %ge3A_149 : i32 to vector<11x11x128xi32>
    %ge3A_151 = arith.cmpi sge, %get3A_133, %ge3A_150 : vector<11x11x128xi32>
    %convert_element_type3A_152 = arith.extui %ge3A_151 : vector<11x11x128xi1> to vector<11x11x128xi32>
    %add3A_153 = arith.addi %add3A_148, %convert_element_type3A_152 : vector<11x11x128xi32>
    %ge3A_154 = arith.constant 62720 : i32
    %ge3A_155 = vector.broadcast %ge3A_154 : i32 to vector<11x11x128xi32>
    %ge3A_156 = arith.cmpi sge, %get3A_133, %ge3A_155 : vector<11x11x128xi32>
    %convert_element_type3A_157 = arith.extui %ge3A_156 : vector<11x11x128xi1> to vector<11x11x128xi32>
    %add3A_158 = arith.addi %add3A_153, %convert_element_type3A_157 : vector<11x11x128xi32>
    %ge3A_159 = arith.constant 75264 : i32
    %ge3A_160 = vector.broadcast %ge3A_159 : i32 to vector<11x11x128xi32>
    %ge3A_161 = arith.cmpi sge, %get3A_133, %ge3A_160 : vector<11x11x128xi32>
    %convert_element_type3A_162 = arith.extui %ge3A_161 : vector<11x11x128xi1> to vector<11x11x128xi32>
    %add3A_163 = arith.addi %add3A_158, %convert_element_type3A_162 : vector<11x11x128xi32>
    %ge3A_164 = arith.constant 87808 : i32
    %ge3A_165 = vector.broadcast %ge3A_164 : i32 to vector<11x11x128xi32>
    %ge3A_166 = arith.cmpi sge, %get3A_133, %ge3A_165 : vector<11x11x128xi32>
    %convert_element_type3A_167 = arith.extui %ge3A_166 : vector<11x11x128xi1> to vector<11x11x128xi32>
    %add3A_168 = arith.addi %add3A_163, %convert_element_type3A_167 : vector<11x11x128xi32>
    %mul3A_169 = arith.constant 12544 : i32
    %mul3A_170 = vector.broadcast %mul3A_169 : i32 to vector<11x11x128xi32>
    %mul3A_171 = arith.muli %add3A_168, %mul3A_170 : vector<11x11x128xi32>
    %sub3A = arith.subi %get3A_133, %mul3A_171 : vector<11x11x128xi32>
    %mul3A_172 = arith.constant 8 : i32
    %mul3A_173 = vector.broadcast %mul3A_172 : i32 to vector<11x11x128xi32>
    %mul3A_174 = arith.muli %sub3A, %mul3A_173 : vector<11x11x128xi32>
    %add3A_175 = arith.addi %mul3A_174, %add3A_168 : vector<11x11x128xi32>
    %slice3A = vector.extract_strided_slice %add3A_175 {offsets = [0, 0, 0], sizes = [1, 11, 128], strides = [1, 1, 1]} : vector<11x11x128xi32> to vector<1x11x128xi32>
    %squeeze3A = vector.shape_cast %slice3A : vector<1x11x128xi32> to vector<11x128xi32>
    %slice3A_176 = vector.extract_strided_slice %add3A_175 {offsets = [1, 0, 0], sizes = [1, 11, 128], strides = [1, 1, 1]} : vector<11x11x128xi32> to vector<1x11x128xi32>
    %squeeze3A_177 = vector.shape_cast %slice3A_176 : vector<1x11x128xi32> to vector<11x128xi32>
    %slice3A_178 = vector.extract_strided_slice %add3A_175 {offsets = [2, 0, 0], sizes = [1, 11, 128], strides = [1, 1, 1]} : vector<11x11x128xi32> to vector<1x11x128xi32>
    %squeeze3A_179 = vector.shape_cast %slice3A_178 : vector<1x11x128xi32> to vector<11x128xi32>
    %slice3A_180 = vector.extract_strided_slice %add3A_175 {offsets = [3, 0, 0], sizes = [1, 11, 128], strides = [1, 1, 1]} : vector<11x11x128xi32> to vector<1x11x128xi32>
    %squeeze3A_181 = vector.shape_cast %slice3A_180 : vector<1x11x128xi32> to vector<11x128xi32>
    %slice3A_182 = vector.extract_strided_slice %add3A_175 {offsets = [4, 0, 0], sizes = [1, 11, 128], strides = [1, 1, 1]} : vector<11x11x128xi32> to vector<1x11x128xi32>
    %squeeze3A_183 = vector.shape_cast %slice3A_182 : vector<1x11x128xi32> to vector<11x128xi32>
    %slice3A_184 = vector.extract_strided_slice %add3A_175 {offsets = [5, 0, 0], sizes = [1, 11, 128], strides = [1, 1, 1]} : vector<11x11x128xi32> to vector<1x11x128xi32>
    %squeeze3A_185 = vector.shape_cast %slice3A_184 : vector<1x11x128xi32> to vector<11x128xi32>
    %slice3A_186 = vector.extract_strided_slice %add3A_175 {offsets = [6, 0, 0], sizes = [1, 11, 128], strides = [1, 1, 1]} : vector<11x11x128xi32> to vector<1x11x128xi32>
    %squeeze3A_187 = vector.shape_cast %slice3A_186 : vector<1x11x128xi32> to vector<11x128xi32>
    %slice3A_188 = vector.extract_strided_slice %add3A_175 {offsets = [7, 0, 0], sizes = [1, 11, 128], strides = [1, 1, 1]} : vector<11x11x128xi32> to vector<1x11x128xi32>
    %squeeze3A_189 = vector.shape_cast %slice3A_188 : vector<1x11x128xi32> to vector<11x128xi32>
    %slice3A_190 = vector.extract_strided_slice %add3A_175 {offsets = [8, 0, 0], sizes = [1, 11, 128], strides = [1, 1, 1]} : vector<11x11x128xi32> to vector<1x11x128xi32>
    %squeeze3A_191 = vector.shape_cast %slice3A_190 : vector<1x11x128xi32> to vector<11x128xi32>
    %slice3A_192 = vector.extract_strided_slice %add3A_175 {offsets = [9, 0, 0], sizes = [1, 11, 128], strides = [1, 1, 1]} : vector<11x11x128xi32> to vector<1x11x128xi32>
    %squeeze3A_193 = vector.shape_cast %slice3A_192 : vector<1x11x128xi32> to vector<11x128xi32>
    %slice3A_194 = vector.extract_strided_slice %add3A_175 {offsets = [10, 0, 0], sizes = [1, 11, 128], strides = [1, 1, 1]} : vector<11x11x128xi32> to vector<1x11x128xi32>
    %squeeze3A_195 = vector.shape_cast %slice3A_194 : vector<1x11x128xi32> to vector<11x128xi32>
    %broadcast_in_dim3A_196 = arith.constant 0 : i32
    %broadcast_in_dim3A_197 = vector.broadcast %broadcast_in_dim3A_196 : i32 to vector<7x128xi32>
    %concatenate3A_198 = tpu.concatenate %squeeze3A, %squeeze3A_177, %squeeze3A_179, %squeeze3A_181, %squeeze3A_183, %squeeze3A_185, %squeeze3A_187, %squeeze3A_189, %squeeze3A_191, %squeeze3A_193, %squeeze3A_195, %broadcast_in_dim3A_197 in 0 : vector<11x128xi32>, vector<11x128xi32>, vector<11x128xi32>, vector<11x128xi32>, vector<11x128xi32>, vector<11x128xi32>, vector<11x128xi32>, vector<11x128xi32>, vector<11x128xi32>, vector<11x128xi32>, vector<11x128xi32>, vector<7x128xi32> -> vector<128x128xi32>
    %swap3A_199 = arith.constant 0 : index
    %swap3A_200 = arith.constant 0 : index
    %swap3A_201 = vector.load %arg15[%swap3A_199, %swap3A_200] : memref<128x128xi32, #tpu.memory_space<vmem>>, vector<128x128xi32>
    tpu.vector_store %arg15[%swap3A_199, %swap3A_200], %concatenate3A_198 {strides = array<i32>} : memref<128x128xi32, #tpu.memory_space<vmem>>, vector<128x128xi32>,
    return
  }
  func.func @transform_0(%arg0: i32) -> (i32, i32) {
    %add3A = arith.constant 0 : i32
    %add3A_0 = arith.addi %add3A, %arg0 : i32
    %c0_i32 = arith.constant 0 : i32
    %c0_i32_1 = arith.constant 0 : i32
    return %add3A_0, %c0_i32 : i32, i32
  }
  func.func @transform_1(%arg0: i32) -> (i32, i32) {
    %add3A = arith.constant 8 : i32
    %add3A_0 = arith.addi %add3A, %arg0 : i32
    %c0_i32 = arith.constant 0 : i32
    %c0_i32_1 = arith.constant 0 : i32
    return %add3A_0, %c0_i32 : i32, i32
  }
  func.func @transform_2(%arg0: i32) -> (i32, i32) {
    %add3A = arith.constant 16 : i32
    %add3A_0 = arith.addi %add3A, %arg0 : i32
    %c0_i32 = arith.constant 0 : i32
    %c0_i32_1 = arith.constant 0 : i32
    return %add3A_0, %c0_i32 : i32, i32
  }
  func.func @transform_3(%arg0: i32) -> (i32, i32) {
    %add3A = arith.constant 24 : i32
    %add3A_0 = arith.addi %add3A, %arg0 : i32
    %c0_i32 = arith.constant 0 : i32
    %c0_i32_1 = arith.constant 0 : i32
    return %add3A_0, %c0_i32 : i32, i32
  }
  func.func @transform_4(%arg0: i32) -> (i32, i32) {
    %add3A = arith.constant 32 : i32
    %add3A_0 = arith.addi %add3A, %arg0 : i32
    %c0_i32 = arith.constant 0 : i32
    %c0_i32_1 = arith.constant 0 : i32
    return %add3A_0, %c0_i32 : i32, i32
  }
  func.func @transform_5(%arg0: i32) -> (i32, i32) {
    %add3A = arith.constant 40 : i32
    %add3A_0 = arith.addi %add3A, %arg0 : i32
    %c0_i32 = arith.constant 0 : i32
    %c0_i32_1 = arith.constant 0 : i32
    return %add3A_0, %c0_i32 : i32, i32
  }
  func.func @transform_6(%arg0: i32) -> (i32, i32) {
    %add3A = arith.constant 48 : i32
    %add3A_0 = arith.addi %add3A, %arg0 : i32
    %c0_i32 = arith.constant 0 : i32
    %c0_i32_1 = arith.constant 0 : i32
    return %add3A_0, %c0_i32 : i32, i32
  }
  func.func @transform_7(%arg0: i32) -> (i32, i32) {
    %add3A = arith.constant 56 : i32
    %add3A_0 = arith.addi %add3A, %arg0 : i32
    %c0_i32 = arith.constant 0 : i32
    %c0_i32_1 = arith.constant 0 : i32
    return %add3A_0, %c0_i32 : i32, i32
  }
  func.func @transform_8(%arg0: i32) -> (i32, i32, i32) {
    %c0_i32 = arith.constant 0 : i32
    %c0_i32_0 = arith.constant 0 : i32
    %c0_i32_1 = arith.constant 0 : i32
    return %c0_i32, %c0_i32_0, %arg0 : i32, i32, i32
  }
  func.func @transform_9(%arg0: i32) -> (i32, i32) {
    %c0_i32 = arith.constant 0 : i32
    %c0_i32_0 = arith.constant 0 : i32
    %c0_i32_1 = arith.constant 0 : i32
    return %c0_i32, %c0_i32_0 : i32, i32
  }
  func.func @transform_10(%arg0: i32) -> (i32, i32) {
    %c0_i32 = arith.constant 0 : i32
    %c0_i32_0 = arith.constant 0 : i32
    %c0_i32_1 = arith.constant 0 : i32
    return %c0_i32, %c0_i32_0 : i32, i32
  }
  func.func @transform_11(%arg0: i32) -> (i32, i32) {
    %c0_i32 = arith.constant 0 : i32
    %c0_i32_0 = arith.constant 0 : i32
    %c0_i32_1 = arith.constant 0 : i32
    return %c0_i32, %c0_i32_0 : i32, i32
  }
  func.func @transform_12(%arg0: i32) -> (i32, i32) {
    %c0_i32 = arith.constant 0 : i32
    %c0_i32_0 = arith.constant 0 : i32
    %c0_i32_1 = arith.constant 0 : i32
    return %c0_i32, %c0_i32_0 : i32, i32
  }
  func.func @transform_13(%arg0: i32) -> (i32, i32) {
    %c0_i32 = arith.constant 0 : i32
    %c0_i32_0 = arith.constant 0 : i32
    return %arg0, %c0_i32 : i32, i32
  }
  func.func @transform_14(%arg0: i32) -> (i32, i32) {
    %c0_i32 = arith.constant 0 : i32
    %c0_i32_0 = arith.constant 0 : i32
    return %arg0, %c0_i32 : i32, i32
  }
}

module attributes {stable_mosaic.version = 14 : i64} {
  func.func @_tail_body(%arg0: memref<1408x128xf32, #tpu.memory_space<vmem>>, %arg1: memref<16x16xf32, #tpu.memory_space<vmem>>, %arg2: memref<1x16xf32, #tpu.memory_space<vmem>>, %arg3: memref<16x16xf32, #tpu.memory_space<vmem>>, %arg4: memref<1x16xf32, #tpu.memory_space<vmem>>, %arg5: memref<16x16xf32, #tpu.memory_space<vmem>>, %arg6: memref<1x16xf32, #tpu.memory_space<vmem>>, %arg7: memref<128x128xf32, #tpu.memory_space<vmem>>) attributes {dimension_semantics = [], scalar_prefetch = 0 : i64, scratch_operands = 0 : i64, tpu.core_type = #tpu.core_type<tc>} {
    %get3A = arith.constant 0 : index
    %get3A_0 = arith.constant 0 : index
    %get3A_1 = vector.load %arg1[%get3A, %get3A_0] : memref<16x16xf32, #tpu.memory_space<vmem>>, vector<16x16xf32>
    %broadcast_in_dim3A = arith.constant 0.000000e+00 : f32
    %broadcast_in_dim3A_2 = vector.broadcast %broadcast_in_dim3A : f32 to vector<16x16xf32>
    %concatenate3A = tpu.concatenate %get3A_1, %broadcast_in_dim3A_2, %broadcast_in_dim3A_2, %broadcast_in_dim3A_2, %broadcast_in_dim3A_2, %broadcast_in_dim3A_2, %broadcast_in_dim3A_2, %broadcast_in_dim3A_2 in 1 : vector<16x16xf32>, vector<16x16xf32>, vector<16x16xf32>, vector<16x16xf32>, vector<16x16xf32>, vector<16x16xf32>, vector<16x16xf32>, vector<16x16xf32> -> vector<16x128xf32>
    %concatenate3A_3 = tpu.concatenate %broadcast_in_dim3A_2, %get3A_1, %broadcast_in_dim3A_2, %broadcast_in_dim3A_2, %broadcast_in_dim3A_2, %broadcast_in_dim3A_2, %broadcast_in_dim3A_2, %broadcast_in_dim3A_2 in 1 : vector<16x16xf32>, vector<16x16xf32>, vector<16x16xf32>, vector<16x16xf32>, vector<16x16xf32>, vector<16x16xf32>, vector<16x16xf32>, vector<16x16xf32> -> vector<16x128xf32>
    %concatenate3A_4 = tpu.concatenate %broadcast_in_dim3A_2, %broadcast_in_dim3A_2, %get3A_1, %broadcast_in_dim3A_2, %broadcast_in_dim3A_2, %broadcast_in_dim3A_2, %broadcast_in_dim3A_2, %broadcast_in_dim3A_2 in 1 : vector<16x16xf32>, vector<16x16xf32>, vector<16x16xf32>, vector<16x16xf32>, vector<16x16xf32>, vector<16x16xf32>, vector<16x16xf32>, vector<16x16xf32> -> vector<16x128xf32>
    %concatenate3A_5 = tpu.concatenate %broadcast_in_dim3A_2, %broadcast_in_dim3A_2, %broadcast_in_dim3A_2, %get3A_1, %broadcast_in_dim3A_2, %broadcast_in_dim3A_2, %broadcast_in_dim3A_2, %broadcast_in_dim3A_2 in 1 : vector<16x16xf32>, vector<16x16xf32>, vector<16x16xf32>, vector<16x16xf32>, vector<16x16xf32>, vector<16x16xf32>, vector<16x16xf32>, vector<16x16xf32> -> vector<16x128xf32>
    %concatenate3A_6 = tpu.concatenate %broadcast_in_dim3A_2, %broadcast_in_dim3A_2, %broadcast_in_dim3A_2, %broadcast_in_dim3A_2, %get3A_1, %broadcast_in_dim3A_2, %broadcast_in_dim3A_2, %broadcast_in_dim3A_2 in 1 : vector<16x16xf32>, vector<16x16xf32>, vector<16x16xf32>, vector<16x16xf32>, vector<16x16xf32>, vector<16x16xf32>, vector<16x16xf32>, vector<16x16xf32> -> vector<16x128xf32>
    %concatenate3A_7 = tpu.concatenate %broadcast_in_dim3A_2, %broadcast_in_dim3A_2, %broadcast_in_dim3A_2, %broadcast_in_dim3A_2, %broadcast_in_dim3A_2, %get3A_1, %broadcast_in_dim3A_2, %broadcast_in_dim3A_2 in 1 : vector<16x16xf32>, vector<16x16xf32>, vector<16x16xf32>, vector<16x16xf32>, vector<16x16xf32>, vector<16x16xf32>, vector<16x16xf32>, vector<16x16xf32> -> vector<16x128xf32>
    %concatenate3A_8 = tpu.concatenate %broadcast_in_dim3A_2, %broadcast_in_dim3A_2, %broadcast_in_dim3A_2, %broadcast_in_dim3A_2, %broadcast_in_dim3A_2, %broadcast_in_dim3A_2, %get3A_1, %broadcast_in_dim3A_2 in 1 : vector<16x16xf32>, vector<16x16xf32>, vector<16x16xf32>, vector<16x16xf32>, vector<16x16xf32>, vector<16x16xf32>, vector<16x16xf32>, vector<16x16xf32> -> vector<16x128xf32>
    %concatenate3A_9 = tpu.concatenate %broadcast_in_dim3A_2, %broadcast_in_dim3A_2, %broadcast_in_dim3A_2, %broadcast_in_dim3A_2, %broadcast_in_dim3A_2, %broadcast_in_dim3A_2, %broadcast_in_dim3A_2, %get3A_1 in 1 : vector<16x16xf32>, vector<16x16xf32>, vector<16x16xf32>, vector<16x16xf32>, vector<16x16xf32>, vector<16x16xf32>, vector<16x16xf32>, vector<16x16xf32> -> vector<16x128xf32>
    %concatenate3A_10 = tpu.concatenate %concatenate3A, %concatenate3A_3, %concatenate3A_4, %concatenate3A_5, %concatenate3A_6, %concatenate3A_7, %concatenate3A_8, %concatenate3A_9 in 0 : vector<16x128xf32>, vector<16x128xf32>, vector<16x128xf32>, vector<16x128xf32>, vector<16x128xf32>, vector<16x128xf32>, vector<16x128xf32>, vector<16x128xf32> -> vector<128x128xf32>
    %get3A_11 = arith.constant 0 : index
    %get3A_12 = arith.constant 0 : index
    %get3A_13 = vector.load %arg3[%get3A_11, %get3A_12] : memref<16x16xf32, #tpu.memory_space<vmem>>, vector<16x16xf32>
    %broadcast_in_dim3A_14 = arith.constant 0.000000e+00 : f32
    %broadcast_in_dim3A_15 = vector.broadcast %broadcast_in_dim3A_14 : f32 to vector<16x16xf32>
    %concatenate3A_16 = tpu.concatenate %get3A_13, %broadcast_in_dim3A_15, %broadcast_in_dim3A_15, %broadcast_in_dim3A_15, %broadcast_in_dim3A_15, %broadcast_in_dim3A_15, %broadcast_in_dim3A_15, %broadcast_in_dim3A_15 in 1 : vector<16x16xf32>, vector<16x16xf32>, vector<16x16xf32>, vector<16x16xf32>, vector<16x16xf32>, vector<16x16xf32>, vector<16x16xf32>, vector<16x16xf32> -> vector<16x128xf32>
    %concatenate3A_17 = tpu.concatenate %broadcast_in_dim3A_15, %get3A_13, %broadcast_in_dim3A_15, %broadcast_in_dim3A_15, %broadcast_in_dim3A_15, %broadcast_in_dim3A_15, %broadcast_in_dim3A_15, %broadcast_in_dim3A_15 in 1 : vector<16x16xf32>, vector<16x16xf32>, vector<16x16xf32>, vector<16x16xf32>, vector<16x16xf32>, vector<16x16xf32>, vector<16x16xf32>, vector<16x16xf32> -> vector<16x128xf32>
    %concatenate3A_18 = tpu.concatenate %broadcast_in_dim3A_15, %broadcast_in_dim3A_15, %get3A_13, %broadcast_in_dim3A_15, %broadcast_in_dim3A_15, %broadcast_in_dim3A_15, %broadcast_in_dim3A_15, %broadcast_in_dim3A_15 in 1 : vector<16x16xf32>, vector<16x16xf32>, vector<16x16xf32>, vector<16x16xf32>, vector<16x16xf32>, vector<16x16xf32>, vector<16x16xf32>, vector<16x16xf32> -> vector<16x128xf32>
    %concatenate3A_19 = tpu.concatenate %broadcast_in_dim3A_15, %broadcast_in_dim3A_15, %broadcast_in_dim3A_15, %get3A_13, %broadcast_in_dim3A_15, %broadcast_in_dim3A_15, %broadcast_in_dim3A_15, %broadcast_in_dim3A_15 in 1 : vector<16x16xf32>, vector<16x16xf32>, vector<16x16xf32>, vector<16x16xf32>, vector<16x16xf32>, vector<16x16xf32>, vector<16x16xf32>, vector<16x16xf32> -> vector<16x128xf32>
    %concatenate3A_20 = tpu.concatenate %broadcast_in_dim3A_15, %broadcast_in_dim3A_15, %broadcast_in_dim3A_15, %broadcast_in_dim3A_15, %get3A_13, %broadcast_in_dim3A_15, %broadcast_in_dim3A_15, %broadcast_in_dim3A_15 in 1 : vector<16x16xf32>, vector<16x16xf32>, vector<16x16xf32>, vector<16x16xf32>, vector<16x16xf32>, vector<16x16xf32>, vector<16x16xf32>, vector<16x16xf32> -> vector<16x128xf32>
    %concatenate3A_21 = tpu.concatenate %broadcast_in_dim3A_15, %broadcast_in_dim3A_15, %broadcast_in_dim3A_15, %broadcast_in_dim3A_15, %broadcast_in_dim3A_15, %get3A_13, %broadcast_in_dim3A_15, %broadcast_in_dim3A_15 in 1 : vector<16x16xf32>, vector<16x16xf32>, vector<16x16xf32>, vector<16x16xf32>, vector<16x16xf32>, vector<16x16xf32>, vector<16x16xf32>, vector<16x16xf32> -> vector<16x128xf32>
    %concatenate3A_22 = tpu.concatenate %broadcast_in_dim3A_15, %broadcast_in_dim3A_15, %broadcast_in_dim3A_15, %broadcast_in_dim3A_15, %broadcast_in_dim3A_15, %broadcast_in_dim3A_15, %get3A_13, %broadcast_in_dim3A_15 in 1 : vector<16x16xf32>, vector<16x16xf32>, vector<16x16xf32>, vector<16x16xf32>, vector<16x16xf32>, vector<16x16xf32>, vector<16x16xf32>, vector<16x16xf32> -> vector<16x128xf32>
    %concatenate3A_23 = tpu.concatenate %broadcast_in_dim3A_15, %broadcast_in_dim3A_15, %broadcast_in_dim3A_15, %broadcast_in_dim3A_15, %broadcast_in_dim3A_15, %broadcast_in_dim3A_15, %broadcast_in_dim3A_15, %get3A_13 in 1 : vector<16x16xf32>, vector<16x16xf32>, vector<16x16xf32>, vector<16x16xf32>, vector<16x16xf32>, vector<16x16xf32>, vector<16x16xf32>, vector<16x16xf32> -> vector<16x128xf32>
    %concatenate3A_24 = tpu.concatenate %concatenate3A_16, %concatenate3A_17, %concatenate3A_18, %concatenate3A_19, %concatenate3A_20, %concatenate3A_21, %concatenate3A_22, %concatenate3A_23 in 0 : vector<16x128xf32>, vector<16x128xf32>, vector<16x128xf32>, vector<16x128xf32>, vector<16x128xf32>, vector<16x128xf32>, vector<16x128xf32>, vector<16x128xf32> -> vector<128x128xf32>
    %get3A_25 = arith.constant 0 : index
    %get3A_26 = arith.constant 0 : index
    %get3A_27 = vector.load %arg5[%get3A_25, %get3A_26] : memref<16x16xf32, #tpu.memory_space<vmem>>, vector<16x16xf32>
    %broadcast_in_dim3A_28 = arith.constant 0.000000e+00 : f32
    %broadcast_in_dim3A_29 = vector.broadcast %broadcast_in_dim3A_28 : f32 to vector<16x16xf32>
    %concatenate3A_30 = tpu.concatenate %get3A_27, %broadcast_in_dim3A_29, %broadcast_in_dim3A_29, %broadcast_in_dim3A_29, %broadcast_in_dim3A_29, %broadcast_in_dim3A_29, %broadcast_in_dim3A_29, %broadcast_in_dim3A_29 in 1 : vector<16x16xf32>, vector<16x16xf32>, vector<16x16xf32>, vector<16x16xf32>, vector<16x16xf32>, vector<16x16xf32>, vector<16x16xf32>, vector<16x16xf32> -> vector<16x128xf32>
    %concatenate3A_31 = tpu.concatenate %broadcast_in_dim3A_29, %get3A_27, %broadcast_in_dim3A_29, %broadcast_in_dim3A_29, %broadcast_in_dim3A_29, %broadcast_in_dim3A_29, %broadcast_in_dim3A_29, %broadcast_in_dim3A_29 in 1 : vector<16x16xf32>, vector<16x16xf32>, vector<16x16xf32>, vector<16x16xf32>, vector<16x16xf32>, vector<16x16xf32>, vector<16x16xf32>, vector<16x16xf32> -> vector<16x128xf32>
    %concatenate3A_32 = tpu.concatenate %broadcast_in_dim3A_29, %broadcast_in_dim3A_29, %get3A_27, %broadcast_in_dim3A_29, %broadcast_in_dim3A_29, %broadcast_in_dim3A_29, %broadcast_in_dim3A_29, %broadcast_in_dim3A_29 in 1 : vector<16x16xf32>, vector<16x16xf32>, vector<16x16xf32>, vector<16x16xf32>, vector<16x16xf32>, vector<16x16xf32>, vector<16x16xf32>, vector<16x16xf32> -> vector<16x128xf32>
    %concatenate3A_33 = tpu.concatenate %broadcast_in_dim3A_29, %broadcast_in_dim3A_29, %broadcast_in_dim3A_29, %get3A_27, %broadcast_in_dim3A_29, %broadcast_in_dim3A_29, %broadcast_in_dim3A_29, %broadcast_in_dim3A_29 in 1 : vector<16x16xf32>, vector<16x16xf32>, vector<16x16xf32>, vector<16x16xf32>, vector<16x16xf32>, vector<16x16xf32>, vector<16x16xf32>, vector<16x16xf32> -> vector<16x128xf32>
    %concatenate3A_34 = tpu.concatenate %broadcast_in_dim3A_29, %broadcast_in_dim3A_29, %broadcast_in_dim3A_29, %broadcast_in_dim3A_29, %get3A_27, %broadcast_in_dim3A_29, %broadcast_in_dim3A_29, %broadcast_in_dim3A_29 in 1 : vector<16x16xf32>, vector<16x16xf32>, vector<16x16xf32>, vector<16x16xf32>, vector<16x16xf32>, vector<16x16xf32>, vector<16x16xf32>, vector<16x16xf32> -> vector<16x128xf32>
    %concatenate3A_35 = tpu.concatenate %broadcast_in_dim3A_29, %broadcast_in_dim3A_29, %broadcast_in_dim3A_29, %broadcast_in_dim3A_29, %broadcast_in_dim3A_29, %get3A_27, %broadcast_in_dim3A_29, %broadcast_in_dim3A_29 in 1 : vector<16x16xf32>, vector<16x16xf32>, vector<16x16xf32>, vector<16x16xf32>, vector<16x16xf32>, vector<16x16xf32>, vector<16x16xf32>, vector<16x16xf32> -> vector<16x128xf32>
    %concatenate3A_36 = tpu.concatenate %broadcast_in_dim3A_29, %broadcast_in_dim3A_29, %broadcast_in_dim3A_29, %broadcast_in_dim3A_29, %broadcast_in_dim3A_29, %broadcast_in_dim3A_29, %get3A_27, %broadcast_in_dim3A_29 in 1 : vector<16x16xf32>, vector<16x16xf32>, vector<16x16xf32>, vector<16x16xf32>, vector<16x16xf32>, vector<16x16xf32>, vector<16x16xf32>, vector<16x16xf32> -> vector<16x128xf32>
    %concatenate3A_37 = tpu.concatenate %broadcast_in_dim3A_29, %broadcast_in_dim3A_29, %broadcast_in_dim3A_29, %broadcast_in_dim3A_29, %broadcast_in_dim3A_29, %broadcast_in_dim3A_29, %broadcast_in_dim3A_29, %get3A_27 in 1 : vector<16x16xf32>, vector<16x16xf32>, vector<16x16xf32>, vector<16x16xf32>, vector<16x16xf32>, vector<16x16xf32>, vector<16x16xf32>, vector<16x16xf32> -> vector<16x128xf32>
    %concatenate3A_38 = tpu.concatenate %concatenate3A_30, %concatenate3A_31, %concatenate3A_32, %concatenate3A_33, %concatenate3A_34, %concatenate3A_35, %concatenate3A_36, %concatenate3A_37 in 0 : vector<16x128xf32>, vector<16x128xf32>, vector<16x128xf32>, vector<16x128xf32>, vector<16x128xf32>, vector<16x128xf32>, vector<16x128xf32>, vector<16x128xf32> -> vector<128x128xf32>
    %get3A_39 = arith.constant 0 : index
    %get3A_40 = arith.constant 0 : index
    %get3A_41 = vector.load %arg2[%get3A_39, %get3A_40] : memref<1x16xf32, #tpu.memory_space<vmem>>, vector<1x16xf32>
    %concatenate3A_42 = tpu.concatenate %get3A_41, %get3A_41, %get3A_41, %get3A_41, %get3A_41, %get3A_41, %get3A_41, %get3A_41 in 1 : vector<1x16xf32>, vector<1x16xf32>, vector<1x16xf32>, vector<1x16xf32>, vector<1x16xf32>, vector<1x16xf32>, vector<1x16xf32>, vector<1x16xf32> -> vector<1x128xf32>
    %get3A_43 = arith.constant 0 : index
    %get3A_44 = arith.constant 0 : index
    %get3A_45 = vector.load %arg4[%get3A_43, %get3A_44] : memref<1x16xf32, #tpu.memory_space<vmem>>, vector<1x16xf32>
    %concatenate3A_46 = tpu.concatenate %get3A_45, %get3A_45, %get3A_45, %get3A_45, %get3A_45, %get3A_45, %get3A_45, %get3A_45 in 1 : vector<1x16xf32>, vector<1x16xf32>, vector<1x16xf32>, vector<1x16xf32>, vector<1x16xf32>, vector<1x16xf32>, vector<1x16xf32>, vector<1x16xf32> -> vector<1x128xf32>
    %get3A_47 = arith.constant 0 : index
    %get3A_48 = arith.constant 0 : index
    %get3A_49 = vector.load %arg6[%get3A_47, %get3A_48] : memref<1x16xf32, #tpu.memory_space<vmem>>, vector<1x16xf32>
    %concatenate3A_50 = tpu.concatenate %get3A_49, %get3A_49, %get3A_49, %get3A_49, %get3A_49, %get3A_49, %get3A_49, %get3A_49 in 1 : vector<1x16xf32>, vector<1x16xf32>, vector<1x16xf32>, vector<1x16xf32>, vector<1x16xf32>, vector<1x16xf32>, vector<1x16xf32>, vector<1x16xf32> -> vector<1x128xf32>
    %get3A_51 = arith.constant 0 : index
    %get3A_52 = arith.constant 0 : index
    %get3A_53 = vector.load %arg0[%get3A_51, %get3A_52] : memref<1408x128xf32, #tpu.memory_space<vmem>>, vector<1408x128xf32>
    %dot_general3A = arith.constant dense<0.000000e+00> : vector<1408x128xf32>
    %dot_general3A_54 = tpu.matmul %get3A_53, %concatenate3A_10, %dot_general3A {dimension_numbers = #tpu.dot_dimension_numbers<[1], [0], [0], [1], [0, 0, 1, 1], [], []>, transpose_lhs_hint = false} : vector<1408x128xf32>, vector<128x128xf32>, vector<1408x128xf32> -> vector<1408x128xf32>
    %add3A = vector.broadcast %concatenate3A_42 : vector<1x128xf32> to vector<1408x128xf32>
    %add3A_55 = arith.addf %dot_general3A_54, %add3A : vector<1408x128xf32>
    %tanh3A = math.tanh %add3A_55 : vector<1408x128xf32>
    %dot_general3A_56 = arith.constant dense<0.000000e+00> : vector<1408x128xf32>
    %dot_general3A_57 = tpu.matmul %tanh3A, %concatenate3A_24, %dot_general3A_56 {dimension_numbers = #tpu.dot_dimension_numbers<[1], [0], [0], [1], [0, 0, 1, 1], [], []>, transpose_lhs_hint = false} : vector<1408x128xf32>, vector<128x128xf32>, vector<1408x128xf32> -> vector<1408x128xf32>
    %add3A_58 = vector.broadcast %concatenate3A_46 : vector<1x128xf32> to vector<1408x128xf32>
    %add3A_59 = arith.addf %dot_general3A_57, %add3A_58 : vector<1408x128xf32>
    %tanh3A_60 = math.tanh %add3A_59 : vector<1408x128xf32>
    %slice3A = vector.extract_strided_slice %tanh3A_60 {offsets = [0, 0], sizes = [128, 128], strides = [1, 1]} : vector<1408x128xf32> to vector<128x128xf32>
    %slice3A_61 = vector.extract_strided_slice %tanh3A_60 {offsets = [128, 0], sizes = [128, 128], strides = [1, 1]} : vector<1408x128xf32> to vector<128x128xf32>
    %add3A_62 = arith.addf %slice3A, %slice3A_61 : vector<128x128xf32>
    %slice3A_63 = vector.extract_strided_slice %tanh3A_60 {offsets = [256, 0], sizes = [128, 128], strides = [1, 1]} : vector<1408x128xf32> to vector<128x128xf32>
    %add3A_64 = arith.addf %add3A_62, %slice3A_63 : vector<128x128xf32>
    %slice3A_65 = vector.extract_strided_slice %tanh3A_60 {offsets = [384, 0], sizes = [128, 128], strides = [1, 1]} : vector<1408x128xf32> to vector<128x128xf32>
    %add3A_66 = arith.addf %add3A_64, %slice3A_65 : vector<128x128xf32>
    %slice3A_67 = vector.extract_strided_slice %tanh3A_60 {offsets = [512, 0], sizes = [128, 128], strides = [1, 1]} : vector<1408x128xf32> to vector<128x128xf32>
    %add3A_68 = arith.addf %add3A_66, %slice3A_67 : vector<128x128xf32>
    %slice3A_69 = vector.extract_strided_slice %tanh3A_60 {offsets = [640, 0], sizes = [128, 128], strides = [1, 1]} : vector<1408x128xf32> to vector<128x128xf32>
    %add3A_70 = arith.addf %add3A_68, %slice3A_69 : vector<128x128xf32>
    %slice3A_71 = vector.extract_strided_slice %tanh3A_60 {offsets = [768, 0], sizes = [128, 128], strides = [1, 1]} : vector<1408x128xf32> to vector<128x128xf32>
    %add3A_72 = arith.addf %add3A_70, %slice3A_71 : vector<128x128xf32>
    %slice3A_73 = vector.extract_strided_slice %tanh3A_60 {offsets = [896, 0], sizes = [128, 128], strides = [1, 1]} : vector<1408x128xf32> to vector<128x128xf32>
    %add3A_74 = arith.addf %add3A_72, %slice3A_73 : vector<128x128xf32>
    %slice3A_75 = vector.extract_strided_slice %tanh3A_60 {offsets = [1024, 0], sizes = [128, 128], strides = [1, 1]} : vector<1408x128xf32> to vector<128x128xf32>
    %add3A_76 = arith.addf %add3A_74, %slice3A_75 : vector<128x128xf32>
    %slice3A_77 = vector.extract_strided_slice %tanh3A_60 {offsets = [1152, 0], sizes = [128, 128], strides = [1, 1]} : vector<1408x128xf32> to vector<128x128xf32>
    %add3A_78 = arith.addf %add3A_76, %slice3A_77 : vector<128x128xf32>
    %slice3A_79 = vector.extract_strided_slice %tanh3A_60 {offsets = [1280, 0], sizes = [128, 128], strides = [1, 1]} : vector<1408x128xf32> to vector<128x128xf32>
    %add3A_80 = arith.addf %add3A_78, %slice3A_79 : vector<128x128xf32>
    %mul3A = arith.constant 0.0909090936 : f32
    %mul3A_81 = vector.broadcast %mul3A : f32 to vector<128x128xf32>
    %mul3A_82 = arith.mulf %add3A_80, %mul3A_81 : vector<128x128xf32>
    %dot_general3A_83 = arith.constant dense<0.000000e+00> : vector<128x128xf32>
    %dot_general3A_84 = tpu.matmul %mul3A_82, %concatenate3A_38, %dot_general3A_83 {dimension_numbers = #tpu.dot_dimension_numbers<[1], [0], [0], [1], [0, 0, 1, 1], [], []>, transpose_lhs_hint = false} : vector<128x128xf32>, vector<128x128xf32>, vector<128x128xf32> -> vector<128x128xf32>
    %add3A_85 = vector.broadcast %concatenate3A_50 : vector<1x128xf32> to vector<128x128xf32>
    %add3A_86 = arith.addf %dot_general3A_84, %add3A_85 : vector<128x128xf32>
    %tanh3A_87 = math.tanh %add3A_86 : vector<128x128xf32>
    %swap3A = arith.constant 0 : index
    %swap3A_88 = arith.constant 0 : index
    %swap3A_89 = vector.load %arg7[%swap3A, %swap3A_88] : memref<128x128xf32, #tpu.memory_space<vmem>>, vector<128x128xf32>
    tpu.vector_store %arg7[%swap3A, %swap3A_88], %tanh3A_87 {strides = array<i32>} : memref<128x128xf32, #tpu.memory_space<vmem>>, vector<128x128xf32>,
    return
  }
}

</mosaic_0001>

<sc_bundles>
// kernel: kernel.5.cloned.1.call-start
scs
__scs_entry_jumppad:
0x0: {  	(pc) =	sbr.rel $0x88, $3  }
0x1: {  	(tag) =	ssettag $0x0;
	lr =	simm.s32 $0x1  }
0x2: {  	[smem:$0x3F8F] =	sst lr;
	_ =	strace $0xD0000000  }
0x3: {  	_ = 	snop  }
0x4: {  	_ = 	snop  }
0x5: {  	_ = 	snop  }
0x6: {  	_ = 	snop  }
0x7: {  	_ = 	snop  }
__scs_overlays_trampoline_lowered:
0x8: {  	[smem:$0x3F9E] =	sst s0  }
0x9: {  	[smem:$0x3F9F] =	sst s1  }
0xa: {  	[smem:$0x3FA0] =	sst s2  }
0xb: {  	[smem:$0x3FA1] =	sst s3  }
0xc: {  	[smem:$0x3FA2] =	sst s4  }
0xd: {  	[smem:$0x3FA3] =	sst s5  }
0xe: {  	[smem:$0x3FA4] =	sst s6  }
0xf: {  	[smem:$0x3FA5] =	sst s7  }
0x10: {  	[smem:$0x3FA6] =	sst s8  }
0x11: {  	[smem:$0x3FA7] =	sst s9;
	s0 =	simm.s32 @!p0 $0x0  }
0x12: {  	s1 =	sld [smem:$0x3F8D];
	s0 =	simm.s32 @p0 $0x1  }
0x13: {  	[smem:$0x3FA8] =	sst s0;
	s0 =	simm.s32 @!p1 $0x0  }
0x14: {  	s2 =	sld [smem:$0x3F8C];
	s0 =	simm.s32 @p1 $0x1  }
0x15: {  	[smem:$0x3FA9] =	sst s0;
	s0 =	simm.s32 @!p2 $0x0  }
0x16: {  	s3 =	sld [smem:$0x3FDB];
	s0 =	simm.s32 @p2 $0x1  }
0x17: {  	s4 =	simm.s32 $0x1BF5;
	[smem:$0x3FAB] =	sst s0  }
0x18: {  	s0 =	sld [smem:$0x3F8E];
	_ =	swait.ge [sflag:s4], $0x0  }
0x19: {  	s7 =	sld [smem:$0x3F8F]  }
0x1a: {  	s8 =	sadd.s32 $0xFFFFE003, lr  }
0x1b: {  	s9 =	sadd.s32 $0xFFFFFEF7, lr;
	s5 =	simm.s32 $0xFFFFFFFF;
	p2 =	slt.u32 s8, $0xFFFFF086  }
0x1c: {  	p1 =	slt.u32 s9, $0xF7A;
	s5 =	simm.s32 @!p2 $0x0  }
0x1d: {  	s5 =	simm.s32 @p1 $0x1;
	p0 =	seq.s32 s7, s2  }
0x1e: {  	s7 =	smul.u32 @!p0 $0xF7A, s2;
	p2 =	seq.s32 @!p0 s5, $0x0  }
0x1f: {  	s9 =	smul.u32 $0xF7A, s1;
	s8 =	simm.s32 @!p0 $0x1BF5;
	p2 =	por !p2, p0  }
0x20: {  	[sflag:s8] =	ssyncset.s32 @!p0 $0xFFFFF086;
	s6 =	sadd.s32 @!p0 s3, s7;
	s7 =	simm.s32 @!p0 $0x108  }
0x21: {  	s3 =	sadd.s32 s3, s9;
	s6 =	sadd.s32 @!p0 $0x88, s6;
	s7 =	simm.s32 @p2 $0x1082  }
0x22: {  	[simem:s7], [sflag:s8] =	dma.local @!p0 [hbm:s6], $0xF7A  }
0x23: {  	s9 =	sor.u32 $0xD0000000, s2;
	s6 =	simm.s32 $0x108;
	_ =	swait.ge @!p0 [sflag:s8], $0x0  }
0x24: {  	s3 =	sadd.s32 $0x88, s3;
	s6 =	simm.s32 @!p1 $0x1082;
	[sflag:s4] =	ssyncset.s32 $0xFFFFF086  }
0x25: {  	[simem:s6], [sflag:s4] =	dma.local [hbm:s3], $0xF7A  }
0x26: {  	[smem:$0x3F8F] =	sst s1;
	(tag) =	ssettag s2;
	_ =	strace s9  }
0x27: {  	s1 =	sld [smem:$0x3F9F]  }
0x28: {  	s2 =	sld [smem:$0x3FA0]  }
0x29: {  	s4 =	sld [smem:$0x3FA2]  }
0x2a: {  	p0 =	seq.s32 s5, $0x0;
	s5 =	sld [smem:$0x3FA3]  }
0x2b: {  	s6 =	sld [smem:$0x3FA4]  }
0x2c: {  	s7 =	sld [smem:$0x3FA5]  }
0x2d: {  	s3 =	simm.s32 $0x108;
	s8 =	sld [smem:$0x3FA6]  }
0x2e: {  	s3 =	simm.s32 @!p0 $0x1082;
	s9 =	sld [smem:$0x3FA7]  }
0x2f: {  	lr =	sadd.s32 s0, s3;
	s0 =	sld [smem:$0x3F9E]  }
0x30: {  	s3 =	sld [smem:$0x3FA1]  }
0x31: {  	[smem:$0x3FAA] =	sst s10  }
0x32: {  	s10 =	sld [smem:$0x3FA8];
	_ =	sdelay $0x3  }
0x33: {  	p0 =	seq.s32 s10, $0x1;
	s10 =	sld [smem:$0x3FAA];
	_ =	sdelay $0x3  }
0x34: {  	[smem:$0x3FAA] =	sst s10  }
0x35: {  	s10 =	sld [smem:$0x3FA9];
	_ =	sdelay $0x3  }
0x36: {  	p1 =	seq.s32 s10, $0x1;
	s10 =	sld [smem:$0x3FAA];
	_ =	sdelay $0x3  }
0x37: {  	[smem:$0x3FAA] =	sst s10  }
0x38: {  	s10 =	sld [smem:$0x3FAB]  }
0x39: {  	_ = 	snop;
	(pc) =	sbr.ind lr, $3  }
0x3a: {  	_ = 	snop  }
0x3b: {  	_ = 	snop  }
0x3c: {  	p2 =	seq.s32 s10, $0x1;
	s10 =	sld [smem:$0x3FAA]  }
0x3d: {  	_ =	shalt  }
0x3e: {  	_ =	shalt  }
0x3f: {  	_ =	shalt  }
0x40: {  	_ =	shalt  }
0x41: {  	_ =	shalt  }
0x42: {  	_ =	shalt  }
0x43: {  	_ =	shalt  }
0x44: {  	_ =	shalt  }
0x45: {  	_ =	shalt  }
0x46: {  	_ =	shalt  }
0x47: {  	_ =	shalt  }
0x48: {  	_ =	shalt  }
0x49: {  	_ =	shalt  }
0x4a: {  	_ =	shalt  }
0x4b: {  	_ =	shalt  }
0x4c: {  	_ =	shalt  }
0x4d: {  	_ =	shalt  }
0x4e: {  	_ =	shalt  }
0x4f: {  	_ =	shalt  }
0x50: {  	_ =	shalt  }
0x51: {  	_ =	shalt  }
0x52: {  	_ =	shalt  }
0x53: {  	_ =	shalt  }
0x54: {  	_ =	shalt  }
0x55: {  	_ =	shalt  }
0x56: {  	_ =	shalt  }
0x57: {  	_ =	shalt  }
0x58: {  	_ =	shalt  }
0x59: {  	_ =	shalt  }
0x5a: {  	_ =	shalt  }
0x5b: {  	_ =	shalt  }
0x5c: {  	_ =	shalt  }
0x5d: {  	_ =	shalt  }
0x5e: {  	_ =	shalt  }
0x5f: {  	_ =	shalt  }
0x60: {  	_ =	shalt  }
0x61: {  	_ =	shalt  }
0x62: {  	_ =	shalt  }
0x63: {  	_ =	shalt  }
0x64: {  	_ =	shalt  }
0x65: {  	_ =	shalt  }
0x66: {  	_ =	shalt  }
0x67: {  	_ =	shalt  }
0x68: {  	_ =	shalt  }
0x69: {  	_ =	shalt  }
0x6a: {  	_ =	shalt  }
0x6b: {  	_ =	shalt  }
0x6c: {  	_ =	shalt  }
0x6d: {  	_ =	shalt  }
0x6e: {  	_ =	shalt  }
0x6f: {  	_ =	shalt  }
0x70: {  	_ =	shalt  }
0x71: {  	_ =	shalt  }
0x72: {  	_ =	shalt  }
0x73: {  	_ =	shalt  }
0x74: {  	_ =	shalt  }
0x75: {  	_ =	shalt  }
0x76: {  	_ =	shalt  }
0x77: {  	_ =	shalt  }
0x78: {  	_ =	shalt  }
0x79: {  	_ =	shalt  }
0x7a: {  	_ =	shalt  }
0x7b: {  	_ =	shalt  }
0x7c: {  	_ =	shalt  }
0x7d: {  	_ =	shalt  }
0x7e: {  	_ =	shalt  }
0x7f: {  	_ =	shalt  }
0x80: {  	_ =	shalt  }
0x81: {  	_ =	shalt  }
0x82: {  	_ =	shalt  }
0x83: {  	_ =	shalt  }
0x84: {  	_ =	shalt  }
0x85: {  	_ =	shalt  }
0x86: {  	_ =	shalt  }
0x87: {  	_ =	shalt  }
.Lfunc_end0:
.L_simem_size_0:
called_computation_lowered:
.L_overlay_start_0:
0x88: {  	s2 =	sld [smem:$0x3FD9]  }
0x89: {  	s3 =	sld [smem:$0x3FFE];
	_ =	sdelay $0x1  }
0x8a: {  	s1 =	srdreg.scid  }
0x8b: {  	s0 =	sand.u32 $0x1, s1  }
0x8c: {  	s17 =	sshll.u32 s0, $0xA;
	s2 =	sadd.s32 s3, s2  }
0x8d: {  	s2 =	sadd.s32 s2, s17  }
0x8e: {  	[smem:$0x3FB6] =	sst s2  }
0x8f: {  	_ = 	snop  }
0x90: {  	s2 =	sld [smem:$0x3FD0];
	(tm) =	ssettm $0x1  }
0x91: {  	s18 =	sld [smem:$0x3FFB];
	_ =	sdelay $0x3  }
0x92: {  	_ =	strace s18  }
0x93: {  	s3 =	sld [smem:$0x3FFC];
	_ =	sdelay $0x3  }
0x94: {  	_ =	strace s3  }
0x95: {  	s3 =	sld [smem:$0x3FFD];
	_ =	sdelay $0x3  }
0x96: {  	_ =	strace s3  }
0x97: {  	_ =	strace $0x8FFFFFFF  }
0x98: {  	s19 =	sld [smem:$0x3FDB];
	_ =	sdelay $0x1  }
0x99: {  	s4 =	simm.s32 $_scs_section_size  }
0x9a: {  	s5 =	simm.s32 $_size__tile_overlayer_lowered;
	s6 =	simm.s32 $_tile_overlayer_lowered  }
0x9b: {  	s22 =	simm.s32 $0x1BFF;
	s21 =	sshll.u32 s6, $0x1;
	s3 =	sadd.s32 s4, s19  }
0x9c: {  	s7 =	simm.s32 $0x0;
	s20 =	sshll.u32 s5, $0x1;
	s5 =	sadd.s32 s21, s3  }
0x9d: {  	[timem:s7], [sflag:s22] =	dma.local [hbm:s5], s20  }
0x9e: {  	_ =	swait.ge [sflag:s22], s20  }
0x9f: {  	s4 =	ssub.s32 $0x0, s20;
	[sflag:s22] =	ssyncset.done $0x0  }
0xa0: {  	[sflag:s22] =	ssyncadd.s32 s4;
	_ =	sdelay $0x1  }
0xa1: {  	s23 =	simm.s32 $0x1B8B  }
0xa2: {  	_ =	swait.ge [sflag:s23], $0x1  }
0xa3: {  	[sflag:s23] =	ssyncset.done $0x0  }
0xa4: {  	s25 =	simm.s32 $0x1B8E;
	s24 =	sld [smem:$0x3FFE];
	[sflag:s23] =	ssyncadd.s32 $0xFFFFFFFF  }
0xa5: {  	s26 =	simm.s32 $execute0_lowered;
	[smem:$0x3FD2] =	sst s25  }
0xa6: {  	s5 =	sshll.u32 s26, $0x1;
	_ =	strace $0x80000046;
	[dreg:$0x1] =	wrdreg $0xFFFFFFFF  }
0xa7: {  	s28 =	simm.s32 $_size_execute0_lowered;
	s3 =	sadd.s32 s3, s5;
	[dreg:$0x0] =	wrdreg $0x0  }
0xa8: {  	s5 =	sshll.u32 s28, $0x1;
	[dreg:$0x2] =	wrdreg s3  }
0xa9: {  	[dreg:$0x3] =	wrdreg s5  }
0xaa: {  	[dreg:$0x4] =	wrdreg $0xC0  }
0xab: {  	_ =	task [dreg:s7], $0x5FFFF  }
0xac: {  	[dreg:$0x1] =	wrdreg $0xFFFFFFFF  }
0xad: {  	[dreg:$0x0] =	wrdreg $0x60  }
0xae: {  	[dreg:$0x2] =	wrdreg s24  }
0xaf: {  	[dreg:$0x3] =	wrdreg s2  }
0xb0: {  	[dreg:$0x4] =	wrdreg $0x9  }
0xb1: {  	_ =	task.clear_ibuf [dreg:s7], $0x5FFFF;
	_ =	strace $0x90000046  }
0xb2: {  	s29 =	simm.s32 $0x9;
	_ =	strace $0x80000048  }
0xb3: {  	_ =	swait.ge [sflag:s29], $0x1  }
0xb4: {  	[sflag:s29] =	ssyncadd.s32 $0xFFFFFFFF  }
0xb5: {  	_ =	strace $0x90000048  }
0xb6: {  	_ =	sfence  }
0xb7: {  	s30 =	sld [smem:$0x0];
	_ =	sdelay $0x2  }
0xb8: {  	s31 =	sshll.u32 s1, $0xD;
	s1 =	sshrl.u32 s1, $0x2  }
0xb9: {  	s3 =	sand.u32 $0x4000, s31;
	s1 =	sadd.s32 s1, s30  }
0xba: {  	s0 =	sor.u32 s3, s0;
	s1 =	sshll.u32 s1, $0x11  }
0xbb: {  	s0 =	sor.u32 s1, s0  }
0xbc: {  	s0 =	sadd.s32 $0x8F2B, s0  }
0xbd: {  	[sflag:s0] =	ssyncadd.remote.s32 $0x1  }
0xbe: {  	_ =	sfence.sel $0xFFFF  }
0xbf: {  	[dreg:$0x0] =	wrdreg $0xFFFFFFFF;
	(pc) =	sbr.abs _section_cstart, $3  }
0xc0: {  	[dreg:$0x1] =	wrdreg $0xFFFFFFFF  }
0xc1: {  	_ =	task.clear_ibuf [dreg:s7], $0x2FFFF;
	_ =	strace $0x9FFFFFFF  }
0xc2: {  	(tm) =	ssettm $0x7FFFFFFF  }
0xc3: {  	_ =	shalt  }
tec
execute0_lowered:
.L_overlay_start_1:
0x0: {  	(tag) =	ssettag $0x1  }
0x1: {  	s1 =	srdreg.scid;
	s4 =	stileid.u32  }
0x2: {  	s1 =	sand.u32 $0x1, s1;
	s2 =	sshll.u32 s4, $0x1  }
0x3: {  	s0 =	rddreg [dreg:$0x0];
	s2 =	sor.u32 s1, s2  }
0x4: {  	s3 =	simm.s32 $0x0;
	s4 =	sshll.u32 s4, $0xA;
	s5 =	sshll.u32 s2, $0x2  }
0x5: {  	[smem:$0x7FF] =	sst s3;
	s6 =	sadd.s32 $0x800, s0;
	s4 =	sor.u32 s4, s5  }
0x6: {  	_ =	strace $0x80000047;
	s1 =	ssub.s32 $0x2, s1;
	s4 =	sand.u32 $0x380C, s4  }
0x7: {  	[dreg:$0x3] =	wrdreg s6;
	s26 =	sshrl.u32 s1, $0x1;
	s5 =	sadd.s32 s4, s0  }
0x8: {  	s2 =	sshll.u32 s2, $0x6;
	s17 =	ssub.s32 s1, s26;
	s1 =	sadd.s32 $0x31800, s5  }
0x9: {  	s16 =	sadd.s32 s2, s0;
	s2 =	sadd.s32 $0x31810, s5;
	[dreg:$0x4] =	wrdreg s1  }
0xa: {  	s4 =	sadd.s32 $0x31820, s5;
	[dreg:$0x5] =	wrdreg s2  }
0xb: {  	s6 =	sadd.s32 $0x31830, s5;
	[dreg:$0x6] =	wrdreg s4  }
0xc: {  	s7 =	sadd.s32 $0x31840, s5;
	[dreg:$0x7] =	wrdreg s6  }
0xd: {  	s8 =	sadd.s32 $0x31850, s5;
	[dreg:$0x8] =	wrdreg s7  }
0xe: {  	s9 =	sadd.s32 $0x31860, s5;
	[dreg:$0x9] =	wrdreg s8  }
0xf: {  	s10 =	sadd.s32 $0x31870, s5;
	[dreg:$0xa] =	wrdreg s9  }
0x10: {  	s11 =	sadd.s32 $0x31880, s5;
	[dreg:$0xb] =	wrdreg s10  }
0x11: {  	s12 =	sadd.s32 $0x31890, s5;
	[dreg:$0xc] =	wrdreg s11  }
0x12: {  	s13 =	sadd.s32 $0x318A0, s5;
	[dreg:$0xd] =	wrdreg s12  }
0x13: {  	s14 =	sadd.s32 $0x318B0, s5;
	[dreg:$0xe] =	wrdreg s13  }
0x14: {  	s15 =	sadd.s32 $0x318C0, s5;
	[dreg:$0xf] =	wrdreg s14  }
0x15: {  	s18 =	sadd.s32 $0x318D0, s5;
	[dreg:$0x10] =	wrdreg s15  }
0x16: {  	s19 =	sadd.s32 $0x318E0, s5;
	[dreg:$0x11] =	wrdreg s18  }
0x17: {  	s20 =	sadd.s32 $0x318F0, s5;
	[dreg:$0x12] =	wrdreg s19  }
0x18: {  	s21 =	sadd.s32 $0x31900, s5;
	[dreg:$0x13] =	wrdreg s20  }
0x19: {  	s22 =	sadd.s32 $0x31910, s5;
	[dreg:$0x14] =	wrdreg s21  }
0x1a: {  	s23 =	sadd.s32 $0x31920, s5;
	[dreg:$0x15] =	wrdreg s22  }
0x1b: {  	s24 =	sadd.s32 $0x31930, s5;
	[dreg:$0x16] =	wrdreg s23  }
0x1c: {  	s25 =	sadd.s32 $0x31940, s5;
	[dreg:$0x17] =	wrdreg s24  }
0x1d: {  	s26 =	sadd.s32 $0x31950, s5;
	[dreg:$0x18] =	wrdreg s25  }
0x1e: {  	[dreg:$0x19] =	wrdreg s26;
	s1 =	sadd.s32 $0x31960, s5  }
0x1f: {  	s2 =	sadd.s32 $0x31970, s5;
	[dreg:$0x1a] =	wrdreg s1  }
0x20: {  	s4 =	sadd.s32 $0x31980, s5;
	[dreg:$0x1b] =	wrdreg s2  }
0x21: {  	s6 =	sadd.s32 $0x31990, s5;
	[dreg:$0x1c] =	wrdreg s4  }
0x22: {  	s7 =	sadd.s32 $0x319A0, s5;
	[dreg:$0x1d] =	wrdreg s6  }
0x23: {  	s8 =	sadd.s32 $0x319B0, s5;
	[dreg:$0x1e] =	wrdreg s7  }
0x24: {  	s9 =	sadd.s32 $0x319C0, s5;
	[dreg:$0x1f] =	wrdreg s8  }
0x25: {  	s10 =	sadd.s32 $0x319D0, s5;
	[smem:$0x7AC] =	sst s9  }
0x26: {  	s11 =	sadd.s32 $0x319E0, s5;
	[smem:$0x7AD] =	sst s10  }
0x27: {  	s12 =	sadd.s32 $0x319F0, s5;
	[smem:$0x7AE] =	sst s11  }
0x28: {  	s13 =	sadd.s32 $0x31A00, s5;
	[smem:$0x7AF] =	sst s12  }
0x29: {  	s14 =	sadd.s32 $0x31A10, s5;
	[smem:$0x7B0] =	sst s13  }
0x2a: {  	s15 =	sadd.s32 $0x31A20, s5;
	[smem:$0x7B1] =	sst s14  }
0x2b: {  	s18 =	sadd.s32 $0x31A30, s5;
	[smem:$0x7B2] =	sst s15  }
0x2c: {  	s19 =	sadd.s32 $0x31A40, s5;
	[smem:$0x7B3] =	sst s18  }
0x2d: {  	s20 =	sadd.s32 $0x31A50, s5;
	[smem:$0x7B4] =	sst s19  }
0x2e: {  	s21 =	sadd.s32 $0x31A60, s5;
	[smem:$0x7B5] =	sst s20  }
0x2f: {  	s22 =	sadd.s32 $0x31A70, s5;
	[smem:$0x7B6] =	sst s21  }
0x30: {  	s23 =	sadd.s32 $0x31A80, s5;
	[smem:$0x7B7] =	sst s22  }
0x31: {  	s24 =	sadd.s32 $0x31A90, s5;
	[smem:$0x7B8] =	sst s23  }
0x32: {  	s25 =	sadd.s32 $0x31AA0, s5;
	[smem:$0x7B9] =	sst s24  }
0x33: {  	s26 =	sadd.s32 $0x31AB0, s5;
	[smem:$0x7BA] =	sst s25  }
0x34: {  	[smem:$0x7BB] =	sst s26;
	s1 =	sadd.s32 $0x31AC0, s5  }
0x35: {  	s2 =	sadd.s32 $0x31AD0, s5;
	[smem:$0x7BC] =	sst s1  }
0x36: {  	s4 =	sadd.s32 $0x31AE0, s5;
	[smem:$0x7BD] =	sst s2  }
0x37: {  	s6 =	sadd.s32 $0x31AF0, s5;
	[smem:$0x7BE] =	sst s4  }
0x38: {  	s7 =	sadd.s32 $0x31B00, s5;
	[smem:$0x7BF] =	sst s6  }
0x39: {  	s8 =	sadd.s32 $0x31B10, s5;
	[smem:$0x7C0] =	sst s7  }
0x3a: {  	s9 =	sadd.s32 $0x31B20, s5;
	[smem:$0x7C1] =	sst s8  }
0x3b: {  	s10 =	sadd.s32 $0x31B30, s5;
	[smem:$0x7C2] =	sst s9  }
0x3c: {  	s11 =	sadd.s32 $0x31B40, s5;
	[smem:$0x7C3] =	sst s10  }
0x3d: {  	s12 =	sadd.s32 $0x31B50, s5;
	[smem:$0x7C4] =	sst s11  }
0x3e: {  	s13 =	sadd.s32 $0x31B60, s5;
	[smem:$0x7C5] =	sst s12  }
0x3f: {  	s14 =	sadd.s32 $0x31B70, s5;
	[smem:$0x7C6] =	sst s13  }
0x40: {  	s15 =	sadd.s32 $0x31B80, s5;
	[smem:$0x7C7] =	sst s14  }
0x41: {  	s18 =	sadd.s32 $0x31B90, s5;
	[smem:$0x7C8] =	sst s15  }
0x42: {  	s19 =	sadd.s32 $0x31BA0, s5;
	[smem:$0x7C9] =	sst s18  }
0x43: {  	s20 =	sadd.s32 $0x31BB0, s5;
	[smem:$0x7CA] =	sst s19  }
0x44: {  	s21 =	sadd.s32 $0x31BC0, s5;
	[smem:$0x7CB] =	sst s20  }
0x45: {  	s22 =	sadd.s32 $0x31BD0, s5;
	[smem:$0x7CC] =	sst s21  }
0x46: {  	s23 =	sadd.s32 $0x31BE0, s5;
	[smem:$0x7CD] =	sst s22  }
0x47: {  	s24 =	sadd.s32 $0x31BF0, s5;
	[smem:$0x7CE] =	sst s23  }
0x48: {  	s25 =	sadd.s32 $0x31C00, s5;
	[smem:$0x7CF] =	sst s24  }
0x49: {  	s26 =	sadd.s32 $0x31C10, s5;
	[smem:$0x7D0] =	sst s25  }
0x4a: {  	[smem:$0x7D1] =	sst s26;
	s1 =	sadd.s32 $0x31C20, s5  }
0x4b: {  	s2 =	sadd.s32 $0x31C30, s5;
	[smem:$0x7D2] =	sst s1  }
0x4c: {  	s4 =	sadd.s32 $0x31C40, s5;
	[smem:$0x7D3] =	sst s2  }
0x4d: {  	s6 =	sadd.s32 $0x31C50, s5;
	[smem:$0x7D4] =	sst s4  }
0x4e: {  	s7 =	sadd.s32 $0x31C60, s5;
	[smem:$0x7D5] =	sst s6  }
0x4f: {  	s8 =	sadd.s32 $0x31C70, s5;
	[smem:$0x7D6] =	sst s7  }
0x50: {  	s9 =	sadd.s32 $0x31C80, s5;
	[smem:$0x7D7] =	sst s8  }
0x51: {  	s10 =	sadd.s32 $0x31C90, s5;
	[smem:$0x7D8] =	sst s9  }
0x52: {  	s11 =	sadd.s32 $0x31CA0, s5;
	[smem:$0x7D9] =	sst s10  }
0x53: {  	s12 =	sadd.s32 $0x31CB0, s5;
	[smem:$0x7DA] =	sst s11  }
0x54: {  	s13 =	sadd.s32 $0x31CC0, s5;
	[smem:$0x7DB] =	sst s12  }
0x55: {  	s14 =	sadd.s32 $0x31CD0, s5;
	[smem:$0x7DC] =	sst s13  }
0x56: {  	s15 =	sadd.s32 $0x31CE0, s5;
	[smem:$0x7DD] =	sst s14  }
0x57: {  	s18 =	sadd.s32 $0x31CF0, s5;
	[smem:$0x7DE] =	sst s15  }
0x58: {  	s19 =	sadd.s32 $0x31D00, s5;
	[smem:$0x7DF] =	sst s18  }
0x59: {  	s20 =	sadd.s32 $0x31D10, s5;
	[smem:$0x7E0] =	sst s19  }
0x5a: {  	s21 =	sadd.s32 $0x31D20, s5;
	[smem:$0x7E1] =	sst s20  }
0x5b: {  	s22 =	sadd.s32 $0x31D30, s5;
	[smem:$0x7E2] =	sst s21  }
0x5c: {  	s23 =	sadd.s32 $0x31D40, s5;
	[smem:$0x7E3] =	sst s22  }
0x5d: {  	s24 =	sadd.s32 $0x31D50, s5;
	[smem:$0x7E4] =	sst s23  }
0x5e: {  	s25 =	sadd.s32 $0x31D60, s5;
	[smem:$0x7E5] =	sst s24  }
0x5f: {  	s26 =	sadd.s32 $0x31D70, s5;
	[smem:$0x7E6] =	sst s25  }
0x60: {  	[smem:$0x7E7] =	sst s26;
	s1 =	sadd.s32 $0x31D80, s5  }
0x61: {  	s2 =	sadd.s32 $0x31D90, s5;
	[smem:$0x7E8] =	sst s1  }
0x62: {  	s4 =	sadd.s32 $0x31DA0, s5;
	[smem:$0x7E9] =	sst s2  }
0x63: {  	s6 =	sadd.s32 $0x31DB0, s5;
	[smem:$0x7EA] =	sst s4  }
0x64: {  	s7 =	sadd.s32 $0x31DC0, s5;
	[smem:$0x7EB] =	sst s6  }
0x65: {  	s8 =	sadd.s32 $0x31DD0, s5;
	[smem:$0x7EC] =	sst s7  }
0x66: {  	s9 =	sadd.s32 $0x31DE0, s5;
	[smem:$0x7ED] =	sst s8  }
0x67: {  	s10 =	sadd.s32 $0x31DF0, s5;
	[smem:$0x7EE] =	sst s9  }
0x68: {  	s11 =	sadd.s32 $0x31E00, s5;
	[smem:$0x7EF] =	sst s10  }
0x69: {  	s12 =	sadd.s32 $0x31E10, s5;
	[smem:$0x7F0] =	sst s11  }
0x6a: {  	s13 =	sadd.s32 $0x31E20, s5;
	[smem:$0x7F1] =	sst s12  }
0x6b: {  	s14 =	sadd.s32 $0x31E30, s5;
	[smem:$0x7F2] =	sst s13  }
0x6c: {  	s15 =	sadd.s32 $0x31E40, s5;
	[smem:$0x7F3] =	sst s14  }
0x6d: {  	s18 =	sadd.s32 $0x31E50, s5;
	[smem:$0x7F4] =	sst s15  }
0x6e: {  	s19 =	sadd.s32 $0x31E60, s5;
	[smem:$0x7F5] =	sst s18  }
0x6f: {  	s20 =	sadd.s32 $0x31E70, s5;
	[smem:$0x7F6] =	sst s19  }
0x70: {  	s21 =	sadd.s32 $0x31E80, s5;
	[smem:$0x7F7] =	sst s20  }
0x71: {  	s22 =	sadd.s32 $0x31E90, s5;
	[smem:$0x7F8] =	sst s21  }
0x72: {  	s17 =	smax.u32 s17, $0x1;
	s23 =	sadd.s32 $0x31EA0, s5;
	[smem:$0x7F9] =	sst s22  }
0x73: {  	s28 =	sadd.s32 $0x31F00, s5;
	s24 =	sadd.s32 $0x31EB0, s5;
	[smem:$0x7FA] =	sst s23  }
0x74: {  	s29 =	sadd.s32 $0x31F10, s5;
	s25 =	sadd.s32 $0x31EC0, s5;
	[smem:$0x7FB] =	sst s24  }
0x75: {  	s30 =	sadd.s32 $0x31F20, s5;
	s26 =	sadd.s32 $0x31ED0, s5;
	[smem:$0x7FC] =	sst s25  }
0x76: {  	s31 =	sadd.s32 $0x31F30, s5;
	s0 =	sadd.s32 $0x31F40, s5;
	[smem:$0x7FD] =	sst s26  }
0x77: {  	s25 =	sadd.s32 $0x31EE0, s5;
	s26 =	sadd.s32 $0x31EF0, s5;
	s1 =	sadd.s32 $0x31F50, s5  }
0x78: {  	s2 =	sadd.s32 $0x31F60, s5;
	s4 =	sadd.s32 $0x31F70, s5;
	s5 =	sadd.s32 $0x31F80, s5  }
0x79: {  	s6 =	sadd.s32 $0x35800, s16;
	s7 =	sadd.s32 $0x36000, s16;
	s8 =	sadd.s32 $0x36800, s16  }
0x7a: {  	s9 =	sadd.s32 $0x37000, s16;
	s10 =	sadd.s32 $0x37800, s16;
	s11 =	sadd.s32 $0x38000, s16  }
0x7b: {  	s12 =	sadd.s32 $0x38800, s16;
	s13 =	sadd.s32 $0x39000, s16;
	s14 =	sadd.s32 $0x39800, s16  }
0x7c: {  	s15 =	sadd.s32 $0x3A000, s16;
	s16 =	sadd.s32 $0x3A800, s16;
	s18 =	simm.s32 $0x3  }
0x7d: {  	s19 =	simm.s32 $0x1;
	s20 =	simm.s32 $0x2;
	s21 =	simm.s32 $0x0  }
.LBB2_1:
0x7e: {  	s22 =	rddreg [dreg:$0x1];
	s23 =	simm.s32 $0x11720  }
0x7f: {  	[tilespmem:s23], [sflag:$0x3] =	stream.linear.gather [hbm4b:s22+s3], $0x1, $0x38;
	[tilespmem:$0x11730] =	vst v63  }
0x80: {  	_ =	swait.ge [sflag:s18], $0x1  }
0x81: {  	[sflag:s18] =	ssyncset.done $0x0  }
0x82: {  	s24 =	rddreg [dreg:$0x4];
	[sflag:s18] =	ssyncadd.s32 $0xFFFFFFFF  }
0x83: {  	v0 =	vld.msk [tilespmem:$0x11720 ss:$0x0], $0xffff;
	[tilespmem:s3], [sflag:$0x1] =	stream.linear.gather [hbm4b:s24+s3], $0x20, $0x38  }
0x84: {  	s23 =	rddreg [dreg:$0x5];
	s24 =	simm.s32 $0x20  }
0x85: {  	[tilespmem:s24], [sflag:$0x1] =	stream.linear.gather [hbm4b:s23+s3], $0x20, $0x38;
	[tilespmem:$0x11730] =	vst v63  }
0x86: {  	s23 =	rddreg [dreg:$0x6];
	s24 =	simm.s32 $0x40  }
0x87: {  	[tilespmem:s24], [sflag:$0x1] =	stream.linear.gather [hbm4b:s23+s3], $0x20, $0x38;
	[tilespmem:$0x11730] =	vst v63  }
0x88: {  	s23 =	rddreg [dreg:$0x7];
	s24 =	simm.s32 $0x60  }
0x89: {  	[tilespmem:s24], [sflag:$0x1] =	stream.linear.gather [hbm4b:s23+s3], $0x20, $0x38;
	[tilespmem:$0x11730] =	vst v63  }
0x8a: {  	s23 =	rddreg [dreg:$0x8];
	s24 =	simm.s32 $0x80  }
0x8b: {  	[tilespmem:s24], [sflag:$0x1] =	stream.linear.gather [hbm4b:s23+s3], $0x20, $0x38;
	[tilespmem:$0x11730] =	vst v63  }
0x8c: {  	s23 =	rddreg [dreg:$0x9];
	s24 =	simm.s32 $0xA0  }
0x8d: {  	[tilespmem:s24], [sflag:$0x1] =	stream.linear.gather [hbm4b:s23+s3], $0x20, $0x38;
	[tilespmem:$0x11730] =	vst v63  }
0x8e: {  	s23 =	rddreg [dreg:$0xa];
	s24 =	simm.s32 $0xC0  }
0x8f: {  	[tilespmem:s24], [sflag:$0x1] =	stream.linear.gather [hbm4b:s23+s3], $0x20, $0x38;
	[tilespmem:$0x11730] =	vst v63  }
0x90: {  	s23 =	rddreg [dreg:$0xb];
	s24 =	simm.s32 $0xE0  }
0x91: {  	[tilespmem:s24], [sflag:$0x1] =	stream.linear.gather [hbm4b:s23+s3], $0x20, $0x38;
	[tilespmem:$0x11730] =	vst v63  }
0x92: {  	s23 =	rddreg [dreg:$0xc];
	s24 =	simm.s32 $0x100  }
0x93: {  	[tilespmem:s24], [sflag:$0x1] =	stream.linear.gather [hbm4b:s23+s3], $0x20, $0x38;
	[tilespmem:$0x11730] =	vst v63  }
0x94: {  	s23 =	rddreg [dreg:$0xd];
	s24 =	simm.s32 $0x120  }
0x95: {  	[tilespmem:s24], [sflag:$0x1] =	stream.linear.gather [hbm4b:s23+s3], $0x20, $0x38;
	[tilespmem:$0x11730] =	vst v63  }
0x96: {  	s23 =	rddreg [dreg:$0xe];
	s24 =	simm.s32 $0x140  }
0x97: {  	[tilespmem:s24], [sflag:$0x1] =	stream.linear.gather [hbm4b:s23+s3], $0x20, $0x38;
	[tilespmem:$0x11730] =	vst v63  }
0x98: {  	s23 =	rddreg [dreg:$0xf];
	s24 =	simm.s32 $0x160  }
0x99: {  	[tilespmem:s24], [sflag:$0x1] =	stream.linear.gather [hbm4b:s23+s3], $0x20, $0x38;
	[tilespmem:$0x11730] =	vst v63  }
0x9a: {  	s23 =	rddreg [dreg:$0x10];
	s24 =	simm.s32 $0x180  }
0x9b: {  	[tilespmem:s24], [sflag:$0x1] =	stream.linear.gather [hbm4b:s23+s3], $0x20, $0x38;
	[tilespmem:$0x11730] =	vst v63  }
0x9c: {  	s23 =	rddreg [dreg:$0x11];
	s24 =	simm.s32 $0x1A0  }
0x9d: {  	[tilespmem:s24], [sflag:$0x1] =	stream.linear.gather [hbm4b:s23+s3], $0x20, $0x38;
	[tilespmem:$0x11730] =	vst v63  }
0x9e: {  	s23 =	rddreg [dreg:$0x12];
	s24 =	simm.s32 $0x1C0  }
0x9f: {  	[tilespmem:s24], [sflag:$0x1] =	stream.linear.gather [hbm4b:s23+s3], $0x20, $0x38;
	[tilespmem:$0x11730] =	vst v63  }
0xa0: {  	s23 =	rddreg [dreg:$0x13];
	s24 =	simm.s32 $0x1E0  }
0xa1: {  	[tilespmem:s24], [sflag:$0x1] =	stream.linear.gather [hbm4b:s23+s3], $0x20, $0x38;
	[tilespmem:$0x11730] =	vst v63  }
0xa2: {  	s23 =	rddreg [dreg:$0x14];
	s24 =	simm.s32 $0x200  }
0xa3: {  	[tilespmem:s24], [sflag:$0x1] =	stream.linear.gather [hbm4b:s23+s3], $0x20, $0x38;
	[tilespmem:$0x11730] =	vst v63  }
0xa4: {  	s23 =	rddreg [dreg:$0x15];
	s24 =	simm.s32 $0x220  }
0xa5: {  	[tilespmem:s24], [sflag:$0x1] =	stream.linear.gather [hbm4b:s23+s3], $0x20, $0x38;
	[tilespmem:$0x11730] =	vst v63  }
0xa6: {  	s23 =	rddreg [dreg:$0x16];
	s24 =	simm.s32 $0x240  }
0xa7: {  	[tilespmem:s24], [sflag:$0x1] =	stream.linear.gather [hbm4b:s23+s3], $0x20, $0x38;
	[tilespmem:$0x11730] =	vst v63  }
0xa8: {  	s23 =	rddreg [dreg:$0x17];
	s24 =	simm.s32 $0x260  }
0xa9: {  	[tilespmem:s24], [sflag:$0x1] =	stream.linear.gather [hbm4b:s23+s3], $0x20, $0x38;
	[tilespmem:$0x11730] =	vst v63  }
0xaa: {  	s23 =	rddreg [dreg:$0x18];
	s24 =	simm.s32 $0x280  }
0xab: {  	[tilespmem:s24], [sflag:$0x1] =	stream.linear.gather [hbm4b:s23+s3], $0x20, $0x38;
	[tilespmem:$0x11730] =	vst v63  }
0xac: {  	s23 =	rddreg [dreg:$0x19];
	s24 =	simm.s32 $0x2A0  }
0xad: {  	[tilespmem:s24], [sflag:$0x1] =	stream.linear.gather [hbm4b:s23+s3], $0x20, $0x38;
	[tilespmem:$0x11730] =	vst v63  }
0xae: {  	s23 =	rddreg [dreg:$0x1a];
	s24 =	simm.s32 $0x2C0  }
0xaf: {  	[tilespmem:s24], [sflag:$0x1] =	stream.linear.gather [hbm4b:s23+s3], $0x20, $0x38;
	[tilespmem:$0x11730] =	vst v63  }
0xb0: {  	s23 =	rddreg [dreg:$0x1b];
	s24 =	simm.s32 $0x2E0  }
0xb1: {  	[tilespmem:s24], [sflag:$0x1] =	stream.linear.gather [hbm4b:s23+s3], $0x20, $0x38;
	[tilespmem:$0x11730] =	vst v63  }
0xb2: {  	s23 =	rddreg [dreg:$0x1c];
	s24 =	simm.s32 $0x300  }
0xb3: {  	[tilespmem:s24], [sflag:$0x1] =	stream.linear.gather [hbm4b:s23+s3], $0x20, $0x38;
	[tilespmem:$0x11730] =	vst v63  }
0xb4: {  	s23 =	rddreg [dreg:$0x1d];
	s24 =	simm.s32 $0x320  }
0xb5: {  	[tilespmem:s24], [sflag:$0x1] =	stream.linear.gather [hbm4b:s23+s3], $0x20, $0x38;
	[tilespmem:$0x11730] =	vst v63  }
0xb6: {  	s23 =	rddreg [dreg:$0x1e];
	s24 =	simm.s32 $0x340  }
0xb7: {  	[tilespmem:s24], [sflag:$0x1] =	stream.linear.gather [hbm4b:s23+s3], $0x20, $0x38;
	[tilespmem:$0x11730] =	vst v63  }
0xb8: {  	s23 =	rddreg [dreg:$0x1f];
	s24 =	simm.s32 $0x360  }
0xb9: {  	[tilespmem:s24], [sflag:$0x1] =	stream.linear.gather [hbm4b:s23+s3], $0x20, $0x38;
	[tilespmem:$0x11730] =	vst v63  }
0xba: {  	s23 =	sld [smem:$0x7AC];
	_ =	sdelay $0x1  }
0xbb: {  	s24 =	simm.s32 $0x380  }
0xbc: {  	[tilespmem:s24], [sflag:$0x1] =	stream.linear.gather [hbm4b:s23+s3], $0x20, $0x38;
	[tilespmem:$0x11730] =	vst v63  }
0xbd: {  	s23 =	sld [smem:$0x7AD];
	_ =	sdelay $0x1  }
0xbe: {  	s24 =	simm.s32 $0x3A0  }
0xbf: {  	[tilespmem:s24], [sflag:$0x1] =	stream.linear.gather [hbm4b:s23+s3], $0x20, $0x38;
	[tilespmem:$0x11730] =	vst v63  }
0xc0: {  	s23 =	sld [smem:$0x7AE];
	_ =	sdelay $0x1  }
0xc1: {  	s24 =	simm.s32 $0x3C0  }
0xc2: {  	[tilespmem:s24], [sflag:$0x1] =	stream.linear.gather [hbm4b:s23+s3], $0x20, $0x38;
	[tilespmem:$0x11730] =	vst v63  }
0xc3: {  	s23 =	sld [smem:$0x7AF];
	_ =	sdelay $0x1  }
0xc4: {  	s24 =	simm.s32 $0x3E0  }
0xc5: {  	[tilespmem:s24], [sflag:$0x1] =	stream.linear.gather [hbm4b:s23+s3], $0x20, $0x38;
	[tilespmem:$0x11730] =	vst v63  }
0xc6: {  	s23 =	sld [smem:$0x7B0];
	_ =	sdelay $0x1  }
0xc7: {  	s24 =	simm.s32 $0x400  }
0xc8: {  	[tilespmem:s24], [sflag:$0x1] =	stream.linear.gather [hbm4b:s23+s3], $0x20, $0x38;
	[tilespmem:$0x11730] =	vst v63  }
0xc9: {  	s23 =	sld [smem:$0x7B1];
	_ =	sdelay $0x1  }
0xca: {  	s24 =	simm.s32 $0x420  }
0xcb: {  	[tilespmem:s24], [sflag:$0x1] =	stream.linear.gather [hbm4b:s23+s3], $0x20, $0x38;
	[tilespmem:$0x11730] =	vst v63  }
0xcc: {  	s23 =	sld [smem:$0x7B2];
	_ =	sdelay $0x1  }
0xcd: {  	s24 =	simm.s32 $0x440  }
0xce: {  	[tilespmem:s24], [sflag:$0x1] =	stream.linear.gather [hbm4b:s23+s3], $0x20, $0x38;
	[tilespmem:$0x11730] =	vst v63  }
0xcf: {  	s23 =	sld [smem:$0x7B3];
	_ =	sdelay $0x1  }
0xd0: {  	s24 =	simm.s32 $0x460  }
0xd1: {  	[tilespmem:s24], [sflag:$0x1] =	stream.linear.gather [hbm4b:s23+s3], $0x20, $0x38;
	[tilespmem:$0x11730] =	vst v63  }
0xd2: {  	s23 =	sld [smem:$0x7B4];
	_ =	sdelay $0x1  }
0xd3: {  	s24 =	simm.s32 $0x480  }
0xd4: {  	[tilespmem:s24], [sflag:$0x1] =	stream.linear.gather [hbm4b:s23+s3], $0x20, $0x38;
	[tilespmem:$0x11730] =	vst v63  }
0xd5: {  	s23 =	sld [smem:$0x7B5];
	_ =	sdelay $0x1  }
0xd6: {  	s24 =	simm.s32 $0x4A0  }
0xd7: {  	[tilespmem:s24], [sflag:$0x1] =	stream.linear.gather [hbm4b:s23+s3], $0x20, $0x38;
	[tilespmem:$0x11730] =	vst v63  }
0xd8: {  	s23 =	sld [smem:$0x7B6];
	_ =	sdelay $0x1  }
0xd9: {  	s24 =	simm.s32 $0x4C0  }
0xda: {  	[tilespmem:s24], [sflag:$0x1] =	stream.linear.gather [hbm4b:s23+s3], $0x20, $0x38;
	[tilespmem:$0x11730] =	vst v63  }
0xdb: {  	s23 =	sld [smem:$0x7B7];
	_ =	sdelay $0x1  }
0xdc: {  	s24 =	simm.s32 $0x4E0  }
0xdd: {  	[tilespmem:s24], [sflag:$0x1] =	stream.linear.gather [hbm4b:s23+s3], $0x20, $0x38;
	[tilespmem:$0x11730] =	vst v63  }
0xde: {  	s23 =	sld [smem:$0x7B8];
	_ =	sdelay $0x1  }
0xdf: {  	s24 =	simm.s32 $0x500  }
0xe0: {  	[tilespmem:s24], [sflag:$0x1] =	stream.linear.gather [hbm4b:s23+s3], $0x20, $0x38;
	[tilespmem:$0x11730] =	vst v63  }
0xe1: {  	s23 =	sld [smem:$0x7B9];
	_ =	sdelay $0x1  }
0xe2: {  	s24 =	simm.s32 $0x520  }
0xe3: {  	[tilespmem:s24], [sflag:$0x1] =	stream.linear.gather [hbm4b:s23+s3], $0x20, $0x38;
	[tilespmem:$0x11730] =	vst v63  }
0xe4: {  	s23 =	sld [smem:$0x7BA];
	_ =	sdelay $0x1  }
0xe5: {  	s24 =	simm.s32 $0x540  }
0xe6: {  	[tilespmem:s24], [sflag:$0x1] =	stream.linear.gather [hbm4b:s23+s3], $0x20, $0x38;
	[tilespmem:$0x11730] =	vst v63  }
0xe7: {  	s23 =	sld [smem:$0x7BB];
	_ =	sdelay $0x1  }
0xe8: {  	s24 =	simm.s32 $0x560  }
0xe9: {  	[tilespmem:s24], [sflag:$0x1] =	stream.linear.gather [hbm4b:s23+s3], $0x20, $0x38;
	[tilespmem:$0x11730] =	vst v63  }
0xea: {  	s23 =	sld [smem:$0x7BC];
	_ =	sdelay $0x1  }
0xeb: {  	s24 =	simm.s32 $0x580  }
0xec: {  	[tilespmem:s24], [sflag:$0x1] =	stream.linear.gather [hbm4b:s23+s3], $0x20, $0x38;
	[tilespmem:$0x11730] =	vst v63  }
0xed: {  	s23 =	sld [smem:$0x7BD];
	_ =	sdelay $0x1  }
0xee: {  	s24 =	simm.s32 $0x5A0  }
0xef: {  	[tilespmem:s24], [sflag:$0x1] =	stream.linear.gather [hbm4b:s23+s3], $0x20, $0x38;
	[tilespmem:$0x11730] =	vst v63  }
0xf0: {  	s23 =	sld [smem:$0x7BE];
	_ =	sdelay $0x1  }
0xf1: {  	s24 =	simm.s32 $0x5C0  }
0xf2: {  	[tilespmem:s24], [sflag:$0x1] =	stream.linear.gather [hbm4b:s23+s3], $0x20, $0x38;
	[tilespmem:$0x11730] =	vst v63  }
0xf3: {  	s23 =	sld [smem:$0x7BF];
	_ =	sdelay $0x1  }
0xf4: {  	s24 =	simm.s32 $0x5E0  }
0xf5: {  	[tilespmem:s24], [sflag:$0x1] =	stream.linear.gather [hbm4b:s23+s3], $0x20, $0x38;
	[tilespmem:$0x11730] =	vst v63  }
0xf6: {  	s23 =	sld [smem:$0x7C0];
	_ =	sdelay $0x1  }
0xf7: {  	s24 =	simm.s32 $0x600  }
0xf8: {  	[tilespmem:s24], [sflag:$0x1] =	stream.linear.gather [hbm4b:s23+s3], $0x20, $0x38;
	[tilespmem:$0x11730] =	vst v63  }
0xf9: {  	s23 =	sld [smem:$0x7C1];
	_ =	sdelay $0x1  }
0xfa: {  	s24 =	simm.s32 $0x620  }
0xfb: {  	[tilespmem:s24], [sflag:$0x1] =	stream.linear.gather [hbm4b:s23+s3], $0x20, $0x38;
	[tilespmem:$0x11730] =	vst v63  }
0xfc: {  	s23 =	sld [smem:$0x7C2];
	_ =	sdelay $0x1  }
0xfd: {  	s24 =	simm.s32 $0x640  }
0xfe: {  	[tilespmem:s24], [sflag:$0x1] =	stream.linear.gather [hbm4b:s23+s3], $0x20, $0x38;
	[tilespmem:$0x11730] =	vst v63  }
0xff: {  	s23 =	sld [smem:$0x7C3];
	_ =	sdelay $0x1  }
0x100: {  	s24 =	simm.s32 $0x660  }
0x101: {  	[tilespmem:s24], [sflag:$0x1] =	stream.linear.gather [hbm4b:s23+s3], $0x20, $0x38;
	[tilespmem:$0x11730] =	vst v63  }
0x102: {  	s23 =	sld [smem:$0x7C4];
	_ =	sdelay $0x1  }
0x103: {  	s24 =	simm.s32 $0x680  }
0x104: {  	[tilespmem:s24], [sflag:$0x1] =	stream.linear.gather [hbm4b:s23+s3], $0x20, $0x38;
	[tilespmem:$0x11730] =	vst v63  }
0x105: {  	s23 =	sld [smem:$0x7C5];
	_ =	sdelay $0x1  }
0x106: {  	s24 =	simm.s32 $0x6A0  }
0x107: {  	[tilespmem:s24], [sflag:$0x1] =	stream.linear.gather [hbm4b:s23+s3], $0x20, $0x38;
	[tilespmem:$0x11730] =	vst v63  }
0x108: {  	s22 =	sld [smem:$0x7C6];
	_ =	sdelay $0x1  }
0x109: {  	s24 =	simm.s32 $0x6C0;
	s23 =	sld [smem:$0x7C7]  }
0x10a: {  	[tilespmem:s24], [sflag:$0x1] =	stream.linear.gather [hbm4b:s22+s3], $0x20, $0x38;
	[tilespmem:$0x11730] =	vst v63  }
0x10b: {  	s24 =	simm.s32 $0x6E0  }
0x10c: {  	[tilespmem:s24], [sflag:$0x1] =	stream.linear.gather [hbm4b:s23+s3], $0x20, $0x38;
	[tilespmem:$0x11730] =	vst v63  }
0x10d: {  	s23 =	sld [smem:$0x7C8];
	_ =	sdelay $0x1  }
0x10e: {  	s24 =	simm.s32 $0x700  }
0x10f: {  	[tilespmem:s24], [sflag:$0x1] =	stream.linear.gather [hbm4b:s23+s3], $0x20, $0x38;
	[tilespmem:$0x11730] =	vst v63  }
0x110: {  	s23 =	sld [smem:$0x7C9];
	_ =	sdelay $0x1  }
0x111: {  	s24 =	simm.s32 $0x720  }
0x112: {  	[tilespmem:s24], [sflag:$0x1] =	stream.linear.gather [hbm4b:s23+s3], $0x20, $0x38;
	[tilespmem:$0x11730] =	vst v63  }
0x113: {  	s23 =	sld [smem:$0x7CA];
	_ =	sdelay $0x1  }
0x114: {  	s24 =	simm.s32 $0x740  }
0x115: {  	[tilespmem:s24], [sflag:$0x1] =	stream.linear.gather [hbm4b:s23+s3], $0x20, $0x38;
	[tilespmem:$0x11730] =	vst v63  }
0x116: {  	s23 =	sld [smem:$0x7CB];
	_ =	sdelay $0x1  }
0x117: {  	s24 =	simm.s32 $0x760  }
0x118: {  	[tilespmem:s24], [sflag:$0x1] =	stream.linear.gather [hbm4b:s23+s3], $0x20, $0x38;
	[tilespmem:$0x11730] =	vst v63  }
0x119: {  	s23 =	sld [smem:$0x7CC];
	_ =	sdelay $0x1  }
0x11a: {  	s24 =	simm.s32 $0x780  }
0x11b: {  	[tilespmem:s24], [sflag:$0x1] =	stream.linear.gather [hbm4b:s23+s3], $0x20, $0x38;
	[tilespmem:$0x11730] =	vst v63  }
0x11c: {  	s23 =	sld [smem:$0x7CD];
	_ =	sdelay $0x1  }
0x11d: {  	s24 =	simm.s32 $0x7A0  }
0x11e: {  	[tilespmem:s24], [sflag:$0x1] =	stream.linear.gather [hbm4b:s23+s3], $0x20, $0x38;
	[tilespmem:$0x11730] =	vst v63  }
0x11f: {  	s23 =	sld [smem:$0x7CE];
	_ =	sdelay $0x1  }
0x120: {  	s24 =	simm.s32 $0x7C0  }
0x121: {  	[tilespmem:s24], [sflag:$0x1] =	stream.linear.gather [hbm4b:s23+s3], $0x20, $0x38;
	[tilespmem:$0x11730] =	vst v63  }
0x122: {  	s23 =	sld [smem:$0x7CF];
	_ =	sdelay $0x1  }
0x123: {  	s24 =	simm.s32 $0x7E0  }
0x124: {  	[tilespmem:s24], [sflag:$0x1] =	stream.linear.gather [hbm4b:s23+s3], $0x20, $0x38;
	[tilespmem:$0x11730] =	vst v63  }
0x125: {  	s23 =	sld [smem:$0x7D0];
	_ =	sdelay $0x1  }
0x126: {  	s24 =	simm.s32 $0x800  }
0x127: {  	[tilespmem:s24], [sflag:$0x1] =	stream.linear.gather [hbm4b:s23+s3], $0x20, $0x38;
	[tilespmem:$0x11730] =	vst v63  }
0x128: {  	s23 =	sld [smem:$0x7D1];
	_ =	sdelay $0x1  }
0x129: {  	s24 =	simm.s32 $0x820  }
0x12a: {  	[tilespmem:s24], [sflag:$0x1] =	stream.linear.gather [hbm4b:s23+s3], $0x20, $0x38;
	[tilespmem:$0x11730] =	vst v63  }
0x12b: {  	s23 =	sld [smem:$0x7D2];
	_ =	sdelay $0x1  }
0x12c: {  	s24 =	simm.s32 $0x840  }
0x12d: {  	[tilespmem:s24], [sflag:$0x1] =	stream.linear.gather [hbm4b:s23+s3], $0x20, $0x38;
	[tilespmem:$0x11730] =	vst v63  }
0x12e: {  	s23 =	sld [smem:$0x7D3];
	_ =	sdelay $0x1  }
0x12f: {  	s24 =	simm.s32 $0x860  }
0x130: {  	[tilespmem:s24], [sflag:$0x1] =	stream.linear.gather [hbm4b:s23+s3], $0x20, $0x38;
	[tilespmem:$0x11730] =	vst v63  }
0x131: {  	s23 =	sld [smem:$0x7D4];
	_ =	sdelay $0x1  }
0x132: {  	s24 =	simm.s32 $0x880  }
0x133: {  	[tilespmem:s24], [sflag:$0x1] =	stream.linear.gather [hbm4b:s23+s3], $0x20, $0x38;
	[tilespmem:$0x11730] =	vst v63  }
0x134: {  	s23 =	sld [smem:$0x7D5];
	_ =	sdelay $0x1  }
0x135: {  	s24 =	simm.s32 $0x8A0  }
0x136: {  	[tilespmem:s24], [sflag:$0x1] =	stream.linear.gather [hbm4b:s23+s3], $0x20, $0x38;
	[tilespmem:$0x11730] =	vst v63  }
0x137: {  	s23 =	sld [smem:$0x7D6];
	_ =	sdelay $0x1  }
0x138: {  	s24 =	simm.s32 $0x8C0  }
0x139: {  	[tilespmem:s24], [sflag:$0x1] =	stream.linear.gather [hbm4b:s23+s3], $0x20, $0x38;
	[tilespmem:$0x11730] =	vst v63  }
0x13a: {  	s23 =	sld [smem:$0x7D7];
	_ =	sdelay $0x1  }
0x13b: {  	s24 =	simm.s32 $0x8E0  }
0x13c: {  	[tilespmem:s24], [sflag:$0x1] =	stream.linear.gather [hbm4b:s23+s3], $0x20, $0x38;
	[tilespmem:$0x11730] =	vst v63  }
0x13d: {  	s23 =	sld [smem:$0x7D8];
	_ =	sdelay $0x1  }
0x13e: {  	s24 =	simm.s32 $0x900  }
0x13f: {  	[tilespmem:s24], [sflag:$0x1] =	stream.linear.gather [hbm4b:s23+s3], $0x20, $0x38;
	[tilespmem:$0x11730] =	vst v63  }
0x140: {  	s23 =	sld [smem:$0x7D9];
	_ =	sdelay $0x1  }
0x141: {  	s24 =	simm.s32 $0x920  }
0x142: {  	[tilespmem:s24], [sflag:$0x1] =	stream.linear.gather [hbm4b:s23+s3], $0x20, $0x38;
	[tilespmem:$0x11730] =	vst v63  }
0x143: {  	s23 =	sld [smem:$0x7DA];
	_ =	sdelay $0x1  }
0x144: {  	s24 =	simm.s32 $0x940  }
0x145: {  	[tilespmem:s24], [sflag:$0x1] =	stream.linear.gather [hbm4b:s23+s3], $0x20, $0x38;
	[tilespmem:$0x11730] =	vst v63  }
0x146: {  	s23 =	sld [smem:$0x7DB];
	_ =	sdelay $0x1  }
0x147: {  	s24 =	simm.s32 $0x960  }
0x148: {  	[tilespmem:s24], [sflag:$0x1] =	stream.linear.gather [hbm4b:s23+s3], $0x20, $0x38;
	[tilespmem:$0x11730] =	vst v63  }
0x149: {  	s23 =	sld [smem:$0x7DC];
	_ =	sdelay $0x1  }
0x14a: {  	s24 =	simm.s32 $0x980  }
0x14b: {  	[tilespmem:s24], [sflag:$0x1] =	stream.linear.gather [hbm4b:s23+s3], $0x20, $0x38;
	[tilespmem:$0x11730] =	vst v63  }
0x14c: {  	s23 =	sld [smem:$0x7DD];
	_ =	sdelay $0x1  }
0x14d: {  	s24 =	simm.s32 $0x9A0  }
0x14e: {  	[tilespmem:s24], [sflag:$0x1] =	stream.linear.gather [hbm4b:s23+s3], $0x20, $0x38;
	[tilespmem:$0x11730] =	vst v63  }
0x14f: {  	s23 =	sld [smem:$0x7DE];
	_ =	sdelay $0x1  }
0x150: {  	s24 =	simm.s32 $0x9C0  }
0x151: {  	[tilespmem:s24], [sflag:$0x1] =	stream.linear.gather [hbm4b:s23+s3], $0x20, $0x38;
	[tilespmem:$0x11730] =	vst v63  }
0x152: {  	s23 =	sld [smem:$0x7DF];
	_ =	sdelay $0x1  }
0x153: {  	s24 =	simm.s32 $0x9E0  }
0x154: {  	[tilespmem:s24], [sflag:$0x1] =	stream.linear.gather [hbm4b:s23+s3], $0x20, $0x38;
	[tilespmem:$0x11730] =	vst v63  }
0x155: {  	s23 =	sld [smem:$0x7E0];
	_ =	sdelay $0x1  }
0x156: {  	s24 =	simm.s32 $0xA00  }
0x157: {  	[tilespmem:s24], [sflag:$0x1] =	stream.linear.gather [hbm4b:s23+s3], $0x20, $0x38;
	[tilespmem:$0x11730] =	vst v63  }
0x158: {  	s23 =	sld [smem:$0x7E1];
	_ =	sdelay $0x1  }
0x159: {  	s24 =	simm.s32 $0xA20  }
0x15a: {  	[tilespmem:s24], [sflag:$0x1] =	stream.linear.gather [hbm4b:s23+s3], $0x20, $0x38;
	[tilespmem:$0x11730] =	vst v63  }
0x15b: {  	s23 =	sld [smem:$0x7E2];
	_ =	sdelay $0x1  }
0x15c: {  	s24 =	simm.s32 $0xA40  }
0x15d: {  	[tilespmem:s24], [sflag:$0x1] =	stream.linear.gather [hbm4b:s23+s3], $0x20, $0x38;
	[tilespmem:$0x11730] =	vst v63  }
0x15e: {  	s23 =	sld [smem:$0x7E3];
	_ =	sdelay $0x1  }
0x15f: {  	s24 =	simm.s32 $0xA60  }
0x160: {  	[tilespmem:s24], [sflag:$0x1] =	stream.linear.gather [hbm4b:s23+s3], $0x20, $0x38;
	[tilespmem:$0x11730] =	vst v63  }
0x161: {  	s23 =	sld [smem:$0x7E4];
	_ =	sdelay $0x1  }
0x162: {  	s24 =	simm.s32 $0xA80  }
0x163: {  	[tilespmem:s24], [sflag:$0x1] =	stream.linear.gather [hbm4b:s23+s3], $0x20, $0x38;
	[tilespmem:$0x11730] =	vst v63  }
0x164: {  	s23 =	sld [smem:$0x7E5];
	_ =	sdelay $0x1  }
0x165: {  	s24 =	simm.s32 $0xAA0  }
0x166: {  	[tilespmem:s24], [sflag:$0x1] =	stream.linear.gather [hbm4b:s23+s3], $0x20, $0x38;
	[tilespmem:$0x11730] =	vst v63  }
0x167: {  	s23 =	sld [smem:$0x7E6];
	_ =	sdelay $0x1  }
0x168: {  	s24 =	simm.s32 $0xAC0  }
0x169: {  	[tilespmem:s24], [sflag:$0x1] =	stream.linear.gather [hbm4b:s23+s3], $0x20, $0x38;
	[tilespmem:$0x11730] =	vst v63  }
0x16a: {  	s23 =	sld [smem:$0x7E7];
	_ =	sdelay $0x1  }
0x16b: {  	s24 =	simm.s32 $0xAE0  }
0x16c: {  	[tilespmem:s24], [sflag:$0x1] =	stream.linear.gather [hbm4b:s23+s3], $0x20, $0x38;
	[tilespmem:$0x11730] =	vst v63  }
0x16d: {  	s23 =	sld [smem:$0x7E8];
	_ =	sdelay $0x1  }
0x16e: {  	s24 =	simm.s32 $0xB00  }
0x16f: {  	[tilespmem:s24], [sflag:$0x1] =	stream.linear.gather [hbm4b:s23+s3], $0x20, $0x38;
	[tilespmem:$0x11730] =	vst v63  }
0x170: {  	s23 =	sld [smem:$0x7E9];
	_ =	sdelay $0x1  }
0x171: {  	s24 =	simm.s32 $0xB20  }
0x172: {  	[tilespmem:s24], [sflag:$0x1] =	stream.linear.gather [hbm4b:s23+s3], $0x20, $0x38;
	[tilespmem:$0x11730] =	vst v63  }
0x173: {  	s23 =	sld [smem:$0x7EA];
	_ =	sdelay $0x1  }
0x174: {  	s24 =	simm.s32 $0xB40  }
0x175: {  	[tilespmem:s24], [sflag:$0x1] =	stream.linear.gather [hbm4b:s23+s3], $0x20, $0x38;
	[tilespmem:$0x11730] =	vst v63  }
0x176: {  	s23 =	sld [smem:$0x7EB];
	_ =	sdelay $0x1  }
0x177: {  	s24 =	simm.s32 $0xB60  }
0x178: {  	[tilespmem:s24], [sflag:$0x1] =	stream.linear.gather [hbm4b:s23+s3], $0x20, $0x38;
	[tilespmem:$0x11730] =	vst v63  }
0x179: {  	s23 =	sld [smem:$0x7EC];
	_ =	sdelay $0x1  }
0x17a: {  	s24 =	simm.s32 $0xB80  }
0x17b: {  	[tilespmem:s24], [sflag:$0x1] =	stream.linear.gather [hbm4b:s23+s3], $0x20, $0x38;
	[tilespmem:$0x11730] =	vst v63  }
0x17c: {  	s23 =	sld [smem:$0x7ED];
	_ =	sdelay $0x1  }
0x17d: {  	s24 =	simm.s32 $0xBA0  }
0x17e: {  	[tilespmem:s24], [sflag:$0x1] =	stream.linear.gather [hbm4b:s23+s3], $0x20, $0x38;
	[tilespmem:$0x11730] =	vst v63  }
0x17f: {  	s23 =	sld [smem:$0x7EE];
	_ =	sdelay $0x1  }
0x180: {  	s24 =	simm.s32 $0xBC0  }
0x181: {  	[tilespmem:s24], [sflag:$0x1] =	stream.linear.gather [hbm4b:s23+s3], $0x20, $0x38;
	[tilespmem:$0x11730] =	vst v63  }
0x182: {  	s23 =	sld [smem:$0x7EF];
	_ =	sdelay $0x1  }
0x183: {  	s24 =	simm.s32 $0xBE0  }
0x184: {  	[tilespmem:s24], [sflag:$0x1] =	stream.linear.gather [hbm4b:s23+s3], $0x20, $0x38;
	[tilespmem:$0x11730] =	vst v63  }
0x185: {  	s23 =	sld [smem:$0x7F0];
	_ =	sdelay $0x1  }
0x186: {  	s24 =	simm.s32 $0xC00  }
0x187: {  	[tilespmem:s24], [sflag:$0x1] =	stream.linear.gather [hbm4b:s23+s3], $0x20, $0x38;
	[tilespmem:$0x11730] =	vst v63  }
0x188: {  	s23 =	sld [smem:$0x7F1];
	_ =	sdelay $0x1  }
0x189: {  	s24 =	simm.s32 $0xC20  }
0x18a: {  	[tilespmem:s24], [sflag:$0x1] =	stream.linear.gather [hbm4b:s23+s3], $0x20, $0x38;
	[tilespmem:$0x11730] =	vst v63  }
0x18b: {  	s23 =	sld [smem:$0x7F2];
	_ =	sdelay $0x1  }
0x18c: {  	s24 =	simm.s32 $0xC40  }
0x18d: {  	[tilespmem:s24], [sflag:$0x1] =	stream.linear.gather [hbm4b:s23+s3], $0x20, $0x38;
	[tilespmem:$0x11730] =	vst v63  }
0x18e: {  	s23 =	sld [smem:$0x7F3];
	_ =	sdelay $0x1  }
0x18f: {  	s24 =	simm.s32 $0xC60  }
0x190: {  	[tilespmem:s24], [sflag:$0x1] =	stream.linear.gather [hbm4b:s23+s3], $0x20, $0x38;
	[tilespmem:$0x11730] =	vst v63  }
0x191: {  	s23 =	sld [smem:$0x7F4];
	_ =	sdelay $0x1  }
0x192: {  	s24 =	simm.s32 $0xC80  }
0x193: {  	[tilespmem:s24], [sflag:$0x1] =	stream.linear.gather [hbm4b:s23+s3], $0x20, $0x38;
	[tilespmem:$0x11730] =	vst v63  }
0x194: {  	s23 =	sld [smem:$0x7F5];
	_ =	sdelay $0x1  }
0x195: {  	s24 =	simm.s32 $0xCA0  }
0x196: {  	[tilespmem:s24], [sflag:$0x1] =	stream.linear.gather [hbm4b:s23+s3], $0x20, $0x38;
	[tilespmem:$0x11730] =	vst v63  }
0x197: {  	s23 =	sld [smem:$0x7F6];
	_ =	sdelay $0x1  }
0x198: {  	s24 =	simm.s32 $0xCC0  }
0x199: {  	[tilespmem:s24], [sflag:$0x1] =	stream.linear.gather [hbm4b:s23+s3], $0x20, $0x38;
	[tilespmem:$0x11730] =	vst v63  }
0x19a: {  	s23 =	sld [smem:$0x7F7];
	_ =	sdelay $0x1  }
0x19b: {  	s24 =	simm.s32 $0xCE0  }
0x19c: {  	[tilespmem:s24], [sflag:$0x1] =	stream.linear.gather [hbm4b:s23+s3], $0x20, $0x38;
	[tilespmem:$0x11730] =	vst v63  }
0x19d: {  	s23 =	sld [smem:$0x7F8];
	_ =	sdelay $0x1  }
0x19e: {  	s24 =	simm.s32 $0xD00  }
0x19f: {  	[tilespmem:s24], [sflag:$0x1] =	stream.linear.gather [hbm4b:s23+s3], $0x20, $0x38;
	[tilespmem:$0x11730] =	vst v63  }
0x1a0: {  	s23 =	sld [smem:$0x7F9];
	_ =	sdelay $0x1  }
0x1a1: {  	s24 =	simm.s32 $0xD20  }
0x1a2: {  	[tilespmem:s24], [sflag:$0x1] =	stream.linear.gather [hbm4b:s23+s3], $0x20, $0x38;
	[tilespmem:$0x11730] =	vst v63  }
0x1a3: {  	s23 =	sld [smem:$0x7FA];
	_ =	sdelay $0x1  }
0x1a4: {  	s24 =	simm.s32 $0xD40  }
0x1a5: {  	[tilespmem:s24], [sflag:$0x1] =	stream.linear.gather [hbm4b:s23+s3], $0x20, $0x38;
	[tilespmem:$0x11730] =	vst v63  }
0x1a6: {  	s23 =	sld [smem:$0x7FB];
	_ =	sdelay $0x1  }
0x1a7: {  	s24 =	simm.s32 $0xD60  }
0x1a8: {  	[tilespmem:s24], [sflag:$0x1] =	stream.linear.gather [hbm4b:s23+s3], $0x20, $0x38;
	[tilespmem:$0x11730] =	vst v63  }
0x1a9: {  	s23 =	sld [smem:$0x7FC];
	_ =	sdelay $0x1  }
0x1aa: {  	s24 =	simm.s32 $0xD80  }
0x1ab: {  	[tilespmem:s24], [sflag:$0x1] =	stream.linear.gather [hbm4b:s23+s3], $0x20, $0x38;
	[tilespmem:$0x11730] =	vst v63  }
0x1ac: {  	s23 =	sld [smem:$0x7FD];
	_ =	sdelay $0x1  }
0x1ad: {  	s24 =	simm.s32 $0xDA0  }
0x1ae: {  	[tilespmem:s24], [sflag:$0x1] =	stream.linear.gather [hbm4b:s23+s3], $0x20, $0x38;
	[tilespmem:$0x11730] =	vst v63  }
0x1af: {  	s24 =	simm.s32 $0xDC0  }
0x1b0: {  	[tilespmem:s24], [sflag:$0x1] =	stream.linear.gather [hbm4b:s25+s3], $0x20, $0x38;
	[tilespmem:$0x11730] =	vst v63  }
0x1b1: {  	s23 =	simm.s32 $0xDE0  }
0x1b2: {  	[tilespmem:s23], [sflag:$0x1] =	stream.linear.gather [hbm4b:s26+s3], $0x20, $0x38;
	[tilespmem:$0x11730] =	vst v63  }
0x1b3: {  	s24 =	simm.s32 $0xE00  }
0x1b4: {  	[tilespmem:s24], [sflag:$0x1] =	stream.linear.gather [hbm4b:s28+s3], $0x20, $0x38;
	[tilespmem:$0x11730] =	vst v63  }
0x1b5: {  	s23 =	simm.s32 $0xE20  }
0x1b6: {  	[tilespmem:s23], [sflag:$0x1] =	stream.linear.gather [hbm4b:s29+s3], $0x20, $0x38;
	[tilespmem:$0x11730] =	vst v63  }
0x1b7: {  	s24 =	simm.s32 $0xE40  }
0x1b8: {  	[tilespmem:s24], [sflag:$0x1] =	stream.linear.gather [hbm4b:s30+s3], $0x20, $0x38;
	[tilespmem:$0x11730] =	vst v63  }
0x1b9: {  	s23 =	simm.s32 $0xE60  }
0x1ba: {  	[tilespmem:s23], [sflag:$0x1] =	stream.linear.gather [hbm4b:s31+s3], $0x20, $0x38;
	[tilespmem:$0x11730] =	vst v63  }
0x1bb: {  	s24 =	simm.s32 $0xE80  }
0x1bc: {  	[tilespmem:s24], [sflag:$0x1] =	stream.linear.gather [hbm4b:s0+s3], $0x20, $0x38;
	[tilespmem:$0x11730] =	vst v63  }
0x1bd: {  	s23 =	simm.s32 $0xEA0  }
0x1be: {  	[tilespmem:s23], [sflag:$0x1] =	stream.linear.gather [hbm4b:s1+s3], $0x20, $0x38;
	[tilespmem:$0x11730] =	vst v63  }
0x1bf: {  	s24 =	simm.s32 $0xEC0  }
0x1c0: {  	[tilespmem:s24], [sflag:$0x1] =	stream.linear.gather [hbm4b:s2+s3], $0x20, $0x38;
	[tilespmem:$0x11730] =	vst v63  }
0x1c1: {  	s23 =	simm.s32 $0xEE0  }
0x1c2: {  	[tilespmem:s23], [sflag:$0x1] =	stream.linear.gather [hbm4b:s4+s3], $0x20, $0x38;
	[tilespmem:$0x11730] =	vst v63  }
0x1c3: {  	s24 =	simm.s32 $0xF00  }
0x1c4: {  	[tilespmem:s24], [sflag:$0x1] =	stream.linear.gather [hbm4b:s5+s3], $0x20, $0x38;
	[tilespmem:$0x11730] =	vst v63  }
0x1c5: {  	_ =	swait.ge [sflag:s19], $0x20  }
0x1c6: {  	[sflag:s19] =	ssyncset.done $0x0  }
0x1c7: {  	[sflag:s19] =	ssyncadd.s32 $0xFFFFFFE0  }
0x1c8: {  	_ =	swait.ge [sflag:s19], $0x20  }
0x1c9: {  	[sflag:s19] =	ssyncset.done $0x0  }
0x1ca: {  	[sflag:s19] =	ssyncadd.s32 $0xFFFFFFE0  }
0x1cb: {  	_ =	swait.ge [sflag:s19], $0x20  }
0x1cc: {  	[sflag:s19] =	ssyncset.done $0x0  }
0x1cd: {  	[sflag:s19] =	ssyncadd.s32 $0xFFFFFFE0  }
0x1ce: {  	_ =	swait.ge [sflag:s19], $0x20  }
0x1cf: {  	[sflag:s19] =	ssyncset.done $0x0  }
0x1d0: {  	[sflag:s19] =	ssyncadd.s32 $0xFFFFFFE0  }
0x1d1: {  	_ =	swait.ge [sflag:s19], $0x20  }
0x1d2: {  	[sflag:s19] =	ssyncset.done $0x0  }
0x1d3: {  	[sflag:s19] =	ssyncadd.s32 $0xFFFFFFE0  }
0x1d4: {  	_ =	swait.ge [sflag:s19], $0x20  }
0x1d5: {  	[sflag:s19] =	ssyncset.done $0x0  }
0x1d6: {  	[sflag:s19] =	ssyncadd.s32 $0xFFFFFFE0  }
0x1d7: {  	_ =	swait.ge [sflag:s19], $0x20  }
0x1d8: {  	[sflag:s19] =	ssyncset.done $0x0  }
0x1d9: {  	[sflag:s19] =	ssyncadd.s32 $0xFFFFFFE0  }
0x1da: {  	_ =	swait.ge [sflag:s19], $0x20  }
0x1db: {  	[sflag:s19] =	ssyncset.done $0x0  }
0x1dc: {  	[sflag:s19] =	ssyncadd.s32 $0xFFFFFFE0  }
0x1dd: {  	_ =	swait.ge [sflag:s19], $0x20  }
0x1de: {  	[sflag:s19] =	ssyncset.done $0x0  }
0x1df: {  	[sflag:s19] =	ssyncadd.s32 $0xFFFFFFE0  }
0x1e0: {  	_ =	swait.ge [sflag:s19], $0x20  }
0x1e1: {  	[sflag:s19] =	ssyncset.done $0x0  }
0x1e2: {  	[sflag:s19] =	ssyncadd.s32 $0xFFFFFFE0  }
0x1e3: {  	_ =	swait.ge [sflag:s19], $0x20  }
0x1e4: {  	[sflag:s19] =	ssyncset.done $0x0  }
0x1e5: {  	[sflag:s19] =	ssyncadd.s32 $0xFFFFFFE0  }
0x1e6: {  	_ =	swait.ge [sflag:s19], $0x20  }
0x1e7: {  	[sflag:s19] =	ssyncset.done $0x0  }
0x1e8: {  	[sflag:s19] =	ssyncadd.s32 $0xFFFFFFE0  }
0x1e9: {  	_ =	swait.ge [sflag:s19], $0x20  }
0x1ea: {  	[sflag:s19] =	ssyncset.done $0x0  }
0x1eb: {  	[sflag:s19] =	ssyncadd.s32 $0xFFFFFFE0  }
0x1ec: {  	_ =	swait.ge [sflag:s19], $0x20  }
0x1ed: {  	[sflag:s19] =	ssyncset.done $0x0  }
0x1ee: {  	[sflag:s19] =	ssyncadd.s32 $0xFFFFFFE0  }
0x1ef: {  	_ =	swait.ge [sflag:s19], $0x20  }
0x1f0: {  	[sflag:s19] =	ssyncset.done $0x0  }
0x1f1: {  	[sflag:s19] =	ssyncadd.s32 $0xFFFFFFE0  }
0x1f2: {  	_ =	swait.ge [sflag:s19], $0x20  }
0x1f3: {  	[sflag:s19] =	ssyncset.done $0x0  }
0x1f4: {  	[sflag:s19] =	ssyncadd.s32 $0xFFFFFFE0  }
0x1f5: {  	_ =	swait.ge [sflag:s19], $0x20  }
0x1f6: {  	[sflag:s19] =	ssyncset.done $0x0  }
0x1f7: {  	[sflag:s19] =	ssyncadd.s32 $0xFFFFFFE0  }
0x1f8: {  	_ =	swait.ge [sflag:s19], $0x20  }
0x1f9: {  	[sflag:s19] =	ssyncset.done $0x0  }
0x1fa: {  	[sflag:s19] =	ssyncadd.s32 $0xFFFFFFE0  }
0x1fb: {  	_ =	swait.ge [sflag:s19], $0x20  }
0x1fc: {  	[sflag:s19] =	ssyncset.done $0x0  }
0x1fd: {  	[sflag:s19] =	ssyncadd.s32 $0xFFFFFFE0  }
0x1fe: {  	_ =	swait.ge [sflag:s19], $0x20  }
0x1ff: {  	[sflag:s19] =	ssyncset.done $0x0  }
0x200: {  	[sflag:s19] =	ssyncadd.s32 $0xFFFFFFE0  }
0x201: {  	_ =	swait.ge [sflag:s19], $0x20  }
0x202: {  	[sflag:s19] =	ssyncset.done $0x0  }
0x203: {  	[sflag:s19] =	ssyncadd.s32 $0xFFFFFFE0  }
0x204: {  	_ =	swait.ge [sflag:s19], $0x20  }
0x205: {  	[sflag:s19] =	ssyncset.done $0x0  }
0x206: {  	[sflag:s19] =	ssyncadd.s32 $0xFFFFFFE0  }
0x207: {  	_ =	swait.ge [sflag:s19], $0x20  }
0x208: {  	[sflag:s19] =	ssyncset.done $0x0  }
0x209: {  	[sflag:s19] =	ssyncadd.s32 $0xFFFFFFE0  }
0x20a: {  	_ =	swait.ge [sflag:s19], $0x20  }
0x20b: {  	[sflag:s19] =	ssyncset.done $0x0  }
0x20c: {  	[sflag:s19] =	ssyncadd.s32 $0xFFFFFFE0  }
0x20d: {  	_ =	swait.ge [sflag:s19], $0x20  }
0x20e: {  	[sflag:s19] =	ssyncset.done $0x0  }
0x20f: {  	[sflag:s19] =	ssyncadd.s32 $0xFFFFFFE0  }
0x210: {  	_ =	swait.ge [sflag:s19], $0x20  }
0x211: {  	[sflag:s19] =	ssyncset.done $0x0  }
0x212: {  	[sflag:s19] =	ssyncadd.s32 $0xFFFFFFE0  }
0x213: {  	_ =	swait.ge [sflag:s19], $0x20  }
0x214: {  	[sflag:s19] =	ssyncset.done $0x0  }
0x215: {  	[sflag:s19] =	ssyncadd.s32 $0xFFFFFFE0  }
0x216: {  	_ =	swait.ge [sflag:s19], $0x20  }
0x217: {  	[sflag:s19] =	ssyncset.done $0x0  }
0x218: {  	[sflag:s19] =	ssyncadd.s32 $0xFFFFFFE0  }
0x219: {  	_ =	swait.ge [sflag:s19], $0x20  }
0x21a: {  	[sflag:s19] =	ssyncset.done $0x0  }
0x21b: {  	[sflag:s19] =	ssyncadd.s32 $0xFFFFFFE0  }
0x21c: {  	_ =	swait.ge [sflag:s19], $0x20  }
0x21d: {  	[sflag:s19] =	ssyncset.done $0x0  }
0x21e: {  	[sflag:s19] =	ssyncadd.s32 $0xFFFFFFE0  }
0x21f: {  	_ =	swait.ge [sflag:s19], $0x20  }
0x220: {  	[sflag:s19] =	ssyncset.done $0x0  }
0x221: {  	[sflag:s19] =	ssyncadd.s32 $0xFFFFFFE0  }
0x222: {  	_ =	swait.ge [sflag:s19], $0x20  }
0x223: {  	[sflag:s19] =	ssyncset.done $0x0  }
0x224: {  	[sflag:s19] =	ssyncadd.s32 $0xFFFFFFE0  }
0x225: {  	_ =	swait.ge [sflag:s19], $0x20  }
0x226: {  	[sflag:s19] =	ssyncset.done $0x0  }
0x227: {  	[sflag:s19] =	ssyncadd.s32 $0xFFFFFFE0  }
0x228: {  	_ =	swait.ge [sflag:s19], $0x20  }
0x229: {  	[sflag:s19] =	ssyncset.done $0x0  }
0x22a: {  	[sflag:s19] =	ssyncadd.s32 $0xFFFFFFE0  }
0x22b: {  	_ =	swait.ge [sflag:s19], $0x20  }
0x22c: {  	[sflag:s19] =	ssyncset.done $0x0  }
0x22d: {  	[sflag:s19] =	ssyncadd.s32 $0xFFFFFFE0  }
0x22e: {  	_ =	swait.ge [sflag:s19], $0x20  }
0x22f: {  	[sflag:s19] =	ssyncset.done $0x0  }
0x230: {  	[sflag:s19] =	ssyncadd.s32 $0xFFFFFFE0  }
0x231: {  	_ =	swait.ge [sflag:s19], $0x20  }
0x232: {  	[sflag:s19] =	ssyncset.done $0x0  }
0x233: {  	[sflag:s19] =	ssyncadd.s32 $0xFFFFFFE0  }
0x234: {  	_ =	swait.ge [sflag:s19], $0x20  }
0x235: {  	[sflag:s19] =	ssyncset.done $0x0  }
0x236: {  	[sflag:s19] =	ssyncadd.s32 $0xFFFFFFE0  }
0x237: {  	_ =	swait.ge [sflag:s19], $0x20  }
0x238: {  	[sflag:s19] =	ssyncset.done $0x0  }
0x239: {  	[sflag:s19] =	ssyncadd.s32 $0xFFFFFFE0  }
0x23a: {  	_ =	swait.ge [sflag:s19], $0x20  }
0x23b: {  	[sflag:s19] =	ssyncset.done $0x0  }
0x23c: {  	[sflag:s19] =	ssyncadd.s32 $0xFFFFFFE0  }
0x23d: {  	_ =	swait.ge [sflag:s19], $0x20  }
0x23e: {  	[sflag:s19] =	ssyncset.done $0x0  }
0x23f: {  	[sflag:s19] =	ssyncadd.s32 $0xFFFFFFE0  }
0x240: {  	_ =	swait.ge [sflag:s19], $0x20  }
0x241: {  	[sflag:s19] =	ssyncset.done $0x0  }
0x242: {  	[sflag:s19] =	ssyncadd.s32 $0xFFFFFFE0  }
0x243: {  	_ =	swait.ge [sflag:s19], $0x20  }
0x244: {  	[sflag:s19] =	ssyncset.done $0x0  }
0x245: {  	[sflag:s19] =	ssyncadd.s32 $0xFFFFFFE0  }
0x246: {  	_ =	swait.ge [sflag:s19], $0x20  }
0x247: {  	[sflag:s19] =	ssyncset.done $0x0  }
0x248: {  	[sflag:s19] =	ssyncadd.s32 $0xFFFFFFE0  }
0x249: {  	_ =	swait.ge [sflag:s19], $0x20  }
0x24a: {  	[sflag:s19] =	ssyncset.done $0x0  }
0x24b: {  	[sflag:s19] =	ssyncadd.s32 $0xFFFFFFE0  }
0x24c: {  	_ =	swait.ge [sflag:s19], $0x20  }
0x24d: {  	[sflag:s19] =	ssyncset.done $0x0  }
0x24e: {  	[sflag:s19] =	ssyncadd.s32 $0xFFFFFFE0  }
0x24f: {  	_ =	swait.ge [sflag:s19], $0x20  }
0x250: {  	[sflag:s19] =	ssyncset.done $0x0  }
0x251: {  	[sflag:s19] =	ssyncadd.s32 $0xFFFFFFE0  }
0x252: {  	_ =	swait.ge [sflag:s19], $0x20  }
0x253: {  	[sflag:s19] =	ssyncset.done $0x0  }
0x254: {  	[sflag:s19] =	ssyncadd.s32 $0xFFFFFFE0  }
0x255: {  	_ =	swait.ge [sflag:s19], $0x20  }
0x256: {  	[sflag:s19] =	ssyncset.done $0x0  }
0x257: {  	[sflag:s19] =	ssyncadd.s32 $0xFFFFFFE0  }
0x258: {  	_ =	swait.ge [sflag:s19], $0x20  }
0x259: {  	[sflag:s19] =	ssyncset.done $0x0  }
0x25a: {  	[sflag:s19] =	ssyncadd.s32 $0xFFFFFFE0  }
0x25b: {  	_ =	swait.ge [sflag:s19], $0x20  }
0x25c: {  	[sflag:s19] =	ssyncset.done $0x0  }
0x25d: {  	[sflag:s19] =	ssyncadd.s32 $0xFFFFFFE0  }
0x25e: {  	_ =	swait.ge [sflag:s19], $0x20  }
0x25f: {  	[sflag:s19] =	ssyncset.done $0x0  }
0x260: {  	[sflag:s19] =	ssyncadd.s32 $0xFFFFFFE0  }
0x261: {  	_ =	swait.ge [sflag:s19], $0x20  }
0x262: {  	[sflag:s19] =	ssyncset.done $0x0  }
0x263: {  	[sflag:s19] =	ssyncadd.s32 $0xFFFFFFE0  }
0x264: {  	_ =	swait.ge [sflag:s19], $0x20  }
0x265: {  	[sflag:s19] =	ssyncset.done $0x0  }
0x266: {  	[sflag:s19] =	ssyncadd.s32 $0xFFFFFFE0  }
0x267: {  	_ =	swait.ge [sflag:s19], $0x20  }
0x268: {  	[sflag:s19] =	ssyncset.done $0x0  }
0x269: {  	[sflag:s19] =	ssyncadd.s32 $0xFFFFFFE0  }
0x26a: {  	_ =	swait.ge [sflag:s19], $0x20  }
0x26b: {  	[sflag:s19] =	ssyncset.done $0x0  }
0x26c: {  	[sflag:s19] =	ssyncadd.s32 $0xFFFFFFE0  }
0x26d: {  	_ =	swait.ge [sflag:s19], $0x20  }
0x26e: {  	[sflag:s19] =	ssyncset.done $0x0  }
0x26f: {  	[sflag:s19] =	ssyncadd.s32 $0xFFFFFFE0  }
0x270: {  	_ =	swait.ge [sflag:s19], $0x20  }
0x271: {  	[sflag:s19] =	ssyncset.done $0x0  }
0x272: {  	[sflag:s19] =	ssyncadd.s32 $0xFFFFFFE0  }
0x273: {  	_ =	swait.ge [sflag:s19], $0x20  }
0x274: {  	[sflag:s19] =	ssyncset.done $0x0  }
0x275: {  	[sflag:s19] =	ssyncadd.s32 $0xFFFFFFE0  }
0x276: {  	_ =	swait.ge [sflag:s19], $0x20  }
0x277: {  	[sflag:s19] =	ssyncset.done $0x0  }
0x278: {  	[sflag:s19] =	ssyncadd.s32 $0xFFFFFFE0  }
0x279: {  	_ =	swait.ge [sflag:s19], $0x20  }
0x27a: {  	[sflag:s19] =	ssyncset.done $0x0  }
0x27b: {  	[sflag:s19] =	ssyncadd.s32 $0xFFFFFFE0  }
0x27c: {  	_ =	swait.ge [sflag:s19], $0x20  }
0x27d: {  	[sflag:s19] =	ssyncset.done $0x0  }
0x27e: {  	[sflag:s19] =	ssyncadd.s32 $0xFFFFFFE0  }
0x27f: {  	_ =	swait.ge [sflag:s19], $0x20  }
0x280: {  	[sflag:s19] =	ssyncset.done $0x0  }
0x281: {  	[sflag:s19] =	ssyncadd.s32 $0xFFFFFFE0  }
0x282: {  	_ =	swait.ge [sflag:s19], $0x20  }
0x283: {  	[sflag:s19] =	ssyncset.done $0x0  }
0x284: {  	[sflag:s19] =	ssyncadd.s32 $0xFFFFFFE0  }
0x285: {  	_ =	swait.ge [sflag:s19], $0x20  }
0x286: {  	[sflag:s19] =	ssyncset.done $0x0  }
0x287: {  	[sflag:s19] =	ssyncadd.s32 $0xFFFFFFE0  }
0x288: {  	_ =	swait.ge [sflag:s19], $0x20  }
0x289: {  	[sflag:s19] =	ssyncset.done $0x0  }
0x28a: {  	[sflag:s19] =	ssyncadd.s32 $0xFFFFFFE0  }
0x28b: {  	_ =	swait.ge [sflag:s19], $0x20  }
0x28c: {  	[sflag:s19] =	ssyncset.done $0x0  }
0x28d: {  	[sflag:s19] =	ssyncadd.s32 $0xFFFFFFE0  }
0x28e: {  	_ =	swait.ge [sflag:s19], $0x20  }
0x28f: {  	[sflag:s19] =	ssyncset.done $0x0  }
0x290: {  	[sflag:s19] =	ssyncadd.s32 $0xFFFFFFE0  }
0x291: {  	_ =	swait.ge [sflag:s19], $0x20  }
0x292: {  	[sflag:s19] =	ssyncset.done $0x0  }
0x293: {  	[sflag:s19] =	ssyncadd.s32 $0xFFFFFFE0  }
0x294: {  	_ =	swait.ge [sflag:s19], $0x20  }
0x295: {  	[sflag:s19] =	ssyncset.done $0x0  }
0x296: {  	[sflag:s19] =	ssyncadd.s32 $0xFFFFFFE0  }
0x297: {  	_ =	swait.ge [sflag:s19], $0x20  }
0x298: {  	[sflag:s19] =	ssyncset.done $0x0  }
0x299: {  	[sflag:s19] =	ssyncadd.s32 $0xFFFFFFE0  }
0x29a: {  	_ =	swait.ge [sflag:s19], $0x20  }
0x29b: {  	[sflag:s19] =	ssyncset.done $0x0  }
0x29c: {  	[sflag:s19] =	ssyncadd.s32 $0xFFFFFFE0  }
0x29d: {  	_ =	swait.ge [sflag:s19], $0x20  }
0x29e: {  	[sflag:s19] =	ssyncset.done $0x0  }
0x29f: {  	[sflag:s19] =	ssyncadd.s32 $0xFFFFFFE0  }
0x2a0: {  	_ =	swait.ge [sflag:s19], $0x20  }
0x2a1: {  	[sflag:s19] =	ssyncset.done $0x0  }
0x2a2: {  	[sflag:s19] =	ssyncadd.s32 $0xFFFFFFE0  }
0x2a3: {  	_ =	swait.ge [sflag:s19], $0x20  }
0x2a4: {  	[sflag:s19] =	ssyncset.done $0x0  }
0x2a5: {  	[sflag:s19] =	ssyncadd.s32 $0xFFFFFFE0  }
0x2a6: {  	_ =	swait.ge [sflag:s19], $0x20  }
0x2a7: {  	[sflag:s19] =	ssyncset.done $0x0  }
0x2a8: {  	[sflag:s19] =	ssyncadd.s32 $0xFFFFFFE0  }
0x2a9: {  	_ =	swait.ge [sflag:s19], $0x20  }
0x2aa: {  	[sflag:s19] =	ssyncset.done $0x0  }
0x2ab: {  	[sflag:s19] =	ssyncadd.s32 $0xFFFFFFE0  }
0x2ac: {  	_ =	swait.ge [sflag:s19], $0x20  }
0x2ad: {  	[sflag:s19] =	ssyncset.done $0x0  }
0x2ae: {  	[sflag:s19] =	ssyncadd.s32 $0xFFFFFFE0  }
0x2af: {  	_ =	swait.ge [sflag:s19], $0x20  }
0x2b0: {  	[sflag:s19] =	ssyncset.done $0x0  }
0x2b1: {  	[sflag:s19] =	ssyncadd.s32 $0xFFFFFFE0  }
0x2b2: {  	_ =	swait.ge [sflag:s19], $0x20  }
0x2b3: {  	[sflag:s19] =	ssyncset.done $0x0  }
0x2b4: {  	[sflag:s19] =	ssyncadd.s32 $0xFFFFFFE0  }
0x2b5: {  	_ =	swait.ge [sflag:s19], $0x20  }
0x2b6: {  	[sflag:s19] =	ssyncset.done $0x0  }
0x2b7: {  	[sflag:s19] =	ssyncadd.s32 $0xFFFFFFE0  }
0x2b8: {  	_ =	swait.ge [sflag:s19], $0x20  }
0x2b9: {  	[sflag:s19] =	ssyncset.done $0x0  }
0x2ba: {  	[sflag:s19] =	ssyncadd.s32 $0xFFFFFFE0  }
0x2bb: {  	_ =	swait.ge [sflag:s19], $0x20  }
0x2bc: {  	[sflag:s19] =	ssyncset.done $0x0  }
0x2bd: {  	[sflag:s19] =	ssyncadd.s32 $0xFFFFFFE0  }
0x2be: {  	_ =	swait.ge [sflag:s19], $0x20  }
0x2bf: {  	[sflag:s19] =	ssyncset.done $0x0  }
0x2c0: {  	[sflag:s19] =	ssyncadd.s32 $0xFFFFFFE0  }
0x2c1: {  	_ =	swait.ge [sflag:s19], $0x20  }
0x2c2: {  	[sflag:s19] =	ssyncset.done $0x0  }
0x2c3: {  	[sflag:s19] =	ssyncadd.s32 $0xFFFFFFE0  }
0x2c4: {  	_ =	swait.ge [sflag:s19], $0x20  }
0x2c5: {  	[sflag:s19] =	ssyncset.done $0x0  }
0x2c6: {  	[sflag:s19] =	ssyncadd.s32 $0xFFFFFFE0  }
0x2c7: {  	_ =	swait.ge [sflag:s19], $0x20  }
0x2c8: {  	[sflag:s19] =	ssyncset.done $0x0  }
0x2c9: {  	[sflag:s19] =	ssyncadd.s32 $0xFFFFFFE0  }
0x2ca: {  	_ =	swait.ge [sflag:s19], $0x20  }
0x2cb: {  	[sflag:s19] =	ssyncset.done $0x0  }
0x2cc: {  	[sflag:s19] =	ssyncadd.s32 $0xFFFFFFE0  }
0x2cd: {  	_ =	swait.ge [sflag:s19], $0x20  }
0x2ce: {  	[sflag:s19] =	ssyncset.done $0x0  }
0x2cf: {  	[sflag:s19] =	ssyncadd.s32 $0xFFFFFFE0  }
0x2d0: {  	_ =	swait.ge [sflag:s19], $0x20  }
0x2d1: {  	[sflag:s19] =	ssyncset.done $0x0  }
0x2d2: {  	[sflag:s19] =	ssyncadd.s32 $0xFFFFFFE0  }
0x2d3: {  	_ =	swait.ge [sflag:s19], $0x20  }
0x2d4: {  	[sflag:s19] =	ssyncset.done $0x0  }
0x2d5: {  	[sflag:s19] =	ssyncadd.s32 $0xFFFFFFE0  }
0x2d6: {  	_ =	swait.ge [sflag:s19], $0x20  }
0x2d7: {  	[sflag:s19] =	ssyncset.done $0x0  }
0x2d8: {  	[sflag:s19] =	ssyncadd.s32 $0xFFFFFFE0  }
0x2d9: {  	_ =	swait.ge [sflag:s19], $0x20  }
0x2da: {  	[sflag:s19] =	ssyncset.done $0x0  }
0x2db: {  	[sflag:s19] =	ssyncadd.s32 $0xFFFFFFE0  }
0x2dc: {  	_ =	swait.ge [sflag:s19], $0x20  }
0x2dd: {  	[sflag:s19] =	ssyncset.done $0x0  }
0x2de: {  	[sflag:s19] =	ssyncadd.s32 $0xFFFFFFE0  }
0x2df: {  	_ =	swait.ge [sflag:s19], $0x20  }
0x2e0: {  	[sflag:s19] =	ssyncset.done $0x0  }
0x2e1: {  	[sflag:s19] =	ssyncadd.s32 $0xFFFFFFE0  }
0x2e2: {  	_ =	swait.ge [sflag:s19], $0x20  }
0x2e3: {  	[sflag:s19] =	ssyncset.done $0x0  }
0x2e4: {  	[sflag:s19] =	ssyncadd.s32 $0xFFFFFFE0  }
0x2e5: {  	_ =	swait.ge [sflag:s19], $0x20  }
0x2e6: {  	[sflag:s19] =	ssyncset.done $0x0  }
0x2e7: {  	[sflag:s19] =	ssyncadd.s32 $0xFFFFFFE0  }
0x2e8: {  	_ =	swait.ge [sflag:s19], $0x20  }
0x2e9: {  	[sflag:s19] =	ssyncset.done $0x0  }
0x2ea: {  	[sflag:s19] =	ssyncadd.s32 $0xFFFFFFE0  }
0x2eb: {  	_ =	swait.ge [sflag:s19], $0x20  }
0x2ec: {  	[sflag:s19] =	ssyncset.done $0x0  }
0x2ed: {  	[sflag:s19] =	ssyncadd.s32 $0xFFFFFFE0  }
0x2ee: {  	_ =	swait.ge [sflag:s19], $0x20  }
0x2ef: {  	[sflag:s19] =	ssyncset.done $0x0  }
0x2f0: {  	[sflag:s19] =	ssyncadd.s32 $0xFFFFFFE0  }
0x2f1: {  	_ =	swait.ge [sflag:s19], $0x20  }
0x2f2: {  	[sflag:s19] =	ssyncset.done $0x0  }
0x2f3: {  	[sflag:s19] =	ssyncadd.s32 $0xFFFFFFE0  }
0x2f4: {  	_ =	swait.ge [sflag:s19], $0x20  }
0x2f5: {  	[sflag:s19] =	ssyncset.done $0x0  }
0x2f6: {  	[sflag:s19] =	ssyncadd.s32 $0xFFFFFFE0  }
0x2f7: {  	_ =	swait.ge [sflag:s19], $0x20  }
0x2f8: {  	[sflag:s19] =	ssyncset.done $0x0  }
0x2f9: {  	[sflag:s19] =	ssyncadd.s32 $0xFFFFFFE0  }
0x2fa: {  	_ =	swait.ge [sflag:s19], $0x20  }
0x2fb: {  	[sflag:s19] =	ssyncset.done $0x0  }
0x2fc: {  	[sflag:s19] =	ssyncadd.s32 $0xFFFFFFE0  }
0x2fd: {  	_ =	swait.ge [sflag:s19], $0x20  }
0x2fe: {  	[sflag:s19] =	ssyncset.done $0x0  }
0x2ff: {  	[sflag:s19] =	ssyncadd.s32 $0xFFFFFFE0  }
0x300: {  	_ =	swait.ge [sflag:s19], $0x20  }
0x301: {  	[sflag:s19] =	ssyncset.done $0x0  }
0x302: {  	[sflag:s19] =	ssyncadd.s32 $0xFFFFFFE0  }
0x303: {  	_ =	swait.ge [sflag:s19], $0x20  }
0x304: {  	[sflag:s19] =	ssyncset.done $0x0  }
0x305: {  	[sflag:s19] =	ssyncadd.s32 $0xFFFFFFE0  }
0x306: {  	_ =	swait.ge [sflag:s19], $0x20  }
0x307: {  	[sflag:s19] =	ssyncset.done $0x0  }
0x308: {  	[sflag:s19] =	ssyncadd.s32 $0xFFFFFFE0  }
0x309: {  	_ =	swait.ge [sflag:s19], $0x20  }
0x30a: {  	[sflag:s19] =	ssyncset.done $0x0  }
0x30b: {  	[sflag:s19] =	ssyncadd.s32 $0xFFFFFFE0  }
0x30c: {  	_ =	swait.ge [sflag:s19], $0x20  }
0x30d: {  	[sflag:s19] =	ssyncset.done $0x0  }
0x30e: {  	[sflag:s19] =	ssyncadd.s32 $0xFFFFFFE0  }
0x30f: {  	_ =	swait.ge [sflag:s19], $0x20  }
0x310: {  	[sflag:s19] =	ssyncset.done $0x0  }
0x311: {  	[sflag:s19] =	ssyncadd.s32 $0xFFFFFFE0  }
0x312: {  	_ =	swait.ge [sflag:s19], $0x20  }
0x313: {  	[sflag:s19] =	ssyncset.done $0x0  }
0x314: {  	[sflag:s19] =	ssyncadd.s32 $0xFFFFFFE0  }
0x315: {  	_ =	swait.ge [sflag:s19], $0x20  }
0x316: {  	[sflag:s19] =	ssyncset.done $0x0  }
0x317: {  	[sflag:s19] =	ssyncadd.s32 $0xFFFFFFE0  }
0x318: {  	_ =	swait.ge [sflag:s19], $0x20  }
0x319: {  	[sflag:s19] =	ssyncset.done $0x0  }
0x31a: {  	[sflag:s19] =	ssyncadd.s32 $0xFFFFFFE0  }
0x31b: {  	_ =	swait.ge [sflag:s19], $0x20  }
0x31c: {  	[sflag:s19] =	ssyncset.done $0x0  }
0x31d: {  	[sflag:s19] =	ssyncadd.s32 $0xFFFFFFE0  }
0x31e: {  	_ =	swait.ge [sflag:s19], $0x20  }
0x31f: {  	[sflag:s19] =	ssyncset.done $0x0  }
0x320: {  	[sflag:s19] =	ssyncadd.s32 $0xFFFFFFE0  }
0x321: {  	_ =	swait.ge [sflag:s19], $0x20  }
0x322: {  	[sflag:s19] =	ssyncset.done $0x0  }
0x323: {  	[sflag:s19] =	ssyncadd.s32 $0xFFFFFFE0  }
0x324: {  	_ =	swait.ge [sflag:s19], $0x20  }
0x325: {  	[sflag:s19] =	ssyncset.done $0x0  }
0x326: {  	[sflag:s19] =	ssyncadd.s32 $0xFFFFFFE0  }
0x327: {  	_ =	swait.ge [sflag:s19], $0x20  }
0x328: {  	[sflag:s19] =	ssyncset.done $0x0  }
0x329: {  	[sflag:s19] =	ssyncadd.s32 $0xFFFFFFE0  }
0x32a: {  	_ =	swait.ge [sflag:s19], $0x20  }
0x32b: {  	[sflag:s19] =	ssyncset.done $0x0  }
0x32c: {  	[sflag:s19] =	ssyncadd.s32 $0xFFFFFFE0  }
0x32d: {  	_ =	swait.ge [sflag:s19], $0x20  }
0x32e: {  	[sflag:s19] =	ssyncset.done $0x0  }
0x32f: {  	s24 =	simm.s32 $0xF20;
	s23 =	rddreg [dreg:$0x3];
	[sflag:s19] =	ssyncadd.s32 $0xFFFFFFE0  }
0x330: {  	[tilespmem:s24], [sflag:$0x2] =	stream.indirect.gather [hbm4b:s23+s24], $0x10, s3, s24, $0xb8;
	[tilespmem:$0x11730] =	vst v63  }
0x331: {  	_ =	swait.ge [sflag:s20], $0xF200  }
0x332: {  	[sflag:s20] =	ssyncset.done $0x0  }
0x333: {  	s22 =	simm.s32 $0x0;
	[sflag:s20] =	ssyncadd.s32 $0xFFFF0E00  }
0x334: {  	v1 =	vld [tilespmem:s22+$0xEB20]  }
0x335: {  	v2 =	vld [tilespmem:s22+$0xED20]  }
0x336: {  	v5 =	vld [tilespmem:s22+$0xF20]  }
0x337: {  	v4 =	vld [tilespmem:s22+$0xEF20]  }
0x338: {  	v3 =	vld [tilespmem:s22+$0x1120]  }
0x339: {  	v6 =	vld [tilespmem:s22+$0xF120]  }
0x33a: {  	v8 =	vld [tilespmem:s22+$0x2720]  }
0x33b: {  	v9 =	vld [tilespmem:s22+$0x3B20]  }
0x33c: {  	v10 =	vld [tilespmem:s22+$0x3D20]  }
0x33d: {  	v11 =	vld [tilespmem:s22+$0x5120]  }
0x33e: {  	v12 =	vld [tilespmem:s22+$0x5320]  }
0x33f: {  	v13 =	vld [tilespmem:s22+$0x6720]  }
0x340: {  	v14 =	vld [tilespmem:s22+$0x6920]  }
0x341: {  	v15 =	vld [tilespmem:s22+$0x7F20]  }
0x342: {  	v16 =	vld [tilespmem:s22+$0x9520]  }
0x343: {  	v17 =	vld [tilespmem:s22+$0xAB20]  }
0x344: {  	v18 =	vld [tilespmem:s22+$0xBF20]  }
0x345: {  	v19 =	vld [tilespmem:s22+$0xC120]  }
0x346: {  	v20 =	vld [tilespmem:s22+$0xD720]  }
0x347: {  	v21 =	vld [tilespmem:s22+$0x1320]  }
0x348: {  	v22 =	vld [tilespmem:s22+$0x2920]  }
0x349: {  	v23 =	vld [tilespmem:s22+$0x3F20]  }
0x34a: {  	v24 =	vld [tilespmem:s22+$0x5520]  }
0x34b: {  	v25 =	vld [tilespmem:s22+$0x6B20]  }
0x34c: {  	v26 =	vld [tilespmem:s22+$0x8120]  }
0x34d: {  	v27 =	vld [tilespmem:s22+$0x9720]  }
0x34e: {  	v28 =	vld [tilespmem:s22+$0xAD20]  }
0x34f: {  	v29 =	vld [tilespmem:s22+$0xC320]  }
0x350: {  	v30 =	vld [tilespmem:s22+$0xD920]  }
0x351: {  	v31 =	vld [tilespmem:s22+$0x1520]  }
0x352: {  	v32 =	vld [tilespmem:s22+$0x2B20]  }
0x353: {  	v33 =	vld [tilespmem:s22+$0x4120]  }
0x354: {  	v34 =	vld [tilespmem:s22+$0x5720]  }
0x355: {  	v35 =	vld [tilespmem:s22+$0x6D20]  }
0x356: {  	v36 =	vld [tilespmem:s22+$0x8320]  }
0x357: {  	v37 =	vld [tilespmem:s22+$0x9920]  }
0x358: {  	v38 =	vld [tilespmem:s22+$0xAF20]  }
0x359: {  	v39 =	vld [tilespmem:s22+$0xC520]  }
0x35a: {  	v40 =	vld [tilespmem:s22+$0xDB20]  }
0x35b: {  	v41 =	vld [tilespmem:s22+$0x1720]  }
0x35c: {  	v42 =	vld [tilespmem:s22+$0x2D20]  }
0x35d: {  	v43 =	vld [tilespmem:s22+$0x4320]  }
0x35e: {  	v44 =	vld [tilespmem:s22+$0x5920]  }
0x35f: {  	v45 =	vld [tilespmem:s22+$0x6F20]  }
0x360: {  	v46 =	vld [tilespmem:s22+$0x8520]  }
0x361: {  	v47 =	vld [tilespmem:s22+$0x9B20]  }
0x362: {  	v48 =	vld [tilespmem:s22+$0xB120]  }
0x363: {  	v49 =	vld [tilespmem:s22+$0xC720]  }
0x364: {  	v50 =	vld [tilespmem:s22+$0xDD20]  }
0x365: {  	v51 =	vld [tilespmem:s22+$0x1920]  }
0x366: {  	v52 =	vld [tilespmem:s22+$0x2F20]  }
0x367: {  	v53 =	vld [tilespmem:s22+$0x4520]  }
0x368: {  	v54 =	vld [tilespmem:s22+$0x5B20]  }
0x369: {  	v55 =	vld [tilespmem:s22+$0x7120]  }
0x36a: {  	v56 =	vld [tilespmem:s22+$0x8720]  }
0x36b: {  	v57 =	vld [tilespmem:s22+$0x9D20]  }
0x36c: {  	v58 =	vld [tilespmem:s22+$0xB320]  }
0x36d: {  	v59 =	vld [tilespmem:s22+$0xC920]  }
0x36e: {  	v60 =	vld [tilespmem:s22+$0xDF20]  }
0x36f: {  	v61 =	vld [tilespmem:s22+$0x1B20]  }
0x370: {  	v62 =	vld [tilespmem:s22+$0x3120]  }
0x371: {  	v63 =	vld [tilespmem:s22+$0x4720]  }
0x372: {  	v7 =	vld [tilespmem:s22+$0x5D20]  }
0x373: {  	[tilespmem:$0x1FFD0] =	vst v3;
	v3 =	vld [tilespmem:s22+$0x2520]  }
0x374: {  	v1 =	vadd.f32 v2, v1;
	v2 =	vld [tilespmem:s22+$0xF320]  }
0x375: {  	v9 =	vadd.f32 v10, v9;
	v10 =	vadd.f32 v12, v11;
	v11 =	vld [tilespmem:s22+$0x9F20]  }
0x376: {  	v12 =	vadd.f32 v14, v13;
	v13 =	vld [tilespmem:s22+$0xB520]  }
0x377: {  	v14 =	vld [tilespmem:s22+$0xCB20];
	v1 =	vadd.f32 v4, v1  }
0x378: {  	v4 =	vld [tilespmem:s22+$0xF520]  }
0x379: {  	v9 =	vadd.f32 v23, v9;
	v23 =	vld [tilespmem:s22+$0xA120];
	v1 =	vadd.f32 v6, v1  }
0x37a: {  	v6 =	vld [tilespmem:s22+$0xF720]  }
0x37b: {  	v10 =	vadd.f32 v24, v10;
	v24 =	vld [tilespmem:s22+$0xB720];
	v1 =	vadd.f32 v2, v1  }
0x37c: {  	v2 =	vld [tilespmem:s22+$0xF920]  }
0x37d: {  	[tilespmem:$0x1FFE0] =	vst v3;
	v3 =	vld [tilespmem:s22+$0xA920];
	v1 =	vadd.f32 v4, v1  }
0x37e: {  	v12 =	vadd.f32 v25, v12;
	v4 =	vld [tilespmem:s22+$0xFB20]  }
0x37f: {  	v25 =	vld [tilespmem:s22+$0xCD20];
	v9 =	vadd.f32 v33, v9;
	v1 =	vadd.f32 v6, v1  }
0x380: {  	v10 =	vadd.f32 v34, v10;
	v6 =	vld [tilespmem:s22+$0xFD20]  }
0x381: {  	v9 =	vadd.f32 v43, v9;
	v43 =	vld [tilespmem:s22+$0x3520];
	v1 =	vadd.f32 v2, v1  }
0x382: {  	v12 =	vadd.f32 v35, v12;
	v10 =	vadd.f32 v44, v10;
	v2 =	vld [tilespmem:s22+$0xFF20]  }
0x383: {  	v44 =	vld [tilespmem:s22+$0x4B20];
	v3 =	vadd.f32 v17, v3;
	v1 =	vadd.f32 v4, v1  }
0x384: {  	v12 =	vadd.f32 v45, v12;
	v45 =	vld [tilespmem:s22+$0x6120];
	v10 =	vadd.f32 v54, v10  }
0x385: {  	v54 =	vld [tilespmem:s22+$0xA520];
	v3 =	vadd.f32 v28, v3;
	v1 =	vadd.f32 v6, v1  }
0x386: {  	v12 =	vadd.f32 v55, v12;
	v55 =	vld [tilespmem:s22+$0xBB20]  }
0x387: {  	v4 =	vld [tilespmem:s22+$0x7D20];
	v3 =	vadd.f32 v38, v3;
	v1 =	vadd.f32 v2, v1  }
0x388: {  	v9 =	vadd.f32 v53, v9;
	v6 =	vld [tilespmem:s22+$0x9320]  }
0x389: {  	v17 =	vld [tilespmem:s22+$0x1D20];
	v3 =	vadd.f32 v48, v3;
	v1 =	vmul.f32 v1, v0  }
0x38a: {  	v9 =	vadd.f32 v63, v9;
	v2 =	vld [tilespmem:s22+$0xD520]  }
0x38b: {  	v7 =	vadd.f32 v7, v10;
	v3 =	vadd.f32 v58, v3;
	[tilespmem:s22+$0x11520] =	vst v1;
	v1 =	vld [tilespmem:s22+$0x7320]  }
0x38c: {  	v4 =	vadd.f32 v15, v4;
	v15 =	vadd.f32 v19, v18;
	v19 =	vld [tilespmem:s22+$0x4920]  }
0x38d: {  	v10 =	vld [tilespmem:s22+$0x3720];
	v3 =	vadd.f32 v13, v3;
	v6 =	vadd.f32 v16, v6  }
0x38e: {  	v63 =	vld [tilespmem:s22+$0x9120];
	v4 =	vadd.f32 v26, v4;
	v15 =	vadd.f32 v29, v15  }
0x38f: {  	v48 =	vld [tilespmem:s22+$0xA320];
	v3 =	vadd.f32 v24, v3;
	v2 =	vadd.f32 v20, v2  }
0x390: {  	v6 =	vadd.f32 v27, v6;
	v4 =	vadd.f32 v36, v4;
	[tilespmem:$0x1FFF0] =	vst v1;
	v1 =	vld [tilespmem:$0x1FFD0]  }
0x391: {  	v58 =	vld [tilespmem:s22+$0x2320];
	v15 =	vadd.f32 v39, v15;
	v9 =	vadd.f32 v19, v9  }
0x392: {  	v20 =	vld [tilespmem:s22+$0x5F20];
	v2 =	vadd.f32 v30, v2;
	v6 =	vadd.f32 v37, v6  }
0x393: {  	v18 =	vld [tilespmem:s22+$0x3320];
	v4 =	vadd.f32 v46, v4;
	v15 =	vadd.f32 v49, v15  }
0x394: {  	v49 =	vld [tilespmem:s22+$0xB920];
	v9 =	vadd.f32 v44, v9;
	v2 =	vadd.f32 v40, v2  }
0x395: {  	v6 =	vadd.f32 v47, v6;
	v1 =	vadd.f32 v1, v5;
	v5 =	vld [tilespmem:$0x1FFE0]  }
0x396: {  	v16 =	vld [tilespmem:s22+$0xE120];
	v4 =	vadd.f32 v56, v4;
	v15 =	vadd.f32 v59, v15  }
0x397: {  	v46 =	vld [tilespmem:s22+$0x7720];
	v7 =	vadd.f32 v20, v7;
	v2 =	vadd.f32 v50, v2  }
0x398: {  	v40 =	vld [tilespmem:s22+$0xE320];
	v6 =	vadd.f32 v57, v6;
	v13 =	vadd.f32 v14, v15  }
0x399: {  	v53 =	vld [tilespmem:$0x1FFF0];
	v7 =	vadd.f32 v45, v7;
	v3 =	vadd.f32 v49, v3  }
0x39a: {  	v47 =	vld [tilespmem:s22+$0x8D20];
	v2 =	vadd.f32 v60, v2;
	v8 =	vadd.f32 v8, v5  }
0x39b: {  	v56 =	vld [tilespmem:s22+$0xD120];
	v6 =	vadd.f32 v11, v6;
	v1 =	vadd.f32 v21, v1  }
0x39c: {  	v50 =	vld [tilespmem:s22+$0xCF20];
	v13 =	vadd.f32 v25, v13;
	v8 =	vadd.f32 v22, v8  }
0x39d: {  	v59 =	vld [tilespmem:s22+$0x3920];
	v3 =	vadd.f32 v55, v3;
	v1 =	vadd.f32 v31, v1  }
0x39e: {  	v14 =	vld [tilespmem:s22+$0x7920];
	v12 =	vadd.f32 v53, v12;
	v8 =	vadd.f32 v32, v8  }
0x39f: {  	v2 =	vadd.f32 v16, v2;
	v21 =	vld [tilespmem:s22+$0x7520];
	v1 =	vadd.f32 v41, v1  }
0x3a0: {  	v6 =	vadd.f32 v23, v6;
	v5 =	vld [tilespmem:s22+$0x8920];
	v8 =	vadd.f32 v42, v8  }
0x3a1: {  	v13 =	vadd.f32 v50, v13;
	v22 =	vld [tilespmem:s22+$0x8B20];
	v1 =	vadd.f32 v51, v1  }
0x3a2: {  	v2 =	vadd.f32 v40, v2;
	v42 =	vld [tilespmem:s22+$0x1F20];
	v8 =	vadd.f32 v52, v8  }
0x3a3: {  	v23 =	vadd.f32 v48, v6;
	v51 =	vld [tilespmem:s22+$0xE520];
	v1 =	vadd.f32 v61, v1  }
0x3a4: {  	v12 =	vadd.f32 v21, v12;
	v52 =	vld [tilespmem:s22+$0x2120];
	v8 =	vadd.f32 v62, v8  }
0x3a5: {  	v4 =	vadd.f32 v5, v4;
	v5 =	vld [tilespmem:s22+$0x4D20];
	v1 =	vadd.f32 v17, v1  }
0x3a6: {  	v11 =	vld [tilespmem:s22+$0x6320];
	v12 =	vadd.f32 v46, v12;
	v8 =	vadd.f32 v18, v8  }
0x3a7: {  	v15 =	vld [tilespmem:s22+$0x8F20];
	v4 =	vadd.f32 v22, v4;
	v1 =	vadd.f32 v42, v1  }
0x3a8: {  	v60 =	vld [tilespmem:s22+$0x4F20];
	v26 =	vadd.f32 v51, v2;
	v8 =	vadd.f32 v43, v8  }
0x3a9: {  	v61 =	vld [tilespmem:s22+$0x6520];
	v4 =	vadd.f32 v47, v4;
	v1 =	vadd.f32 v52, v1  }
0x3aa: {  	v62 =	vld [tilespmem:s22+$0x7B20];
	v5 =	vadd.f32 v5, v9;
	v2 =	vadd.f32 v10, v8  }
0x3ab: {  	v57 =	vld [tilespmem:s22+$0xE720];
	v9 =	vadd.f32 v11, v7;
	v1 =	vadd.f32 v58, v1  }
0x3ac: {  	v11 =	vadd.f32 v14, v12;
	v8 =	vld [tilespmem:s22+$0xA720];
	v2 =	vadd.f32 v59, v2  }
0x3ad: {  	v7 =	vld [tilespmem:s22+$0xBD20];
	v12 =	vadd.f32 v15, v4;
	v5 =	vadd.f32 v60, v5;
	v1 =	vmul.f32 v1, v0  }
0x3ae: {  	v6 =	vld [tilespmem:s22+$0xD320];
	v4 =	vadd.f32 v54, v23;
	v15 =	vadd.f32 v61, v9;
	v14 =	vmul.f32 v2, v0  }
0x3af: {  	s24 =	simm.s32 $0x10;
	v9 =	vld [tilespmem:s22+$0xE920];
	v12 =	vadd.f32 v63, v12;
	v11 =	vadd.f32 v62, v11;
	v10 =	vmul.f32 v5, v0;
	[tilespmem:s22+$0x10120] =	vst v1  }
0x3b0: {  	s23 =	simm.s32 $0x80;
	v1 =	vadd.f32 v57, v26;
	v2 =	vadd.f32 v56, v13;
	v5 =	vld [tilespmem:s24+$0xEB20];
	v13 =	vmul.f32 v15, v0;
	[tilespmem:s22+$0x10320] =	vst v14  }
.LBB2_2:
0x3b1: {  	p0 =	sne.s32 s23, $0x7C0;
	v14 =	vld [tilespmem:s24+$0xED20];
	[tilespmem:s22+$0x10520] =	vst v10;
	v10 =	vmul.f32 v11, v0;
	v4 =	vadd.f32 v8, v4  }
0x3b2: {  	v8 =	vld [tilespmem:s24+$0xF20];
	[tilespmem:s22+$0x10720] =	vst v13;
	v11 =	vmul.f32 v12, v0;
	v3 =	vadd.f32 v7, v3  }
0x3b3: {  	v7 =	vld [tilespmem:s24+$0xEF20];
	[tilespmem:s22+$0x10920] =	vst v10;
	v4 =	vmul.f32 v4, v0;
	v2 =	vadd.f32 v6, v2  }
0x3b4: {  	v6 =	vld [tilespmem:s24+$0x1120];
	[tilespmem:s22+$0x10B20] =	vst v11;
	v3 =	vmul.f32 v3, v0;
	v1 =	vadd.f32 v9, v1  }
0x3b5: {  	v9 =	vld [tilespmem:s24+$0xF120];
	[tilespmem:s22+$0x10D20] =	vst v4;
	v2 =	vmul.f32 v2, v0  }
0x3b6: {  	v4 =	vld [tilespmem:s24+$0x2520];
	v5 =	vadd.f32 v14, v5;
	[tilespmem:s22+$0x10F20] =	vst v3;
	v1 =	vmul.f32 v1, v0  }
0x3b7: {  	v3 =	vld [tilespmem:s24+$0xF320];
	[tilespmem:s22+$0x11120] =	vst v2  }
0x3b8: {  	v2 =	vld [tilespmem:s24+$0x2720];
	v5 =	vadd.f32 v7, v5;
	[tilespmem:s22+$0x11320] =	vst v1;
	s22 =	smov.u32 s24  }
0x3b9: {  	v1 =	vadd.f32 v6, v8;
	v6 =	vld [tilespmem:s22+$0xF520]  }
0x3ba: {  	v7 =	vld [tilespmem:s22+$0x3B20];
	v5 =	vadd.f32 v9, v5  }
0x3bb: {  	v8 =	vld [tilespmem:s22+$0xF720]  }
0x3bc: {  	v9 =	vld [tilespmem:s22+$0x3D20];
	v3 =	vadd.f32 v3, v5  }
0x3bd: {  	v2 =	vadd.f32 v2, v4;
	v4 =	vld [tilespmem:s22+$0xF920]  }
0x3be: {  	v5 =	vld [tilespmem:s22+$0x5120];
	v3 =	vadd.f32 v6, v3  }
0x3bf: {  	v6 =	vld [tilespmem:s22+$0xFB20]  }
0x3c0: {  	v10 =	vld [tilespmem:s22+$0x5320];
	v3 =	vadd.f32 v8, v3  }
0x3c1: {  	v7 =	vadd.f32 v9, v7;
	v8 =	vld [tilespmem:s22+$0xFD20]  }
0x3c2: {  	v9 =	vld [tilespmem:s22+$0x6720];
	v3 =	vadd.f32 v4, v3  }
0x3c3: {  	v4 =	vld [tilespmem:s22+$0xFF20]  }
0x3c4: {  	v11 =	vld [tilespmem:s22+$0x6920];
	v3 =	vadd.f32 v6, v3  }
0x3c5: {  	v5 =	vadd.f32 v10, v5;
	v6 =	vld [tilespmem:s22+$0x7D20]  }
0x3c6: {  	v10 =	vld [tilespmem:s22+$0x7F20];
	v3 =	vadd.f32 v8, v3  }
0x3c7: {  	v8 =	vld [tilespmem:s22+$0x9320]  }
0x3c8: {  	v12 =	vld [tilespmem:s22+$0x9520];
	v3 =	vadd.f32 v4, v3  }
0x3c9: {  	v4 =	vadd.f32 v11, v9;
	v9 =	vld [tilespmem:s22+$0xA920]  }
0x3ca: {  	v11 =	vld [tilespmem:s22+$0xAB20];
	v3 =	vmul.f32 v3, v0  }
0x3cb: {  	v6 =	vadd.f32 v10, v6;
	v10 =	vld [tilespmem:s22+$0xBF20]  }
0x3cc: {  	v13 =	vld [tilespmem:s22+$0xC120];
	[tilespmem:s22+$0x11520] =	vst v3  }
0x3cd: {  	v3 =	vadd.f32 v12, v8;
	v8 =	vld [tilespmem:s22+$0xD520]  }
0x3ce: {  	v12 =	vld [tilespmem:s22+$0xD720]  }
0x3cf: {  	v14 =	vld [tilespmem:s22+$0x1320];
	v9 =	vadd.f32 v11, v9  }
0x3d0: {  	v11 =	vld [tilespmem:s22+$0x2920]  }
0x3d1: {  	v15 =	vld [tilespmem:s22+$0x3F20];
	v10 =	vadd.f32 v13, v10  }
0x3d2: {  	v13 =	vld [tilespmem:s22+$0x5520]  }
0x3d3: {  	v16 =	vld [tilespmem:s22+$0x6B20];
	v8 =	vadd.f32 v12, v8  }
0x3d4: {  	v1 =	vadd.f32 v14, v1;
	v12 =	vld [tilespmem:s22+$0x8120]  }
0x3d5: {  	v2 =	vadd.f32 v11, v2;
	v11 =	vld [tilespmem:s22+$0x9720]  }
0x3d6: {  	v7 =	vadd.f32 v15, v7;
	v14 =	vld [tilespmem:s22+$0xAD20]  }
0x3d7: {  	v5 =	vadd.f32 v13, v5;
	v13 =	vld [tilespmem:s22+$0xC320]  }
0x3d8: {  	v4 =	vadd.f32 v16, v4;
	v15 =	vld [tilespmem:s22+$0xD920]  }
0x3d9: {  	v16 =	vld [tilespmem:s22+$0x1520];
	v6 =	vadd.f32 v12, v6  }
0x3da: {  	v12 =	vld [tilespmem:s22+$0x2B20];
	v3 =	vadd.f32 v11, v3  }
0x3db: {  	v11 =	vld [tilespmem:s22+$0x4120];
	v9 =	vadd.f32 v14, v9  }
0x3dc: {  	v14 =	vld [tilespmem:s22+$0x5720];
	v10 =	vadd.f32 v13, v10  }
0x3dd: {  	v13 =	vld [tilespmem:s22+$0x6D20];
	v8 =	vadd.f32 v15, v8  }
0x3de: {  	v1 =	vadd.f32 v16, v1;
	v15 =	vld [tilespmem:s22+$0x8320]  }
0x3df: {  	v2 =	vadd.f32 v12, v2;
	v12 =	vld [tilespmem:s22+$0x9920]  }
0x3e0: {  	v7 =	vadd.f32 v11, v7;
	v11 =	vld [tilespmem:s22+$0xAF20]  }
0x3e1: {  	v5 =	vadd.f32 v14, v5;
	v14 =	vld [tilespmem:s22+$0xC520]  }
0x3e2: {  	v4 =	vadd.f32 v13, v4;
	v13 =	vld [tilespmem:s22+$0xDB20]  }
0x3e3: {  	v16 =	vld [tilespmem:s22+$0x1720];
	v6 =	vadd.f32 v15, v6  }
0x3e4: {  	v15 =	vld [tilespmem:s22+$0x2D20];
	v3 =	vadd.f32 v12, v3  }
0x3e5: {  	v12 =	vld [tilespmem:s22+$0x4320];
	v9 =	vadd.f32 v11, v9  }
0x3e6: {  	v11 =	vld [tilespmem:s22+$0x5920];
	v10 =	vadd.f32 v14, v10  }
0x3e7: {  	v14 =	vld [tilespmem:s22+$0x6F20];
	v8 =	vadd.f32 v13, v8  }
0x3e8: {  	v1 =	vadd.f32 v16, v1;
	v13 =	vld [tilespmem:s22+$0x8520]  }
0x3e9: {  	v2 =	vadd.f32 v15, v2;
	v15 =	vld [tilespmem:s22+$0x9B20]  }
0x3ea: {  	v7 =	vadd.f32 v12, v7;
	v12 =	vld [tilespmem:s22+$0xB120]  }
0x3eb: {  	v5 =	vadd.f32 v11, v5;
	v11 =	vld [tilespmem:s22+$0xC720]  }
0x3ec: {  	v4 =	vadd.f32 v14, v4;
	v14 =	vld [tilespmem:s22+$0xDD20]  }
0x3ed: {  	v16 =	vld [tilespmem:s22+$0x1920];
	v6 =	vadd.f32 v13, v6  }
0x3ee: {  	v13 =	vld [tilespmem:s22+$0x2F20];
	v3 =	vadd.f32 v15, v3  }
0x3ef: {  	v15 =	vld [tilespmem:s22+$0x4520];
	v9 =	vadd.f32 v12, v9  }
0x3f0: {  	v12 =	vld [tilespmem:s22+$0x5B20];
	v10 =	vadd.f32 v11, v10  }
0x3f1: {  	v11 =	vld [tilespmem:s22+$0x7120];
	v8 =	vadd.f32 v14, v8  }
0x3f2: {  	v1 =	vadd.f32 v16, v1;
	v14 =	vld [tilespmem:s22+$0x8720]  }
0x3f3: {  	v2 =	vadd.f32 v13, v2;
	v13 =	vld [tilespmem:s22+$0x9D20]  }
0x3f4: {  	v7 =	vadd.f32 v15, v7;
	v15 =	vld [tilespmem:s22+$0xB320]  }
0x3f5: {  	v5 =	vadd.f32 v12, v5;
	v12 =	vld [tilespmem:s22+$0xC920]  }
0x3f6: {  	v4 =	vadd.f32 v11, v4;
	v11 =	vld [tilespmem:s22+$0xDF20]  }
0x3f7: {  	v16 =	vld [tilespmem:s22+$0x1B20];
	v6 =	vadd.f32 v14, v6  }
0x3f8: {  	v14 =	vld [tilespmem:s22+$0x3120];
	v3 =	vadd.f32 v13, v3  }
0x3f9: {  	v13 =	vld [tilespmem:s22+$0x4720];
	v9 =	vadd.f32 v15, v9  }
0x3fa: {  	v15 =	vld [tilespmem:s22+$0x5D20];
	v10 =	vadd.f32 v12, v10  }
0x3fb: {  	v12 =	vld [tilespmem:s22+$0x7320];
	v8 =	vadd.f32 v11, v8  }
0x3fc: {  	v1 =	vadd.f32 v16, v1;
	v11 =	vld [tilespmem:s22+$0x8920]  }
0x3fd: {  	v2 =	vadd.f32 v14, v2;
	v14 =	vld [tilespmem:s22+$0x9F20]  }
0x3fe: {  	v7 =	vadd.f32 v13, v7;
	v13 =	vld [tilespmem:s22+$0xB520]  }
0x3ff: {  	v5 =	vadd.f32 v15, v5;
	v15 =	vld [tilespmem:s22+$0xCB20]  }
0x400: {  	v4 =	vadd.f32 v12, v4;
	v12 =	vld [tilespmem:s22+$0xE120]  }
0x401: {  	v16 =	vld [tilespmem:s22+$0x1D20];
	v6 =	vadd.f32 v11, v6  }
0x402: {  	v11 =	vld [tilespmem:s22+$0x3320];
	v3 =	vadd.f32 v14, v3  }
0x403: {  	v14 =	vld [tilespmem:s22+$0x4920];
	v9 =	vadd.f32 v13, v9  }
0x404: {  	v13 =	vld [tilespmem:s22+$0x5F20];
	v10 =	vadd.f32 v15, v10  }
0x405: {  	v15 =	vld [tilespmem:s22+$0x7520];
	v8 =	vadd.f32 v12, v8  }
0x406: {  	v1 =	vadd.f32 v16, v1;
	v12 =	vld [tilespmem:s22+$0x8B20]  }
0x407: {  	v2 =	vadd.f32 v11, v2;
	v11 =	vld [tilespmem:s22+$0xA120]  }
0x408: {  	v7 =	vadd.f32 v14, v7;
	v14 =	vld [tilespmem:s22+$0xB720]  }
0x409: {  	v5 =	vadd.f32 v13, v5;
	v13 =	vld [tilespmem:s22+$0xCD20]  }
0x40a: {  	v4 =	vadd.f32 v15, v4;
	v15 =	vld [tilespmem:s22+$0xE320]  }
0x40b: {  	v16 =	vld [tilespmem:s22+$0x1F20];
	v6 =	vadd.f32 v12, v6  }
0x40c: {  	v12 =	vld [tilespmem:s22+$0x3520];
	v3 =	vadd.f32 v11, v3  }
0x40d: {  	v11 =	vld [tilespmem:s22+$0x4B20];
	v9 =	vadd.f32 v14, v9  }
0x40e: {  	v14 =	vld [tilespmem:s22+$0x6120];
	v10 =	vadd.f32 v13, v10  }
0x40f: {  	v13 =	vld [tilespmem:s22+$0x7720];
	v8 =	vadd.f32 v15, v8  }
0x410: {  	v1 =	vadd.f32 v16, v1;
	v15 =	vld [tilespmem:s22+$0x8D20]  }
0x411: {  	v2 =	vadd.f32 v12, v2;
	v12 =	vld [tilespmem:s22+$0xA320]  }
0x412: {  	v7 =	vadd.f32 v11, v7;
	v11 =	vld [tilespmem:s22+$0xB920]  }
0x413: {  	v5 =	vadd.f32 v14, v5;
	v14 =	vld [tilespmem:s22+$0xCF20]  }
0x414: {  	v4 =	vadd.f32 v13, v4;
	v13 =	vld [tilespmem:s22+$0xE520]  }
0x415: {  	v16 =	vld [tilespmem:s22+$0x2120];
	v6 =	vadd.f32 v15, v6  }
0x416: {  	v15 =	vld [tilespmem:s22+$0x3720];
	v3 =	vadd.f32 v12, v3  }
0x417: {  	v12 =	vld [tilespmem:s22+$0x4D20];
	v9 =	vadd.f32 v11, v9  }
0x418: {  	v11 =	vld [tilespmem:s22+$0x6320];
	v10 =	vadd.f32 v14, v10  }
0x419: {  	v14 =	vld [tilespmem:s22+$0x7920];
	v8 =	vadd.f32 v13, v8  }
0x41a: {  	v13 =	vadd.f32 v16, v1;
	v1 =	vld [tilespmem:s22+$0x8F20]  }
0x41b: {  	v15 =	vadd.f32 v15, v2;
	v2 =	vld [tilespmem:s22+$0xA520]  }
0x41c: {  	v7 =	vadd.f32 v12, v7;
	v12 =	vld [tilespmem:s22+$0xBB20]  }
0x41d: {  	v5 =	vadd.f32 v11, v5;
	v11 =	vld [tilespmem:s22+$0xD120]  }
0x41e: {  	v14 =	vadd.f32 v14, v4;
	v16 =	vld [tilespmem:s22+$0xE720]  }
0x41f: {  	v17 =	vld [tilespmem:s22+$0x2320];
	v18 =	vadd.f32 v1, v6  }
0x420: {  	v6 =	vld [tilespmem:s22+$0x3920];
	v4 =	vadd.f32 v2, v3  }
0x421: {  	v19 =	vld [tilespmem:s22+$0x4F20];
	v3 =	vadd.f32 v12, v9  }
0x422: {  	v9 =	vld [tilespmem:s22+$0x6520];
	v2 =	vadd.f32 v11, v10  }
0x423: {  	v11 =	vld [tilespmem:s22+$0x7B20];
	v1 =	vadd.f32 v16, v8  }
0x424: {  	v10 =	vadd.f32 v17, v13;
	v12 =	vld [tilespmem:s22+$0x9120]  }
.Ltmp0:
0x425: {  	v6 =	vadd.f32 v6, v15;
	v8 =	vld [tilespmem:s22+$0xA720];
	(pc) =	sbr.rel @p0 .LBB2_2-.Ltmp0, $4  }
0x426: {  	v10 =	vmul.f32 v10, v0;
	v13 =	vadd.f32 v19, v7;
	v7 =	vld [tilespmem:s22+$0xBD20]  }
0x427: {  	v15 =	vmul.f32 v6, v0;
	v16 =	vadd.f32 v9, v5;
	v6 =	vld [tilespmem:s22+$0xD320]  }
0x428: {  	s24 =	sshra.s32 s23, $0x2;
	[tilespmem:s22+$0x10120] =	vst v10;
	v10 =	vmul.f32 v13, v0;
	v11 =	vadd.f32 v11, v14;
	v9 =	vld [tilespmem:s22+$0xE920]  }
0x429: {  	s23 =	sadd.s32 $0x40, s23;
	v5 =	vld [tilespmem:s24+$0xEB20];
	[tilespmem:s22+$0x10320] =	vst v15;
	v13 =	vmul.f32 v16, v0;
	v12 =	vadd.f32 v12, v18  }
0x42a: {  	v14 =	vld [tilespmem:s24+$0xED20];
	[tilespmem:s22+$0x10520] =	vst v10;
	v11 =	vmul.f32 v11, v0;
	v4 =	vadd.f32 v8, v4  }
0x42b: {  	v10 =	vld [tilespmem:s24+$0xF20];
	[tilespmem:s22+$0x10720] =	vst v13;
	v32 =	vmul.f32 v12, v0;
	v3 =	vadd.f32 v7, v3  }
0x42c: {  	v13 =	vld [tilespmem:s24+$0xEF20];
	[tilespmem:s22+$0x10920] =	vst v11;
	v4 =	vmul.f32 v4, v0;
	v2 =	vadd.f32 v6, v2  }
0x42d: {  	v11 =	vld [tilespmem:s24+$0x1120];
	[tilespmem:s22+$0x10B20] =	vst v32;
	v3 =	vmul.f32 v3, v0;
	v1 =	vadd.f32 v9, v1  }
0x42e: {  	v33 =	vld [tilespmem:s24+$0xF120];
	[tilespmem:s22+$0x10D20] =	vst v4;
	v2 =	vmul.f32 v2, v0  }
0x42f: {  	v4 =	vld [tilespmem:s24+$0x2520];
	[tilespmem:s22+$0x10F20] =	vst v3;
	v1 =	vmul.f32 v1, v0  }
0x430: {  	v3 =	vld [tilespmem:s24+$0xF320];
	[tilespmem:s22+$0x11120] =	vst v2  }
0x431: {  	v34 =	vadd.f32 v14, v5;
	v5 =	vld [tilespmem:s24+$0x2720];
	[tilespmem:s22+$0x11320] =	vst v1  }
0x432: {  	v36 =	vld [tilespmem:s24+$0xF520]  }
0x433: {  	v6 =	vld [tilespmem:s24+$0x3B20]  }
0x434: {  	v37 =	vld [tilespmem:s24+$0xF720]  }
0x435: {  	v8 =	vld [tilespmem:s24+$0x3D20]  }
0x436: {  	v38 =	vld [tilespmem:s24+$0xF920]  }
0x437: {  	v9 =	vld [tilespmem:s24+$0x5120]  }
0x438: {  	v39 =	vld [tilespmem:s24+$0xFB20]  }
0x439: {  	v12 =	vld [tilespmem:s24+$0x5320]  }
0x43a: {  	v40 =	vld [tilespmem:s24+$0xFD20]  }
0x43b: {  	v35 =	vadd.f32 v13, v34;
	v13 =	vld [tilespmem:s24+$0x6720]  }
0x43c: {  	v41 =	vld [tilespmem:s24+$0xFF20]  }
0x43d: {  	v14 =	vld [tilespmem:s24+$0x6920]  }
0x43e: {  	v15 =	vld [tilespmem:s24+$0x7F20]  }
0x43f: {  	v7 =	vld [tilespmem:s24+$0x9320]  }
0x440: {  	v16 =	vld [tilespmem:s24+$0x9520]  }
0x441: {  	v17 =	vld [tilespmem:s24+$0xAB20]  }
0x442: {  	v18 =	vld [tilespmem:s24+$0xBF20]  }
0x443: {  	v19 =	vld [tilespmem:s24+$0xC120]  }
0x444: {  	v2 =	vld [tilespmem:s24+$0xD520]  }
0x445: {  	v20 =	vld [tilespmem:s24+$0xD720]  }
0x446: {  	v21 =	vld [tilespmem:s24+$0x1320]  }
0x447: {  	v22 =	vld [tilespmem:s24+$0x2920]  }
0x448: {  	v23 =	vld [tilespmem:s24+$0x3F20]  }
0x449: {  	v24 =	vld [tilespmem:s24+$0x5520]  }
0x44a: {  	v25 =	vld [tilespmem:s24+$0x6B20]  }
0x44b: {  	v26 =	vld [tilespmem:s24+$0x8120]  }
0x44c: {  	v27 =	vld [tilespmem:s24+$0x9720]  }
0x44d: {  	v28 =	vld [tilespmem:s24+$0xAD20]  }
0x44e: {  	v29 =	vld [tilespmem:s24+$0xC320]  }
0x44f: {  	v30 =	vld [tilespmem:s24+$0xD920]  }
0x450: {  	v31 =	vld [tilespmem:s24+$0x1520]  }
0x451: {  	v32 =	vld [tilespmem:s24+$0x2B20]  }
0x452: {  	v34 =	vld [tilespmem:s24+$0x5720]  }
0x453: {  	v42 =	vld [tilespmem:s24+$0x2D20]  }
0x454: {  	v43 =	vld [tilespmem:s24+$0x4320]  }
0x455: {  	v44 =	vld [tilespmem:s24+$0x5920]  }
0x456: {  	v45 =	vld [tilespmem:s24+$0x6F20]  }
0x457: {  	v46 =	vld [tilespmem:s24+$0x8520]  }
0x458: {  	v47 =	vld [tilespmem:s24+$0x9B20]  }
0x459: {  	v48 =	vld [tilespmem:s24+$0xB120]  }
0x45a: {  	v49 =	vld [tilespmem:s24+$0xC720]  }
0x45b: {  	v50 =	vld [tilespmem:s24+$0xDD20]  }
0x45c: {  	v51 =	vld [tilespmem:s24+$0x1920]  }
0x45d: {  	v52 =	vld [tilespmem:s24+$0x2F20]  }
0x45e: {  	v53 =	vld [tilespmem:s24+$0x4520]  }
0x45f: {  	v54 =	vld [tilespmem:s24+$0x5B20]  }
0x460: {  	v55 =	vld [tilespmem:s24+$0x7120]  }
0x461: {  	v56 =	vld [tilespmem:s24+$0x8720]  }
0x462: {  	v57 =	vld [tilespmem:s24+$0x9D20]  }
0x463: {  	v58 =	vld [tilespmem:s24+$0xB320]  }
0x464: {  	v59 =	vld [tilespmem:s24+$0xC920]  }
0x465: {  	v60 =	vld [tilespmem:s24+$0xDF20]  }
0x466: {  	v61 =	vld [tilespmem:s24+$0x1B20]  }
0x467: {  	v62 =	vld [tilespmem:s24+$0x3120]  }
0x468: {  	v63 =	vld [tilespmem:s24+$0x4720]  }
0x469: {  	[tilespmem:$0x1FFA0] =	vst v11;
	v11 =	vld [tilespmem:s24+$0x5D20]  }
0x46a: {  	v1 =	vadd.f32 v33, v35;
	v33 =	vld [tilespmem:s24+$0x4120]  }
0x46b: {  	v35 =	vld [tilespmem:s24+$0x6D20]  }
0x46c: {  	[tilespmem:$0x1FFB0] =	vst v4;
	v4 =	vld [tilespmem:s24+$0x7D20];
	v1 =	vadd.f32 v3, v1  }
0x46d: {  	v3 =	vld [tilespmem:s24+$0xA920]  }
0x46e: {  	v1 =	vadd.f32 v36, v1;
	v36 =	vld [tilespmem:s24+$0x8320]  }
0x46f: {  	v6 =	vadd.f32 v8, v6;
	v8 =	vadd.f32 v12, v9;
	v9 =	vld [tilespmem:s24+$0x9F20]  }
0x470: {  	v12 =	vadd.f32 v14, v13;
	v13 =	vld [tilespmem:s24+$0xB520]  }
0x471: {  	v14 =	vld [tilespmem:s24+$0xCB20]  }
0x472: {  	v7 =	vadd.f32 v16, v7;
	v16 =	vld [tilespmem:s24+$0xE120]  }
0x473: {  	v2 =	vadd.f32 v20, v2;
	v20 =	vld [tilespmem:s24+$0x5F20]  }
0x474: {  	v1 =	vadd.f32 v37, v1;
	v37 =	vld [tilespmem:s24+$0x9920]  }
0x475: {  	v4 =	vadd.f32 v15, v4;
	v15 =	vadd.f32 v19, v18;
	v18 =	vld [tilespmem:s24+$0x3320]  }
0x476: {  	v19 =	vld [tilespmem:s24+$0x4920]  }
0x477: {  	v6 =	vadd.f32 v23, v6;
	v23 =	vld [tilespmem:s24+$0xA120]  }
0x478: {  	v8 =	vadd.f32 v24, v8;
	v24 =	vld [tilespmem:s24+$0xB720]  }
0x479: {  	v12 =	vadd.f32 v25, v12;
	v25 =	vld [tilespmem:s24+$0xCD20]  }
0x47a: {  	v7 =	vadd.f32 v27, v7;
	v3 =	vadd.f32 v17, v3;
	v17 =	vld [tilespmem:s24+$0x1D20]  }
0x47b: {  	v2 =	vadd.f32 v30, v2;
	v1 =	vadd.f32 v38, v1;
	v38 =	vld [tilespmem:s24+$0xAF20]  }
0x47c: {  	v4 =	vadd.f32 v26, v4;
	v8 =	vadd.f32 v34, v8;
	v26 =	vld [tilespmem:s24+$0xE320]  }
0x47d: {  	v6 =	vadd.f32 v33, v6;
	v1 =	vadd.f32 v39, v1;
	v39 =	vld [tilespmem:s24+$0xC520]  }
0x47e: {  	v12 =	vadd.f32 v35, v12;
	v8 =	vadd.f32 v44, v8;
	v44 =	vld [tilespmem:s24+$0x3520]  }
0x47f: {  	v6 =	vadd.f32 v43, v6;
	v43 =	vld [tilespmem:s24+$0x3920];
	v1 =	vadd.f32 v40, v1  }
0x480: {  	v4 =	vadd.f32 v36, v4;
	v12 =	vadd.f32 v45, v12;
	v45 =	vld [tilespmem:s24+$0x6520]  }
0x481: {  	v15 =	vadd.f32 v29, v15;
	v40 =	vld [tilespmem:s24+$0xDB20];
	v1 =	vadd.f32 v41, v1  }
0x482: {  	v3 =	vadd.f32 v28, v3;
	v4 =	vadd.f32 v46, v4;
	v46 =	vld [tilespmem:s24+$0x4B20]  }
0x483: {  	v7 =	vadd.f32 v37, v7;
	v6 =	vadd.f32 v53, v6;
	v53 =	vld [tilespmem:s24+$0xB920];
	v1 =	vmul.f32 v1, v0  }
0x484: {  	v8 =	vadd.f32 v54, v8;
	v12 =	vadd.f32 v55, v12;
	v54 =	vld [tilespmem:s24+$0xCF20]  }
0x485: {  	v3 =	vadd.f32 v38, v3;
	v7 =	vadd.f32 v47, v7;
	[tilespmem:s24+$0x11520] =	vst v1;
	v1 =	vld [tilespmem:s24+$0x7320]  }
0x486: {  	v55 =	vld [tilespmem:s24+$0xE520];
	v4 =	vadd.f32 v56, v4;
	v6 =	vadd.f32 v63, v6  }
0x487: {  	v47 =	vld [tilespmem:s24+$0x9120];
	v8 =	vadd.f32 v11, v8;
	v15 =	vadd.f32 v39, v15  }
0x488: {  	v41 =	vld [tilespmem:s24+$0x1720];
	v3 =	vadd.f32 v48, v3;
	v7 =	vadd.f32 v57, v7  }
0x489: {  	v56 =	vld [tilespmem:s24+$0x2120];
	v6 =	vadd.f32 v19, v6;
	v8 =	vadd.f32 v20, v8  }
0x48a: {  	v2 =	vadd.f32 v40, v2;
	v3 =	vadd.f32 v58, v3;
	[tilespmem:$0x1FFC0] =	vst v1;
	v1 =	vld [tilespmem:$0x1FFA0]  }
0x48b: {  	v63 =	vld [tilespmem:s24+$0x8F20];
	v15 =	vadd.f32 v49, v15;
	v7 =	vadd.f32 v9, v7  }
0x48c: {  	v48 =	vld [tilespmem:s24+$0x6120];
	v2 =	vadd.f32 v50, v2;
	v3 =	vadd.f32 v13, v3  }
0x48d: {  	v39 =	vld [tilespmem:s24+$0xBB20];
	v6 =	vadd.f32 v46, v6;
	v15 =	vadd.f32 v59, v15  }
0x48e: {  	v2 =	vadd.f32 v60, v2;
	v60 =	vld [tilespmem:s24+$0x6320];
	v3 =	vadd.f32 v24, v3  }
0x48f: {  	v7 =	vadd.f32 v23, v7;
	v1 =	vadd.f32 v1, v10;
	v10 =	vld [tilespmem:$0x1FFB0]  }
0x490: {  	v49 =	vld [tilespmem:s24+$0xBD20];
	v2 =	vadd.f32 v16, v2;
	v3 =	vadd.f32 v53, v3  }
0x491: {  	v8 =	vadd.f32 v48, v8;
	v58 =	vld [tilespmem:$0x1FFC0];
	v1 =	vadd.f32 v21, v1  }
0x492: {  	v57 =	vld [tilespmem:s24+$0x3720];
	v2 =	vadd.f32 v26, v2;
	v3 =	vadd.f32 v39, v3  }
0x493: {  	v8 =	vadd.f32 v60, v8;
	v21 =	vld [tilespmem:s24+$0x7520];
	v1 =	vadd.f32 v31, v1  }
0x494: {  	v2 =	vadd.f32 v55, v2;
	v5 =	vadd.f32 v5, v10;
	v10 =	vld [tilespmem:s24+$0x8920]  }
0x495: {  	v50 =	vld [tilespmem:s24+$0x7720];
	v3 =	vadd.f32 v49, v3;
	v1 =	vadd.f32 v41, v1  }
0x496: {  	v12 =	vadd.f32 v58, v12;
	v5 =	vadd.f32 v22, v5;
	v22 =	vld [tilespmem:s24+$0x8B20]  }
0x497: {  	v40 =	vld [tilespmem:s24+$0xD120];
	v8 =	vadd.f32 v45, v8;
	v1 =	vadd.f32 v51, v1  }
0x498: {  	v12 =	vadd.f32 v21, v12;
	v51 =	vld [tilespmem:s24+$0x8D20];
	v5 =	vadd.f32 v32, v5  }
0x499: {  	v41 =	vld [tilespmem:s24+$0xE720];
	v1 =	vadd.f32 v61, v1;
	v4 =	vadd.f32 v10, v4  }
0x49a: {  	v61 =	vadd.f32 v14, v15;
	v5 =	vadd.f32 v42, v5;
	v42 =	vld [tilespmem:s24+$0x1F20]  }
0x49b: {  	v46 =	vld [tilespmem:s24+$0x7B20];
	v12 =	vadd.f32 v50, v12;
	v4 =	vadd.f32 v22, v4  }
0x49c: {  	v13 =	vadd.f32 v25, v61;
	v5 =	vadd.f32 v52, v5;
	v52 =	vld [tilespmem:s24+$0xA320]  }
0x49d: {  	v50 =	vld [tilespmem:s24+$0xD320];
	v1 =	vadd.f32 v17, v1;
	v4 =	vadd.f32 v51, v4  }
0x49e: {  	v13 =	vadd.f32 v54, v13;
	v54 =	vld [tilespmem:s24+$0xE920];
	v5 =	vadd.f32 v62, v5  }
0x49f: {  	v2 =	vadd.f32 v41, v2;
	v62 =	vld [tilespmem:s24+$0x7920];
	v1 =	vadd.f32 v42, v1  }
0x4a0: {  	v42 =	vld [tilespmem:s24+$0x2320];
	v4 =	vadd.f32 v63, v4;
	v5 =	vadd.f32 v18, v5  }
0x4a1: {  	v59 =	vld [tilespmem:s24+$0x4D20];
	v7 =	vadd.f32 v52, v7;
	v1 =	vadd.f32 v56, v1  }
0x4a2: {  	v38 =	vld [tilespmem:s24+$0xA520];
	v55 =	vmul.f32 v8, v0;
	v4 =	vadd.f32 v47, v4;
	v56 =	vadd.f32 v40, v13  }
0x4a3: {  	v61 =	vmul.f32 v3, v0;
	v5 =	vadd.f32 v44, v5;
	v44 =	vld [tilespmem:s24+$0x4F20];
	v2 =	vadd.f32 v54, v2  }
0x4a4: {  	v48 =	vld [tilespmem:s24+$0xA720];
	[tilespmem:s24+$0x10720] =	vst v55;
	v12 =	vadd.f32 v62, v12;
	v58 =	vmul.f32 v4, v0;
	v60 =	vadd.f32 v50, v56  }
0x4a5: {  	[tilespmem:s24+$0x10F20] =	vst v61;
	v5 =	vadd.f32 v57, v5;
	v1 =	vadd.f32 v42, v1;
	v63 =	vmul.f32 v2, v0  }
0x4a6: {  	v6 =	vadd.f32 v59, v6;
	v53 =	vadd.f32 v46, v12;
	[tilespmem:s24+$0x10B20] =	vst v58;
	v62 =	vmul.f32 v60, v0  }
0x4a7: {  	v52 =	vadd.f32 v38, v7;
	v5 =	vadd.f32 v43, v5;
	v1 =	vmul.f32 v1, v0;
	[tilespmem:s24+$0x11320] =	vst v63  }
0x4a8: {  	v6 =	vadd.f32 v44, v6;
	v57 =	vmul.f32 v53, v0;
	[tilespmem:s24+$0x11120] =	vst v62  }
0x4a9: {  	[tilespmem:s24+$0x10120] =	vst v1;
	v51 =	vmul.f32 v5, v0;
	v5 =	vadd.f32 v48, v52  }
0x4aa: {  	v6 =	vmul.f32 v6, v0;
	[tilespmem:s24+$0x10920] =	vst v57  }
0x4ab: {  	[tilespmem:s24+$0x10320] =	vst v51;
	v59 =	vmul.f32 v5, v0  }
0x4ac: {  	[tilespmem:s24+$0x10520] =	vst v6  }
0x4ad: {  	[tilespmem:s24+$0x10D20] =	vst v59;
	s24 =	simm.s32 $0x10120  }
0x4ae: {  	[hbm4b:s6+s3] =	stream.linear.scatter [tilespmem:s24], [sflag:$0x3], $0x200, $0x38;
	[tilespmem:$0x11730] =	vst v63  }
0x4af: {  	_ =	swait.ge [sflag:s18], $0x200  }
0x4b0: {  	[sflag:s18] =	ssyncset.done $0x0  }
0x4b1: {  	s23 =	simm.s32 $0x10320;
	[sflag:s18] =	ssyncadd.s32 $0xFFFFFE00  }
0x4b2: {  	[hbm4b:s7+s3] =	stream.linear.scatter [tilespmem:s23], [sflag:$0x3], $0x200, $0x38;
	[tilespmem:$0x11730] =	vst v63  }
0x4b3: {  	_ =	swait.ge [sflag:s18], $0x200  }
0x4b4: {  	[sflag:s18] =	ssyncset.done $0x0  }
0x4b5: {  	s24 =	simm.s32 $0x10520;
	[sflag:s18] =	ssyncadd.s32 $0xFFFFFE00  }
0x4b6: {  	[hbm4b:s8+s3] =	stream.linear.scatter [tilespmem:s24], [sflag:$0x3], $0x200, $0x38;
	[tilespmem:$0x11730] =	vst v63  }
0x4b7: {  	_ =	swait.ge [sflag:s18], $0x200  }
0x4b8: {  	[sflag:s18] =	ssyncset.done $0x0  }
0x4b9: {  	s23 =	simm.s32 $0x10720;
	[sflag:s18] =	ssyncadd.s32 $0xFFFFFE00  }
0x4ba: {  	[hbm4b:s9+s3] =	stream.linear.scatter [tilespmem:s23], [sflag:$0x3], $0x200, $0x38;
	[tilespmem:$0x11730] =	vst v63  }
0x4bb: {  	_ =	swait.ge [sflag:s18], $0x200  }
0x4bc: {  	[sflag:s18] =	ssyncset.done $0x0  }
0x4bd: {  	s24 =	simm.s32 $0x10920;
	[sflag:s18] =	ssyncadd.s32 $0xFFFFFE00  }
0x4be: {  	[hbm4b:s10+s3] =	stream.linear.scatter [tilespmem:s24], [sflag:$0x3], $0x200, $0x38;
	[tilespmem:$0x11730] =	vst v63  }
0x4bf: {  	_ =	swait.ge [sflag:s18], $0x200  }
0x4c0: {  	[sflag:s18] =	ssyncset.done $0x0  }
0x4c1: {  	s23 =	simm.s32 $0x10B20;
	[sflag:s18] =	ssyncadd.s32 $0xFFFFFE00  }
0x4c2: {  	[hbm4b:s11+s3] =	stream.linear.scatter [tilespmem:s23], [sflag:$0x3], $0x200, $0x38;
	[tilespmem:$0x11730] =	vst v63  }
0x4c3: {  	_ =	swait.ge [sflag:s18], $0x200  }
0x4c4: {  	[sflag:s18] =	ssyncset.done $0x0  }
0x4c5: {  	s24 =	simm.s32 $0x10D20;
	[sflag:s18] =	ssyncadd.s32 $0xFFFFFE00  }
0x4c6: {  	[hbm4b:s12+s3] =	stream.linear.scatter [tilespmem:s24], [sflag:$0x3], $0x200, $0x38;
	[tilespmem:$0x11730] =	vst v63  }
0x4c7: {  	_ =	swait.ge [sflag:s18], $0x200  }
0x4c8: {  	[sflag:s18] =	ssyncset.done $0x0  }
0x4c9: {  	s23 =	simm.s32 $0x10F20;
	[sflag:s18] =	ssyncadd.s32 $0xFFFFFE00  }
0x4ca: {  	[hbm4b:s13+s3] =	stream.linear.scatter [tilespmem:s23], [sflag:$0x3], $0x200, $0x38;
	[tilespmem:$0x11730] =	vst v63  }
0x4cb: {  	_ =	swait.ge [sflag:s18], $0x200  }
0x4cc: {  	[sflag:s18] =	ssyncset.done $0x0  }
0x4cd: {  	s24 =	simm.s32 $0x11120;
	[sflag:s18] =	ssyncadd.s32 $0xFFFFFE00  }
0x4ce: {  	[hbm4b:s14+s3] =	stream.linear.scatter [tilespmem:s24], [sflag:$0x3], $0x200, $0x38;
	[tilespmem:$0x11730] =	vst v63  }
0x4cf: {  	_ =	swait.ge [sflag:s18], $0x200  }
0x4d0: {  	[sflag:s18] =	ssyncset.done $0x0  }
0x4d1: {  	s23 =	simm.s32 $0x11320;
	[sflag:s18] =	ssyncadd.s32 $0xFFFFFE00  }
0x4d2: {  	[hbm4b:s15+s3] =	stream.linear.scatter [tilespmem:s23], [sflag:$0x3], $0x200, $0x38;
	[tilespmem:$0x11730] =	vst v63  }
0x4d3: {  	s21 =	sadd.s32 $0x1, s21;
	_ =	swait.ge [sflag:s18], $0x200  }
0x4d4: {  	p0 =	sne.s32 s21, s17;
	[sflag:s18] =	ssyncset.done $0x0  }
.Ltmp1:
0x4d5: {  	s24 =	simm.s32 $0x11520;
	[sflag:s18] =	ssyncadd.s32 $0xFFFFFE00;
	(pc) =	sbr.rel @p0 .LBB2_1-.Ltmp1, $4  }
0x4d6: {  	[hbm4b:s16+s3] =	stream.linear.scatter [tilespmem:s24], [sflag:$0x3], $0x200, $0x38;
	[tilespmem:$0x11730] =	vst v63  }
0x4d7: {  	_ =	swait.ge [sflag:s18], $0x200  }
0x4d8: {  	[sflag:s18] =	ssyncset.done $0x0  }
0x4d9: {  	[sflag:s18] =	ssyncadd.s32 $0xFFFFFE00  }
0x4da: {  	_ =	sfence.sel $0x180000  }
0x4db: {  	[bflag:$0x0] =	sbarrier.arrive $0xFFFF  }
0x4dc: {  	_ =	strace $0x90000047  }
0x4dd: {  	s0 =	stileid.u32;
	[bflag:$0x2] =	sbarrier.arrive $0xFFFF  }
0x4de: {  	p0 =	sne.s32 s0, $0x0;
	s0 =	rddreg [dreg:$0x2]  }
0x4df: {  	s0 =	sadd.s32 @!p0 $0x100000, s0  }
0x4e0: {  	[sflag:s0] =	ssyncadd.tile.s32 @!p0 $0x1;
	_ =	shalt  }
.Lfunc_end2:
_tile_overlayer_lowered:
.L_overlay_start_2:
0x4e1: {  	(tag) =	ssettag $0x2  }
0x4e2: {  	s0 =	rddreg [dreg:$0x0];
	s2 =	stileid.u32  }
0x4e3: {  	s1 =	rddreg [dreg:$0x1];
	p0 =	sne.s32 s2, $0x0  }
0x4e4: {  	s3 =	rddreg [dreg:$0x2];
	[bflag:$0x3] =	sbarrier.arrive $0xFFFF;
	s2 =	simm.s32 @!p0 $0x1C03  }
0x4e5: {  	[timem:s3], [sflag:s2] =	dma.local @!p0 [hbm:s0], s1  }
0x4e6: {  	s0 =	simm.s32 @!p0 $0x3  }
0x4e7: {  	_ =	swait.ge @!p0 [sflag:s0], s1  }
0x4e8: {  	s1 =	ssub.s32 @!p0 $0x0, s1;
	[sflag:s0] =	ssyncset.done @!p0 $0x0  }
0x4e9: {  	[sflag:s0] =	ssyncadd.s32 @!p0 s1  }
0x4ea: {  	[bflag:$0x3] =	sbarrier.arrive $0xFFFF  }
0x4eb: {  	_ =	shalt  }

</sc_bundles>
